<compile_context>
chip_gen: v7x
topology: tpu7x:2x2x1
jax: 0.10.2.dev20260603
libtpu: 0.0.44.dev20260713+nightly
codegen_flags: <defaults>
</compile_context>

<pallas_src>
import jax
import jax.numpy as jnp
from jax import lax
from jax.experimental import pallas as pl
from jax.experimental.pallas import tpu as pltpu
from jax.experimental.pallas import tpu_sc as plsc

NUM_EMB = 100000
D_BYTES = 128
B_TOTAL = 4096 * 26
NC, NS, L = 2, 16, 16
NW = NC * NS
ROWS_PER_W = B_TOTAL // NW
CHUNK = 128
CHUNKS_PER_W = ROWS_PER_W // CHUNK
TC_BLK = 20000


def _pack_body(in_ref, out_ref):
    out_ref[...] = pltpu.bitcast(in_ref[...], jnp.int32)


def _pack_words(qweight):
    return pl.pallas_call(
        _pack_body,
        grid=(NUM_EMB // TC_BLK,),
        in_specs=[pl.BlockSpec((TC_BLK, D_BYTES), lambda i: (i, 0))],
        out_specs=pl.BlockSpec((TC_BLK // 4, D_BYTES), lambda i: (i, 0)),
        out_shape=jax.ShapeDtypeStruct((NUM_EMB // 4, D_BYTES), jnp.int32),
    )(qweight)


def _body(qw_hbm, idx_hbm, scale_hbm, bias_hbm, out_hbm,
          idx_v, idxg_all, sh_all,
          rows00_v, rows01_v, rows10_v, rows11_v,
          out0_v, out1_v, sv_v, bv_v,
          gsem00, gsem01, gsem10, gsem11, osem0, osem1):
    wid = lax.axis_index("s") * NC + lax.axis_index("c")

    pltpu.sync_copy(scale_hbm, sv_v)
    pltpu.sync_copy(bias_hbm, bv_v)
    pltpu.sync_copy(idx_hbm.at[pl.ds(wid * CHUNKS_PER_W, CHUNKS_PER_W)], idx_v)
    scale = sv_v[...]
    bias = bv_v[...]

    rows = ((rows00_v, rows01_v), (rows10_v, rows11_v))
    gsems = ((gsem00, gsem01), (gsem10, gsem11))
    outs = (out0_v, out1_v)
    osems = (osem0, osem1)

    def prep(c, _):
        for i in range(CHUNK // L):
            sl = pl.ds(L * i, L)
            v = idx_v[c, sl]
            idxg_all[c, sl] = lax.shift_right_logical(v, 2)
            sh_all[pl.ds(c * CHUNK + L * i, L)] = lax.shift_left(
                1, 24 - lax.shift_left(v & 3, 3))
        return 0

    lax.fori_loop(0, CHUNKS_PER_W, prep, 0)

    def start_gather(c, p, j):
        pltpu.async_copy(qw_hbm.at[idxg_all.at[c]], rows[p][j], gsems[p][j])

    def wait_gather(p, j):
        pltpu.make_async_copy(
            qw_hbm.at[idxg_all.at[0]], rows[p][j], gsems[p][j]).wait()

    def dequant(c, p, j):
        rows_b, out_b = rows[p][j], outs[j]

        @plsc.parallel_loop(0, CHUNK, 1, unroll=4)
        def _row(rr):
            mvec = plsc.load_gather(
                sh_all, [jnp.full((L,), c * CHUNK + rr, jnp.int32)])
            rowoff = rr * D_BYTES
            for w in range(D_BYTES // L):
                x = rows_b[rr, pl.ds(L * w, L)]
                t = lax.shift_right_arithmetic(x * mvec, 24)
                f = t.astype(jnp.float32) * scale + bias
                out_b[pl.ds(rowoff + L * w, L)] = f

    def out_slice(c):
        return out_hbm.at[pl.ds((wid * CHUNKS_PER_W + c) * CHUNK * D_BYTES,
                                CHUNK * D_BYTES)]

    def start_writeback(c, j):
        pltpu.async_copy(outs[j], out_slice(c), osems[j])

    def wait_writeback(j):
        pltpu.make_async_copy(outs[j], out_slice(0), osems[j]).wait()

    start_gather(0, 0, 0)
    start_gather(1, 0, 1)
    start_gather(2, 1, 0)
    start_gather(3, 1, 1)

    def process_pair(c0, p, first):
        for j in range(2):
            wait_gather(p, j)
            if first:
                @pl.when(c0 > 0)
                def _():
                    wait_writeback(j)
            else:
                wait_writeback(j)
            dequant(c0 + j, p, j)
            start_writeback(c0 + j, j)

    def step(t, _):
        c0 = 4 * t
        process_pair(c0, 0, True)

        @pl.when(c0 + 4 < CHUNKS_PER_W)
        def _():
            start_gather(c0 + 4, 0, 0)
            start_gather(c0 + 5, 0, 1)
        process_pair(c0 + 2, 1, False)

        @pl.when(c0 + 6 < CHUNKS_PER_W)
        def _():
            start_gather(c0 + 6, 1, 0)
            start_gather(c0 + 7, 1, 1)
        return 0

    lax.fori_loop(0, CHUNKS_PER_W // 4, step, 0)
    process_pair(CHUNKS_PER_W - 2, 0, False)
    wait_writeback(0)
    wait_writeback(1)


@jax.jit
def _run(qwords, idx2d, scale_vec, bias_vec):
    mesh = plsc.VectorSubcoreMesh(
        core_axis_name="c", subcore_axis_name="s",
        num_cores=NC, num_subcores=NS)
    return pl.kernel(
        _body,
        out_type=jax.ShapeDtypeStruct((B_TOTAL * D_BYTES,), jnp.float32),
        mesh=mesh,
        scratch_types=(
            [pltpu.VMEM((CHUNKS_PER_W, CHUNK), jnp.int32)]
            + [pltpu.VMEM((CHUNKS_PER_W, CHUNK), jnp.int32)]
            + [pltpu.VMEM((CHUNKS_PER_W * CHUNK,), jnp.int32)]
            + [pltpu.VMEM((CHUNK, D_BYTES), jnp.int32)] * 4
            + [pltpu.VMEM((CHUNK * D_BYTES,), jnp.float32)] * 2
            + [pltpu.VMEM((L,), jnp.float32)] * 2
            + [pltpu.SemaphoreType.DMA] * 6
        ),
        compiler_params=pltpu.CompilerParams(
            needs_layout_passes=False, use_tc_tiling_on_sc=False),
    )(qwords, idx2d, scale_vec, bias_vec)


def kernel(input, qweight, scale, zero_point):
    nb, nf = input.shape
    qwords = _pack_words(qweight)
    idxT = jnp.swapaxes(input.astype(jnp.int32), 0, 1)
    idx2d = idxT.reshape(B_TOTAL // CHUNK, CHUNK)
    scale_f = scale.astype(jnp.float32)
    bias_f = -zero_point.astype(jnp.float32) * scale_f
    scale_vec = jnp.full((L,), scale_f, jnp.float32)
    bias_vec = jnp.full((L,), bias_f, jnp.float32)
    flat = _run(qwords, idx2d, scale_vec, bias_vec)
    return jnp.transpose(flat.reshape(nf, nb, D_BYTES), (1, 0, 2))

# --- scband reference (transcript-rebuilt; emitter-appended) ---
"""Pipeline reference for scband-quantized-embedding-73890617360928 (READ-ONLY COPY).

The authoritative reference and input builder live on the scoring server;
editing this copy changes nothing except your own understanding.
"""

import jax, jax.numpy as jnp
import numpy as np

NUM_EMBEDDINGS = 100000
EMBED_DIM = 128
BATCH = 4096
N_FIELDS = 26
SCALE = 0.05
ZERO_POINT = 0


def setup_inputs(seed: int = 0) -> dict:
    key = jax.random.key(seed)
    k1, k2 = jax.random.split(key)
    # Quantized weight table stored as int8 (mirrors torch.qint8 storage).
    qweight = jax.random.randint(k1, (NUM_EMBEDDINGS, EMBED_DIM), -128, 128).astype(jnp.int8)
    inp = jax.random.randint(k2, (BATCH, N_FIELDS), 0, NUM_EMBEDDINGS)
    return {
        "input": inp,
        "qweight": qweight,
        "scale": jnp.float32(SCALE),
        "zero_point": jnp.int32(ZERO_POINT),
    }


def reference(input, qweight, scale, zero_point):
    # Faithful to `self.qweight[input]`: row-gather from the quantized table.
    # Torch returns a quantized tensor carrying (int_repr, scale, zero_point);
    # we materialize its dequantized value, which is the semantic payload.
    q_rows = jnp.take(qweight, input, axis=0)  # int8 gather [B, F, D]
    deq = (q_rows.astype(jnp.float32) - zero_point.astype(jnp.float32)) * scale
    return deq

if __name__ == "__main__":
    import jax
    _d = setup_inputs()
    print(jax.jit(kernel)(*tuple(_d.values())))

</pallas_src>

<mosaic_0001>
#map = affine_map<(d0, d1) -> (0, 0)>
#map1 = affine_map<(d0, d1) -> (0)>
module attributes {stable_mosaic.version = 14 : i64} {
  func.func @_body(%arg0: i32, %arg1: i32, %arg2: memref<25000x128xi32, #tpu.memory_space<hbm>>, %arg3: memref<832x128xi32, #tpu.memory_space<hbm>>, %arg4: memref<16xf32, #tpu.memory_space<hbm>>, %arg5: memref<16xf32, #tpu.memory_space<hbm>>, %arg6: memref<13631488xf32, #tpu.memory_space<hbm>>, %arg7: memref<26x128xi32, #tpu.memory_space<vmem>>, %arg8: memref<26x128xi32, #tpu.memory_space<vmem>>, %arg9: memref<3328xi32, #tpu.memory_space<vmem>>, %arg10: memref<128x128xi32, #tpu.memory_space<vmem>>, %arg11: memref<128x128xi32, #tpu.memory_space<vmem>>, %arg12: memref<128x128xi32, #tpu.memory_space<vmem>>, %arg13: memref<128x128xi32, #tpu.memory_space<vmem>>, %arg14: memref<16384xf32, #tpu.memory_space<vmem>>, %arg15: memref<16384xf32, #tpu.memory_space<vmem>>, %arg16: memref<16xf32, #tpu.memory_space<vmem>>, %arg17: memref<16xf32, #tpu.memory_space<vmem>>, %arg18: memref<!tpu.dma_semaphore, #tpu.memory_space<semaphore_mem>>, %arg19: memref<!tpu.dma_semaphore, #tpu.memory_space<semaphore_mem>>, %arg20: memref<!tpu.dma_semaphore, #tpu.memory_space<semaphore_mem>>, %arg21: memref<!tpu.dma_semaphore, #tpu.memory_space<semaphore_mem>>, %arg22: memref<!tpu.dma_semaphore, #tpu.memory_space<semaphore_mem>>, %arg23: memref<!tpu.dma_semaphore, #tpu.memory_space<semaphore_mem>>) attributes {dimension_semantics = [#tpu.dimension_semantics<core_parallel>, #tpu.dimension_semantics<subcore_parallel>], iteration_bounds = array<i64: 2, 16>, scalar_prefetch = 0 : i64, scratch_operands = 17 : i64, tpu.core_type = #tpu.core_type<sc_vector_subcore>, window_params = [{transform_indices = #map}, {transform_indices = #map}, {transform_indices = #map1}, {transform_indices = #map1}, {transform_indices = #map1}]} {
    %mul3A = arith.constant 2 : i32
    %mul3A_0 = arith.muli %arg1, %mul3A : i32
    %add3A = arith.addi %mul3A_0, %arg0 : i32
    "tpu.region"() ({
      %run_scoped3A = tpu.sem_alloc : memref<!tpu.dma_semaphore, #tpu.memory_space<semaphore_mem>>
      tpu.enqueue_dma source(%arg4 : memref<16xf32, #tpu.memory_space<hbm>>) target(%arg16 : memref<16xf32, #tpu.memory_space<vmem>>) target_semaphore(%run_scoped3A : memref<!tpu.dma_semaphore, #tpu.memory_space<semaphore_mem>>)
      tpu.wait_dma2 semaphore(%run_scoped3A : memref<!tpu.dma_semaphore, #tpu.memory_space<semaphore_mem>>) src(%arg4 : memref<16xf32, #tpu.memory_space<hbm>>) dst(%arg16 : memref<16xf32, #tpu.memory_space<vmem>>)
      tpu.yield
    }) : () -> ()
    "tpu.region"() ({
      %run_scoped3A = tpu.sem_alloc : memref<!tpu.dma_semaphore, #tpu.memory_space<semaphore_mem>>
      tpu.enqueue_dma source(%arg5 : memref<16xf32, #tpu.memory_space<hbm>>) target(%arg17 : memref<16xf32, #tpu.memory_space<vmem>>) target_semaphore(%run_scoped3A : memref<!tpu.dma_semaphore, #tpu.memory_space<semaphore_mem>>)
      tpu.wait_dma2 semaphore(%run_scoped3A : memref<!tpu.dma_semaphore, #tpu.memory_space<semaphore_mem>>) src(%arg5 : memref<16xf32, #tpu.memory_space<hbm>>) dst(%arg17 : memref<16xf32, #tpu.memory_space<vmem>>)
      tpu.yield
    }) : () -> ()
    %mul3A_1 = arith.constant 26 : i32
    %mul3A_2 = arith.muli %add3A, %mul3A_1 : i32
    "tpu.region"() ({
      %run_scoped3A = tpu.sem_alloc : memref<!tpu.dma_semaphore, #tpu.memory_space<semaphore_mem>>
      %dma_start3A_124 = arith.constant 0 : i32
      %dma_start3A_125 = tpu.memref_slice %arg3[%mul3A_2, %dma_start3A_124] : memref<832x128xi32, #tpu.memory_space<hbm>> -> memref<26x128xi32, #tpu.memory_space<hbm>>
      %dma_start3A_126 = arith.constant 0 : i32
      %dma_start3A_127 = tpu.memref_slice %arg3[%mul3A_2, %dma_start3A_126] : memref<832x128xi32, #tpu.memory_space<hbm>> -> memref<26x128xi32, #tpu.memory_space<hbm>>
      tpu.enqueue_dma source(%dma_start3A_127 : memref<26x128xi32, #tpu.memory_space<hbm>>) target(%arg7 : memref<26x128xi32, #tpu.memory_space<vmem>>) target_semaphore(%run_scoped3A : memref<!tpu.dma_semaphore, #tpu.memory_space<semaphore_mem>>)
      %dma_wait3A_128 = arith.constant 0 : i32
      %dma_wait3A_129 = tpu.memref_slice %arg3[%mul3A_2, %dma_wait3A_128] : memref<832x128xi32, #tpu.memory_space<hbm>> -> memref<26x128xi32, #tpu.memory_space<hbm>>
      %dma_wait3A_130 = arith.constant 0 : i32
      %dma_wait3A_131 = tpu.memref_slice %arg3[%mul3A_2, %dma_wait3A_130] : memref<832x128xi32, #tpu.memory_space<hbm>> -> memref<26x128xi32, #tpu.memory_space<hbm>>
      tpu.wait_dma2 semaphore(%run_scoped3A : memref<!tpu.dma_semaphore, #tpu.memory_space<semaphore_mem>>) src(%dma_wait3A_131 : memref<26x128xi32, #tpu.memory_space<hbm>>) dst(%arg7 : memref<26x128xi32, #tpu.memory_space<vmem>>)
      tpu.yield
    }) : () -> ()
    %get3A = arith.constant 0 : index
    %get3A_3 = tpu.vector_load %arg16[%get3A] {strides = array<i32>} : memref<16xf32, #tpu.memory_space<vmem>>, vector<16xf32>,
    %get3A_4 = arith.constant 0 : index
    %get3A_5 = tpu.vector_load %arg17[%get3A_4] {strides = array<i32>} : memref<16xf32, #tpu.memory_space<vmem>>, vector<16xf32>,
    %scan3A = arith.constant 0 : i32
    %scan3A_6 = arith.constant 0 : i32
    %scan3A_7 = arith.constant 26 : i32
    %scan3A_8 = arith.addi %scan3A_6, %scan3A_7 : i32
    %scan3A_9 = arith.constant 1 : i32
    %scan3A_10 = scf.for %scan3A_124 = %scan3A_6 to %scan3A_8 step %scan3A_9 iter_args(%scan3A_125 = %scan3A) -> (i32)  : i32 {
      %get3A_126 = arith.index_cast %scan3A_124 : i32 to index
      %get3A_127 = arith.constant 0 : index
      %get3A_128 = tpu.vector_load %arg7[%get3A_126, %get3A_127] {strides = array<i32>} : memref<26x128xi32, #tpu.memory_space<vmem>>, vector<16xi32>,
      %shift_right_logical3A = arith.constant 2 : i32
      %shift_right_logical3A_129 = vector.broadcast %shift_right_logical3A : i32 to vector<16xi32>
      %shift_right_logical3A_130 = arith.shrui %get3A_128, %shift_right_logical3A_129 : vector<16xi32>
      %swap3A = arith.index_cast %scan3A_124 : i32 to index
      %swap3A_131 = arith.constant 0 : index
      %swap3A_132 = tpu.vector_load %arg8[%swap3A, %swap3A_131] {strides = array<i32>} : memref<26x128xi32, #tpu.memory_space<vmem>>, vector<16xi32>,
      tpu.vector_store %arg8[%swap3A, %swap3A_131], %shift_right_logical3A_130 {strides = array<i32>} : memref<26x128xi32, #tpu.memory_space<vmem>>, vector<16xi32>,
      %and3A = arith.constant 3 : i32
      %and3A_133 = vector.broadcast %and3A : i32 to vector<16xi32>
      %and3A_134 = arith.andi %get3A_128, %and3A_133 : vector<16xi32>
      %shift_left3A = arith.constant 3 : i32
      %shift_left3A_135 = vector.broadcast %shift_left3A : i32 to vector<16xi32>
      %shift_left3A_136 = arith.shli %and3A_134, %shift_left3A_135 : vector<16xi32>
      %sub3A = arith.constant 24 : i32
      %sub3A_137 = vector.broadcast %sub3A : i32 to vector<16xi32>
      %sub3A_138 = arith.subi %sub3A_137, %shift_left3A_136 : vector<16xi32>
      %shift_left3A_139 = arith.constant 1 : i32
      %shift_left3A_140 = vector.broadcast %shift_left3A_139 : i32 to vector<16xi32>
      %shift_left3A_141 = arith.shli %shift_left3A_140, %sub3A_138 : vector<16xi32>
      %mul3A_142 = arith.constant 128 : i32
      %mul3A_143 = arith.muli %scan3A_124, %mul3A_142 : i32
      %add3A_144 = arith.constant 0 : i32
      %add3A_145 = arith.addi %mul3A_143, %add3A_144 : i32
      %swap3A_146 = arith.index_cast %add3A_145 : i32 to index
      %swap3A_147 = tpu.vector_load %arg9[%swap3A_146] {strides = array<i32>} : memref<3328xi32, #tpu.memory_space<vmem>>, vector<16xi32>,
      tpu.vector_store %arg9[%swap3A_146], %shift_left3A_141 {strides = array<i32>} : memref<3328xi32, #tpu.memory_space<vmem>>, vector<16xi32>,
      %get3A_148 = arith.index_cast %scan3A_124 : i32 to index
      %get3A_149 = arith.constant 16 : index
      %get3A_150 = tpu.vector_load %arg7[%get3A_148, %get3A_149] {strides = array<i32>} : memref<26x128xi32, #tpu.memory_space<vmem>>, vector<16xi32>,
      %shift_right_logical3A_151 = arith.constant 2 : i32
      %shift_right_logical3A_152 = vector.broadcast %shift_right_logical3A_151 : i32 to vector<16xi32>
      %shift_right_logical3A_153 = arith.shrui %get3A_150, %shift_right_logical3A_152 : vector<16xi32>
      %swap3A_154 = arith.index_cast %scan3A_124 : i32 to index
      %swap3A_155 = arith.constant 16 : index
      %swap3A_156 = tpu.vector_load %arg8[%swap3A_154, %swap3A_155] {strides = array<i32>} : memref<26x128xi32, #tpu.memory_space<vmem>>, vector<16xi32>,
      tpu.vector_store %arg8[%swap3A_154, %swap3A_155], %shift_right_logical3A_153 {strides = array<i32>} : memref<26x128xi32, #tpu.memory_space<vmem>>, vector<16xi32>,
      %and3A_157 = arith.constant 3 : i32
      %and3A_158 = vector.broadcast %and3A_157 : i32 to vector<16xi32>
      %and3A_159 = arith.andi %get3A_150, %and3A_158 : vector<16xi32>
      %shift_left3A_160 = arith.constant 3 : i32
      %shift_left3A_161 = vector.broadcast %shift_left3A_160 : i32 to vector<16xi32>
      %shift_left3A_162 = arith.shli %and3A_159, %shift_left3A_161 : vector<16xi32>
      %sub3A_163 = arith.constant 24 : i32
      %sub3A_164 = vector.broadcast %sub3A_163 : i32 to vector<16xi32>
      %sub3A_165 = arith.subi %sub3A_164, %shift_left3A_162 : vector<16xi32>
      %shift_left3A_166 = arith.constant 1 : i32
      %shift_left3A_167 = vector.broadcast %shift_left3A_166 : i32 to vector<16xi32>
      %shift_left3A_168 = arith.shli %shift_left3A_167, %sub3A_165 : vector<16xi32>
      %mul3A_169 = arith.constant 128 : i32
      %mul3A_170 = arith.muli %scan3A_124, %mul3A_169 : i32
      %add3A_171 = arith.constant 16 : i32
      %add3A_172 = arith.addi %mul3A_170, %add3A_171 : i32
      %swap3A_173 = arith.index_cast %add3A_172 : i32 to index
      %swap3A_174 = tpu.vector_load %arg9[%swap3A_173] {strides = array<i32>} : memref<3328xi32, #tpu.memory_space<vmem>>, vector<16xi32>,
      tpu.vector_store %arg9[%swap3A_173], %shift_left3A_168 {strides = array<i32>} : memref<3328xi32, #tpu.memory_space<vmem>>, vector<16xi32>,
      %get3A_175 = arith.index_cast %scan3A_124 : i32 to index
      %get3A_176 = arith.constant 32 : index
      %get3A_177 = tpu.vector_load %arg7[%get3A_175, %get3A_176] {strides = array<i32>} : memref<26x128xi32, #tpu.memory_space<vmem>>, vector<16xi32>,
      %shift_right_logical3A_178 = arith.constant 2 : i32
      %shift_right_logical3A_179 = vector.broadcast %shift_right_logical3A_178 : i32 to vector<16xi32>
      %shift_right_logical3A_180 = arith.shrui %get3A_177, %shift_right_logical3A_179 : vector<16xi32>
      %swap3A_181 = arith.index_cast %scan3A_124 : i32 to index
      %swap3A_182 = arith.constant 32 : index
      %swap3A_183 = tpu.vector_load %arg8[%swap3A_181, %swap3A_182] {strides = array<i32>} : memref<26x128xi32, #tpu.memory_space<vmem>>, vector<16xi32>,
      tpu.vector_store %arg8[%swap3A_181, %swap3A_182], %shift_right_logical3A_180 {strides = array<i32>} : memref<26x128xi32, #tpu.memory_space<vmem>>, vector<16xi32>,
      %and3A_184 = arith.constant 3 : i32
      %and3A_185 = vector.broadcast %and3A_184 : i32 to vector<16xi32>
      %and3A_186 = arith.andi %get3A_177, %and3A_185 : vector<16xi32>
      %shift_left3A_187 = arith.constant 3 : i32
      %shift_left3A_188 = vector.broadcast %shift_left3A_187 : i32 to vector<16xi32>
      %shift_left3A_189 = arith.shli %and3A_186, %shift_left3A_188 : vector<16xi32>
      %sub3A_190 = arith.constant 24 : i32
      %sub3A_191 = vector.broadcast %sub3A_190 : i32 to vector<16xi32>
      %sub3A_192 = arith.subi %sub3A_191, %shift_left3A_189 : vector<16xi32>
      %shift_left3A_193 = arith.constant 1 : i32
      %shift_left3A_194 = vector.broadcast %shift_left3A_193 : i32 to vector<16xi32>
      %shift_left3A_195 = arith.shli %shift_left3A_194, %sub3A_192 : vector<16xi32>
      %mul3A_196 = arith.constant 128 : i32
      %mul3A_197 = arith.muli %scan3A_124, %mul3A_196 : i32
      %add3A_198 = arith.constant 32 : i32
      %add3A_199 = arith.addi %mul3A_197, %add3A_198 : i32
      %swap3A_200 = arith.index_cast %add3A_199 : i32 to index
      %swap3A_201 = tpu.vector_load %arg9[%swap3A_200] {strides = array<i32>} : memref<3328xi32, #tpu.memory_space<vmem>>, vector<16xi32>,
      tpu.vector_store %arg9[%swap3A_200], %shift_left3A_195 {strides = array<i32>} : memref<3328xi32, #tpu.memory_space<vmem>>, vector<16xi32>,
      %get3A_202 = arith.index_cast %scan3A_124 : i32 to index
      %get3A_203 = arith.constant 48 : index
      %get3A_204 = tpu.vector_load %arg7[%get3A_202, %get3A_203] {strides = array<i32>} : memref<26x128xi32, #tpu.memory_space<vmem>>, vector<16xi32>,
      %shift_right_logical3A_205 = arith.constant 2 : i32
      %shift_right_logical3A_206 = vector.broadcast %shift_right_logical3A_205 : i32 to vector<16xi32>
      %shift_right_logical3A_207 = arith.shrui %get3A_204, %shift_right_logical3A_206 : vector<16xi32>
      %swap3A_208 = arith.index_cast %scan3A_124 : i32 to index
      %swap3A_209 = arith.constant 48 : index
      %swap3A_210 = tpu.vector_load %arg8[%swap3A_208, %swap3A_209] {strides = array<i32>} : memref<26x128xi32, #tpu.memory_space<vmem>>, vector<16xi32>,
      tpu.vector_store %arg8[%swap3A_208, %swap3A_209], %shift_right_logical3A_207 {strides = array<i32>} : memref<26x128xi32, #tpu.memory_space<vmem>>, vector<16xi32>,
      %and3A_211 = arith.constant 3 : i32
      %and3A_212 = vector.broadcast %and3A_211 : i32 to vector<16xi32>
      %and3A_213 = arith.andi %get3A_204, %and3A_212 : vector<16xi32>
      %shift_left3A_214 = arith.constant 3 : i32
      %shift_left3A_215 = vector.broadcast %shift_left3A_214 : i32 to vector<16xi32>
      %shift_left3A_216 = arith.shli %and3A_213, %shift_left3A_215 : vector<16xi32>
      %sub3A_217 = arith.constant 24 : i32
      %sub3A_218 = vector.broadcast %sub3A_217 : i32 to vector<16xi32>
      %sub3A_219 = arith.subi %sub3A_218, %shift_left3A_216 : vector<16xi32>
      %shift_left3A_220 = arith.constant 1 : i32
      %shift_left3A_221 = vector.broadcast %shift_left3A_220 : i32 to vector<16xi32>
      %shift_left3A_222 = arith.shli %shift_left3A_221, %sub3A_219 : vector<16xi32>
      %mul3A_223 = arith.constant 128 : i32
      %mul3A_224 = arith.muli %scan3A_124, %mul3A_223 : i32
      %add3A_225 = arith.constant 48 : i32
      %add3A_226 = arith.addi %mul3A_224, %add3A_225 : i32
      %swap3A_227 = arith.index_cast %add3A_226 : i32 to index
      %swap3A_228 = tpu.vector_load %arg9[%swap3A_227] {strides = array<i32>} : memref<3328xi32, #tpu.memory_space<vmem>>, vector<16xi32>,
      tpu.vector_store %arg9[%swap3A_227], %shift_left3A_222 {strides = array<i32>} : memref<3328xi32, #tpu.memory_space<vmem>>, vector<16xi32>,
      %get3A_229 = arith.index_cast %scan3A_124 : i32 to index
      %get3A_230 = arith.constant 64 : index
      %get3A_231 = tpu.vector_load %arg7[%get3A_229, %get3A_230] {strides = array<i32>} : memref<26x128xi32, #tpu.memory_space<vmem>>, vector<16xi32>,
      %shift_right_logical3A_232 = arith.constant 2 : i32
      %shift_right_logical3A_233 = vector.broadcast %shift_right_logical3A_232 : i32 to vector<16xi32>
      %shift_right_logical3A_234 = arith.shrui %get3A_231, %shift_right_logical3A_233 : vector<16xi32>
      %swap3A_235 = arith.index_cast %scan3A_124 : i32 to index
      %swap3A_236 = arith.constant 64 : index
      %swap3A_237 = tpu.vector_load %arg8[%swap3A_235, %swap3A_236] {strides = array<i32>} : memref<26x128xi32, #tpu.memory_space<vmem>>, vector<16xi32>,
      tpu.vector_store %arg8[%swap3A_235, %swap3A_236], %shift_right_logical3A_234 {strides = array<i32>} : memref<26x128xi32, #tpu.memory_space<vmem>>, vector<16xi32>,
      %and3A_238 = arith.constant 3 : i32
      %and3A_239 = vector.broadcast %and3A_238 : i32 to vector<16xi32>
      %and3A_240 = arith.andi %get3A_231, %and3A_239 : vector<16xi32>
      %shift_left3A_241 = arith.constant 3 : i32
      %shift_left3A_242 = vector.broadcast %shift_left3A_241 : i32 to vector<16xi32>
      %shift_left3A_243 = arith.shli %and3A_240, %shift_left3A_242 : vector<16xi32>
      %sub3A_244 = arith.constant 24 : i32
      %sub3A_245 = vector.broadcast %sub3A_244 : i32 to vector<16xi32>
      %sub3A_246 = arith.subi %sub3A_245, %shift_left3A_243 : vector<16xi32>
      %shift_left3A_247 = arith.constant 1 : i32
      %shift_left3A_248 = vector.broadcast %shift_left3A_247 : i32 to vector<16xi32>
      %shift_left3A_249 = arith.shli %shift_left3A_248, %sub3A_246 : vector<16xi32>
      %mul3A_250 = arith.constant 128 : i32
      %mul3A_251 = arith.muli %scan3A_124, %mul3A_250 : i32
      %add3A_252 = arith.constant 64 : i32
      %add3A_253 = arith.addi %mul3A_251, %add3A_252 : i32
      %swap3A_254 = arith.index_cast %add3A_253 : i32 to index
      %swap3A_255 = tpu.vector_load %arg9[%swap3A_254] {strides = array<i32>} : memref<3328xi32, #tpu.memory_space<vmem>>, vector<16xi32>,
      tpu.vector_store %arg9[%swap3A_254], %shift_left3A_249 {strides = array<i32>} : memref<3328xi32, #tpu.memory_space<vmem>>, vector<16xi32>,
      %get3A_256 = arith.index_cast %scan3A_124 : i32 to index
      %get3A_257 = arith.constant 80 : index
      %get3A_258 = tpu.vector_load %arg7[%get3A_256, %get3A_257] {strides = array<i32>} : memref<26x128xi32, #tpu.memory_space<vmem>>, vector<16xi32>,
      %shift_right_logical3A_259 = arith.constant 2 : i32
      %shift_right_logical3A_260 = vector.broadcast %shift_right_logical3A_259 : i32 to vector<16xi32>
      %shift_right_logical3A_261 = arith.shrui %get3A_258, %shift_right_logical3A_260 : vector<16xi32>
      %swap3A_262 = arith.index_cast %scan3A_124 : i32 to index
      %swap3A_263 = arith.constant 80 : index
      %swap3A_264 = tpu.vector_load %arg8[%swap3A_262, %swap3A_263] {strides = array<i32>} : memref<26x128xi32, #tpu.memory_space<vmem>>, vector<16xi32>,
      tpu.vector_store %arg8[%swap3A_262, %swap3A_263], %shift_right_logical3A_261 {strides = array<i32>} : memref<26x128xi32, #tpu.memory_space<vmem>>, vector<16xi32>,
      %and3A_265 = arith.constant 3 : i32
      %and3A_266 = vector.broadcast %and3A_265 : i32 to vector<16xi32>
      %and3A_267 = arith.andi %get3A_258, %and3A_266 : vector<16xi32>
      %shift_left3A_268 = arith.constant 3 : i32
      %shift_left3A_269 = vector.broadcast %shift_left3A_268 : i32 to vector<16xi32>
      %shift_left3A_270 = arith.shli %and3A_267, %shift_left3A_269 : vector<16xi32>
      %sub3A_271 = arith.constant 24 : i32
      %sub3A_272 = vector.broadcast %sub3A_271 : i32 to vector<16xi32>
      %sub3A_273 = arith.subi %sub3A_272, %shift_left3A_270 : vector<16xi32>
      %shift_left3A_274 = arith.constant 1 : i32
      %shift_left3A_275 = vector.broadcast %shift_left3A_274 : i32 to vector<16xi32>
      %shift_left3A_276 = arith.shli %shift_left3A_275, %sub3A_273 : vector<16xi32>
      %mul3A_277 = arith.constant 128 : i32
      %mul3A_278 = arith.muli %scan3A_124, %mul3A_277 : i32
      %add3A_279 = arith.constant 80 : i32
      %add3A_280 = arith.addi %mul3A_278, %add3A_279 : i32
      %swap3A_281 = arith.index_cast %add3A_280 : i32 to index
      %swap3A_282 = tpu.vector_load %arg9[%swap3A_281] {strides = array<i32>} : memref<3328xi32, #tpu.memory_space<vmem>>, vector<16xi32>,
      tpu.vector_store %arg9[%swap3A_281], %shift_left3A_276 {strides = array<i32>} : memref<3328xi32, #tpu.memory_space<vmem>>, vector<16xi32>,
      %get3A_283 = arith.index_cast %scan3A_124 : i32 to index
      %get3A_284 = arith.constant 96 : index
      %get3A_285 = tpu.vector_load %arg7[%get3A_283, %get3A_284] {strides = array<i32>} : memref<26x128xi32, #tpu.memory_space<vmem>>, vector<16xi32>,
      %shift_right_logical3A_286 = arith.constant 2 : i32
      %shift_right_logical3A_287 = vector.broadcast %shift_right_logical3A_286 : i32 to vector<16xi32>
      %shift_right_logical3A_288 = arith.shrui %get3A_285, %shift_right_logical3A_287 : vector<16xi32>
      %swap3A_289 = arith.index_cast %scan3A_124 : i32 to index
      %swap3A_290 = arith.constant 96 : index
      %swap3A_291 = tpu.vector_load %arg8[%swap3A_289, %swap3A_290] {strides = array<i32>} : memref<26x128xi32, #tpu.memory_space<vmem>>, vector<16xi32>,
      tpu.vector_store %arg8[%swap3A_289, %swap3A_290], %shift_right_logical3A_288 {strides = array<i32>} : memref<26x128xi32, #tpu.memory_space<vmem>>, vector<16xi32>,
      %and3A_292 = arith.constant 3 : i32
      %and3A_293 = vector.broadcast %and3A_292 : i32 to vector<16xi32>
      %and3A_294 = arith.andi %get3A_285, %and3A_293 : vector<16xi32>
      %shift_left3A_295 = arith.constant 3 : i32
      %shift_left3A_296 = vector.broadcast %shift_left3A_295 : i32 to vector<16xi32>
      %shift_left3A_297 = arith.shli %and3A_294, %shift_left3A_296 : vector<16xi32>
      %sub3A_298 = arith.constant 24 : i32
      %sub3A_299 = vector.broadcast %sub3A_298 : i32 to vector<16xi32>
      %sub3A_300 = arith.subi %sub3A_299, %shift_left3A_297 : vector<16xi32>
      %shift_left3A_301 = arith.constant 1 : i32
      %shift_left3A_302 = vector.broadcast %shift_left3A_301 : i32 to vector<16xi32>
      %shift_left3A_303 = arith.shli %shift_left3A_302, %sub3A_300 : vector<16xi32>
      %mul3A_304 = arith.constant 128 : i32
      %mul3A_305 = arith.muli %scan3A_124, %mul3A_304 : i32
      %add3A_306 = arith.constant 96 : i32
      %add3A_307 = arith.addi %mul3A_305, %add3A_306 : i32
      %swap3A_308 = arith.index_cast %add3A_307 : i32 to index
      %swap3A_309 = tpu.vector_load %arg9[%swap3A_308] {strides = array<i32>} : memref<3328xi32, #tpu.memory_space<vmem>>, vector<16xi32>,
      tpu.vector_store %arg9[%swap3A_308], %shift_left3A_303 {strides = array<i32>} : memref<3328xi32, #tpu.memory_space<vmem>>, vector<16xi32>,
      %get3A_310 = arith.index_cast %scan3A_124 : i32 to index
      %get3A_311 = arith.constant 112 : index
      %get3A_312 = tpu.vector_load %arg7[%get3A_310, %get3A_311] {strides = array<i32>} : memref<26x128xi32, #tpu.memory_space<vmem>>, vector<16xi32>,
      %shift_right_logical3A_313 = arith.constant 2 : i32
      %shift_right_logical3A_314 = vector.broadcast %shift_right_logical3A_313 : i32 to vector<16xi32>
      %shift_right_logical3A_315 = arith.shrui %get3A_312, %shift_right_logical3A_314 : vector<16xi32>
      %swap3A_316 = arith.index_cast %scan3A_124 : i32 to index
      %swap3A_317 = arith.constant 112 : index
      %swap3A_318 = tpu.vector_load %arg8[%swap3A_316, %swap3A_317] {strides = array<i32>} : memref<26x128xi32, #tpu.memory_space<vmem>>, vector<16xi32>,
      tpu.vector_store %arg8[%swap3A_316, %swap3A_317], %shift_right_logical3A_315 {strides = array<i32>} : memref<26x128xi32, #tpu.memory_space<vmem>>, vector<16xi32>,
      %and3A_319 = arith.constant 3 : i32
      %and3A_320 = vector.broadcast %and3A_319 : i32 to vector<16xi32>
      %and3A_321 = arith.andi %get3A_312, %and3A_320 : vector<16xi32>
      %shift_left3A_322 = arith.constant 3 : i32
      %shift_left3A_323 = vector.broadcast %shift_left3A_322 : i32 to vector<16xi32>
      %shift_left3A_324 = arith.shli %and3A_321, %shift_left3A_323 : vector<16xi32>
      %sub3A_325 = arith.constant 24 : i32
      %sub3A_326 = vector.broadcast %sub3A_325 : i32 to vector<16xi32>
      %sub3A_327 = arith.subi %sub3A_326, %shift_left3A_324 : vector<16xi32>
      %shift_left3A_328 = arith.constant 1 : i32
      %shift_left3A_329 = vector.broadcast %shift_left3A_328 : i32 to vector<16xi32>
      %shift_left3A_330 = arith.shli %shift_left3A_329, %sub3A_327 : vector<16xi32>
      %mul3A_331 = arith.constant 128 : i32
      %mul3A_332 = arith.muli %scan3A_124, %mul3A_331 : i32
      %add3A_333 = arith.constant 112 : i32
      %add3A_334 = arith.addi %mul3A_332, %add3A_333 : i32
      %swap3A_335 = arith.index_cast %add3A_334 : i32 to index
      %swap3A_336 = tpu.vector_load %arg9[%swap3A_335] {strides = array<i32>} : memref<3328xi32, #tpu.memory_space<vmem>>, vector<16xi32>,
      tpu.vector_store %arg9[%swap3A_335], %shift_left3A_330 {strides = array<i32>} : memref<3328xi32, #tpu.memory_space<vmem>>, vector<16xi32>,
      %scan3A_337 = arith.constant 0 : i32
      scf.yield %scan3A_337 : i32
    }
    %scan3A_11 = arith.constant 26 : i32
    %dma_start3A = arith.constant 0 : i32
    %dma_start3A_12 = arith.constant 0 : i32
    %dma_start3A_13 = tpu.memref_slice %arg8[%dma_start3A, %dma_start3A_12] : memref<26x128xi32, #tpu.memory_space<vmem>> -> memref<1x128xi32, #tpu.memory_space<vmem>>
    %dma_start3A_14 = tpu.memref_squeeze %dma_start3A_13 : memref<1x128xi32, #tpu.memory_space<vmem>> -> memref<128xi32, #tpu.memory_space<vmem>>
    %dma_start3A_15 = arith.constant 0 : i32
    %dma_start3A_16 = arith.constant 0 : i32
    %dma_start3A_17 = tpu.memref_slice %arg2[%dma_start3A_15, %dma_start3A_16] : memref<25000x128xi32, #tpu.memory_space<hbm>> -> memref<25000x128xi32, #tpu.memory_space<hbm>>
    tpu.enqueue_indirect_dma source(%dma_start3A_17 : memref<25000x128xi32, #tpu.memory_space<hbm>>) target(%arg10 : memref<128x128xi32, #tpu.memory_space<vmem>>) offsets(%dma_start3A_14 : memref<128xi32, #tpu.memory_space<vmem>>) semaphore(%arg18 : memref<!tpu.dma_semaphore, #tpu.memory_space<semaphore_mem>>)
    %dma_start3A_18 = arith.constant 1 : i32
    %dma_start3A_19 = arith.constant 0 : i32
    %dma_start3A_20 = tpu.memref_slice %arg8[%dma_start3A_18, %dma_start3A_19] : memref<26x128xi32, #tpu.memory_space<vmem>> -> memref<1x128xi32, #tpu.memory_space<vmem>>
    %dma_start3A_21 = tpu.memref_squeeze %dma_start3A_20 : memref<1x128xi32, #tpu.memory_space<vmem>> -> memref<128xi32, #tpu.memory_space<vmem>>
    %dma_start3A_22 = arith.constant 0 : i32
    %dma_start3A_23 = arith.constant 0 : i32
    %dma_start3A_24 = tpu.memref_slice %arg2[%dma_start3A_22, %dma_start3A_23] : memref<25000x128xi32, #tpu.memory_space<hbm>> -> memref<25000x128xi32, #tpu.memory_space<hbm>>
    tpu.enqueue_indirect_dma source(%dma_start3A_24 : memref<25000x128xi32, #tpu.memory_space<hbm>>) target(%arg11 : memref<128x128xi32, #tpu.memory_space<vmem>>) offsets(%dma_start3A_21 : memref<128xi32, #tpu.memory_space<vmem>>) semaphore(%arg19 : memref<!tpu.dma_semaphore, #tpu.memory_space<semaphore_mem>>)
    %dma_start3A_25 = arith.constant 2 : i32
    %dma_start3A_26 = arith.constant 0 : i32
    %dma_start3A_27 = tpu.memref_slice %arg8[%dma_start3A_25, %dma_start3A_26] : memref<26x128xi32, #tpu.memory_space<vmem>> -> memref<1x128xi32, #tpu.memory_space<vmem>>
    %dma_start3A_28 = tpu.memref_squeeze %dma_start3A_27 : memref<1x128xi32, #tpu.memory_space<vmem>> -> memref<128xi32, #tpu.memory_space<vmem>>
    %dma_start3A_29 = arith.constant 0 : i32
    %dma_start3A_30 = arith.constant 0 : i32
    %dma_start3A_31 = tpu.memref_slice %arg2[%dma_start3A_29, %dma_start3A_30] : memref<25000x128xi32, #tpu.memory_space<hbm>> -> memref<25000x128xi32, #tpu.memory_space<hbm>>
    tpu.enqueue_indirect_dma source(%dma_start3A_31 : memref<25000x128xi32, #tpu.memory_space<hbm>>) target(%arg12 : memref<128x128xi32, #tpu.memory_space<vmem>>) offsets(%dma_start3A_28 : memref<128xi32, #tpu.memory_space<vmem>>) semaphore(%arg20 : memref<!tpu.dma_semaphore, #tpu.memory_space<semaphore_mem>>)
    %dma_start3A_32 = arith.constant 3 : i32
    %dma_start3A_33 = arith.constant 0 : i32
    %dma_start3A_34 = tpu.memref_slice %arg8[%dma_start3A_32, %dma_start3A_33] : memref<26x128xi32, #tpu.memory_space<vmem>> -> memref<1x128xi32, #tpu.memory_space<vmem>>
    %dma_start3A_35 = tpu.memref_squeeze %dma_start3A_34 : memref<1x128xi32, #tpu.memory_space<vmem>> -> memref<128xi32, #tpu.memory_space<vmem>>
    %dma_start3A_36 = arith.constant 0 : i32
    %dma_start3A_37 = arith.constant 0 : i32
    %dma_start3A_38 = tpu.memref_slice %arg2[%dma_start3A_36, %dma_start3A_37] : memref<25000x128xi32, #tpu.memory_space<hbm>> -> memref<25000x128xi32, #tpu.memory_space<hbm>>
    tpu.enqueue_indirect_dma source(%dma_start3A_38 : memref<25000x128xi32, #tpu.memory_space<hbm>>) target(%arg13 : memref<128x128xi32, #tpu.memory_space<vmem>>) offsets(%dma_start3A_35 : memref<128xi32, #tpu.memory_space<vmem>>) semaphore(%arg21 : memref<!tpu.dma_semaphore, #tpu.memory_space<semaphore_mem>>)
    %scan3A_39 = arith.constant 0 : i32
    %scan3A_40 = arith.constant 0 : i32
    %scan3A_41 = arith.constant 6 : i32
    %scan3A_42 = arith.addi %scan3A_40, %scan3A_41 : i32
    %scan3A_43 = arith.constant 1 : i32
    %scan3A_44 = scf.for %scan3A_124 = %scan3A_40 to %scan3A_42 step %scan3A_43 iter_args(%scan3A_125 = %scan3A_39) -> (i32)  : i32 {
      %mul3A_126 = arith.constant 4 : i32
      %mul3A_127 = arith.muli %mul3A_126, %scan3A_124 : i32
      %dma_wait3A_128 = arith.constant 0 : i32
      %dma_wait3A_129 = arith.constant 0 : i32
      %dma_wait3A_130 = tpu.memref_slice %arg8[%dma_wait3A_128, %dma_wait3A_129] : memref<26x128xi32, #tpu.memory_space<vmem>> -> memref<1x128xi32, #tpu.memory_space<vmem>>
      %dma_wait3A_131 = tpu.memref_squeeze %dma_wait3A_130 : memref<1x128xi32, #tpu.memory_space<vmem>> -> memref<128xi32, #tpu.memory_space<vmem>>
      %dma_wait3A_132 = arith.constant 0 : i32
      %dma_wait3A_133 = arith.constant 0 : i32
      %dma_wait3A_134 = tpu.memref_slice %arg2[%dma_wait3A_132, %dma_wait3A_133] : memref<25000x128xi32, #tpu.memory_space<hbm>> -> memref<25000x128xi32, #tpu.memory_space<hbm>>
      tpu.wait_indirect_dma semaphore(%arg18 : memref<!tpu.dma_semaphore, #tpu.memory_space<semaphore_mem>>) src(%dma_wait3A_134 : memref<25000x128xi32, #tpu.memory_space<hbm>>) dst(%arg10 : memref<128x128xi32, #tpu.memory_space<vmem>>)
      %gt3A = arith.constant 0 : i32
      %gt3A_135 = arith.cmpi sgt, %mul3A_127, %gt3A : i32
      %convert_element_type3A = arith.extui %gt3A_135 : i1 to i32
      %cond3A = arith.constant 0 : i32
      %cond3A_136 = arith.cmpi ne, %convert_element_type3A, %cond3A : i32
      scf.if %cond3A_136 {
        %mul3A_263 = arith.constant 26 : i32
        %mul3A_264 = arith.muli %add3A, %mul3A_263 : i32
        %add3A_265 = arith.constant 0 : i32
        %add3A_266 = arith.addi %mul3A_264, %add3A_265 : i32
        %mul3A_267 = arith.constant 128 : i32
        %mul3A_268 = arith.muli %add3A_266, %mul3A_267 : i32
        %mul3A_269 = arith.constant 128 : i32
        %mul3A_270 = arith.muli %mul3A_268, %mul3A_269 : i32
        %dma_wait3A_271 = tpu.memref_slice %arg6[%mul3A_270] : memref<13631488xf32, #tpu.memory_space<hbm>> -> memref<16384xf32, #tpu.memory_space<hbm>>
        %dma_wait3A_272 = tpu.memref_slice %arg6[%mul3A_270] : memref<13631488xf32, #tpu.memory_space<hbm>> -> memref<16384xf32, #tpu.memory_space<hbm>>
        tpu.wait_dma2 semaphore(%arg22 : memref<!tpu.dma_semaphore, #tpu.memory_space<semaphore_mem>>) src(%arg14 : memref<16384xf32, #tpu.memory_space<vmem>>) dst(%dma_wait3A_272 : memref<16384xf32, #tpu.memory_space<hbm>>)
      } else {
      }
      %add3A_137 = arith.constant 0 : i32
      %add3A_138 = arith.addi %mul3A_127, %add3A_137 : i32
      %parallel_loop3A_139 = arith.constant 0 : i32
      %parallel_loop3A_140 = arith.constant 128 : i32
      %parallel_loop3A_141 = arith.constant 1 : i32
      scf.for %parallel_loop3A_263 = %parallel_loop3A_139 to %parallel_loop3A_140 step %parallel_loop3A_141  : i32 {
        %parallel_loop3A_264 = arith.constant 128 : i32
        %parallel_loop3A_265 = arith.muli %add3A_138, %parallel_loop3A_264 : i32
        %parallel_loop3A_266 = arith.addi %parallel_loop3A_265, %parallel_loop3A_263 : i32
        %parallel_loop3A_267 = vector.broadcast %parallel_loop3A_266 : i32 to vector<16xi32>
        %parallel_loop3A_268 = tpu.vector_load_idx %arg9[%parallel_loop3A_267] : memref<3328xi32, #tpu.memory_space<vmem>>[vector<16xi32>], vector<16xi32>,
        %parallel_loop3A_269 = arith.constant 128 : i32
        %parallel_loop3A_270 = arith.muli %parallel_loop3A_263, %parallel_loop3A_269 : i32
        %parallel_loop3A_271 = arith.index_cast %parallel_loop3A_263 : i32 to index
        %parallel_loop3A_272 = arith.constant 0 : index
        %parallel_loop3A_273 = tpu.vector_load %arg10[%parallel_loop3A_271, %parallel_loop3A_272] {strides = array<i32>} : memref<128x128xi32, #tpu.memory_space<vmem>>, vector<16xi32>,
        %parallel_loop3A_274 = arith.muli %parallel_loop3A_273, %parallel_loop3A_268 : vector<16xi32>
        %parallel_loop3A_275 = arith.constant 24 : i32
        %parallel_loop3A_276 = vector.broadcast %parallel_loop3A_275 : i32 to vector<16xi32>
        %parallel_loop3A_277 = arith.shrsi %parallel_loop3A_274, %parallel_loop3A_276 : vector<16xi32>
        %parallel_loop3A_278 = arith.sitofp %parallel_loop3A_277 : vector<16xi32> to vector<16xf32>
        %parallel_loop3A_279 = arith.mulf %parallel_loop3A_278, %get3A_3 : vector<16xf32>
        %parallel_loop3A_280 = arith.addf %parallel_loop3A_279, %get3A_5 : vector<16xf32>
        %parallel_loop3A_281 = arith.constant 0 : i32
        %parallel_loop3A_282 = arith.addi %parallel_loop3A_270, %parallel_loop3A_281 : i32
        %parallel_loop3A_283 = arith.index_cast %parallel_loop3A_282 : i32 to index
        %parallel_loop3A_284 = tpu.vector_load %arg14[%parallel_loop3A_283] {strides = array<i32>} : memref<16384xf32, #tpu.memory_space<vmem>>, vector<16xf32>,
        tpu.vector_store %arg14[%parallel_loop3A_283], %parallel_loop3A_280 {strides = array<i32>} : memref<16384xf32, #tpu.memory_space<vmem>>, vector<16xf32>,
        %parallel_loop3A_285 = arith.index_cast %parallel_loop3A_263 : i32 to index
        %parallel_loop3A_286 = arith.constant 16 : index
        %parallel_loop3A_287 = tpu.vector_load %arg10[%parallel_loop3A_285, %parallel_loop3A_286] {strides = array<i32>} : memref<128x128xi32, #tpu.memory_space<vmem>>, vector<16xi32>,
        %parallel_loop3A_288 = arith.muli %parallel_loop3A_287, %parallel_loop3A_268 : vector<16xi32>
        %parallel_loop3A_289 = arith.constant 24 : i32
        %parallel_loop3A_290 = vector.broadcast %parallel_loop3A_289 : i32 to vector<16xi32>
        %parallel_loop3A_291 = arith.shrsi %parallel_loop3A_288, %parallel_loop3A_290 : vector<16xi32>
        %parallel_loop3A_292 = arith.sitofp %parallel_loop3A_291 : vector<16xi32> to vector<16xf32>
        %parallel_loop3A_293 = arith.mulf %parallel_loop3A_292, %get3A_3 : vector<16xf32>
        %parallel_loop3A_294 = arith.addf %parallel_loop3A_293, %get3A_5 : vector<16xf32>
        %parallel_loop3A_295 = arith.constant 16 : i32
        %parallel_loop3A_296 = arith.addi %parallel_loop3A_270, %parallel_loop3A_295 : i32
        %parallel_loop3A_297 = arith.index_cast %parallel_loop3A_296 : i32 to index
        %parallel_loop3A_298 = tpu.vector_load %arg14[%parallel_loop3A_297] {strides = array<i32>} : memref<16384xf32, #tpu.memory_space<vmem>>, vector<16xf32>,
        tpu.vector_store %arg14[%parallel_loop3A_297], %parallel_loop3A_294 {strides = array<i32>} : memref<16384xf32, #tpu.memory_space<vmem>>, vector<16xf32>,
        %parallel_loop3A_299 = arith.index_cast %parallel_loop3A_263 : i32 to index
        %parallel_loop3A_300 = arith.constant 32 : index
        %parallel_loop3A_301 = tpu.vector_load %arg10[%parallel_loop3A_299, %parallel_loop3A_300] {strides = array<i32>} : memref<128x128xi32, #tpu.memory_space<vmem>>, vector<16xi32>,
        %parallel_loop3A_302 = arith.muli %parallel_loop3A_301, %parallel_loop3A_268 : vector<16xi32>
        %parallel_loop3A_303 = arith.constant 24 : i32
        %parallel_loop3A_304 = vector.broadcast %parallel_loop3A_303 : i32 to vector<16xi32>
        %parallel_loop3A_305 = arith.shrsi %parallel_loop3A_302, %parallel_loop3A_304 : vector<16xi32>
        %parallel_loop3A_306 = arith.sitofp %parallel_loop3A_305 : vector<16xi32> to vector<16xf32>
        %parallel_loop3A_307 = arith.mulf %parallel_loop3A_306, %get3A_3 : vector<16xf32>
        %parallel_loop3A_308 = arith.addf %parallel_loop3A_307, %get3A_5 : vector<16xf32>
        %parallel_loop3A_309 = arith.constant 32 : i32
        %parallel_loop3A_310 = arith.addi %parallel_loop3A_270, %parallel_loop3A_309 : i32
        %parallel_loop3A_311 = arith.index_cast %parallel_loop3A_310 : i32 to index
        %parallel_loop3A_312 = tpu.vector_load %arg14[%parallel_loop3A_311] {strides = array<i32>} : memref<16384xf32, #tpu.memory_space<vmem>>, vector<16xf32>,
        tpu.vector_store %arg14[%parallel_loop3A_311], %parallel_loop3A_308 {strides = array<i32>} : memref<16384xf32, #tpu.memory_space<vmem>>, vector<16xf32>,
        %parallel_loop3A_313 = arith.index_cast %parallel_loop3A_263 : i32 to index
        %parallel_loop3A_314 = arith.constant 48 : index
        %parallel_loop3A_315 = tpu.vector_load %arg10[%parallel_loop3A_313, %parallel_loop3A_314] {strides = array<i32>} : memref<128x128xi32, #tpu.memory_space<vmem>>, vector<16xi32>,
        %parallel_loop3A_316 = arith.muli %parallel_loop3A_315, %parallel_loop3A_268 : vector<16xi32>
        %parallel_loop3A_317 = arith.constant 24 : i32
        %parallel_loop3A_318 = vector.broadcast %parallel_loop3A_317 : i32 to vector<16xi32>
        %parallel_loop3A_319 = arith.shrsi %parallel_loop3A_316, %parallel_loop3A_318 : vector<16xi32>
        %parallel_loop3A_320 = arith.sitofp %parallel_loop3A_319 : vector<16xi32> to vector<16xf32>
        %parallel_loop3A_321 = arith.mulf %parallel_loop3A_320, %get3A_3 : vector<16xf32>
        %parallel_loop3A_322 = arith.addf %parallel_loop3A_321, %get3A_5 : vector<16xf32>
        %parallel_loop3A_323 = arith.constant 48 : i32
        %parallel_loop3A_324 = arith.addi %parallel_loop3A_270, %parallel_loop3A_323 : i32
        %parallel_loop3A_325 = arith.index_cast %parallel_loop3A_324 : i32 to index
        %parallel_loop3A_326 = tpu.vector_load %arg14[%parallel_loop3A_325] {strides = array<i32>} : memref<16384xf32, #tpu.memory_space<vmem>>, vector<16xf32>,
        tpu.vector_store %arg14[%parallel_loop3A_325], %parallel_loop3A_322 {strides = array<i32>} : memref<16384xf32, #tpu.memory_space<vmem>>, vector<16xf32>,
        %parallel_loop3A_327 = arith.index_cast %parallel_loop3A_263 : i32 to index
        %parallel_loop3A_328 = arith.constant 64 : index
        %parallel_loop3A_329 = tpu.vector_load %arg10[%parallel_loop3A_327, %parallel_loop3A_328] {strides = array<i32>} : memref<128x128xi32, #tpu.memory_space<vmem>>, vector<16xi32>,
        %parallel_loop3A_330 = arith.muli %parallel_loop3A_329, %parallel_loop3A_268 : vector<16xi32>
        %parallel_loop3A_331 = arith.constant 24 : i32
        %parallel_loop3A_332 = vector.broadcast %parallel_loop3A_331 : i32 to vector<16xi32>
        %parallel_loop3A_333 = arith.shrsi %parallel_loop3A_330, %parallel_loop3A_332 : vector<16xi32>
        %parallel_loop3A_334 = arith.sitofp %parallel_loop3A_333 : vector<16xi32> to vector<16xf32>
        %parallel_loop3A_335 = arith.mulf %parallel_loop3A_334, %get3A_3 : vector<16xf32>
        %parallel_loop3A_336 = arith.addf %parallel_loop3A_335, %get3A_5 : vector<16xf32>
        %parallel_loop3A_337 = arith.constant 64 : i32
        %parallel_loop3A_338 = arith.addi %parallel_loop3A_270, %parallel_loop3A_337 : i32
        %parallel_loop3A_339 = arith.index_cast %parallel_loop3A_338 : i32 to index
        %parallel_loop3A_340 = tpu.vector_load %arg14[%parallel_loop3A_339] {strides = array<i32>} : memref<16384xf32, #tpu.memory_space<vmem>>, vector<16xf32>,
        tpu.vector_store %arg14[%parallel_loop3A_339], %parallel_loop3A_336 {strides = array<i32>} : memref<16384xf32, #tpu.memory_space<vmem>>, vector<16xf32>,
        %parallel_loop3A_341 = arith.index_cast %parallel_loop3A_263 : i32 to index
        %parallel_loop3A_342 = arith.constant 80 : index
        %parallel_loop3A_343 = tpu.vector_load %arg10[%parallel_loop3A_341, %parallel_loop3A_342] {strides = array<i32>} : memref<128x128xi32, #tpu.memory_space<vmem>>, vector<16xi32>,
        %parallel_loop3A_344 = arith.muli %parallel_loop3A_343, %parallel_loop3A_268 : vector<16xi32>
        %parallel_loop3A_345 = arith.constant 24 : i32
        %parallel_loop3A_346 = vector.broadcast %parallel_loop3A_345 : i32 to vector<16xi32>
        %parallel_loop3A_347 = arith.shrsi %parallel_loop3A_344, %parallel_loop3A_346 : vector<16xi32>
        %parallel_loop3A_348 = arith.sitofp %parallel_loop3A_347 : vector<16xi32> to vector<16xf32>
        %parallel_loop3A_349 = arith.mulf %parallel_loop3A_348, %get3A_3 : vector<16xf32>
        %parallel_loop3A_350 = arith.addf %parallel_loop3A_349, %get3A_5 : vector<16xf32>
        %parallel_loop3A_351 = arith.constant 80 : i32
        %parallel_loop3A_352 = arith.addi %parallel_loop3A_270, %parallel_loop3A_351 : i32
        %parallel_loop3A_353 = arith.index_cast %parallel_loop3A_352 : i32 to index
        %parallel_loop3A_354 = tpu.vector_load %arg14[%parallel_loop3A_353] {strides = array<i32>} : memref<16384xf32, #tpu.memory_space<vmem>>, vector<16xf32>,
        tpu.vector_store %arg14[%parallel_loop3A_353], %parallel_loop3A_350 {strides = array<i32>} : memref<16384xf32, #tpu.memory_space<vmem>>, vector<16xf32>,
        %parallel_loop3A_355 = arith.index_cast %parallel_loop3A_263 : i32 to index
        %parallel_loop3A_356 = arith.constant 96 : index
        %parallel_loop3A_357 = tpu.vector_load %arg10[%parallel_loop3A_355, %parallel_loop3A_356] {strides = array<i32>} : memref<128x128xi32, #tpu.memory_space<vmem>>, vector<16xi32>,
        %parallel_loop3A_358 = arith.muli %parallel_loop3A_357, %parallel_loop3A_268 : vector<16xi32>
        %parallel_loop3A_359 = arith.constant 24 : i32
        %parallel_loop3A_360 = vector.broadcast %parallel_loop3A_359 : i32 to vector<16xi32>
        %parallel_loop3A_361 = arith.shrsi %parallel_loop3A_358, %parallel_loop3A_360 : vector<16xi32>
        %parallel_loop3A_362 = arith.sitofp %parallel_loop3A_361 : vector<16xi32> to vector<16xf32>
        %parallel_loop3A_363 = arith.mulf %parallel_loop3A_362, %get3A_3 : vector<16xf32>
        %parallel_loop3A_364 = arith.addf %parallel_loop3A_363, %get3A_5 : vector<16xf32>
        %parallel_loop3A_365 = arith.constant 96 : i32
        %parallel_loop3A_366 = arith.addi %parallel_loop3A_270, %parallel_loop3A_365 : i32
        %parallel_loop3A_367 = arith.index_cast %parallel_loop3A_366 : i32 to index
        %parallel_loop3A_368 = tpu.vector_load %arg14[%parallel_loop3A_367] {strides = array<i32>} : memref<16384xf32, #tpu.memory_space<vmem>>, vector<16xf32>,
        tpu.vector_store %arg14[%parallel_loop3A_367], %parallel_loop3A_364 {strides = array<i32>} : memref<16384xf32, #tpu.memory_space<vmem>>, vector<16xf32>,
        %parallel_loop3A_369 = arith.index_cast %parallel_loop3A_263 : i32 to index
        %parallel_loop3A_370 = arith.constant 112 : index
        %parallel_loop3A_371 = tpu.vector_load %arg10[%parallel_loop3A_369, %parallel_loop3A_370] {strides = array<i32>} : memref<128x128xi32, #tpu.memory_space<vmem>>, vector<16xi32>,
        %parallel_loop3A_372 = arith.muli %parallel_loop3A_371, %parallel_loop3A_268 : vector<16xi32>
        %parallel_loop3A_373 = arith.constant 24 : i32
        %parallel_loop3A_374 = vector.broadcast %parallel_loop3A_373 : i32 to vector<16xi32>
        %parallel_loop3A_375 = arith.shrsi %parallel_loop3A_372, %parallel_loop3A_374 : vector<16xi32>
        %parallel_loop3A_376 = arith.sitofp %parallel_loop3A_375 : vector<16xi32> to vector<16xf32>
        %parallel_loop3A_377 = arith.mulf %parallel_loop3A_376, %get3A_3 : vector<16xf32>
        %parallel_loop3A_378 = arith.addf %parallel_loop3A_377, %get3A_5 : vector<16xf32>
        %parallel_loop3A_379 = arith.constant 112 : i32
        %parallel_loop3A_380 = arith.addi %parallel_loop3A_270, %parallel_loop3A_379 : i32
        %parallel_loop3A_381 = arith.index_cast %parallel_loop3A_380 : i32 to index
        %parallel_loop3A_382 = tpu.vector_load %arg14[%parallel_loop3A_381] {strides = array<i32>} : memref<16384xf32, #tpu.memory_space<vmem>>, vector<16xf32>,
        tpu.vector_store %arg14[%parallel_loop3A_381], %parallel_loop3A_378 {strides = array<i32>} : memref<16384xf32, #tpu.memory_space<vmem>>, vector<16xf32>,
      } {sc.loop_unroll_factor = 4 : i64, sc.parallel_access}
      %add3A_142 = arith.constant 0 : i32
      %add3A_143 = arith.addi %mul3A_127, %add3A_142 : i32
      %mul3A_144 = arith.constant 26 : i32
      %mul3A_145 = arith.muli %add3A, %mul3A_144 : i32
      %add3A_146 = arith.addi %mul3A_145, %add3A_143 : i32
      %mul3A_147 = arith.constant 128 : i32
      %mul3A_148 = arith.muli %add3A_146, %mul3A_147 : i32
      %mul3A_149 = arith.constant 128 : i32
      %mul3A_150 = arith.muli %mul3A_148, %mul3A_149 : i32
      %dma_start3A_151 = tpu.memref_slice %arg6[%mul3A_150] : memref<13631488xf32, #tpu.memory_space<hbm>> -> memref<16384xf32, #tpu.memory_space<hbm>>
      %dma_start3A_152 = tpu.memref_slice %arg6[%mul3A_150] : memref<13631488xf32, #tpu.memory_space<hbm>> -> memref<16384xf32, #tpu.memory_space<hbm>>
      tpu.enqueue_dma source(%arg14 : memref<16384xf32, #tpu.memory_space<vmem>>) target(%dma_start3A_152 : memref<16384xf32, #tpu.memory_space<hbm>>) target_semaphore(%arg22 : memref<!tpu.dma_semaphore, #tpu.memory_space<semaphore_mem>>)
      %dma_wait3A_153 = arith.constant 0 : i32
      %dma_wait3A_154 = arith.constant 0 : i32
      %dma_wait3A_155 = tpu.memref_slice %arg8[%dma_wait3A_153, %dma_wait3A_154] : memref<26x128xi32, #tpu.memory_space<vmem>> -> memref<1x128xi32, #tpu.memory_space<vmem>>
      %dma_wait3A_156 = tpu.memref_squeeze %dma_wait3A_155 : memref<1x128xi32, #tpu.memory_space<vmem>> -> memref<128xi32, #tpu.memory_space<vmem>>
      %dma_wait3A_157 = arith.constant 0 : i32
      %dma_wait3A_158 = arith.constant 0 : i32
      %dma_wait3A_159 = tpu.memref_slice %arg2[%dma_wait3A_157, %dma_wait3A_158] : memref<25000x128xi32, #tpu.memory_space<hbm>> -> memref<25000x128xi32, #tpu.memory_space<hbm>>
      tpu.wait_indirect_dma semaphore(%arg19 : memref<!tpu.dma_semaphore, #tpu.memory_space<semaphore_mem>>) src(%dma_wait3A_159 : memref<25000x128xi32, #tpu.memory_space<hbm>>) dst(%arg11 : memref<128x128xi32, #tpu.memory_space<vmem>>)
      %gt3A_160 = arith.constant 0 : i32
      %gt3A_161 = arith.cmpi sgt, %mul3A_127, %gt3A_160 : i32
      %convert_element_type3A_162 = arith.extui %gt3A_161 : i1 to i32
      %cond3A_163 = arith.constant 0 : i32
      %cond3A_164 = arith.cmpi ne, %convert_element_type3A_162, %cond3A_163 : i32
      scf.if %cond3A_164 {
        %mul3A_263 = arith.constant 26 : i32
        %mul3A_264 = arith.muli %add3A, %mul3A_263 : i32
        %add3A_265 = arith.constant 0 : i32
        %add3A_266 = arith.addi %mul3A_264, %add3A_265 : i32
        %mul3A_267 = arith.constant 128 : i32
        %mul3A_268 = arith.muli %add3A_266, %mul3A_267 : i32
        %mul3A_269 = arith.constant 128 : i32
        %mul3A_270 = arith.muli %mul3A_268, %mul3A_269 : i32
        %dma_wait3A_271 = tpu.memref_slice %arg6[%mul3A_270] : memref<13631488xf32, #tpu.memory_space<hbm>> -> memref<16384xf32, #tpu.memory_space<hbm>>
        %dma_wait3A_272 = tpu.memref_slice %arg6[%mul3A_270] : memref<13631488xf32, #tpu.memory_space<hbm>> -> memref<16384xf32, #tpu.memory_space<hbm>>
        tpu.wait_dma2 semaphore(%arg23 : memref<!tpu.dma_semaphore, #tpu.memory_space<semaphore_mem>>) src(%arg15 : memref<16384xf32, #tpu.memory_space<vmem>>) dst(%dma_wait3A_272 : memref<16384xf32, #tpu.memory_space<hbm>>)
      } else {
      }
      %add3A_165 = arith.constant 1 : i32
      %add3A_166 = arith.addi %mul3A_127, %add3A_165 : i32
      %parallel_loop3A_167 = arith.constant 0 : i32
      %parallel_loop3A_168 = arith.constant 128 : i32
      %parallel_loop3A_169 = arith.constant 1 : i32
      scf.for %parallel_loop3A_263 = %parallel_loop3A_167 to %parallel_loop3A_168 step %parallel_loop3A_169  : i32 {
        %parallel_loop3A_264 = arith.constant 128 : i32
        %parallel_loop3A_265 = arith.muli %add3A_166, %parallel_loop3A_264 : i32
        %parallel_loop3A_266 = arith.addi %parallel_loop3A_265, %parallel_loop3A_263 : i32
        %parallel_loop3A_267 = vector.broadcast %parallel_loop3A_266 : i32 to vector<16xi32>
        %parallel_loop3A_268 = tpu.vector_load_idx %arg9[%parallel_loop3A_267] : memref<3328xi32, #tpu.memory_space<vmem>>[vector<16xi32>], vector<16xi32>,
        %parallel_loop3A_269 = arith.constant 128 : i32
        %parallel_loop3A_270 = arith.muli %parallel_loop3A_263, %parallel_loop3A_269 : i32
        %parallel_loop3A_271 = arith.index_cast %parallel_loop3A_263 : i32 to index
        %parallel_loop3A_272 = arith.constant 0 : index
        %parallel_loop3A_273 = tpu.vector_load %arg11[%parallel_loop3A_271, %parallel_loop3A_272] {strides = array<i32>} : memref<128x128xi32, #tpu.memory_space<vmem>>, vector<16xi32>,
        %parallel_loop3A_274 = arith.muli %parallel_loop3A_273, %parallel_loop3A_268 : vector<16xi32>
        %parallel_loop3A_275 = arith.constant 24 : i32
        %parallel_loop3A_276 = vector.broadcast %parallel_loop3A_275 : i32 to vector<16xi32>
        %parallel_loop3A_277 = arith.shrsi %parallel_loop3A_274, %parallel_loop3A_276 : vector<16xi32>
        %parallel_loop3A_278 = arith.sitofp %parallel_loop3A_277 : vector<16xi32> to vector<16xf32>
        %parallel_loop3A_279 = arith.mulf %parallel_loop3A_278, %get3A_3 : vector<16xf32>
        %parallel_loop3A_280 = arith.addf %parallel_loop3A_279, %get3A_5 : vector<16xf32>
        %parallel_loop3A_281 = arith.constant 0 : i32
        %parallel_loop3A_282 = arith.addi %parallel_loop3A_270, %parallel_loop3A_281 : i32
        %parallel_loop3A_283 = arith.index_cast %parallel_loop3A_282 : i32 to index
        %parallel_loop3A_284 = tpu.vector_load %arg15[%parallel_loop3A_283] {strides = array<i32>} : memref<16384xf32, #tpu.memory_space<vmem>>, vector<16xf32>,
        tpu.vector_store %arg15[%parallel_loop3A_283], %parallel_loop3A_280 {strides = array<i32>} : memref<16384xf32, #tpu.memory_space<vmem>>, vector<16xf32>,
        %parallel_loop3A_285 = arith.index_cast %parallel_loop3A_263 : i32 to index
        %parallel_loop3A_286 = arith.constant 16 : index
        %parallel_loop3A_287 = tpu.vector_load %arg11[%parallel_loop3A_285, %parallel_loop3A_286] {strides = array<i32>} : memref<128x128xi32, #tpu.memory_space<vmem>>, vector<16xi32>,
        %parallel_loop3A_288 = arith.muli %parallel_loop3A_287, %parallel_loop3A_268 : vector<16xi32>
        %parallel_loop3A_289 = arith.constant 24 : i32
        %parallel_loop3A_290 = vector.broadcast %parallel_loop3A_289 : i32 to vector<16xi32>
        %parallel_loop3A_291 = arith.shrsi %parallel_loop3A_288, %parallel_loop3A_290 : vector<16xi32>
        %parallel_loop3A_292 = arith.sitofp %parallel_loop3A_291 : vector<16xi32> to vector<16xf32>
        %parallel_loop3A_293 = arith.mulf %parallel_loop3A_292, %get3A_3 : vector<16xf32>
        %parallel_loop3A_294 = arith.addf %parallel_loop3A_293, %get3A_5 : vector<16xf32>
        %parallel_loop3A_295 = arith.constant 16 : i32
        %parallel_loop3A_296 = arith.addi %parallel_loop3A_270, %parallel_loop3A_295 : i32
        %parallel_loop3A_297 = arith.index_cast %parallel_loop3A_296 : i32 to index
        %parallel_loop3A_298 = tpu.vector_load %arg15[%parallel_loop3A_297] {strides = array<i32>} : memref<16384xf32, #tpu.memory_space<vmem>>, vector<16xf32>,
        tpu.vector_store %arg15[%parallel_loop3A_297], %parallel_loop3A_294 {strides = array<i32>} : memref<16384xf32, #tpu.memory_space<vmem>>, vector<16xf32>,
        %parallel_loop3A_299 = arith.index_cast %parallel_loop3A_263 : i32 to index
        %parallel_loop3A_300 = arith.constant 32 : index
        %parallel_loop3A_301 = tpu.vector_load %arg11[%parallel_loop3A_299, %parallel_loop3A_300] {strides = array<i32>} : memref<128x128xi32, #tpu.memory_space<vmem>>, vector<16xi32>,
        %parallel_loop3A_302 = arith.muli %parallel_loop3A_301, %parallel_loop3A_268 : vector<16xi32>
        %parallel_loop3A_303 = arith.constant 24 : i32
        %parallel_loop3A_304 = vector.broadcast %parallel_loop3A_303 : i32 to vector<16xi32>
        %parallel_loop3A_305 = arith.shrsi %parallel_loop3A_302, %parallel_loop3A_304 : vector<16xi32>
        %parallel_loop3A_306 = arith.sitofp %parallel_loop3A_305 : vector<16xi32> to vector<16xf32>
        %parallel_loop3A_307 = arith.mulf %parallel_loop3A_306, %get3A_3 : vector<16xf32>
        %parallel_loop3A_308 = arith.addf %parallel_loop3A_307, %get3A_5 : vector<16xf32>
        %parallel_loop3A_309 = arith.constant 32 : i32
        %parallel_loop3A_310 = arith.addi %parallel_loop3A_270, %parallel_loop3A_309 : i32
        %parallel_loop3A_311 = arith.index_cast %parallel_loop3A_310 : i32 to index
        %parallel_loop3A_312 = tpu.vector_load %arg15[%parallel_loop3A_311] {strides = array<i32>} : memref<16384xf32, #tpu.memory_space<vmem>>, vector<16xf32>,
        tpu.vector_store %arg15[%parallel_loop3A_311], %parallel_loop3A_308 {strides = array<i32>} : memref<16384xf32, #tpu.memory_space<vmem>>, vector<16xf32>,
        %parallel_loop3A_313 = arith.index_cast %parallel_loop3A_263 : i32 to index
        %parallel_loop3A_314 = arith.constant 48 : index
        %parallel_loop3A_315 = tpu.vector_load %arg11[%parallel_loop3A_313, %parallel_loop3A_314] {strides = array<i32>} : memref<128x128xi32, #tpu.memory_space<vmem>>, vector<16xi32>,
        %parallel_loop3A_316 = arith.muli %parallel_loop3A_315, %parallel_loop3A_268 : vector<16xi32>
        %parallel_loop3A_317 = arith.constant 24 : i32
        %parallel_loop3A_318 = vector.broadcast %parallel_loop3A_317 : i32 to vector<16xi32>
        %parallel_loop3A_319 = arith.shrsi %parallel_loop3A_316, %parallel_loop3A_318 : vector<16xi32>
        %parallel_loop3A_320 = arith.sitofp %parallel_loop3A_319 : vector<16xi32> to vector<16xf32>
        %parallel_loop3A_321 = arith.mulf %parallel_loop3A_320, %get3A_3 : vector<16xf32>
        %parallel_loop3A_322 = arith.addf %parallel_loop3A_321, %get3A_5 : vector<16xf32>
        %parallel_loop3A_323 = arith.constant 48 : i32
        %parallel_loop3A_324 = arith.addi %parallel_loop3A_270, %parallel_loop3A_323 : i32
        %parallel_loop3A_325 = arith.index_cast %parallel_loop3A_324 : i32 to index
        %parallel_loop3A_326 = tpu.vector_load %arg15[%parallel_loop3A_325] {strides = array<i32>} : memref<16384xf32, #tpu.memory_space<vmem>>, vector<16xf32>,
        tpu.vector_store %arg15[%parallel_loop3A_325], %parallel_loop3A_322 {strides = array<i32>} : memref<16384xf32, #tpu.memory_space<vmem>>, vector<16xf32>,
        %parallel_loop3A_327 = arith.index_cast %parallel_loop3A_263 : i32 to index
        %parallel_loop3A_328 = arith.constant 64 : index
        %parallel_loop3A_329 = tpu.vector_load %arg11[%parallel_loop3A_327, %parallel_loop3A_328] {strides = array<i32>} : memref<128x128xi32, #tpu.memory_space<vmem>>, vector<16xi32>,
        %parallel_loop3A_330 = arith.muli %parallel_loop3A_329, %parallel_loop3A_268 : vector<16xi32>
        %parallel_loop3A_331 = arith.constant 24 : i32
        %parallel_loop3A_332 = vector.broadcast %parallel_loop3A_331 : i32 to vector<16xi32>
        %parallel_loop3A_333 = arith.shrsi %parallel_loop3A_330, %parallel_loop3A_332 : vector<16xi32>
        %parallel_loop3A_334 = arith.sitofp %parallel_loop3A_333 : vector<16xi32> to vector<16xf32>
        %parallel_loop3A_335 = arith.mulf %parallel_loop3A_334, %get3A_3 : vector<16xf32>
        %parallel_loop3A_336 = arith.addf %parallel_loop3A_335, %get3A_5 : vector<16xf32>
        %parallel_loop3A_337 = arith.constant 64 : i32
        %parallel_loop3A_338 = arith.addi %parallel_loop3A_270, %parallel_loop3A_337 : i32
        %parallel_loop3A_339 = arith.index_cast %parallel_loop3A_338 : i32 to index
        %parallel_loop3A_340 = tpu.vector_load %arg15[%parallel_loop3A_339] {strides = array<i32>} : memref<16384xf32, #tpu.memory_space<vmem>>, vector<16xf32>,
        tpu.vector_store %arg15[%parallel_loop3A_339], %parallel_loop3A_336 {strides = array<i32>} : memref<16384xf32, #tpu.memory_space<vmem>>, vector<16xf32>,
        %parallel_loop3A_341 = arith.index_cast %parallel_loop3A_263 : i32 to index
        %parallel_loop3A_342 = arith.constant 80 : index
        %parallel_loop3A_343 = tpu.vector_load %arg11[%parallel_loop3A_341, %parallel_loop3A_342] {strides = array<i32>} : memref<128x128xi32, #tpu.memory_space<vmem>>, vector<16xi32>,
        %parallel_loop3A_344 = arith.muli %parallel_loop3A_343, %parallel_loop3A_268 : vector<16xi32>
        %parallel_loop3A_345 = arith.constant 24 : i32
        %parallel_loop3A_346 = vector.broadcast %parallel_loop3A_345 : i32 to vector<16xi32>
        %parallel_loop3A_347 = arith.shrsi %parallel_loop3A_344, %parallel_loop3A_346 : vector<16xi32>
        %parallel_loop3A_348 = arith.sitofp %parallel_loop3A_347 : vector<16xi32> to vector<16xf32>
        %parallel_loop3A_349 = arith.mulf %parallel_loop3A_348, %get3A_3 : vector<16xf32>
        %parallel_loop3A_350 = arith.addf %parallel_loop3A_349, %get3A_5 : vector<16xf32>
        %parallel_loop3A_351 = arith.constant 80 : i32
        %parallel_loop3A_352 = arith.addi %parallel_loop3A_270, %parallel_loop3A_351 : i32
        %parallel_loop3A_353 = arith.index_cast %parallel_loop3A_352 : i32 to index
        %parallel_loop3A_354 = tpu.vector_load %arg15[%parallel_loop3A_353] {strides = array<i32>} : memref<16384xf32, #tpu.memory_space<vmem>>, vector<16xf32>,
        tpu.vector_store %arg15[%parallel_loop3A_353], %parallel_loop3A_350 {strides = array<i32>} : memref<16384xf32, #tpu.memory_space<vmem>>, vector<16xf32>,
        %parallel_loop3A_355 = arith.index_cast %parallel_loop3A_263 : i32 to index
        %parallel_loop3A_356 = arith.constant 96 : index
        %parallel_loop3A_357 = tpu.vector_load %arg11[%parallel_loop3A_355, %parallel_loop3A_356] {strides = array<i32>} : memref<128x128xi32, #tpu.memory_space<vmem>>, vector<16xi32>,
        %parallel_loop3A_358 = arith.muli %parallel_loop3A_357, %parallel_loop3A_268 : vector<16xi32>
        %parallel_loop3A_359 = arith.constant 24 : i32
        %parallel_loop3A_360 = vector.broadcast %parallel_loop3A_359 : i32 to vector<16xi32>
        %parallel_loop3A_361 = arith.shrsi %parallel_loop3A_358, %parallel_loop3A_360 : vector<16xi32>
        %parallel_loop3A_362 = arith.sitofp %parallel_loop3A_361 : vector<16xi32> to vector<16xf32>
        %parallel_loop3A_363 = arith.mulf %parallel_loop3A_362, %get3A_3 : vector<16xf32>
        %parallel_loop3A_364 = arith.addf %parallel_loop3A_363, %get3A_5 : vector<16xf32>
        %parallel_loop3A_365 = arith.constant 96 : i32
        %parallel_loop3A_366 = arith.addi %parallel_loop3A_270, %parallel_loop3A_365 : i32
        %parallel_loop3A_367 = arith.index_cast %parallel_loop3A_366 : i32 to index
        %parallel_loop3A_368 = tpu.vector_load %arg15[%parallel_loop3A_367] {strides = array<i32>} : memref<16384xf32, #tpu.memory_space<vmem>>, vector<16xf32>,
        tpu.vector_store %arg15[%parallel_loop3A_367], %parallel_loop3A_364 {strides = array<i32>} : memref<16384xf32, #tpu.memory_space<vmem>>, vector<16xf32>,
        %parallel_loop3A_369 = arith.index_cast %parallel_loop3A_263 : i32 to index
        %parallel_loop3A_370 = arith.constant 112 : index
        %parallel_loop3A_371 = tpu.vector_load %arg11[%parallel_loop3A_369, %parallel_loop3A_370] {strides = array<i32>} : memref<128x128xi32, #tpu.memory_space<vmem>>, vector<16xi32>,
        %parallel_loop3A_372 = arith.muli %parallel_loop3A_371, %parallel_loop3A_268 : vector<16xi32>
        %parallel_loop3A_373 = arith.constant 24 : i32
        %parallel_loop3A_374 = vector.broadcast %parallel_loop3A_373 : i32 to vector<16xi32>
        %parallel_loop3A_375 = arith.shrsi %parallel_loop3A_372, %parallel_loop3A_374 : vector<16xi32>
        %parallel_loop3A_376 = arith.sitofp %parallel_loop3A_375 : vector<16xi32> to vector<16xf32>
        %parallel_loop3A_377 = arith.mulf %parallel_loop3A_376, %get3A_3 : vector<16xf32>
        %parallel_loop3A_378 = arith.addf %parallel_loop3A_377, %get3A_5 : vector<16xf32>
        %parallel_loop3A_379 = arith.constant 112 : i32
        %parallel_loop3A_380 = arith.addi %parallel_loop3A_270, %parallel_loop3A_379 : i32
        %parallel_loop3A_381 = arith.index_cast %parallel_loop3A_380 : i32 to index
        %parallel_loop3A_382 = tpu.vector_load %arg15[%parallel_loop3A_381] {strides = array<i32>} : memref<16384xf32, #tpu.memory_space<vmem>>, vector<16xf32>,
        tpu.vector_store %arg15[%parallel_loop3A_381], %parallel_loop3A_378 {strides = array<i32>} : memref<16384xf32, #tpu.memory_space<vmem>>, vector<16xf32>,
      } {sc.loop_unroll_factor = 4 : i64, sc.parallel_access}
      %add3A_170 = arith.constant 1 : i32
      %add3A_171 = arith.addi %mul3A_127, %add3A_170 : i32
      %mul3A_172 = arith.constant 26 : i32
      %mul3A_173 = arith.muli %add3A, %mul3A_172 : i32
      %add3A_174 = arith.addi %mul3A_173, %add3A_171 : i32
      %mul3A_175 = arith.constant 128 : i32
      %mul3A_176 = arith.muli %add3A_174, %mul3A_175 : i32
      %mul3A_177 = arith.constant 128 : i32
      %mul3A_178 = arith.muli %mul3A_176, %mul3A_177 : i32
      %dma_start3A_179 = tpu.memref_slice %arg6[%mul3A_178] : memref<13631488xf32, #tpu.memory_space<hbm>> -> memref<16384xf32, #tpu.memory_space<hbm>>
      %dma_start3A_180 = tpu.memref_slice %arg6[%mul3A_178] : memref<13631488xf32, #tpu.memory_space<hbm>> -> memref<16384xf32, #tpu.memory_space<hbm>>
      tpu.enqueue_dma source(%arg15 : memref<16384xf32, #tpu.memory_space<vmem>>) target(%dma_start3A_180 : memref<16384xf32, #tpu.memory_space<hbm>>) target_semaphore(%arg23 : memref<!tpu.dma_semaphore, #tpu.memory_space<semaphore_mem>>)
      %add3A_181 = arith.constant 4 : i32
      %add3A_182 = arith.addi %mul3A_127, %add3A_181 : i32
      %lt3A = arith.constant 26 : i32
      %lt3A_183 = arith.cmpi slt, %add3A_182, %lt3A : i32
      %convert_element_type3A_184 = arith.extui %lt3A_183 : i1 to i32
      %cond3A_185 = arith.constant 0 : i32
      %cond3A_186 = arith.cmpi ne, %convert_element_type3A_184, %cond3A_185 : i32
      scf.if %cond3A_186 {
        %add3A_263 = arith.constant 4 : i32
        %add3A_264 = arith.addi %mul3A_127, %add3A_263 : i32
        %dma_start3A_265 = arith.constant 0 : i32
        %dma_start3A_266 = tpu.memref_slice %arg8[%add3A_264, %dma_start3A_265] : memref<26x128xi32, #tpu.memory_space<vmem>> -> memref<1x128xi32, #tpu.memory_space<vmem>>
        %dma_start3A_267 = tpu.memref_squeeze %dma_start3A_266 : memref<1x128xi32, #tpu.memory_space<vmem>> -> memref<128xi32, #tpu.memory_space<vmem>>
        %dma_start3A_268 = arith.constant 0 : i32
        %dma_start3A_269 = arith.constant 0 : i32
        %dma_start3A_270 = tpu.memref_slice %arg2[%dma_start3A_268, %dma_start3A_269] : memref<25000x128xi32, #tpu.memory_space<hbm>> -> memref<25000x128xi32, #tpu.memory_space<hbm>>
        tpu.enqueue_indirect_dma source(%dma_start3A_270 : memref<25000x128xi32, #tpu.memory_space<hbm>>) target(%arg10 : memref<128x128xi32, #tpu.memory_space<vmem>>) offsets(%dma_start3A_267 : memref<128xi32, #tpu.memory_space<vmem>>) semaphore(%arg18 : memref<!tpu.dma_semaphore, #tpu.memory_space<semaphore_mem>>)
        %add3A_271 = arith.constant 5 : i32
        %add3A_272 = arith.addi %mul3A_127, %add3A_271 : i32
        %dma_start3A_273 = arith.constant 0 : i32
        %dma_start3A_274 = tpu.memref_slice %arg8[%add3A_272, %dma_start3A_273] : memref<26x128xi32, #tpu.memory_space<vmem>> -> memref<1x128xi32, #tpu.memory_space<vmem>>
        %dma_start3A_275 = tpu.memref_squeeze %dma_start3A_274 : memref<1x128xi32, #tpu.memory_space<vmem>> -> memref<128xi32, #tpu.memory_space<vmem>>
        %dma_start3A_276 = arith.constant 0 : i32
        %dma_start3A_277 = arith.constant 0 : i32
        %dma_start3A_278 = tpu.memref_slice %arg2[%dma_start3A_276, %dma_start3A_277] : memref<25000x128xi32, #tpu.memory_space<hbm>> -> memref<25000x128xi32, #tpu.memory_space<hbm>>
        tpu.enqueue_indirect_dma source(%dma_start3A_278 : memref<25000x128xi32, #tpu.memory_space<hbm>>) target(%arg11 : memref<128x128xi32, #tpu.memory_space<vmem>>) offsets(%dma_start3A_275 : memref<128xi32, #tpu.memory_space<vmem>>) semaphore(%arg19 : memref<!tpu.dma_semaphore, #tpu.memory_space<semaphore_mem>>)
      } else {
      }
      %add3A_187 = arith.constant 2 : i32
      %add3A_188 = arith.addi %mul3A_127, %add3A_187 : i32
      %dma_wait3A_189 = arith.constant 0 : i32
      %dma_wait3A_190 = arith.constant 0 : i32
      %dma_wait3A_191 = tpu.memref_slice %arg8[%dma_wait3A_189, %dma_wait3A_190] : memref<26x128xi32, #tpu.memory_space<vmem>> -> memref<1x128xi32, #tpu.memory_space<vmem>>
      %dma_wait3A_192 = tpu.memref_squeeze %dma_wait3A_191 : memref<1x128xi32, #tpu.memory_space<vmem>> -> memref<128xi32, #tpu.memory_space<vmem>>
      %dma_wait3A_193 = arith.constant 0 : i32
      %dma_wait3A_194 = arith.constant 0 : i32
      %dma_wait3A_195 = tpu.memref_slice %arg2[%dma_wait3A_193, %dma_wait3A_194] : memref<25000x128xi32, #tpu.memory_space<hbm>> -> memref<25000x128xi32, #tpu.memory_space<hbm>>
      tpu.wait_indirect_dma semaphore(%arg20 : memref<!tpu.dma_semaphore, #tpu.memory_space<semaphore_mem>>) src(%dma_wait3A_195 : memref<25000x128xi32, #tpu.memory_space<hbm>>) dst(%arg12 : memref<128x128xi32, #tpu.memory_space<vmem>>)
      %mul3A_196 = arith.constant 26 : i32
      %mul3A_197 = arith.muli %add3A, %mul3A_196 : i32
      %add3A_198 = arith.constant 0 : i32
      %add3A_199 = arith.addi %mul3A_197, %add3A_198 : i32
      %mul3A_200 = arith.constant 128 : i32
      %mul3A_201 = arith.muli %add3A_199, %mul3A_200 : i32
      %mul3A_202 = arith.constant 128 : i32
      %mul3A_203 = arith.muli %mul3A_201, %mul3A_202 : i32
      %dma_wait3A_204 = tpu.memref_slice %arg6[%mul3A_203] : memref<13631488xf32, #tpu.memory_space<hbm>> -> memref<16384xf32, #tpu.memory_space<hbm>>
      %dma_wait3A_205 = tpu.memref_slice %arg6[%mul3A_203] : memref<13631488xf32, #tpu.memory_space<hbm>> -> memref<16384xf32, #tpu.memory_space<hbm>>
      tpu.wait_dma2 semaphore(%arg22 : memref<!tpu.dma_semaphore, #tpu.memory_space<semaphore_mem>>) src(%arg14 : memref<16384xf32, #tpu.memory_space<vmem>>) dst(%dma_wait3A_205 : memref<16384xf32, #tpu.memory_space<hbm>>)
      %add3A_206 = arith.constant 0 : i32
      %add3A_207 = arith.addi %add3A_188, %add3A_206 : i32
      %parallel_loop3A_208 = arith.constant 0 : i32
      %parallel_loop3A_209 = arith.constant 128 : i32
      %parallel_loop3A_210 = arith.constant 1 : i32
      scf.for %parallel_loop3A_263 = %parallel_loop3A_208 to %parallel_loop3A_209 step %parallel_loop3A_210  : i32 {
        %parallel_loop3A_264 = arith.constant 128 : i32
        %parallel_loop3A_265 = arith.muli %add3A_207, %parallel_loop3A_264 : i32
        %parallel_loop3A_266 = arith.addi %parallel_loop3A_265, %parallel_loop3A_263 : i32
        %parallel_loop3A_267 = vector.broadcast %parallel_loop3A_266 : i32 to vector<16xi32>
        %parallel_loop3A_268 = tpu.vector_load_idx %arg9[%parallel_loop3A_267] : memref<3328xi32, #tpu.memory_space<vmem>>[vector<16xi32>], vector<16xi32>,
        %parallel_loop3A_269 = arith.constant 128 : i32
        %parallel_loop3A_270 = arith.muli %parallel_loop3A_263, %parallel_loop3A_269 : i32
        %parallel_loop3A_271 = arith.index_cast %parallel_loop3A_263 : i32 to index
        %parallel_loop3A_272 = arith.constant 0 : index
        %parallel_loop3A_273 = tpu.vector_load %arg12[%parallel_loop3A_271, %parallel_loop3A_272] {strides = array<i32>} : memref<128x128xi32, #tpu.memory_space<vmem>>, vector<16xi32>,
        %parallel_loop3A_274 = arith.muli %parallel_loop3A_273, %parallel_loop3A_268 : vector<16xi32>
        %parallel_loop3A_275 = arith.constant 24 : i32
        %parallel_loop3A_276 = vector.broadcast %parallel_loop3A_275 : i32 to vector<16xi32>
        %parallel_loop3A_277 = arith.shrsi %parallel_loop3A_274, %parallel_loop3A_276 : vector<16xi32>
        %parallel_loop3A_278 = arith.sitofp %parallel_loop3A_277 : vector<16xi32> to vector<16xf32>
        %parallel_loop3A_279 = arith.mulf %parallel_loop3A_278, %get3A_3 : vector<16xf32>
        %parallel_loop3A_280 = arith.addf %parallel_loop3A_279, %get3A_5 : vector<16xf32>
        %parallel_loop3A_281 = arith.constant 0 : i32
        %parallel_loop3A_282 = arith.addi %parallel_loop3A_270, %parallel_loop3A_281 : i32
        %parallel_loop3A_283 = arith.index_cast %parallel_loop3A_282 : i32 to index
        %parallel_loop3A_284 = tpu.vector_load %arg14[%parallel_loop3A_283] {strides = array<i32>} : memref<16384xf32, #tpu.memory_space<vmem>>, vector<16xf32>,
        tpu.vector_store %arg14[%parallel_loop3A_283], %parallel_loop3A_280 {strides = array<i32>} : memref<16384xf32, #tpu.memory_space<vmem>>, vector<16xf32>,
        %parallel_loop3A_285 = arith.index_cast %parallel_loop3A_263 : i32 to index
        %parallel_loop3A_286 = arith.constant 16 : index
        %parallel_loop3A_287 = tpu.vector_load %arg12[%parallel_loop3A_285, %parallel_loop3A_286] {strides = array<i32>} : memref<128x128xi32, #tpu.memory_space<vmem>>, vector<16xi32>,
        %parallel_loop3A_288 = arith.muli %parallel_loop3A_287, %parallel_loop3A_268 : vector<16xi32>
        %parallel_loop3A_289 = arith.constant 24 : i32
        %parallel_loop3A_290 = vector.broadcast %parallel_loop3A_289 : i32 to vector<16xi32>
        %parallel_loop3A_291 = arith.shrsi %parallel_loop3A_288, %parallel_loop3A_290 : vector<16xi32>
        %parallel_loop3A_292 = arith.sitofp %parallel_loop3A_291 : vector<16xi32> to vector<16xf32>
        %parallel_loop3A_293 = arith.mulf %parallel_loop3A_292, %get3A_3 : vector<16xf32>
        %parallel_loop3A_294 = arith.addf %parallel_loop3A_293, %get3A_5 : vector<16xf32>
        %parallel_loop3A_295 = arith.constant 16 : i32
        %parallel_loop3A_296 = arith.addi %parallel_loop3A_270, %parallel_loop3A_295 : i32
        %parallel_loop3A_297 = arith.index_cast %parallel_loop3A_296 : i32 to index
        %parallel_loop3A_298 = tpu.vector_load %arg14[%parallel_loop3A_297] {strides = array<i32>} : memref<16384xf32, #tpu.memory_space<vmem>>, vector<16xf32>,
        tpu.vector_store %arg14[%parallel_loop3A_297], %parallel_loop3A_294 {strides = array<i32>} : memref<16384xf32, #tpu.memory_space<vmem>>, vector<16xf32>,
        %parallel_loop3A_299 = arith.index_cast %parallel_loop3A_263 : i32 to index
        %parallel_loop3A_300 = arith.constant 32 : index
        %parallel_loop3A_301 = tpu.vector_load %arg12[%parallel_loop3A_299, %parallel_loop3A_300] {strides = array<i32>} : memref<128x128xi32, #tpu.memory_space<vmem>>, vector<16xi32>,
        %parallel_loop3A_302 = arith.muli %parallel_loop3A_301, %parallel_loop3A_268 : vector<16xi32>
        %parallel_loop3A_303 = arith.constant 24 : i32
        %parallel_loop3A_304 = vector.broadcast %parallel_loop3A_303 : i32 to vector<16xi32>
        %parallel_loop3A_305 = arith.shrsi %parallel_loop3A_302, %parallel_loop3A_304 : vector<16xi32>
        %parallel_loop3A_306 = arith.sitofp %parallel_loop3A_305 : vector<16xi32> to vector<16xf32>
        %parallel_loop3A_307 = arith.mulf %parallel_loop3A_306, %get3A_3 : vector<16xf32>
        %parallel_loop3A_308 = arith.addf %parallel_loop3A_307, %get3A_5 : vector<16xf32>
        %parallel_loop3A_309 = arith.constant 32 : i32
        %parallel_loop3A_310 = arith.addi %parallel_loop3A_270, %parallel_loop3A_309 : i32
        %parallel_loop3A_311 = arith.index_cast %parallel_loop3A_310 : i32 to index
        %parallel_loop3A_312 = tpu.vector_load %arg14[%parallel_loop3A_311] {strides = array<i32>} : memref<16384xf32, #tpu.memory_space<vmem>>, vector<16xf32>,
        tpu.vector_store %arg14[%parallel_loop3A_311], %parallel_loop3A_308 {strides = array<i32>} : memref<16384xf32, #tpu.memory_space<vmem>>, vector<16xf32>,
        %parallel_loop3A_313 = arith.index_cast %parallel_loop3A_263 : i32 to index
        %parallel_loop3A_314 = arith.constant 48 : index
        %parallel_loop3A_315 = tpu.vector_load %arg12[%parallel_loop3A_313, %parallel_loop3A_314] {strides = array<i32>} : memref<128x128xi32, #tpu.memory_space<vmem>>, vector<16xi32>,
        %parallel_loop3A_316 = arith.muli %parallel_loop3A_315, %parallel_loop3A_268 : vector<16xi32>
        %parallel_loop3A_317 = arith.constant 24 : i32
        %parallel_loop3A_318 = vector.broadcast %parallel_loop3A_317 : i32 to vector<16xi32>
        %parallel_loop3A_319 = arith.shrsi %parallel_loop3A_316, %parallel_loop3A_318 : vector<16xi32>
        %parallel_loop3A_320 = arith.sitofp %parallel_loop3A_319 : vector<16xi32> to vector<16xf32>
        %parallel_loop3A_321 = arith.mulf %parallel_loop3A_320, %get3A_3 : vector<16xf32>
        %parallel_loop3A_322 = arith.addf %parallel_loop3A_321, %get3A_5 : vector<16xf32>
        %parallel_loop3A_323 = arith.constant 48 : i32
        %parallel_loop3A_324 = arith.addi %parallel_loop3A_270, %parallel_loop3A_323 : i32
        %parallel_loop3A_325 = arith.index_cast %parallel_loop3A_324 : i32 to index
        %parallel_loop3A_326 = tpu.vector_load %arg14[%parallel_loop3A_325] {strides = array<i32>} : memref<16384xf32, #tpu.memory_space<vmem>>, vector<16xf32>,
        tpu.vector_store %arg14[%parallel_loop3A_325], %parallel_loop3A_322 {strides = array<i32>} : memref<16384xf32, #tpu.memory_space<vmem>>, vector<16xf32>,
        %parallel_loop3A_327 = arith.index_cast %parallel_loop3A_263 : i32 to index
        %parallel_loop3A_328 = arith.constant 64 : index
        %parallel_loop3A_329 = tpu.vector_load %arg12[%parallel_loop3A_327, %parallel_loop3A_328] {strides = array<i32>} : memref<128x128xi32, #tpu.memory_space<vmem>>, vector<16xi32>,
        %parallel_loop3A_330 = arith.muli %parallel_loop3A_329, %parallel_loop3A_268 : vector<16xi32>
        %parallel_loop3A_331 = arith.constant 24 : i32
        %parallel_loop3A_332 = vector.broadcast %parallel_loop3A_331 : i32 to vector<16xi32>
        %parallel_loop3A_333 = arith.shrsi %parallel_loop3A_330, %parallel_loop3A_332 : vector<16xi32>
        %parallel_loop3A_334 = arith.sitofp %parallel_loop3A_333 : vector<16xi32> to vector<16xf32>
        %parallel_loop3A_335 = arith.mulf %parallel_loop3A_334, %get3A_3 : vector<16xf32>
        %parallel_loop3A_336 = arith.addf %parallel_loop3A_335, %get3A_5 : vector<16xf32>
        %parallel_loop3A_337 = arith.constant 64 : i32
        %parallel_loop3A_338 = arith.addi %parallel_loop3A_270, %parallel_loop3A_337 : i32
        %parallel_loop3A_339 = arith.index_cast %parallel_loop3A_338 : i32 to index
        %parallel_loop3A_340 = tpu.vector_load %arg14[%parallel_loop3A_339] {strides = array<i32>} : memref<16384xf32, #tpu.memory_space<vmem>>, vector<16xf32>,
        tpu.vector_store %arg14[%parallel_loop3A_339], %parallel_loop3A_336 {strides = array<i32>} : memref<16384xf32, #tpu.memory_space<vmem>>, vector<16xf32>,
        %parallel_loop3A_341 = arith.index_cast %parallel_loop3A_263 : i32 to index
        %parallel_loop3A_342 = arith.constant 80 : index
        %parallel_loop3A_343 = tpu.vector_load %arg12[%parallel_loop3A_341, %parallel_loop3A_342] {strides = array<i32>} : memref<128x128xi32, #tpu.memory_space<vmem>>, vector<16xi32>,
        %parallel_loop3A_344 = arith.muli %parallel_loop3A_343, %parallel_loop3A_268 : vector<16xi32>
        %parallel_loop3A_345 = arith.constant 24 : i32
        %parallel_loop3A_346 = vector.broadcast %parallel_loop3A_345 : i32 to vector<16xi32>
        %parallel_loop3A_347 = arith.shrsi %parallel_loop3A_344, %parallel_loop3A_346 : vector<16xi32>
        %parallel_loop3A_348 = arith.sitofp %parallel_loop3A_347 : vector<16xi32> to vector<16xf32>
        %parallel_loop3A_349 = arith.mulf %parallel_loop3A_348, %get3A_3 : vector<16xf32>
        %parallel_loop3A_350 = arith.addf %parallel_loop3A_349, %get3A_5 : vector<16xf32>
        %parallel_loop3A_351 = arith.constant 80 : i32
        %parallel_loop3A_352 = arith.addi %parallel_loop3A_270, %parallel_loop3A_351 : i32
        %parallel_loop3A_353 = arith.index_cast %parallel_loop3A_352 : i32 to index
        %parallel_loop3A_354 = tpu.vector_load %arg14[%parallel_loop3A_353] {strides = array<i32>} : memref<16384xf32, #tpu.memory_space<vmem>>, vector<16xf32>,
        tpu.vector_store %arg14[%parallel_loop3A_353], %parallel_loop3A_350 {strides = array<i32>} : memref<16384xf32, #tpu.memory_space<vmem>>, vector<16xf32>,
        %parallel_loop3A_355 = arith.index_cast %parallel_loop3A_263 : i32 to index
        %parallel_loop3A_356 = arith.constant 96 : index
        %parallel_loop3A_357 = tpu.vector_load %arg12[%parallel_loop3A_355, %parallel_loop3A_356] {strides = array<i32>} : memref<128x128xi32, #tpu.memory_space<vmem>>, vector<16xi32>,
        %parallel_loop3A_358 = arith.muli %parallel_loop3A_357, %parallel_loop3A_268 : vector<16xi32>
        %parallel_loop3A_359 = arith.constant 24 : i32
        %parallel_loop3A_360 = vector.broadcast %parallel_loop3A_359 : i32 to vector<16xi32>
        %parallel_loop3A_361 = arith.shrsi %parallel_loop3A_358, %parallel_loop3A_360 : vector<16xi32>
        %parallel_loop3A_362 = arith.sitofp %parallel_loop3A_361 : vector<16xi32> to vector<16xf32>
        %parallel_loop3A_363 = arith.mulf %parallel_loop3A_362, %get3A_3 : vector<16xf32>
        %parallel_loop3A_364 = arith.addf %parallel_loop3A_363, %get3A_5 : vector<16xf32>
        %parallel_loop3A_365 = arith.constant 96 : i32
        %parallel_loop3A_366 = arith.addi %parallel_loop3A_270, %parallel_loop3A_365 : i32
        %parallel_loop3A_367 = arith.index_cast %parallel_loop3A_366 : i32 to index
        %parallel_loop3A_368 = tpu.vector_load %arg14[%parallel_loop3A_367] {strides = array<i32>} : memref<16384xf32, #tpu.memory_space<vmem>>, vector<16xf32>,
        tpu.vector_store %arg14[%parallel_loop3A_367], %parallel_loop3A_364 {strides = array<i32>} : memref<16384xf32, #tpu.memory_space<vmem>>, vector<16xf32>,
        %parallel_loop3A_369 = arith.index_cast %parallel_loop3A_263 : i32 to index
        %parallel_loop3A_370 = arith.constant 112 : index
        %parallel_loop3A_371 = tpu.vector_load %arg12[%parallel_loop3A_369, %parallel_loop3A_370] {strides = array<i32>} : memref<128x128xi32, #tpu.memory_space<vmem>>, vector<16xi32>,
        %parallel_loop3A_372 = arith.muli %parallel_loop3A_371, %parallel_loop3A_268 : vector<16xi32>
        %parallel_loop3A_373 = arith.constant 24 : i32
        %parallel_loop3A_374 = vector.broadcast %parallel_loop3A_373 : i32 to vector<16xi32>
        %parallel_loop3A_375 = arith.shrsi %parallel_loop3A_372, %parallel_loop3A_374 : vector<16xi32>
        %parallel_loop3A_376 = arith.sitofp %parallel_loop3A_375 : vector<16xi32> to vector<16xf32>
        %parallel_loop3A_377 = arith.mulf %parallel_loop3A_376, %get3A_3 : vector<16xf32>
        %parallel_loop3A_378 = arith.addf %parallel_loop3A_377, %get3A_5 : vector<16xf32>
        %parallel_loop3A_379 = arith.constant 112 : i32
        %parallel_loop3A_380 = arith.addi %parallel_loop3A_270, %parallel_loop3A_379 : i32
        %parallel_loop3A_381 = arith.index_cast %parallel_loop3A_380 : i32 to index
        %parallel_loop3A_382 = tpu.vector_load %arg14[%parallel_loop3A_381] {strides = array<i32>} : memref<16384xf32, #tpu.memory_space<vmem>>, vector<16xf32>,
        tpu.vector_store %arg14[%parallel_loop3A_381], %parallel_loop3A_378 {strides = array<i32>} : memref<16384xf32, #tpu.memory_space<vmem>>, vector<16xf32>,
      } {sc.loop_unroll_factor = 4 : i64, sc.parallel_access}
      %add3A_211 = arith.constant 0 : i32
      %add3A_212 = arith.addi %add3A_188, %add3A_211 : i32
      %mul3A_213 = arith.constant 26 : i32
      %mul3A_214 = arith.muli %add3A, %mul3A_213 : i32
      %add3A_215 = arith.addi %mul3A_214, %add3A_212 : i32
      %mul3A_216 = arith.constant 128 : i32
      %mul3A_217 = arith.muli %add3A_215, %mul3A_216 : i32
      %mul3A_218 = arith.constant 128 : i32
      %mul3A_219 = arith.muli %mul3A_217, %mul3A_218 : i32
      %dma_start3A_220 = tpu.memref_slice %arg6[%mul3A_219] : memref<13631488xf32, #tpu.memory_space<hbm>> -> memref<16384xf32, #tpu.memory_space<hbm>>
      %dma_start3A_221 = tpu.memref_slice %arg6[%mul3A_219] : memref<13631488xf32, #tpu.memory_space<hbm>> -> memref<16384xf32, #tpu.memory_space<hbm>>
      tpu.enqueue_dma source(%arg14 : memref<16384xf32, #tpu.memory_space<vmem>>) target(%dma_start3A_221 : memref<16384xf32, #tpu.memory_space<hbm>>) target_semaphore(%arg22 : memref<!tpu.dma_semaphore, #tpu.memory_space<semaphore_mem>>)
      %dma_wait3A_222 = arith.constant 0 : i32
      %dma_wait3A_223 = arith.constant 0 : i32
      %dma_wait3A_224 = tpu.memref_slice %arg8[%dma_wait3A_222, %dma_wait3A_223] : memref<26x128xi32, #tpu.memory_space<vmem>> -> memref<1x128xi32, #tpu.memory_space<vmem>>
      %dma_wait3A_225 = tpu.memref_squeeze %dma_wait3A_224 : memref<1x128xi32, #tpu.memory_space<vmem>> -> memref<128xi32, #tpu.memory_space<vmem>>
      %dma_wait3A_226 = arith.constant 0 : i32
      %dma_wait3A_227 = arith.constant 0 : i32
      %dma_wait3A_228 = tpu.memref_slice %arg2[%dma_wait3A_226, %dma_wait3A_227] : memref<25000x128xi32, #tpu.memory_space<hbm>> -> memref<25000x128xi32, #tpu.memory_space<hbm>>
      tpu.wait_indirect_dma semaphore(%arg21 : memref<!tpu.dma_semaphore, #tpu.memory_space<semaphore_mem>>) src(%dma_wait3A_228 : memref<25000x128xi32, #tpu.memory_space<hbm>>) dst(%arg13 : memref<128x128xi32, #tpu.memory_space<vmem>>)
      %mul3A_229 = arith.constant 26 : i32
      %mul3A_230 = arith.muli %add3A, %mul3A_229 : i32
      %add3A_231 = arith.constant 0 : i32
      %add3A_232 = arith.addi %mul3A_230, %add3A_231 : i32
      %mul3A_233 = arith.constant 128 : i32
      %mul3A_234 = arith.muli %add3A_232, %mul3A_233 : i32
      %mul3A_235 = arith.constant 128 : i32
      %mul3A_236 = arith.muli %mul3A_234, %mul3A_235 : i32
      %dma_wait3A_237 = tpu.memref_slice %arg6[%mul3A_236] : memref<13631488xf32, #tpu.memory_space<hbm>> -> memref<16384xf32, #tpu.memory_space<hbm>>
      %dma_wait3A_238 = tpu.memref_slice %arg6[%mul3A_236] : memref<13631488xf32, #tpu.memory_space<hbm>> -> memref<16384xf32, #tpu.memory_space<hbm>>
      tpu.wait_dma2 semaphore(%arg23 : memref<!tpu.dma_semaphore, #tpu.memory_space<semaphore_mem>>) src(%arg15 : memref<16384xf32, #tpu.memory_space<vmem>>) dst(%dma_wait3A_238 : memref<16384xf32, #tpu.memory_space<hbm>>)
      %add3A_239 = arith.constant 1 : i32
      %add3A_240 = arith.addi %add3A_188, %add3A_239 : i32
      %parallel_loop3A_241 = arith.constant 0 : i32
      %parallel_loop3A_242 = arith.constant 128 : i32
      %parallel_loop3A_243 = arith.constant 1 : i32
      scf.for %parallel_loop3A_263 = %parallel_loop3A_241 to %parallel_loop3A_242 step %parallel_loop3A_243  : i32 {
        %parallel_loop3A_264 = arith.constant 128 : i32
        %parallel_loop3A_265 = arith.muli %add3A_240, %parallel_loop3A_264 : i32
        %parallel_loop3A_266 = arith.addi %parallel_loop3A_265, %parallel_loop3A_263 : i32
        %parallel_loop3A_267 = vector.broadcast %parallel_loop3A_266 : i32 to vector<16xi32>
        %parallel_loop3A_268 = tpu.vector_load_idx %arg9[%parallel_loop3A_267] : memref<3328xi32, #tpu.memory_space<vmem>>[vector<16xi32>], vector<16xi32>,
        %parallel_loop3A_269 = arith.constant 128 : i32
        %parallel_loop3A_270 = arith.muli %parallel_loop3A_263, %parallel_loop3A_269 : i32
        %parallel_loop3A_271 = arith.index_cast %parallel_loop3A_263 : i32 to index
        %parallel_loop3A_272 = arith.constant 0 : index
        %parallel_loop3A_273 = tpu.vector_load %arg13[%parallel_loop3A_271, %parallel_loop3A_272] {strides = array<i32>} : memref<128x128xi32, #tpu.memory_space<vmem>>, vector<16xi32>,
        %parallel_loop3A_274 = arith.muli %parallel_loop3A_273, %parallel_loop3A_268 : vector<16xi32>
        %parallel_loop3A_275 = arith.constant 24 : i32
        %parallel_loop3A_276 = vector.broadcast %parallel_loop3A_275 : i32 to vector<16xi32>
        %parallel_loop3A_277 = arith.shrsi %parallel_loop3A_274, %parallel_loop3A_276 : vector<16xi32>
        %parallel_loop3A_278 = arith.sitofp %parallel_loop3A_277 : vector<16xi32> to vector<16xf32>
        %parallel_loop3A_279 = arith.mulf %parallel_loop3A_278, %get3A_3 : vector<16xf32>
        %parallel_loop3A_280 = arith.addf %parallel_loop3A_279, %get3A_5 : vector<16xf32>
        %parallel_loop3A_281 = arith.constant 0 : i32
        %parallel_loop3A_282 = arith.addi %parallel_loop3A_270, %parallel_loop3A_281 : i32
        %parallel_loop3A_283 = arith.index_cast %parallel_loop3A_282 : i32 to index
        %parallel_loop3A_284 = tpu.vector_load %arg15[%parallel_loop3A_283] {strides = array<i32>} : memref<16384xf32, #tpu.memory_space<vmem>>, vector<16xf32>,
        tpu.vector_store %arg15[%parallel_loop3A_283], %parallel_loop3A_280 {strides = array<i32>} : memref<16384xf32, #tpu.memory_space<vmem>>, vector<16xf32>,
        %parallel_loop3A_285 = arith.index_cast %parallel_loop3A_263 : i32 to index
        %parallel_loop3A_286 = arith.constant 16 : index
        %parallel_loop3A_287 = tpu.vector_load %arg13[%parallel_loop3A_285, %parallel_loop3A_286] {strides = array<i32>} : memref<128x128xi32, #tpu.memory_space<vmem>>, vector<16xi32>,
        %parallel_loop3A_288 = arith.muli %parallel_loop3A_287, %parallel_loop3A_268 : vector<16xi32>
        %parallel_loop3A_289 = arith.constant 24 : i32
        %parallel_loop3A_290 = vector.broadcast %parallel_loop3A_289 : i32 to vector<16xi32>
        %parallel_loop3A_291 = arith.shrsi %parallel_loop3A_288, %parallel_loop3A_290 : vector<16xi32>
        %parallel_loop3A_292 = arith.sitofp %parallel_loop3A_291 : vector<16xi32> to vector<16xf32>
        %parallel_loop3A_293 = arith.mulf %parallel_loop3A_292, %get3A_3 : vector<16xf32>
        %parallel_loop3A_294 = arith.addf %parallel_loop3A_293, %get3A_5 : vector<16xf32>
        %parallel_loop3A_295 = arith.constant 16 : i32
        %parallel_loop3A_296 = arith.addi %parallel_loop3A_270, %parallel_loop3A_295 : i32
        %parallel_loop3A_297 = arith.index_cast %parallel_loop3A_296 : i32 to index
        %parallel_loop3A_298 = tpu.vector_load %arg15[%parallel_loop3A_297] {strides = array<i32>} : memref<16384xf32, #tpu.memory_space<vmem>>, vector<16xf32>,
        tpu.vector_store %arg15[%parallel_loop3A_297], %parallel_loop3A_294 {strides = array<i32>} : memref<16384xf32, #tpu.memory_space<vmem>>, vector<16xf32>,
        %parallel_loop3A_299 = arith.index_cast %parallel_loop3A_263 : i32 to index
        %parallel_loop3A_300 = arith.constant 32 : index
        %parallel_loop3A_301 = tpu.vector_load %arg13[%parallel_loop3A_299, %parallel_loop3A_300] {strides = array<i32>} : memref<128x128xi32, #tpu.memory_space<vmem>>, vector<16xi32>,
        %parallel_loop3A_302 = arith.muli %parallel_loop3A_301, %parallel_loop3A_268 : vector<16xi32>
        %parallel_loop3A_303 = arith.constant 24 : i32
        %parallel_loop3A_304 = vector.broadcast %parallel_loop3A_303 : i32 to vector<16xi32>
        %parallel_loop3A_305 = arith.shrsi %parallel_loop3A_302, %parallel_loop3A_304 : vector<16xi32>
        %parallel_loop3A_306 = arith.sitofp %parallel_loop3A_305 : vector<16xi32> to vector<16xf32>
        %parallel_loop3A_307 = arith.mulf %parallel_loop3A_306, %get3A_3 : vector<16xf32>
        %parallel_loop3A_308 = arith.addf %parallel_loop3A_307, %get3A_5 : vector<16xf32>
        %parallel_loop3A_309 = arith.constant 32 : i32
        %parallel_loop3A_310 = arith.addi %parallel_loop3A_270, %parallel_loop3A_309 : i32
        %parallel_loop3A_311 = arith.index_cast %parallel_loop3A_310 : i32 to index
        %parallel_loop3A_312 = tpu.vector_load %arg15[%parallel_loop3A_311] {strides = array<i32>} : memref<16384xf32, #tpu.memory_space<vmem>>, vector<16xf32>,
        tpu.vector_store %arg15[%parallel_loop3A_311], %parallel_loop3A_308 {strides = array<i32>} : memref<16384xf32, #tpu.memory_space<vmem>>, vector<16xf32>,
        %parallel_loop3A_313 = arith.index_cast %parallel_loop3A_263 : i32 to index
        %parallel_loop3A_314 = arith.constant 48 : index
        %parallel_loop3A_315 = tpu.vector_load %arg13[%parallel_loop3A_313, %parallel_loop3A_314] {strides = array<i32>} : memref<128x128xi32, #tpu.memory_space<vmem>>, vector<16xi32>,
        %parallel_loop3A_316 = arith.muli %parallel_loop3A_315, %parallel_loop3A_268 : vector<16xi32>
        %parallel_loop3A_317 = arith.constant 24 : i32
        %parallel_loop3A_318 = vector.broadcast %parallel_loop3A_317 : i32 to vector<16xi32>
        %parallel_loop3A_319 = arith.shrsi %parallel_loop3A_316, %parallel_loop3A_318 : vector<16xi32>
        %parallel_loop3A_320 = arith.sitofp %parallel_loop3A_319 : vector<16xi32> to vector<16xf32>
        %parallel_loop3A_321 = arith.mulf %parallel_loop3A_320, %get3A_3 : vector<16xf32>
        %parallel_loop3A_322 = arith.addf %parallel_loop3A_321, %get3A_5 : vector<16xf32>
        %parallel_loop3A_323 = arith.constant 48 : i32
        %parallel_loop3A_324 = arith.addi %parallel_loop3A_270, %parallel_loop3A_323 : i32
        %parallel_loop3A_325 = arith.index_cast %parallel_loop3A_324 : i32 to index
        %parallel_loop3A_326 = tpu.vector_load %arg15[%parallel_loop3A_325] {strides = array<i32>} : memref<16384xf32, #tpu.memory_space<vmem>>, vector<16xf32>,
        tpu.vector_store %arg15[%parallel_loop3A_325], %parallel_loop3A_322 {strides = array<i32>} : memref<16384xf32, #tpu.memory_space<vmem>>, vector<16xf32>,
        %parallel_loop3A_327 = arith.index_cast %parallel_loop3A_263 : i32 to index
        %parallel_loop3A_328 = arith.constant 64 : index
        %parallel_loop3A_329 = tpu.vector_load %arg13[%parallel_loop3A_327, %parallel_loop3A_328] {strides = array<i32>} : memref<128x128xi32, #tpu.memory_space<vmem>>, vector<16xi32>,
        %parallel_loop3A_330 = arith.muli %parallel_loop3A_329, %parallel_loop3A_268 : vector<16xi32>
        %parallel_loop3A_331 = arith.constant 24 : i32
        %parallel_loop3A_332 = vector.broadcast %parallel_loop3A_331 : i32 to vector<16xi32>
        %parallel_loop3A_333 = arith.shrsi %parallel_loop3A_330, %parallel_loop3A_332 : vector<16xi32>
        %parallel_loop3A_334 = arith.sitofp %parallel_loop3A_333 : vector<16xi32> to vector<16xf32>
        %parallel_loop3A_335 = arith.mulf %parallel_loop3A_334, %get3A_3 : vector<16xf32>
        %parallel_loop3A_336 = arith.addf %parallel_loop3A_335, %get3A_5 : vector<16xf32>
        %parallel_loop3A_337 = arith.constant 64 : i32
        %parallel_loop3A_338 = arith.addi %parallel_loop3A_270, %parallel_loop3A_337 : i32
        %parallel_loop3A_339 = arith.index_cast %parallel_loop3A_338 : i32 to index
        %parallel_loop3A_340 = tpu.vector_load %arg15[%parallel_loop3A_339] {strides = array<i32>} : memref<16384xf32, #tpu.memory_space<vmem>>, vector<16xf32>,
        tpu.vector_store %arg15[%parallel_loop3A_339], %parallel_loop3A_336 {strides = array<i32>} : memref<16384xf32, #tpu.memory_space<vmem>>, vector<16xf32>,
        %parallel_loop3A_341 = arith.index_cast %parallel_loop3A_263 : i32 to index
        %parallel_loop3A_342 = arith.constant 80 : index
        %parallel_loop3A_343 = tpu.vector_load %arg13[%parallel_loop3A_341, %parallel_loop3A_342] {strides = array<i32>} : memref<128x128xi32, #tpu.memory_space<vmem>>, vector<16xi32>,
        %parallel_loop3A_344 = arith.muli %parallel_loop3A_343, %parallel_loop3A_268 : vector<16xi32>
        %parallel_loop3A_345 = arith.constant 24 : i32
        %parallel_loop3A_346 = vector.broadcast %parallel_loop3A_345 : i32 to vector<16xi32>
        %parallel_loop3A_347 = arith.shrsi %parallel_loop3A_344, %parallel_loop3A_346 : vector<16xi32>
        %parallel_loop3A_348 = arith.sitofp %parallel_loop3A_347 : vector<16xi32> to vector<16xf32>
        %parallel_loop3A_349 = arith.mulf %parallel_loop3A_348, %get3A_3 : vector<16xf32>
        %parallel_loop3A_350 = arith.addf %parallel_loop3A_349, %get3A_5 : vector<16xf32>
        %parallel_loop3A_351 = arith.constant 80 : i32
        %parallel_loop3A_352 = arith.addi %parallel_loop3A_270, %parallel_loop3A_351 : i32
        %parallel_loop3A_353 = arith.index_cast %parallel_loop3A_352 : i32 to index
        %parallel_loop3A_354 = tpu.vector_load %arg15[%parallel_loop3A_353] {strides = array<i32>} : memref<16384xf32, #tpu.memory_space<vmem>>, vector<16xf32>,
        tpu.vector_store %arg15[%parallel_loop3A_353], %parallel_loop3A_350 {strides = array<i32>} : memref<16384xf32, #tpu.memory_space<vmem>>, vector<16xf32>,
        %parallel_loop3A_355 = arith.index_cast %parallel_loop3A_263 : i32 to index
        %parallel_loop3A_356 = arith.constant 96 : index
        %parallel_loop3A_357 = tpu.vector_load %arg13[%parallel_loop3A_355, %parallel_loop3A_356] {strides = array<i32>} : memref<128x128xi32, #tpu.memory_space<vmem>>, vector<16xi32>,
        %parallel_loop3A_358 = arith.muli %parallel_loop3A_357, %parallel_loop3A_268 : vector<16xi32>
        %parallel_loop3A_359 = arith.constant 24 : i32
        %parallel_loop3A_360 = vector.broadcast %parallel_loop3A_359 : i32 to vector<16xi32>
        %parallel_loop3A_361 = arith.shrsi %parallel_loop3A_358, %parallel_loop3A_360 : vector<16xi32>
        %parallel_loop3A_362 = arith.sitofp %parallel_loop3A_361 : vector<16xi32> to vector<16xf32>
        %parallel_loop3A_363 = arith.mulf %parallel_loop3A_362, %get3A_3 : vector<16xf32>
        %parallel_loop3A_364 = arith.addf %parallel_loop3A_363, %get3A_5 : vector<16xf32>
        %parallel_loop3A_365 = arith.constant 96 : i32
        %parallel_loop3A_366 = arith.addi %parallel_loop3A_270, %parallel_loop3A_365 : i32
        %parallel_loop3A_367 = arith.index_cast %parallel_loop3A_366 : i32 to index
        %parallel_loop3A_368 = tpu.vector_load %arg15[%parallel_loop3A_367] {strides = array<i32>} : memref<16384xf32, #tpu.memory_space<vmem>>, vector<16xf32>,
        tpu.vector_store %arg15[%parallel_loop3A_367], %parallel_loop3A_364 {strides = array<i32>} : memref<16384xf32, #tpu.memory_space<vmem>>, vector<16xf32>,
        %parallel_loop3A_369 = arith.index_cast %parallel_loop3A_263 : i32 to index
        %parallel_loop3A_370 = arith.constant 112 : index
        %parallel_loop3A_371 = tpu.vector_load %arg13[%parallel_loop3A_369, %parallel_loop3A_370] {strides = array<i32>} : memref<128x128xi32, #tpu.memory_space<vmem>>, vector<16xi32>,
        %parallel_loop3A_372 = arith.muli %parallel_loop3A_371, %parallel_loop3A_268 : vector<16xi32>
        %parallel_loop3A_373 = arith.constant 24 : i32
        %parallel_loop3A_374 = vector.broadcast %parallel_loop3A_373 : i32 to vector<16xi32>
        %parallel_loop3A_375 = arith.shrsi %parallel_loop3A_372, %parallel_loop3A_374 : vector<16xi32>
        %parallel_loop3A_376 = arith.sitofp %parallel_loop3A_375 : vector<16xi32> to vector<16xf32>
        %parallel_loop3A_377 = arith.mulf %parallel_loop3A_376, %get3A_3 : vector<16xf32>
        %parallel_loop3A_378 = arith.addf %parallel_loop3A_377, %get3A_5 : vector<16xf32>
        %parallel_loop3A_379 = arith.constant 112 : i32
        %parallel_loop3A_380 = arith.addi %parallel_loop3A_270, %parallel_loop3A_379 : i32
        %parallel_loop3A_381 = arith.index_cast %parallel_loop3A_380 : i32 to index
        %parallel_loop3A_382 = tpu.vector_load %arg15[%parallel_loop3A_381] {strides = array<i32>} : memref<16384xf32, #tpu.memory_space<vmem>>, vector<16xf32>,
        tpu.vector_store %arg15[%parallel_loop3A_381], %parallel_loop3A_378 {strides = array<i32>} : memref<16384xf32, #tpu.memory_space<vmem>>, vector<16xf32>,
      } {sc.loop_unroll_factor = 4 : i64, sc.parallel_access}
      %add3A_244 = arith.constant 1 : i32
      %add3A_245 = arith.addi %add3A_188, %add3A_244 : i32
      %mul3A_246 = arith.constant 26 : i32
      %mul3A_247 = arith.muli %add3A, %mul3A_246 : i32
      %add3A_248 = arith.addi %mul3A_247, %add3A_245 : i32
      %mul3A_249 = arith.constant 128 : i32
      %mul3A_250 = arith.muli %add3A_248, %mul3A_249 : i32
      %mul3A_251 = arith.constant 128 : i32
      %mul3A_252 = arith.muli %mul3A_250, %mul3A_251 : i32
      %dma_start3A_253 = tpu.memref_slice %arg6[%mul3A_252] : memref<13631488xf32, #tpu.memory_space<hbm>> -> memref<16384xf32, #tpu.memory_space<hbm>>
      %dma_start3A_254 = tpu.memref_slice %arg6[%mul3A_252] : memref<13631488xf32, #tpu.memory_space<hbm>> -> memref<16384xf32, #tpu.memory_space<hbm>>
      tpu.enqueue_dma source(%arg15 : memref<16384xf32, #tpu.memory_space<vmem>>) target(%dma_start3A_254 : memref<16384xf32, #tpu.memory_space<hbm>>) target_semaphore(%arg23 : memref<!tpu.dma_semaphore, #tpu.memory_space<semaphore_mem>>)
      %add3A_255 = arith.constant 6 : i32
      %add3A_256 = arith.addi %mul3A_127, %add3A_255 : i32
      %lt3A_257 = arith.constant 26 : i32
      %lt3A_258 = arith.cmpi slt, %add3A_256, %lt3A_257 : i32
      %convert_element_type3A_259 = arith.extui %lt3A_258 : i1 to i32
      %cond3A_260 = arith.constant 0 : i32
      %cond3A_261 = arith.cmpi ne, %convert_element_type3A_259, %cond3A_260 : i32
      scf.if %cond3A_261 {
        %add3A_263 = arith.constant 6 : i32
        %add3A_264 = arith.addi %mul3A_127, %add3A_263 : i32
        %dma_start3A_265 = arith.constant 0 : i32
        %dma_start3A_266 = tpu.memref_slice %arg8[%add3A_264, %dma_start3A_265] : memref<26x128xi32, #tpu.memory_space<vmem>> -> memref<1x128xi32, #tpu.memory_space<vmem>>
        %dma_start3A_267 = tpu.memref_squeeze %dma_start3A_266 : memref<1x128xi32, #tpu.memory_space<vmem>> -> memref<128xi32, #tpu.memory_space<vmem>>
        %dma_start3A_268 = arith.constant 0 : i32
        %dma_start3A_269 = arith.constant 0 : i32
        %dma_start3A_270 = tpu.memref_slice %arg2[%dma_start3A_268, %dma_start3A_269] : memref<25000x128xi32, #tpu.memory_space<hbm>> -> memref<25000x128xi32, #tpu.memory_space<hbm>>
        tpu.enqueue_indirect_dma source(%dma_start3A_270 : memref<25000x128xi32, #tpu.memory_space<hbm>>) target(%arg12 : memref<128x128xi32, #tpu.memory_space<vmem>>) offsets(%dma_start3A_267 : memref<128xi32, #tpu.memory_space<vmem>>) semaphore(%arg20 : memref<!tpu.dma_semaphore, #tpu.memory_space<semaphore_mem>>)
        %add3A_271 = arith.constant 7 : i32
        %add3A_272 = arith.addi %mul3A_127, %add3A_271 : i32
        %dma_start3A_273 = arith.constant 0 : i32
        %dma_start3A_274 = tpu.memref_slice %arg8[%add3A_272, %dma_start3A_273] : memref<26x128xi32, #tpu.memory_space<vmem>> -> memref<1x128xi32, #tpu.memory_space<vmem>>
        %dma_start3A_275 = tpu.memref_squeeze %dma_start3A_274 : memref<1x128xi32, #tpu.memory_space<vmem>> -> memref<128xi32, #tpu.memory_space<vmem>>
        %dma_start3A_276 = arith.constant 0 : i32
        %dma_start3A_277 = arith.constant 0 : i32
        %dma_start3A_278 = tpu.memref_slice %arg2[%dma_start3A_276, %dma_start3A_277] : memref<25000x128xi32, #tpu.memory_space<hbm>> -> memref<25000x128xi32, #tpu.memory_space<hbm>>
        tpu.enqueue_indirect_dma source(%dma_start3A_278 : memref<25000x128xi32, #tpu.memory_space<hbm>>) target(%arg13 : memref<128x128xi32, #tpu.memory_space<vmem>>) offsets(%dma_start3A_275 : memref<128xi32, #tpu.memory_space<vmem>>) semaphore(%arg21 : memref<!tpu.dma_semaphore, #tpu.memory_space<semaphore_mem>>)
      } else {
      }
      %scan3A_262 = arith.constant 0 : i32
      scf.yield %scan3A_262 : i32
    }
    %scan3A_45 = arith.constant 6 : i32
    %dma_wait3A = arith.constant 0 : i32
    %dma_wait3A_46 = arith.constant 0 : i32
    %dma_wait3A_47 = tpu.memref_slice %arg8[%dma_wait3A, %dma_wait3A_46] : memref<26x128xi32, #tpu.memory_space<vmem>> -> memref<1x128xi32, #tpu.memory_space<vmem>>
    %dma_wait3A_48 = tpu.memref_squeeze %dma_wait3A_47 : memref<1x128xi32, #tpu.memory_space<vmem>> -> memref<128xi32, #tpu.memory_space<vmem>>
    %dma_wait3A_49 = arith.constant 0 : i32
    %dma_wait3A_50 = arith.constant 0 : i32
    %dma_wait3A_51 = tpu.memref_slice %arg2[%dma_wait3A_49, %dma_wait3A_50] : memref<25000x128xi32, #tpu.memory_space<hbm>> -> memref<25000x128xi32, #tpu.memory_space<hbm>>
    tpu.wait_indirect_dma semaphore(%arg18 : memref<!tpu.dma_semaphore, #tpu.memory_space<semaphore_mem>>) src(%dma_wait3A_51 : memref<25000x128xi32, #tpu.memory_space<hbm>>) dst(%arg10 : memref<128x128xi32, #tpu.memory_space<vmem>>)
    %mul3A_52 = arith.constant 26 : i32
    %mul3A_53 = arith.muli %add3A, %mul3A_52 : i32
    %add3A_54 = arith.constant 0 : i32
    %add3A_55 = arith.addi %mul3A_53, %add3A_54 : i32
    %mul3A_56 = arith.constant 128 : i32
    %mul3A_57 = arith.muli %add3A_55, %mul3A_56 : i32
    %mul3A_58 = arith.constant 128 : i32
    %mul3A_59 = arith.muli %mul3A_57, %mul3A_58 : i32
    %dma_wait3A_60 = tpu.memref_slice %arg6[%mul3A_59] : memref<13631488xf32, #tpu.memory_space<hbm>> -> memref<16384xf32, #tpu.memory_space<hbm>>
    %dma_wait3A_61 = tpu.memref_slice %arg6[%mul3A_59] : memref<13631488xf32, #tpu.memory_space<hbm>> -> memref<16384xf32, #tpu.memory_space<hbm>>
    tpu.wait_dma2 semaphore(%arg22 : memref<!tpu.dma_semaphore, #tpu.memory_space<semaphore_mem>>) src(%arg14 : memref<16384xf32, #tpu.memory_space<vmem>>) dst(%dma_wait3A_61 : memref<16384xf32, #tpu.memory_space<hbm>>)
    %parallel_loop3A = arith.constant 0 : i32
    %parallel_loop3A_62 = arith.constant 128 : i32
    %parallel_loop3A_63 = arith.constant 1 : i32
    scf.for %parallel_loop3A_124 = %parallel_loop3A to %parallel_loop3A_62 step %parallel_loop3A_63  : i32 {
      %parallel_loop3A_125 = arith.constant 3072 : i32
      %parallel_loop3A_126 = arith.addi %parallel_loop3A_125, %parallel_loop3A_124 : i32
      %parallel_loop3A_127 = vector.broadcast %parallel_loop3A_126 : i32 to vector<16xi32>
      %parallel_loop3A_128 = tpu.vector_load_idx %arg9[%parallel_loop3A_127] : memref<3328xi32, #tpu.memory_space<vmem>>[vector<16xi32>], vector<16xi32>,
      %parallel_loop3A_129 = arith.constant 128 : i32
      %parallel_loop3A_130 = arith.muli %parallel_loop3A_124, %parallel_loop3A_129 : i32
      %parallel_loop3A_131 = arith.index_cast %parallel_loop3A_124 : i32 to index
      %parallel_loop3A_132 = arith.constant 0 : index
      %parallel_loop3A_133 = tpu.vector_load %arg10[%parallel_loop3A_131, %parallel_loop3A_132] {strides = array<i32>} : memref<128x128xi32, #tpu.memory_space<vmem>>, vector<16xi32>,
      %parallel_loop3A_134 = arith.muli %parallel_loop3A_133, %parallel_loop3A_128 : vector<16xi32>
      %parallel_loop3A_135 = arith.constant 24 : i32
      %parallel_loop3A_136 = vector.broadcast %parallel_loop3A_135 : i32 to vector<16xi32>
      %parallel_loop3A_137 = arith.shrsi %parallel_loop3A_134, %parallel_loop3A_136 : vector<16xi32>
      %parallel_loop3A_138 = arith.sitofp %parallel_loop3A_137 : vector<16xi32> to vector<16xf32>
      %parallel_loop3A_139 = arith.mulf %parallel_loop3A_138, %get3A_3 : vector<16xf32>
      %parallel_loop3A_140 = arith.addf %parallel_loop3A_139, %get3A_5 : vector<16xf32>
      %parallel_loop3A_141 = arith.constant 0 : i32
      %parallel_loop3A_142 = arith.addi %parallel_loop3A_130, %parallel_loop3A_141 : i32
      %parallel_loop3A_143 = arith.index_cast %parallel_loop3A_142 : i32 to index
      %parallel_loop3A_144 = tpu.vector_load %arg14[%parallel_loop3A_143] {strides = array<i32>} : memref<16384xf32, #tpu.memory_space<vmem>>, vector<16xf32>,
      tpu.vector_store %arg14[%parallel_loop3A_143], %parallel_loop3A_140 {strides = array<i32>} : memref<16384xf32, #tpu.memory_space<vmem>>, vector<16xf32>,
      %parallel_loop3A_145 = arith.index_cast %parallel_loop3A_124 : i32 to index
      %parallel_loop3A_146 = arith.constant 16 : index
      %parallel_loop3A_147 = tpu.vector_load %arg10[%parallel_loop3A_145, %parallel_loop3A_146] {strides = array<i32>} : memref<128x128xi32, #tpu.memory_space<vmem>>, vector<16xi32>,
      %parallel_loop3A_148 = arith.muli %parallel_loop3A_147, %parallel_loop3A_128 : vector<16xi32>
      %parallel_loop3A_149 = arith.constant 24 : i32
      %parallel_loop3A_150 = vector.broadcast %parallel_loop3A_149 : i32 to vector<16xi32>
      %parallel_loop3A_151 = arith.shrsi %parallel_loop3A_148, %parallel_loop3A_150 : vector<16xi32>
      %parallel_loop3A_152 = arith.sitofp %parallel_loop3A_151 : vector<16xi32> to vector<16xf32>
      %parallel_loop3A_153 = arith.mulf %parallel_loop3A_152, %get3A_3 : vector<16xf32>
      %parallel_loop3A_154 = arith.addf %parallel_loop3A_153, %get3A_5 : vector<16xf32>
      %parallel_loop3A_155 = arith.constant 16 : i32
      %parallel_loop3A_156 = arith.addi %parallel_loop3A_130, %parallel_loop3A_155 : i32
      %parallel_loop3A_157 = arith.index_cast %parallel_loop3A_156 : i32 to index
      %parallel_loop3A_158 = tpu.vector_load %arg14[%parallel_loop3A_157] {strides = array<i32>} : memref<16384xf32, #tpu.memory_space<vmem>>, vector<16xf32>,
      tpu.vector_store %arg14[%parallel_loop3A_157], %parallel_loop3A_154 {strides = array<i32>} : memref<16384xf32, #tpu.memory_space<vmem>>, vector<16xf32>,
      %parallel_loop3A_159 = arith.index_cast %parallel_loop3A_124 : i32 to index
      %parallel_loop3A_160 = arith.constant 32 : index
      %parallel_loop3A_161 = tpu.vector_load %arg10[%parallel_loop3A_159, %parallel_loop3A_160] {strides = array<i32>} : memref<128x128xi32, #tpu.memory_space<vmem>>, vector<16xi32>,
      %parallel_loop3A_162 = arith.muli %parallel_loop3A_161, %parallel_loop3A_128 : vector<16xi32>
      %parallel_loop3A_163 = arith.constant 24 : i32
      %parallel_loop3A_164 = vector.broadcast %parallel_loop3A_163 : i32 to vector<16xi32>
      %parallel_loop3A_165 = arith.shrsi %parallel_loop3A_162, %parallel_loop3A_164 : vector<16xi32>
      %parallel_loop3A_166 = arith.sitofp %parallel_loop3A_165 : vector<16xi32> to vector<16xf32>
      %parallel_loop3A_167 = arith.mulf %parallel_loop3A_166, %get3A_3 : vector<16xf32>
      %parallel_loop3A_168 = arith.addf %parallel_loop3A_167, %get3A_5 : vector<16xf32>
      %parallel_loop3A_169 = arith.constant 32 : i32
      %parallel_loop3A_170 = arith.addi %parallel_loop3A_130, %parallel_loop3A_169 : i32
      %parallel_loop3A_171 = arith.index_cast %parallel_loop3A_170 : i32 to index
      %parallel_loop3A_172 = tpu.vector_load %arg14[%parallel_loop3A_171] {strides = array<i32>} : memref<16384xf32, #tpu.memory_space<vmem>>, vector<16xf32>,
      tpu.vector_store %arg14[%parallel_loop3A_171], %parallel_loop3A_168 {strides = array<i32>} : memref<16384xf32, #tpu.memory_space<vmem>>, vector<16xf32>,
      %parallel_loop3A_173 = arith.index_cast %parallel_loop3A_124 : i32 to index
      %parallel_loop3A_174 = arith.constant 48 : index
      %parallel_loop3A_175 = tpu.vector_load %arg10[%parallel_loop3A_173, %parallel_loop3A_174] {strides = array<i32>} : memref<128x128xi32, #tpu.memory_space<vmem>>, vector<16xi32>,
      %parallel_loop3A_176 = arith.muli %parallel_loop3A_175, %parallel_loop3A_128 : vector<16xi32>
      %parallel_loop3A_177 = arith.constant 24 : i32
      %parallel_loop3A_178 = vector.broadcast %parallel_loop3A_177 : i32 to vector<16xi32>
      %parallel_loop3A_179 = arith.shrsi %parallel_loop3A_176, %parallel_loop3A_178 : vector<16xi32>
      %parallel_loop3A_180 = arith.sitofp %parallel_loop3A_179 : vector<16xi32> to vector<16xf32>
      %parallel_loop3A_181 = arith.mulf %parallel_loop3A_180, %get3A_3 : vector<16xf32>
      %parallel_loop3A_182 = arith.addf %parallel_loop3A_181, %get3A_5 : vector<16xf32>
      %parallel_loop3A_183 = arith.constant 48 : i32
      %parallel_loop3A_184 = arith.addi %parallel_loop3A_130, %parallel_loop3A_183 : i32
      %parallel_loop3A_185 = arith.index_cast %parallel_loop3A_184 : i32 to index
      %parallel_loop3A_186 = tpu.vector_load %arg14[%parallel_loop3A_185] {strides = array<i32>} : memref<16384xf32, #tpu.memory_space<vmem>>, vector<16xf32>,
      tpu.vector_store %arg14[%parallel_loop3A_185], %parallel_loop3A_182 {strides = array<i32>} : memref<16384xf32, #tpu.memory_space<vmem>>, vector<16xf32>,
      %parallel_loop3A_187 = arith.index_cast %parallel_loop3A_124 : i32 to index
      %parallel_loop3A_188 = arith.constant 64 : index
      %parallel_loop3A_189 = tpu.vector_load %arg10[%parallel_loop3A_187, %parallel_loop3A_188] {strides = array<i32>} : memref<128x128xi32, #tpu.memory_space<vmem>>, vector<16xi32>,
      %parallel_loop3A_190 = arith.muli %parallel_loop3A_189, %parallel_loop3A_128 : vector<16xi32>
      %parallel_loop3A_191 = arith.constant 24 : i32
      %parallel_loop3A_192 = vector.broadcast %parallel_loop3A_191 : i32 to vector<16xi32>
      %parallel_loop3A_193 = arith.shrsi %parallel_loop3A_190, %parallel_loop3A_192 : vector<16xi32>
      %parallel_loop3A_194 = arith.sitofp %parallel_loop3A_193 : vector<16xi32> to vector<16xf32>
      %parallel_loop3A_195 = arith.mulf %parallel_loop3A_194, %get3A_3 : vector<16xf32>
      %parallel_loop3A_196 = arith.addf %parallel_loop3A_195, %get3A_5 : vector<16xf32>
      %parallel_loop3A_197 = arith.constant 64 : i32
      %parallel_loop3A_198 = arith.addi %parallel_loop3A_130, %parallel_loop3A_197 : i32
      %parallel_loop3A_199 = arith.index_cast %parallel_loop3A_198 : i32 to index
      %parallel_loop3A_200 = tpu.vector_load %arg14[%parallel_loop3A_199] {strides = array<i32>} : memref<16384xf32, #tpu.memory_space<vmem>>, vector<16xf32>,
      tpu.vector_store %arg14[%parallel_loop3A_199], %parallel_loop3A_196 {strides = array<i32>} : memref<16384xf32, #tpu.memory_space<vmem>>, vector<16xf32>,
      %parallel_loop3A_201 = arith.index_cast %parallel_loop3A_124 : i32 to index
      %parallel_loop3A_202 = arith.constant 80 : index
      %parallel_loop3A_203 = tpu.vector_load %arg10[%parallel_loop3A_201, %parallel_loop3A_202] {strides = array<i32>} : memref<128x128xi32, #tpu.memory_space<vmem>>, vector<16xi32>,
      %parallel_loop3A_204 = arith.muli %parallel_loop3A_203, %parallel_loop3A_128 : vector<16xi32>
      %parallel_loop3A_205 = arith.constant 24 : i32
      %parallel_loop3A_206 = vector.broadcast %parallel_loop3A_205 : i32 to vector<16xi32>
      %parallel_loop3A_207 = arith.shrsi %parallel_loop3A_204, %parallel_loop3A_206 : vector<16xi32>
      %parallel_loop3A_208 = arith.sitofp %parallel_loop3A_207 : vector<16xi32> to vector<16xf32>
      %parallel_loop3A_209 = arith.mulf %parallel_loop3A_208, %get3A_3 : vector<16xf32>
      %parallel_loop3A_210 = arith.addf %parallel_loop3A_209, %get3A_5 : vector<16xf32>
      %parallel_loop3A_211 = arith.constant 80 : i32
      %parallel_loop3A_212 = arith.addi %parallel_loop3A_130, %parallel_loop3A_211 : i32
      %parallel_loop3A_213 = arith.index_cast %parallel_loop3A_212 : i32 to index
      %parallel_loop3A_214 = tpu.vector_load %arg14[%parallel_loop3A_213] {strides = array<i32>} : memref<16384xf32, #tpu.memory_space<vmem>>, vector<16xf32>,
      tpu.vector_store %arg14[%parallel_loop3A_213], %parallel_loop3A_210 {strides = array<i32>} : memref<16384xf32, #tpu.memory_space<vmem>>, vector<16xf32>,
      %parallel_loop3A_215 = arith.index_cast %parallel_loop3A_124 : i32 to index
      %parallel_loop3A_216 = arith.constant 96 : index
      %parallel_loop3A_217 = tpu.vector_load %arg10[%parallel_loop3A_215, %parallel_loop3A_216] {strides = array<i32>} : memref<128x128xi32, #tpu.memory_space<vmem>>, vector<16xi32>,
      %parallel_loop3A_218 = arith.muli %parallel_loop3A_217, %parallel_loop3A_128 : vector<16xi32>
      %parallel_loop3A_219 = arith.constant 24 : i32
      %parallel_loop3A_220 = vector.broadcast %parallel_loop3A_219 : i32 to vector<16xi32>
      %parallel_loop3A_221 = arith.shrsi %parallel_loop3A_218, %parallel_loop3A_220 : vector<16xi32>
      %parallel_loop3A_222 = arith.sitofp %parallel_loop3A_221 : vector<16xi32> to vector<16xf32>
      %parallel_loop3A_223 = arith.mulf %parallel_loop3A_222, %get3A_3 : vector<16xf32>
      %parallel_loop3A_224 = arith.addf %parallel_loop3A_223, %get3A_5 : vector<16xf32>
      %parallel_loop3A_225 = arith.constant 96 : i32
      %parallel_loop3A_226 = arith.addi %parallel_loop3A_130, %parallel_loop3A_225 : i32
      %parallel_loop3A_227 = arith.index_cast %parallel_loop3A_226 : i32 to index
      %parallel_loop3A_228 = tpu.vector_load %arg14[%parallel_loop3A_227] {strides = array<i32>} : memref<16384xf32, #tpu.memory_space<vmem>>, vector<16xf32>,
      tpu.vector_store %arg14[%parallel_loop3A_227], %parallel_loop3A_224 {strides = array<i32>} : memref<16384xf32, #tpu.memory_space<vmem>>, vector<16xf32>,
      %parallel_loop3A_229 = arith.index_cast %parallel_loop3A_124 : i32 to index
      %parallel_loop3A_230 = arith.constant 112 : index
      %parallel_loop3A_231 = tpu.vector_load %arg10[%parallel_loop3A_229, %parallel_loop3A_230] {strides = array<i32>} : memref<128x128xi32, #tpu.memory_space<vmem>>, vector<16xi32>,
      %parallel_loop3A_232 = arith.muli %parallel_loop3A_231, %parallel_loop3A_128 : vector<16xi32>
      %parallel_loop3A_233 = arith.constant 24 : i32
      %parallel_loop3A_234 = vector.broadcast %parallel_loop3A_233 : i32 to vector<16xi32>
      %parallel_loop3A_235 = arith.shrsi %parallel_loop3A_232, %parallel_loop3A_234 : vector<16xi32>
      %parallel_loop3A_236 = arith.sitofp %parallel_loop3A_235 : vector<16xi32> to vector<16xf32>
      %parallel_loop3A_237 = arith.mulf %parallel_loop3A_236, %get3A_3 : vector<16xf32>
      %parallel_loop3A_238 = arith.addf %parallel_loop3A_237, %get3A_5 : vector<16xf32>
      %parallel_loop3A_239 = arith.constant 112 : i32
      %parallel_loop3A_240 = arith.addi %parallel_loop3A_130, %parallel_loop3A_239 : i32
      %parallel_loop3A_241 = arith.index_cast %parallel_loop3A_240 : i32 to index
      %parallel_loop3A_242 = tpu.vector_load %arg14[%parallel_loop3A_241] {strides = array<i32>} : memref<16384xf32, #tpu.memory_space<vmem>>, vector<16xf32>,
      tpu.vector_store %arg14[%parallel_loop3A_241], %parallel_loop3A_238 {strides = array<i32>} : memref<16384xf32, #tpu.memory_space<vmem>>, vector<16xf32>,
    } {sc.loop_unroll_factor = 4 : i64, sc.parallel_access}
    %mul3A_64 = arith.constant 26 : i32
    %mul3A_65 = arith.muli %add3A, %mul3A_64 : i32
    %add3A_66 = arith.constant 24 : i32
    %add3A_67 = arith.addi %mul3A_65, %add3A_66 : i32
    %mul3A_68 = arith.constant 128 : i32
    %mul3A_69 = arith.muli %add3A_67, %mul3A_68 : i32
    %mul3A_70 = arith.constant 128 : i32
    %mul3A_71 = arith.muli %mul3A_69, %mul3A_70 : i32
    %dma_start3A_72 = tpu.memref_slice %arg6[%mul3A_71] : memref<13631488xf32, #tpu.memory_space<hbm>> -> memref<16384xf32, #tpu.memory_space<hbm>>
    %dma_start3A_73 = tpu.memref_slice %arg6[%mul3A_71] : memref<13631488xf32, #tpu.memory_space<hbm>> -> memref<16384xf32, #tpu.memory_space<hbm>>
    tpu.enqueue_dma source(%arg14 : memref<16384xf32, #tpu.memory_space<vmem>>) target(%dma_start3A_73 : memref<16384xf32, #tpu.memory_space<hbm>>) target_semaphore(%arg22 : memref<!tpu.dma_semaphore, #tpu.memory_space<semaphore_mem>>)
    %dma_wait3A_74 = arith.constant 0 : i32
    %dma_wait3A_75 = arith.constant 0 : i32
    %dma_wait3A_76 = tpu.memref_slice %arg8[%dma_wait3A_74, %dma_wait3A_75] : memref<26x128xi32, #tpu.memory_space<vmem>> -> memref<1x128xi32, #tpu.memory_space<vmem>>
    %dma_wait3A_77 = tpu.memref_squeeze %dma_wait3A_76 : memref<1x128xi32, #tpu.memory_space<vmem>> -> memref<128xi32, #tpu.memory_space<vmem>>
    %dma_wait3A_78 = arith.constant 0 : i32
    %dma_wait3A_79 = arith.constant 0 : i32
    %dma_wait3A_80 = tpu.memref_slice %arg2[%dma_wait3A_78, %dma_wait3A_79] : memref<25000x128xi32, #tpu.memory_space<hbm>> -> memref<25000x128xi32, #tpu.memory_space<hbm>>
    tpu.wait_indirect_dma semaphore(%arg19 : memref<!tpu.dma_semaphore, #tpu.memory_space<semaphore_mem>>) src(%dma_wait3A_80 : memref<25000x128xi32, #tpu.memory_space<hbm>>) dst(%arg11 : memref<128x128xi32, #tpu.memory_space<vmem>>)
    %mul3A_81 = arith.constant 26 : i32
    %mul3A_82 = arith.muli %add3A, %mul3A_81 : i32
    %add3A_83 = arith.constant 0 : i32
    %add3A_84 = arith.addi %mul3A_82, %add3A_83 : i32
    %mul3A_85 = arith.constant 128 : i32
    %mul3A_86 = arith.muli %add3A_84, %mul3A_85 : i32
    %mul3A_87 = arith.constant 128 : i32
    %mul3A_88 = arith.muli %mul3A_86, %mul3A_87 : i32
    %dma_wait3A_89 = tpu.memref_slice %arg6[%mul3A_88] : memref<13631488xf32, #tpu.memory_space<hbm>> -> memref<16384xf32, #tpu.memory_space<hbm>>
    %dma_wait3A_90 = tpu.memref_slice %arg6[%mul3A_88] : memref<13631488xf32, #tpu.memory_space<hbm>> -> memref<16384xf32, #tpu.memory_space<hbm>>
    tpu.wait_dma2 semaphore(%arg23 : memref<!tpu.dma_semaphore, #tpu.memory_space<semaphore_mem>>) src(%arg15 : memref<16384xf32, #tpu.memory_space<vmem>>) dst(%dma_wait3A_90 : memref<16384xf32, #tpu.memory_space<hbm>>)
    %parallel_loop3A_91 = arith.constant 0 : i32
    %parallel_loop3A_92 = arith.constant 128 : i32
    %parallel_loop3A_93 = arith.constant 1 : i32
    scf.for %parallel_loop3A_124 = %parallel_loop3A_91 to %parallel_loop3A_92 step %parallel_loop3A_93  : i32 {
      %parallel_loop3A_125 = arith.constant 3200 : i32
      %parallel_loop3A_126 = arith.addi %parallel_loop3A_125, %parallel_loop3A_124 : i32
      %parallel_loop3A_127 = vector.broadcast %parallel_loop3A_126 : i32 to vector<16xi32>
      %parallel_loop3A_128 = tpu.vector_load_idx %arg9[%parallel_loop3A_127] : memref<3328xi32, #tpu.memory_space<vmem>>[vector<16xi32>], vector<16xi32>,
      %parallel_loop3A_129 = arith.constant 128 : i32
      %parallel_loop3A_130 = arith.muli %parallel_loop3A_124, %parallel_loop3A_129 : i32
      %parallel_loop3A_131 = arith.index_cast %parallel_loop3A_124 : i32 to index
      %parallel_loop3A_132 = arith.constant 0 : index
      %parallel_loop3A_133 = tpu.vector_load %arg11[%parallel_loop3A_131, %parallel_loop3A_132] {strides = array<i32>} : memref<128x128xi32, #tpu.memory_space<vmem>>, vector<16xi32>,
      %parallel_loop3A_134 = arith.muli %parallel_loop3A_133, %parallel_loop3A_128 : vector<16xi32>
      %parallel_loop3A_135 = arith.constant 24 : i32
      %parallel_loop3A_136 = vector.broadcast %parallel_loop3A_135 : i32 to vector<16xi32>
      %parallel_loop3A_137 = arith.shrsi %parallel_loop3A_134, %parallel_loop3A_136 : vector<16xi32>
      %parallel_loop3A_138 = arith.sitofp %parallel_loop3A_137 : vector<16xi32> to vector<16xf32>
      %parallel_loop3A_139 = arith.mulf %parallel_loop3A_138, %get3A_3 : vector<16xf32>
      %parallel_loop3A_140 = arith.addf %parallel_loop3A_139, %get3A_5 : vector<16xf32>
      %parallel_loop3A_141 = arith.constant 0 : i32
      %parallel_loop3A_142 = arith.addi %parallel_loop3A_130, %parallel_loop3A_141 : i32
      %parallel_loop3A_143 = arith.index_cast %parallel_loop3A_142 : i32 to index
      %parallel_loop3A_144 = tpu.vector_load %arg15[%parallel_loop3A_143] {strides = array<i32>} : memref<16384xf32, #tpu.memory_space<vmem>>, vector<16xf32>,
      tpu.vector_store %arg15[%parallel_loop3A_143], %parallel_loop3A_140 {strides = array<i32>} : memref<16384xf32, #tpu.memory_space<vmem>>, vector<16xf32>,
      %parallel_loop3A_145 = arith.index_cast %parallel_loop3A_124 : i32 to index
      %parallel_loop3A_146 = arith.constant 16 : index
      %parallel_loop3A_147 = tpu.vector_load %arg11[%parallel_loop3A_145, %parallel_loop3A_146] {strides = array<i32>} : memref<128x128xi32, #tpu.memory_space<vmem>>, vector<16xi32>,
      %parallel_loop3A_148 = arith.muli %parallel_loop3A_147, %parallel_loop3A_128 : vector<16xi32>
      %parallel_loop3A_149 = arith.constant 24 : i32
      %parallel_loop3A_150 = vector.broadcast %parallel_loop3A_149 : i32 to vector<16xi32>
      %parallel_loop3A_151 = arith.shrsi %parallel_loop3A_148, %parallel_loop3A_150 : vector<16xi32>
      %parallel_loop3A_152 = arith.sitofp %parallel_loop3A_151 : vector<16xi32> to vector<16xf32>
      %parallel_loop3A_153 = arith.mulf %parallel_loop3A_152, %get3A_3 : vector<16xf32>
      %parallel_loop3A_154 = arith.addf %parallel_loop3A_153, %get3A_5 : vector<16xf32>
      %parallel_loop3A_155 = arith.constant 16 : i32
      %parallel_loop3A_156 = arith.addi %parallel_loop3A_130, %parallel_loop3A_155 : i32
      %parallel_loop3A_157 = arith.index_cast %parallel_loop3A_156 : i32 to index
      %parallel_loop3A_158 = tpu.vector_load %arg15[%parallel_loop3A_157] {strides = array<i32>} : memref<16384xf32, #tpu.memory_space<vmem>>, vector<16xf32>,
      tpu.vector_store %arg15[%parallel_loop3A_157], %parallel_loop3A_154 {strides = array<i32>} : memref<16384xf32, #tpu.memory_space<vmem>>, vector<16xf32>,
      %parallel_loop3A_159 = arith.index_cast %parallel_loop3A_124 : i32 to index
      %parallel_loop3A_160 = arith.constant 32 : index
      %parallel_loop3A_161 = tpu.vector_load %arg11[%parallel_loop3A_159, %parallel_loop3A_160] {strides = array<i32>} : memref<128x128xi32, #tpu.memory_space<vmem>>, vector<16xi32>,
      %parallel_loop3A_162 = arith.muli %parallel_loop3A_161, %parallel_loop3A_128 : vector<16xi32>
      %parallel_loop3A_163 = arith.constant 24 : i32
      %parallel_loop3A_164 = vector.broadcast %parallel_loop3A_163 : i32 to vector<16xi32>
      %parallel_loop3A_165 = arith.shrsi %parallel_loop3A_162, %parallel_loop3A_164 : vector<16xi32>
      %parallel_loop3A_166 = arith.sitofp %parallel_loop3A_165 : vector<16xi32> to vector<16xf32>
      %parallel_loop3A_167 = arith.mulf %parallel_loop3A_166, %get3A_3 : vector<16xf32>
      %parallel_loop3A_168 = arith.addf %parallel_loop3A_167, %get3A_5 : vector<16xf32>
      %parallel_loop3A_169 = arith.constant 32 : i32
      %parallel_loop3A_170 = arith.addi %parallel_loop3A_130, %parallel_loop3A_169 : i32
      %parallel_loop3A_171 = arith.index_cast %parallel_loop3A_170 : i32 to index
      %parallel_loop3A_172 = tpu.vector_load %arg15[%parallel_loop3A_171] {strides = array<i32>} : memref<16384xf32, #tpu.memory_space<vmem>>, vector<16xf32>,
      tpu.vector_store %arg15[%parallel_loop3A_171], %parallel_loop3A_168 {strides = array<i32>} : memref<16384xf32, #tpu.memory_space<vmem>>, vector<16xf32>,
      %parallel_loop3A_173 = arith.index_cast %parallel_loop3A_124 : i32 to index
      %parallel_loop3A_174 = arith.constant 48 : index
      %parallel_loop3A_175 = tpu.vector_load %arg11[%parallel_loop3A_173, %parallel_loop3A_174] {strides = array<i32>} : memref<128x128xi32, #tpu.memory_space<vmem>>, vector<16xi32>,
      %parallel_loop3A_176 = arith.muli %parallel_loop3A_175, %parallel_loop3A_128 : vector<16xi32>
      %parallel_loop3A_177 = arith.constant 24 : i32
      %parallel_loop3A_178 = vector.broadcast %parallel_loop3A_177 : i32 to vector<16xi32>
      %parallel_loop3A_179 = arith.shrsi %parallel_loop3A_176, %parallel_loop3A_178 : vector<16xi32>
      %parallel_loop3A_180 = arith.sitofp %parallel_loop3A_179 : vector<16xi32> to vector<16xf32>
      %parallel_loop3A_181 = arith.mulf %parallel_loop3A_180, %get3A_3 : vector<16xf32>
      %parallel_loop3A_182 = arith.addf %parallel_loop3A_181, %get3A_5 : vector<16xf32>
      %parallel_loop3A_183 = arith.constant 48 : i32
      %parallel_loop3A_184 = arith.addi %parallel_loop3A_130, %parallel_loop3A_183 : i32
      %parallel_loop3A_185 = arith.index_cast %parallel_loop3A_184 : i32 to index
      %parallel_loop3A_186 = tpu.vector_load %arg15[%parallel_loop3A_185] {strides = array<i32>} : memref<16384xf32, #tpu.memory_space<vmem>>, vector<16xf32>,
      tpu.vector_store %arg15[%parallel_loop3A_185], %parallel_loop3A_182 {strides = array<i32>} : memref<16384xf32, #tpu.memory_space<vmem>>, vector<16xf32>,
      %parallel_loop3A_187 = arith.index_cast %parallel_loop3A_124 : i32 to index
      %parallel_loop3A_188 = arith.constant 64 : index
      %parallel_loop3A_189 = tpu.vector_load %arg11[%parallel_loop3A_187, %parallel_loop3A_188] {strides = array<i32>} : memref<128x128xi32, #tpu.memory_space<vmem>>, vector<16xi32>,
      %parallel_loop3A_190 = arith.muli %parallel_loop3A_189, %parallel_loop3A_128 : vector<16xi32>
      %parallel_loop3A_191 = arith.constant 24 : i32
      %parallel_loop3A_192 = vector.broadcast %parallel_loop3A_191 : i32 to vector<16xi32>
      %parallel_loop3A_193 = arith.shrsi %parallel_loop3A_190, %parallel_loop3A_192 : vector<16xi32>
      %parallel_loop3A_194 = arith.sitofp %parallel_loop3A_193 : vector<16xi32> to vector<16xf32>
      %parallel_loop3A_195 = arith.mulf %parallel_loop3A_194, %get3A_3 : vector<16xf32>
      %parallel_loop3A_196 = arith.addf %parallel_loop3A_195, %get3A_5 : vector<16xf32>
      %parallel_loop3A_197 = arith.constant 64 : i32
      %parallel_loop3A_198 = arith.addi %parallel_loop3A_130, %parallel_loop3A_197 : i32
      %parallel_loop3A_199 = arith.index_cast %parallel_loop3A_198 : i32 to index
      %parallel_loop3A_200 = tpu.vector_load %arg15[%parallel_loop3A_199] {strides = array<i32>} : memref<16384xf32, #tpu.memory_space<vmem>>, vector<16xf32>,
      tpu.vector_store %arg15[%parallel_loop3A_199], %parallel_loop3A_196 {strides = array<i32>} : memref<16384xf32, #tpu.memory_space<vmem>>, vector<16xf32>,
      %parallel_loop3A_201 = arith.index_cast %parallel_loop3A_124 : i32 to index
      %parallel_loop3A_202 = arith.constant 80 : index
      %parallel_loop3A_203 = tpu.vector_load %arg11[%parallel_loop3A_201, %parallel_loop3A_202] {strides = array<i32>} : memref<128x128xi32, #tpu.memory_space<vmem>>, vector<16xi32>,
      %parallel_loop3A_204 = arith.muli %parallel_loop3A_203, %parallel_loop3A_128 : vector<16xi32>
      %parallel_loop3A_205 = arith.constant 24 : i32
      %parallel_loop3A_206 = vector.broadcast %parallel_loop3A_205 : i32 to vector<16xi32>
      %parallel_loop3A_207 = arith.shrsi %parallel_loop3A_204, %parallel_loop3A_206 : vector<16xi32>
      %parallel_loop3A_208 = arith.sitofp %parallel_loop3A_207 : vector<16xi32> to vector<16xf32>
      %parallel_loop3A_209 = arith.mulf %parallel_loop3A_208, %get3A_3 : vector<16xf32>
      %parallel_loop3A_210 = arith.addf %parallel_loop3A_209, %get3A_5 : vector<16xf32>
      %parallel_loop3A_211 = arith.constant 80 : i32
      %parallel_loop3A_212 = arith.addi %parallel_loop3A_130, %parallel_loop3A_211 : i32
      %parallel_loop3A_213 = arith.index_cast %parallel_loop3A_212 : i32 to index
      %parallel_loop3A_214 = tpu.vector_load %arg15[%parallel_loop3A_213] {strides = array<i32>} : memref<16384xf32, #tpu.memory_space<vmem>>, vector<16xf32>,
      tpu.vector_store %arg15[%parallel_loop3A_213], %parallel_loop3A_210 {strides = array<i32>} : memref<16384xf32, #tpu.memory_space<vmem>>, vector<16xf32>,
      %parallel_loop3A_215 = arith.index_cast %parallel_loop3A_124 : i32 to index
      %parallel_loop3A_216 = arith.constant 96 : index
      %parallel_loop3A_217 = tpu.vector_load %arg11[%parallel_loop3A_215, %parallel_loop3A_216] {strides = array<i32>} : memref<128x128xi32, #tpu.memory_space<vmem>>, vector<16xi32>,
      %parallel_loop3A_218 = arith.muli %parallel_loop3A_217, %parallel_loop3A_128 : vector<16xi32>
      %parallel_loop3A_219 = arith.constant 24 : i32
      %parallel_loop3A_220 = vector.broadcast %parallel_loop3A_219 : i32 to vector<16xi32>
      %parallel_loop3A_221 = arith.shrsi %parallel_loop3A_218, %parallel_loop3A_220 : vector<16xi32>
      %parallel_loop3A_222 = arith.sitofp %parallel_loop3A_221 : vector<16xi32> to vector<16xf32>
      %parallel_loop3A_223 = arith.mulf %parallel_loop3A_222, %get3A_3 : vector<16xf32>
      %parallel_loop3A_224 = arith.addf %parallel_loop3A_223, %get3A_5 : vector<16xf32>
      %parallel_loop3A_225 = arith.constant 96 : i32
      %parallel_loop3A_226 = arith.addi %parallel_loop3A_130, %parallel_loop3A_225 : i32
      %parallel_loop3A_227 = arith.index_cast %parallel_loop3A_226 : i32 to index
      %parallel_loop3A_228 = tpu.vector_load %arg15[%parallel_loop3A_227] {strides = array<i32>} : memref<16384xf32, #tpu.memory_space<vmem>>, vector<16xf32>,
      tpu.vector_store %arg15[%parallel_loop3A_227], %parallel_loop3A_224 {strides = array<i32>} : memref<16384xf32, #tpu.memory_space<vmem>>, vector<16xf32>,
      %parallel_loop3A_229 = arith.index_cast %parallel_loop3A_124 : i32 to index
      %parallel_loop3A_230 = arith.constant 112 : index
      %parallel_loop3A_231 = tpu.vector_load %arg11[%parallel_loop3A_229, %parallel_loop3A_230] {strides = array<i32>} : memref<128x128xi32, #tpu.memory_space<vmem>>, vector<16xi32>,
      %parallel_loop3A_232 = arith.muli %parallel_loop3A_231, %parallel_loop3A_128 : vector<16xi32>
      %parallel_loop3A_233 = arith.constant 24 : i32
      %parallel_loop3A_234 = vector.broadcast %parallel_loop3A_233 : i32 to vector<16xi32>
      %parallel_loop3A_235 = arith.shrsi %parallel_loop3A_232, %parallel_loop3A_234 : vector<16xi32>
      %parallel_loop3A_236 = arith.sitofp %parallel_loop3A_235 : vector<16xi32> to vector<16xf32>
      %parallel_loop3A_237 = arith.mulf %parallel_loop3A_236, %get3A_3 : vector<16xf32>
      %parallel_loop3A_238 = arith.addf %parallel_loop3A_237, %get3A_5 : vector<16xf32>
      %parallel_loop3A_239 = arith.constant 112 : i32
      %parallel_loop3A_240 = arith.addi %parallel_loop3A_130, %parallel_loop3A_239 : i32
      %parallel_loop3A_241 = arith.index_cast %parallel_loop3A_240 : i32 to index
      %parallel_loop3A_242 = tpu.vector_load %arg15[%parallel_loop3A_241] {strides = array<i32>} : memref<16384xf32, #tpu.memory_space<vmem>>, vector<16xf32>,
      tpu.vector_store %arg15[%parallel_loop3A_241], %parallel_loop3A_238 {strides = array<i32>} : memref<16384xf32, #tpu.memory_space<vmem>>, vector<16xf32>,
    } {sc.loop_unroll_factor = 4 : i64, sc.parallel_access}
    %mul3A_94 = arith.constant 26 : i32
    %mul3A_95 = arith.muli %add3A, %mul3A_94 : i32
    %add3A_96 = arith.constant 25 : i32
    %add3A_97 = arith.addi %mul3A_95, %add3A_96 : i32
    %mul3A_98 = arith.constant 128 : i32
    %mul3A_99 = arith.muli %add3A_97, %mul3A_98 : i32
    %mul3A_100 = arith.constant 128 : i32
    %mul3A_101 = arith.muli %mul3A_99, %mul3A_100 : i32
    %dma_start3A_102 = tpu.memref_slice %arg6[%mul3A_101] : memref<13631488xf32, #tpu.memory_space<hbm>> -> memref<16384xf32, #tpu.memory_space<hbm>>
    %dma_start3A_103 = tpu.memref_slice %arg6[%mul3A_101] : memref<13631488xf32, #tpu.memory_space<hbm>> -> memref<16384xf32, #tpu.memory_space<hbm>>
    tpu.enqueue_dma source(%arg15 : memref<16384xf32, #tpu.memory_space<vmem>>) target(%dma_start3A_103 : memref<16384xf32, #tpu.memory_space<hbm>>) target_semaphore(%arg23 : memref<!tpu.dma_semaphore, #tpu.memory_space<semaphore_mem>>)
    %mul3A_104 = arith.constant 26 : i32
    %mul3A_105 = arith.muli %add3A, %mul3A_104 : i32
    %add3A_106 = arith.constant 0 : i32
    %add3A_107 = arith.addi %mul3A_105, %add3A_106 : i32
    %mul3A_108 = arith.constant 128 : i32
    %mul3A_109 = arith.muli %add3A_107, %mul3A_108 : i32
    %mul3A_110 = arith.constant 128 : i32
    %mul3A_111 = arith.muli %mul3A_109, %mul3A_110 : i32
    %dma_wait3A_112 = tpu.memref_slice %arg6[%mul3A_111] : memref<13631488xf32, #tpu.memory_space<hbm>> -> memref<16384xf32, #tpu.memory_space<hbm>>
    %dma_wait3A_113 = tpu.memref_slice %arg6[%mul3A_111] : memref<13631488xf32, #tpu.memory_space<hbm>> -> memref<16384xf32, #tpu.memory_space<hbm>>
    tpu.wait_dma2 semaphore(%arg22 : memref<!tpu.dma_semaphore, #tpu.memory_space<semaphore_mem>>) src(%arg14 : memref<16384xf32, #tpu.memory_space<vmem>>) dst(%dma_wait3A_113 : memref<16384xf32, #tpu.memory_space<hbm>>)
    %mul3A_114 = arith.constant 26 : i32
    %mul3A_115 = arith.muli %add3A, %mul3A_114 : i32
    %add3A_116 = arith.constant 0 : i32
    %add3A_117 = arith.addi %mul3A_115, %add3A_116 : i32
    %mul3A_118 = arith.constant 128 : i32
    %mul3A_119 = arith.muli %add3A_117, %mul3A_118 : i32
    %mul3A_120 = arith.constant 128 : i32
    %mul3A_121 = arith.muli %mul3A_119, %mul3A_120 : i32
    %dma_wait3A_122 = tpu.memref_slice %arg6[%mul3A_121] : memref<13631488xf32, #tpu.memory_space<hbm>> -> memref<16384xf32, #tpu.memory_space<hbm>>
    %dma_wait3A_123 = tpu.memref_slice %arg6[%mul3A_121] : memref<13631488xf32, #tpu.memory_space<hbm>> -> memref<16384xf32, #tpu.memory_space<hbm>>
    tpu.wait_dma2 semaphore(%arg23 : memref<!tpu.dma_semaphore, #tpu.memory_space<semaphore_mem>>) src(%arg15 : memref<16384xf32, #tpu.memory_space<vmem>>) dst(%dma_wait3A_123 : memref<16384xf32, #tpu.memory_space<hbm>>)
    return
  }
}

</mosaic_0001>

<sc_bundles>
// kernel: _run.3.cloned.1.call-start
scs
__scs_entry_jumppad:
0x0: {  	(pc) =	sbr.rel $0x88, $3  }
0x1: {  	(tag) =	ssettag $0x0;
	lr =	simm.s32 $0x1  }
0x2: {  	[smem:$0x3F9D] =	sst lr;
	_ =	strace $0xD0000000  }
0x3: {  	_ = 	snop  }
0x4: {  	_ = 	snop  }
0x5: {  	_ = 	snop  }
0x6: {  	_ = 	snop  }
0x7: {  	_ = 	snop  }
__scs_overlays_trampoline_lowered:
0x8: {  	[smem:$0x3FAC] =	sst s0  }
0x9: {  	[smem:$0x3FAD] =	sst s1  }
0xa: {  	[smem:$0x3FAE] =	sst s2  }
0xb: {  	[smem:$0x3FAF] =	sst s3  }
0xc: {  	[smem:$0x3FB0] =	sst s4  }
0xd: {  	[smem:$0x3FB1] =	sst s5  }
0xe: {  	[smem:$0x3FB2] =	sst s6  }
0xf: {  	[smem:$0x3FB3] =	sst s7  }
0x10: {  	[smem:$0x3FB4] =	sst s8  }
0x11: {  	[smem:$0x3FB5] =	sst s9;
	s0 =	simm.s32 @!p0 $0x0  }
0x12: {  	s1 =	sld [smem:$0x3F9B];
	s0 =	simm.s32 @p0 $0x1  }
0x13: {  	[smem:$0x3FB6] =	sst s0;
	s0 =	simm.s32 @!p1 $0x0  }
0x14: {  	s2 =	sld [smem:$0x3F9A];
	s0 =	simm.s32 @p1 $0x1  }
0x15: {  	[smem:$0x3FB7] =	sst s0;
	s0 =	simm.s32 @!p2 $0x0  }
0x16: {  	s3 =	sld [smem:$0x3FDB];
	s0 =	simm.s32 @p2 $0x1  }
0x17: {  	s4 =	simm.s32 $0x1BF5;
	[smem:$0x3FB9] =	sst s0  }
0x18: {  	s0 =	sld [smem:$0x3F9C];
	_ =	swait.ge [sflag:s4], $0x0  }
0x19: {  	s7 =	sld [smem:$0x3F9D]  }
0x1a: {  	s8 =	sadd.s32 $0xFFFFE003, lr  }
0x1b: {  	s9 =	sadd.s32 $0xFFFFFEF7, lr;
	s5 =	simm.s32 $0xFFFFFFFF;
	p2 =	slt.u32 s8, $0xFFFFF086  }
0x1c: {  	p1 =	slt.u32 s9, $0xF7A;
	s5 =	simm.s32 @!p2 $0x0  }
0x1d: {  	s5 =	simm.s32 @p1 $0x1;
	p0 =	seq.s32 s7, s2  }
0x1e: {  	s7 =	smul.u32 @!p0 $0xF7A, s2;
	p2 =	seq.s32 @!p0 s5, $0x0  }
0x1f: {  	s9 =	smul.u32 $0xF7A, s1;
	s8 =	simm.s32 @!p0 $0x1BF5;
	p2 =	por !p2, p0  }
0x20: {  	[sflag:s8] =	ssyncset.s32 @!p0 $0xFFFFF086;
	s6 =	sadd.s32 @!p0 s3, s7;
	s7 =	simm.s32 @!p0 $0x108  }
0x21: {  	s3 =	sadd.s32 s3, s9;
	s6 =	sadd.s32 @!p0 $0x88, s6;
	s7 =	simm.s32 @p2 $0x1082  }
0x22: {  	[simem:s7], [sflag:s8] =	dma.local @!p0 [hbm:s6], $0xF7A  }
0x23: {  	s9 =	sor.u32 $0xD0000000, s2;
	s6 =	simm.s32 $0x108;
	_ =	swait.ge @!p0 [sflag:s8], $0x0  }
0x24: {  	s3 =	sadd.s32 $0x88, s3;
	s6 =	simm.s32 @!p1 $0x1082;
	[sflag:s4] =	ssyncset.s32 $0xFFFFF086  }
0x25: {  	[simem:s6], [sflag:s4] =	dma.local [hbm:s3], $0xF7A  }
0x26: {  	[smem:$0x3F9D] =	sst s1;
	(tag) =	ssettag s2;
	_ =	strace s9  }
0x27: {  	s1 =	sld [smem:$0x3FAD]  }
0x28: {  	s2 =	sld [smem:$0x3FAE]  }
0x29: {  	s4 =	sld [smem:$0x3FB0]  }
0x2a: {  	p0 =	seq.s32 s5, $0x0;
	s5 =	sld [smem:$0x3FB1]  }
0x2b: {  	s6 =	sld [smem:$0x3FB2]  }
0x2c: {  	s7 =	sld [smem:$0x3FB3]  }
0x2d: {  	s3 =	simm.s32 $0x108;
	s8 =	sld [smem:$0x3FB4]  }
0x2e: {  	s3 =	simm.s32 @!p0 $0x1082;
	s9 =	sld [smem:$0x3FB5]  }
0x2f: {  	lr =	sadd.s32 s0, s3;
	s0 =	sld [smem:$0x3FAC]  }
0x30: {  	s3 =	sld [smem:$0x3FAF]  }
0x31: {  	[smem:$0x3FB8] =	sst s10  }
0x32: {  	s10 =	sld [smem:$0x3FB6];
	_ =	sdelay $0x3  }
0x33: {  	p0 =	seq.s32 s10, $0x1;
	s10 =	sld [smem:$0x3FB8];
	_ =	sdelay $0x3  }
0x34: {  	[smem:$0x3FB8] =	sst s10  }
0x35: {  	s10 =	sld [smem:$0x3FB7];
	_ =	sdelay $0x3  }
0x36: {  	p1 =	seq.s32 s10, $0x1;
	s10 =	sld [smem:$0x3FB8];
	_ =	sdelay $0x3  }
0x37: {  	[smem:$0x3FB8] =	sst s10  }
0x38: {  	s10 =	sld [smem:$0x3FB9]  }
0x39: {  	_ = 	snop;
	(pc) =	sbr.ind lr, $3  }
0x3a: {  	_ = 	snop  }
0x3b: {  	_ = 	snop  }
0x3c: {  	p2 =	seq.s32 s10, $0x1;
	s10 =	sld [smem:$0x3FB8]  }
0x3d: {  	_ =	shalt  }
0x3e: {  	_ =	shalt  }
0x3f: {  	_ =	shalt  }
0x40: {  	_ =	shalt  }
0x41: {  	_ =	shalt  }
0x42: {  	_ =	shalt  }
0x43: {  	_ =	shalt  }
0x44: {  	_ =	shalt  }
0x45: {  	_ =	shalt  }
0x46: {  	_ =	shalt  }
0x47: {  	_ =	shalt  }
0x48: {  	_ =	shalt  }
0x49: {  	_ =	shalt  }
0x4a: {  	_ =	shalt  }
0x4b: {  	_ =	shalt  }
0x4c: {  	_ =	shalt  }
0x4d: {  	_ =	shalt  }
0x4e: {  	_ =	shalt  }
0x4f: {  	_ =	shalt  }
0x50: {  	_ =	shalt  }
0x51: {  	_ =	shalt  }
0x52: {  	_ =	shalt  }
0x53: {  	_ =	shalt  }
0x54: {  	_ =	shalt  }
0x55: {  	_ =	shalt  }
0x56: {  	_ =	shalt  }
0x57: {  	_ =	shalt  }
0x58: {  	_ =	shalt  }
0x59: {  	_ =	shalt  }
0x5a: {  	_ =	shalt  }
0x5b: {  	_ =	shalt  }
0x5c: {  	_ =	shalt  }
0x5d: {  	_ =	shalt  }
0x5e: {  	_ =	shalt  }
0x5f: {  	_ =	shalt  }
0x60: {  	_ =	shalt  }
0x61: {  	_ =	shalt  }
0x62: {  	_ =	shalt  }
0x63: {  	_ =	shalt  }
0x64: {  	_ =	shalt  }
0x65: {  	_ =	shalt  }
0x66: {  	_ =	shalt  }
0x67: {  	_ =	shalt  }
0x68: {  	_ =	shalt  }
0x69: {  	_ =	shalt  }
0x6a: {  	_ =	shalt  }
0x6b: {  	_ =	shalt  }
0x6c: {  	_ =	shalt  }
0x6d: {  	_ =	shalt  }
0x6e: {  	_ =	shalt  }
0x6f: {  	_ =	shalt  }
0x70: {  	_ =	shalt  }
0x71: {  	_ =	shalt  }
0x72: {  	_ =	shalt  }
0x73: {  	_ =	shalt  }
0x74: {  	_ =	shalt  }
0x75: {  	_ =	shalt  }
0x76: {  	_ =	shalt  }
0x77: {  	_ =	shalt  }
0x78: {  	_ =	shalt  }
0x79: {  	_ =	shalt  }
0x7a: {  	_ =	shalt  }
0x7b: {  	_ =	shalt  }
0x7c: {  	_ =	shalt  }
0x7d: {  	_ =	shalt  }
0x7e: {  	_ =	shalt  }
0x7f: {  	_ =	shalt  }
0x80: {  	_ =	shalt  }
0x81: {  	_ =	shalt  }
0x82: {  	_ =	shalt  }
0x83: {  	_ =	shalt  }
0x84: {  	_ =	shalt  }
0x85: {  	_ =	shalt  }
0x86: {  	_ =	shalt  }
0x87: {  	_ =	shalt  }
.Lfunc_end0:
.L_simem_size_0:
called_computation_lowered:
.L_overlay_start_0:
0x88: {  	s2 =	sld [smem:$0x3FD9]  }
0x89: {  	s3 =	sld [smem:$0x3FFE];
	_ =	sdelay $0x1  }
0x8a: {  	s1 =	srdreg.scid  }
0x8b: {  	s0 =	sand.u32 $0x1, s1  }
0x8c: {  	s18 =	sshll.u32 s0, $0xA;
	s2 =	sadd.s32 s3, s2  }
0x8d: {  	s2 =	sadd.s32 s2, s18  }
0x8e: {  	[smem:$0x3FC4] =	sst s2  }
0x8f: {  	_ = 	snop  }
0x90: {  	s2 =	sld [smem:$0x3FC9]  }
0x91: {  	s19 =	sld [smem:$0x3FC8]  }
0x92: {  	s4 =	sld [smem:$0x3FC7]  }
0x93: {  	s5 =	sld [smem:$0x3FC6]  }
0x94: {  	s6 =	sld [smem:$0x3FD0];
	(tm) =	ssettm $0x1  }
0x95: {  	s7 =	sld [smem:$0x3FFB];
	_ =	sdelay $0x3  }
0x96: {  	_ =	strace s7  }
0x97: {  	s7 =	sld [smem:$0x3FFC];
	_ =	sdelay $0x3  }
0x98: {  	_ =	strace s7  }
0x99: {  	s7 =	sld [smem:$0x3FFD];
	_ =	sdelay $0x3  }
0x9a: {  	_ =	strace s7  }
0x9b: {  	_ =	strace $0x8FFFFFFF  }
0x9c: {  	s20 =	sld [smem:$0x3FDB];
	_ =	sdelay $0x1  }
0x9d: {  	s8 =	simm.s32 $_scs_section_size  }
0x9e: {  	s9 =	simm.s32 $_size__tile_overlayer_lowered;
	s10 =	simm.s32 $_tile_overlayer_lowered  }
0x9f: {  	s23 =	simm.s32 $0x1BFF;
	s22 =	sshll.u32 s10, $0x1;
	s7 =	sadd.s32 s8, s20  }
0xa0: {  	s11 =	simm.s32 $0x0;
	s21 =	sshll.u32 s9, $0x1;
	s9 =	sadd.s32 s22, s7  }
0xa1: {  	[timem:s11], [sflag:s23] =	dma.local [hbm:s9], s21  }
0xa2: {  	_ =	swait.ge [sflag:s23], s21  }
0xa3: {  	s8 =	ssub.s32 $0x0, s21;
	[sflag:s23] =	ssyncset.done $0x0  }
0xa4: {  	[sflag:s23] =	ssyncadd.s32 s8;
	_ =	sdelay $0x1  }
0xa5: {  	s24 =	simm.s32 $0x1B8B  }
0xa6: {  	_ =	swait.ge [sflag:s24], $0x1  }
0xa7: {  	[sflag:s24] =	ssyncset.done $0x0  }
0xa8: {  	s25 =	simm.s32 $0x1B8E;
	[sflag:s24] =	ssyncadd.s32 $0xFFFFFFFF  }
0xa9: {  	s26 =	simm.s32 $execute0_lowered;
	[smem:$0x3FD2] =	sst s25  }
0xaa: {  	s8 =	sshll.u32 s26, $0x1;
	_ =	strace $0x80000046;
	[dreg:$0x1] =	wrdreg $0xFFFFFFFF  }
0xab: {  	s28 =	simm.s32 $_size_execute0_lowered;
	s7 =	sadd.s32 s7, s8;
	[dreg:$0x0] =	wrdreg $0x0  }
0xac: {  	s8 =	sshll.u32 s28, $0x1;
	[dreg:$0x2] =	wrdreg s7  }
0xad: {  	[dreg:$0x3] =	wrdreg s8  }
0xae: {  	[dreg:$0x4] =	wrdreg $0xC0  }
0xaf: {  	_ =	task [dreg:s11], $0x5FFFF  }
0xb0: {  	[dreg:$0x1] =	wrdreg $0xFFFFFFFF  }
0xb1: {  	[dreg:$0x0] =	wrdreg $0x60  }
0xb2: {  	[dreg:$0x2] =	wrdreg s2  }
0xb3: {  	[dreg:$0x3] =	wrdreg s19  }
0xb4: {  	[dreg:$0x4] =	wrdreg s4  }
0xb5: {  	[dreg:$0x5] =	wrdreg s5  }
0xb6: {  	[dreg:$0x6] =	wrdreg s6  }
0xb7: {  	[dreg:$0x7] =	wrdreg $0x9  }
0xb8: {  	_ =	task.clear_ibuf [dreg:s11], $0x8FFFF;
	_ =	strace $0x90000046  }
0xb9: {  	s29 =	simm.s32 $0x9;
	_ =	strace $0x80000048  }
0xba: {  	_ =	swait.ge [sflag:s29], $0x1  }
0xbb: {  	[sflag:s29] =	ssyncadd.s32 $0xFFFFFFFF  }
0xbc: {  	_ =	strace $0x90000048  }
0xbd: {  	_ =	sfence  }
0xbe: {  	s30 =	sld [smem:$0x0];
	_ =	sdelay $0x2  }
0xbf: {  	s31 =	sshll.u32 s1, $0xD;
	s1 =	sshrl.u32 s1, $0x2  }
0xc0: {  	s3 =	sand.u32 $0x4000, s31;
	s1 =	sadd.s32 s1, s30  }
0xc1: {  	s0 =	sor.u32 s3, s0;
	s1 =	sshll.u32 s1, $0x11  }
0xc2: {  	s0 =	sor.u32 s1, s0  }
0xc3: {  	s0 =	sadd.s32 $0x8F2B, s0  }
0xc4: {  	[sflag:s0] =	ssyncadd.remote.s32 $0x1  }
0xc5: {  	_ =	sfence.sel $0xFFFF  }
0xc6: {  	[dreg:$0x0] =	wrdreg $0xFFFFFFFF;
	(pc) =	sbr.abs _section_cstart, $3  }
0xc7: {  	[dreg:$0x1] =	wrdreg $0xFFFFFFFF  }
0xc8: {  	_ =	task.clear_ibuf [dreg:s11], $0x2FFFF;
	_ =	strace $0x9FFFFFFF  }
0xc9: {  	(tm) =	ssettm $0x7FFFFFFF  }
tec
execute0_lowered:
.L_overlay_start_1:
0x0: {  	(tag) =	ssettag $0x1  }
0x1: {  	s1 =	rddreg [dreg:$0x0]  }
0x2: {  	s0 =	rddreg [dreg:$0x1];
	s2 =	srdreg.scid  }
0x3: {  	s3 =	stileid.u32;
	s5 =	rddreg [dreg:$0x4];
	s6 =	simm.s32 $0x0  }
0x4: {  	s15 =	simm.s32 $0x80;
	s19 =	simm.s32 $0x6700;
	s28 =	simm.s32 $0x2  }
0x5: {  	s29 =	simm.s32 $0x16700;
	s2 =	sand.u32 $0x1, s2;
	s3 =	sshll.u32 s3, $0x1  }
0x6: {  	s30 =	simm.s32 $0x3;
	s31 =	simm.s32 $0x5;
	s3 =	sor.u32 s2, s3  }
0x7: {  	[smem:$0x7FF] =	sst s6;
	s2 =	ssub.s32 $0x2, s2;
	s8 =	smul.u32 $0x1A0, s3  }
0x8: {  	_ =	strace $0x80000047;
	s4 =	smul.u32 $0x68000, s3;
	s7 =	sshrl.u32 s2, $0x1  }
0x9: {  	s2 =	ssub.s32 s2, s7;
	s7 =	smul.u32 $0x1A, s3;
	s0 =	sadd.s32 s0, s8  }
0xa: {  	s4 =	sshrl.u32 s4, $0x3;
	s26 =	smax.u32 s2, $0x1;
	[dreg:$0x6] =	wrdreg s0  }
0xb: {  	s3 =	simm.s32 $0x4;
	s4 =	sadd.s32 s5, s4;
	[dreg:$0x9] =	wrdreg s26  }
0xc: {  	s26 =	simm.s32 $0x12700;
	s0 =	simm.s32 $0x6;
	s24 =	sadd.s32 $0xC000, s4  }
0xd: {  	s25 =	sadd.s32 $0xC800, s4;
	s4 =	simm.s32 $0x0;
	[dreg:$0x7] =	wrdreg s24  }
0xe: {  	v0 =	vimm.s32 $0x1000000;
	[dreg:$0x8] =	wrdreg s25;
	s24 =	simm.s32 $0x1;
	s25 =	simm.s32 $0x1A00  }
.LBB2_1:
0xf: {  	[dreg:$0xa] =	wrdreg s4  }
0x10: {  	s2 =	rddreg [dreg:$0x2];
	s20 =	simm.s32 $0x1A700;
	s21 =	simm.s32 $0x7  }
0x11: {  	[tilespmem:s20], [sflag:$0x7] =	stream.linear.gather [hbm4b:s2+s6], $0x10, $0x38;
	[tilespmem:$0x1A720] =	vst v63  }
0x12: {  	_ =	swait.ge [sflag:s21], $0x10  }
0x13: {  	[sflag:s21] =	ssyncset.done $0x0  }
0x14: {  	[sflag:s21] =	ssyncadd.s32 $0xFFFFFFF0  }
0x15: {  	s8 =	simm.s32 $0x1A710;
	s22 =	rddreg [dreg:$0x3]  }
0x16: {  	[tilespmem:s8], [sflag:$0x7] =	stream.linear.gather [hbm4b:s22+s6], $0x10, $0x38;
	[tilespmem:$0x1A720] =	vst v63  }
0x17: {  	_ =	swait.ge [sflag:s21], $0x10  }
0x18: {  	[sflag:s21] =	ssyncset.done $0x0  }
0x19: {  	s23 =	rddreg [dreg:$0x6];
	[sflag:s21] =	ssyncadd.s32 $0xFFFFFFF0  }
0x1a: {  	[tilespmem:s6], [sflag:$0x7] =	stream.linear.gather [hbm4b:s23+s6], $0xD00, $0x38;
	[tilespmem:$0x1A720] =	vst v63  }
0x1b: {  	_ =	swait.ge [sflag:s21], $0xD00  }
0x1c: {  	[sflag:s21] =	ssyncset.done $0x0  }
0x1d: {  	[sflag:s21] =	ssyncadd.s32 $0xFFFFF300  }
0x1e: {  	v2 =	vld [tilespmem:$0x1A700]  }
0x1f: {  	s2 =	simm.s32 $0x0;
	v1 =	vld [tilespmem:$0x1A710]  }
0x20: {  	v3 =	vld [tilespmem:s2+$0x70]  }
0x21: {  	v4 =	vld [tilespmem:s2+$0x0]  }
0x22: {  	v5 =	vld [tilespmem:s2+$0x10]  }
0x23: {  	v6 =	vld [tilespmem:s2+$0x20]  }
0x24: {  	v7 =	vld [tilespmem:s2+$0x30]  }
0x25: {  	v8 =	vld [tilespmem:s2+$0x40];
	v9 =	vshrl.u32 v3, $0x2;
	v3 =	vshll.u32 v3, $0x3  }
0x26: {  	v10 =	vld [tilespmem:s2+$0x50];
	v11 =	vshrl.u32 v4, $0x2;
	v4 =	vshll.u32 v4, $0x3;
	[tilespmem:s2+$0xD70] =	vst v9;
	v3 =	vand.u32 $0x18, v3  }
0x27: {  	[tilespmem:s2+$0xD00] =	vst v11;
	v4 =	vand.u32 $0x18, v4;
	v9 =	vshll.u32 v5, $0x3;
	v11 =	vld [tilespmem:s2+$0x60];
	v3 =	vshrl.u32 v0, v3  }
0x28: {  	v12 =	vshll.u32 v6, $0x3;
	v4 =	vshrl.u32 v0, v4;
	v9 =	vand.u32 $0x18, v9;
	[tilespmem:s2+$0x1A70] =	vst v3  }
0x29: {  	[tilespmem:s2+$0x1A00] =	vst v4;
	v3 =	vshrl.u32 v0, v9;
	v4 =	vand.u32 $0x18, v12;
	v9 =	vshll.u32 v7, $0x3  }
0x2a: {  	[tilespmem:s2+$0x1A10] =	vst v3;
	v3 =	vshrl.u32 v0, v4;
	v4 =	vand.u32 $0x18, v9;
	v9 =	vshll.u32 v8, $0x3  }
0x2b: {  	[tilespmem:s2+$0x1A20] =	vst v3;
	v3 =	vshrl.u32 v0, v4;
	v4 =	vand.u32 $0x18, v9;
	v9 =	vshll.u32 v10, $0x3  }
0x2c: {  	[tilespmem:s2+$0x1A30] =	vst v3;
	v3 =	vshrl.u32 v0, v4;
	v9 =	vand.u32 $0x18, v9;
	v63 =	vshll.u32 v11, $0x3  }
0x2d: {  	v6 =	vshrl.u32 v6, $0x2;
	[tilespmem:s2+$0x1A40] =	vst v3;
	v3 =	vshrl.u32 v0, v9;
	v9 =	vand.u32 $0x18, v63  }
0x2e: {  	v8 =	vshrl.u32 v8, $0x2;
	v4 =	vshrl.u32 v5, $0x2;
	[tilespmem:s2+$0x1A50] =	vst v3;
	v9 =	vshrl.u32 v0, v9  }
0x2f: {  	s4 =	simm.s32 $0x80;
	s8 =	simm.s32 $0x400;
	v5 =	vshrl.u32 v7, $0x2;
	v7 =	vshrl.u32 v10, $0x2;
	v3 =	vshrl.u32 v11, $0x2;
	[tilespmem:s2+$0x1A60] =	vst v9  }
.LBB2_2:
0x30: {  	p0 =	sne.s32 s8, $0x3200;
	v9 =	vld [tilespmem:s4+$0x70];
	[tilespmem:s2+$0xD10] =	vst v4  }
0x31: {  	v4 =	vld [tilespmem:s4+$0x0];
	[tilespmem:s2+$0xD20] =	vst v6  }
0x32: {  	v6 =	vld [tilespmem:s4+$0x10];
	[tilespmem:s2+$0xD30] =	vst v5  }
0x33: {  	v5 =	vld [tilespmem:s4+$0x20];
	[tilespmem:s2+$0xD40] =	vst v8  }
0x34: {  	v8 =	vld [tilespmem:s4+$0x30];
	[tilespmem:s2+$0xD50] =	vst v7  }
0x35: {  	v7 =	vld [tilespmem:s4+$0x40];
	v10 =	vshrl.u32 v9, $0x2;
	v9 =	vshll.u32 v9, $0x3;
	[tilespmem:s2+$0xD60] =	vst v3;
	s2 =	smov.u32 s4  }
0x36: {  	v3 =	vshrl.u32 v4, $0x2;
	v4 =	vshll.u32 v4, $0x3;
	v11 =	vld [tilespmem:s2+$0x50];
	[tilespmem:s2+$0xD70] =	vst v10;
	v9 =	vand.u32 $0x18, v9  }
0x37: {  	[tilespmem:s2+$0xD00] =	vst v3;
	v3 =	vand.u32 $0x18, v4;
	v4 =	vshll.u32 v6, $0x3;
	v10 =	vld [tilespmem:s2+$0x60];
	v9 =	vshrl.u32 v0, v9  }
0x38: {  	v3 =	vshrl.u32 v0, v3;
	v4 =	vand.u32 $0x18, v4;
	v12 =	vshll.u32 v5, $0x3;
	[tilespmem:s2+$0x1A70] =	vst v9  }
0x39: {  	[tilespmem:s2+$0x1A00] =	vst v3;
	v3 =	vshrl.u32 v0, v4;
	v4 =	vand.u32 $0x18, v12;
	v9 =	vshll.u32 v8, $0x3  }
0x3a: {  	[tilespmem:s2+$0x1A10] =	vst v3;
	v3 =	vshrl.u32 v0, v4;
	v4 =	vand.u32 $0x18, v9;
	v9 =	vshll.u32 v7, $0x3  }
.Ltmp0:
0x3b: {  	[tilespmem:s2+$0x1A20] =	vst v3;
	v3 =	vshrl.u32 v0, v4;
	v4 =	vand.u32 $0x18, v9;
	v9 =	vshll.u32 v11, $0x3;
	(pc) =	sbr.rel @p0 .LBB2_2-.Ltmp0, $4  }
0x3c: {  	[tilespmem:s2+$0x1A30] =	vst v3;
	v3 =	vshrl.u32 v0, v4;
	v9 =	vand.u32 $0x18, v9;
	v12 =	vshll.u32 v10, $0x3  }
0x3d: {  	v4 =	vshrl.u32 v6, $0x2;
	[tilespmem:s2+$0x1A40] =	vst v3;
	v3 =	vshrl.u32 v0, v9;
	v9 =	vand.u32 $0x18, v12  }
0x3e: {  	v6 =	vshrl.u32 v5, $0x2;
	v5 =	vshrl.u32 v8, $0x2;
	[tilespmem:s2+$0x1A50] =	vst v3;
	v9 =	vshrl.u32 v0, v9  }
0x3f: {  	s4 =	sshra.s32 s8, $0x2;
	s8 =	sadd.s32 $0x200, s8;
	v8 =	vshrl.u32 v7, $0x2;
	v7 =	vshrl.u32 v11, $0x2;
	v3 =	vshrl.u32 v10, $0x2;
	[tilespmem:s2+$0x1A60] =	vst v9  }
0x40: {  	v9 =	vld [tilespmem:s4+$0x70];
	[tilespmem:s2+$0xD10] =	vst v4  }
0x41: {  	v4 =	vld [tilespmem:s4+$0x0];
	[tilespmem:s2+$0xD20] =	vst v6  }
0x42: {  	v6 =	vld [tilespmem:s4+$0x10];
	[tilespmem:s2+$0xD30] =	vst v5  }
0x43: {  	v5 =	vld [tilespmem:s4+$0x20];
	[tilespmem:s2+$0xD40] =	vst v8  }
0x44: {  	v8 =	vld [tilespmem:s4+$0x30];
	[tilespmem:s2+$0xD50] =	vst v7  }
0x45: {  	v7 =	vld [tilespmem:s4+$0x40];
	[tilespmem:s2+$0xD60] =	vst v3;
	v3 =	vshrl.u32 v9, $0x2;
	v9 =	vshll.u32 v9, $0x3  }
0x46: {  	v11 =	vshrl.u32 v4, $0x2;
	[tilespmem:s4+$0xD70] =	vst v3;
	v49 =	vand.u32 $0x18, v9  }
0x47: {  	v3 =	vshll.u32 v4, $0x3;
	[tilespmem:s4+$0xD00] =	vst v11;
	v4 =	vshrl.u32 v0, v49  }
0x48: {  	v3 =	vand.u32 $0x18, v3;
	v50 =	vshll.u32 v6, $0x3;
	v61 =	vshrl.u32 v6, $0x2;
	[tilespmem:s4+$0x1A70] =	vst v4  }
0x49: {  	v10 =	vld [tilespmem:s4+$0x50];
	v3 =	vshrl.u32 v0, v3;
	v9 =	vand.u32 $0x18, v50;
	[tilespmem:s4+$0xD10] =	vst v61  }
0x4a: {  	v51 =	vld [tilespmem:s4+$0x60];
	v12 =	vshll.u32 v5, $0x3;
	[tilespmem:s4+$0x1A00] =	vst v3;
	v3 =	vshrl.u32 v0, v9  }
0x4b: {  	v52 =	vand.u32 $0x18, v12;
	v53 =	vshll.u32 v8, $0x3;
	v62 =	vshrl.u32 v8, $0x2;
	[tilespmem:s4+$0x1A10] =	vst v3  }
0x4c: {  	v3 =	vshrl.u32 v0, v52;
	v54 =	vand.u32 $0x18, v53;
	[tilespmem:s4+$0xD30] =	vst v62  }
0x4d: {  	v55 =	vshll.u32 v7, $0x3;
	[tilespmem:s4+$0x1A20] =	vst v3;
	v3 =	vshrl.u32 v0, v54  }
0x4e: {  	v56 =	vand.u32 $0x18, v55;
	v57 =	vshll.u32 v10, $0x3;
	v63 =	vshrl.u32 v10, $0x2;
	[tilespmem:s4+$0x1A30] =	vst v3  }
0x4f: {  	v59 =	vshll.u32 v51, $0x3;
	v3 =	vshrl.u32 v0, v56;
	v58 =	vand.u32 $0x18, v57;
	[tilespmem:s4+$0xD50] =	vst v63  }
0x50: {  	v60 =	vand.u32 $0x18, v59;
	[tilespmem:s4+$0x1A40] =	vst v3;
	v3 =	vshrl.u32 v0, v58  }
0x51: {  	[tilespmem:s4+$0x1A50] =	vst v3;
	v3 =	vshrl.u32 v0, v60  }
0x52: {  	[tilespmem:s4+$0x1A60] =	vst v3;
	v3 =	vshrl.u32 v5, $0x2  }
0x53: {  	[tilespmem:s4+$0xD20] =	vst v3;
	v3 =	vshrl.u32 v7, $0x2  }
0x54: {  	[tilespmem:s4+$0xD40] =	vst v3;
	v3 =	vshrl.u32 v51, $0x2  }
0x55: {  	s16 =	simm.s32 $0xD00;
	s17 =	simm.s32 $0x2700;
	[tilespmem:s4+$0xD60] =	vst v3  }
0x56: {  	[tilespmem:s17], [sflag:$0x1] =	stream.indirect.gather [hbm4b:s1+s15], $0x80, s16, s15, $0xb8;
	[tilespmem:$0x1A720] =	vst v63  }
0x57: {  	s18 =	simm.s32 $0xD80  }
0x58: {  	[tilespmem:s19], [sflag:$0x2] =	stream.indirect.gather [hbm4b:s1+s15], $0x80, s18, s15, $0xb8;
	[tilespmem:$0x1A720] =	vst v63  }
0x59: {  	s20 =	simm.s32 $0xE00;
	s21 =	simm.s32 $0xA700;
	s22 =	simm.s32 $0xE80  }
0x5a: {  	[tilespmem:s21], [sflag:$0x3] =	stream.indirect.gather [hbm4b:s1+s15], $0x80, s20, s15, $0xb8;
	[tilespmem:$0x1A720] =	vst v63  }
0x5b: {  	s23 =	simm.s32 $0xE700;
	s12 =	simm.s32 $0x0;
	s4 =	simm.s32 $0x0  }
0x5c: {  	[tilespmem:s23], [sflag:$0x4] =	stream.indirect.gather [hbm4b:s1+s15], $0x80, s22, s15, $0xb8;
	[tilespmem:$0x1A720] =	vst v63  }
.LBB2_4:
0x5d: {  	s2 =	sadd.s32 $0xFFFFFFFC, s4  }
0x5e: {  	s8 =	sadd.s32 $0x6, s2  }
0x5f: {  	v3 =	vmov s8  }
0x60: {  	v3 =	vand.u32 $0xFFFFFFFE, v3  }
0x61: {  	_ =	swait.ge [sflag:s24], $0x4000;
	v3 =	vbroadcast v3, $0x0  }
0x62: {  	p0 =	seq.s32 s12, $0x0;
	[sflag:s24] =	ssyncset.done $0x0  }
0x63: {  	[sflag:s24] =	ssyncadd.s32 $0xFFFFC000;
	s8 =	simm.s32 @!p0 $0x5  }
0x64: {  	s9 =	sadd.s32 $0x4, s2;
	_ =	swait.ge @!p0 [sflag:s8], $0x4000  }
0x65: {  	v4 =	vmov s9;
	[sflag:s8] =	ssyncset.done @!p0 $0x0  }
0x66: {  	s11 =	sadd.s32 $0x5, s2;
	v4 =	vand.u32 $0xFFFFFFFC, v4;
	[sflag:s8] =	ssyncadd.s32 @!p0 $0xFFFFC000  }
0x67: {  	s13 =	simm.s32 $0x2800;
	v5 =	vmov s11;
	v4 =	vbroadcast v4, $0x0;
	v7 =	vld.idx.msk [tilespmem:v3+s25+$0x0], $0xffff  }
0x68: {  	v3 =	vand.u32 $0xFFFFFFFD, v5;
	v5 =	vld [tilespmem:s13+$0x0]  }
0x69: {  	v3 =	vbroadcast v3, $0x0  }
0x6a: {  	s2 =	sadd.s32 $0x7, s2  }
0x6b: {  	v6 =	vmov s2;
	_ =	sdelay $0x1  }
0x6c: {  	v13 =	vld.idx.msk [tilespmem:v4+s25+$0x0], $0xffff;
	v4 =	vmul.u32 v7, v5  }
0x6d: {  	v5 =	vld [tilespmem:s13+$0xFFFFFF00]  }
0x6e: {  	v12 =	vld.idx.msk [tilespmem:v3+s25+$0x0], $0xffff;
	v3 =	vshra.s32 v4, $0x18  }
0x6f: {  	v11 =	vld.idx.msk [tilespmem:v6+s25+$0x0], $0xffff;
	v3 =	vcvt.s32.f32 v3  }
0x70: {  	v4 =	vld [tilespmem:s13+$0xFFFFFF80]  }
0x71: {  	v6 =	vld [tilespmem:s13+$0x80];
	v3 =	vmul.f32 v3, v2  }
0x72: {  	v5 =	vmul.u32 v13, v5  }
0x73: {  	v3 =	vadd.f32 v3, v1  }
0x74: {  	s16 =	simm.s32 $0x12800;
	v5 =	vshra.s32 v5, $0x18  }
0x75: {  	v4 =	vmul.u32 v12, v4;
	v5 =	vcvt.s32.f32 v5;
	[tilespmem:s16+$0x0] =	vst v3  }
0x76: {  	v3 =	vmul.u32 v11, v6;
	v6 =	vld [tilespmem:s13+$0x10]  }
0x77: {  	v4 =	vshra.s32 v4, $0x18;
	v5 =	vmul.f32 v5, v2  }
0x78: {  	v4 =	vcvt.s32.f32 v4;
	v3 =	vshra.s32 v3, $0x18  }
0x79: {  	v3 =	vcvt.s32.f32 v3;
	v5 =	vadd.f32 v5, v1  }
0x7a: {  	v4 =	vmul.f32 v4, v2  }
0x7b: {  	v3 =	vmul.f32 v3, v2;
	[tilespmem:s16+$0xFFFFFF00] =	vst v5;
	v5 =	vmul.u32 v7, v6  }
0x7c: {  	v4 =	vadd.f32 v4, v1;
	v6 =	vld [tilespmem:s13+$0xFFFFFF10]  }
0x7d: {  	v3 =	vadd.f32 v3, v1;
	v5 =	vshra.s32 v5, $0x18  }
0x7e: {  	[tilespmem:s16+$0xFFFFFF80] =	vst v4;
	v4 =	vcvt.s32.f32 v5  }
0x7f: {  	v5 =	vld [tilespmem:s13+$0xFFFFFF90];
	[tilespmem:s16+$0x80] =	vst v3  }
0x80: {  	v3 =	vld [tilespmem:s13+$0x90];
	v4 =	vmul.f32 v4, v2  }
0x81: {  	v6 =	vmul.u32 v13, v6  }
0x82: {  	v4 =	vadd.f32 v4, v1  }
0x83: {  	v6 =	vshra.s32 v6, $0x18  }
0x84: {  	v5 =	vmul.u32 v12, v5;
	v6 =	vcvt.s32.f32 v6;
	[tilespmem:s16+$0x10] =	vst v4  }
0x85: {  	v3 =	vmul.u32 v11, v3;
	v4 =	vld [tilespmem:s13+$0x20]  }
0x86: {  	v5 =	vshra.s32 v5, $0x18;
	v6 =	vmul.f32 v6, v2  }
0x87: {  	v5 =	vcvt.s32.f32 v5;
	v3 =	vshra.s32 v3, $0x18  }
0x88: {  	v3 =	vcvt.s32.f32 v3;
	v6 =	vadd.f32 v6, v1  }
0x89: {  	v5 =	vmul.f32 v5, v2  }
0x8a: {  	v3 =	vmul.f32 v3, v2;
	[tilespmem:s16+$0xFFFFFF10] =	vst v6;
	v4 =	vmul.u32 v7, v4  }
0x8b: {  	v5 =	vadd.f32 v5, v1;
	v6 =	vld [tilespmem:s13+$0xFFFFFF20]  }
0x8c: {  	v3 =	vadd.f32 v3, v1;
	v4 =	vshra.s32 v4, $0x18  }
0x8d: {  	[tilespmem:s16+$0xFFFFFF90] =	vst v5;
	v4 =	vcvt.s32.f32 v4  }
0x8e: {  	v5 =	vld [tilespmem:s13+$0xFFFFFFA0];
	[tilespmem:s16+$0x90] =	vst v3  }
0x8f: {  	v3 =	vld [tilespmem:s13+$0xA0];
	v4 =	vmul.f32 v4, v2  }
0x90: {  	v6 =	vmul.u32 v13, v6  }
0x91: {  	v4 =	vadd.f32 v4, v1  }
0x92: {  	v6 =	vshra.s32 v6, $0x18  }
0x93: {  	v5 =	vmul.u32 v12, v5;
	v6 =	vcvt.s32.f32 v6;
	[tilespmem:s16+$0x20] =	vst v4  }
0x94: {  	s14 =	sadd.s32 $0x0, s4;
	v3 =	vmul.u32 v11, v3;
	v4 =	vld [tilespmem:s13+$0x30]  }
0x95: {  	s17 =	sadd.s32 $0x6, s14;
	v5 =	vshra.s32 v5, $0x18;
	v6 =	vmul.f32 v6, v2  }
0x96: {  	v8 =	vmov s17;
	v5 =	vcvt.s32.f32 v5;
	v3 =	vshra.s32 v3, $0x18  }
0x97: {  	v8 =	vand.u32 $0xFFFFFFFE, v8;
	v3 =	vcvt.s32.f32 v3;
	v6 =	vadd.f32 v6, v1  }
0x98: {  	s18 =	sadd.s32 $0x4, s14;
	v8 =	vbroadcast v8, $0x0;
	v5 =	vmul.f32 v5, v2  }
0x99: {  	s20 =	sadd.s32 $0x5, s14;
	v9 =	vmov s18;
	v3 =	vmul.f32 v3, v2;
	[tilespmem:s16+$0xFFFFFF20] =	vst v6;
	v4 =	vmul.u32 v7, v4  }
0x9a: {  	v6 =	vand.u32 $0xFFFFFFFC, v9;
	v9 =	vmov s20;
	v5 =	vadd.f32 v5, v1;
	v10 =	vld [tilespmem:s13+$0xFFFFFF30]  }
0x9b: {  	v9 =	vand.u32 $0xFFFFFFFD, v9;
	v14 =	vbroadcast v6, $0x0;
	v4 =	vshra.s32 v4, $0x18  }
0x9c: {  	[tilespmem:s16+$0xFFFFFFA0] =	vst v5;
	v5 =	vbroadcast v9, $0x0;
	v4 =	vcvt.s32.f32 v4  }
0x9d: {  	v3 =	vadd.f32 v3, v1;
	v9 =	vld [tilespmem:s13+$0xFFFFFFB0]  }
0x9e: {  	s2 =	sadd.s32 $0x7, s14;
	s20 =	simm.s32 $0x2A00;
	v6 =	vld.idx.msk [tilespmem:v8+s25+$0x0], $0xffff;
	v4 =	vmul.f32 v4, v2  }
0x9f: {  	v8 =	vmov s2;
	[tilespmem:s16+$0xA0] =	vst v3;
	v3 =	vmul.u32 v13, v10;
	v10 =	vld [tilespmem:s20+$0x0]  }
0xa0: {  	v15 =	vld [tilespmem:s13+$0xB0];
	v16 =	vadd.f32 v4, v1  }
0xa1: {  	v4 =	vshra.s32 v3, $0x18;
	v3 =	vld.idx.msk [tilespmem:v14+s25+$0x0], $0xffff  }
0xa2: {  	v9 =	vmul.u32 v12, v9;
	v14 =	vcvt.s32.f32 v4;
	v4 =	vld.idx.msk [tilespmem:v5+s25+$0x0], $0xffff;
	[tilespmem:s16+$0x30] =	vst v16  }
0xa3: {  	v16 =	vld [tilespmem:s13+$0x40]  }
0xa4: {  	v5 =	vld.idx.msk [tilespmem:v8+s25+$0x0], $0xffff;
	v9 =	vshra.s32 v9, $0x18;
	v14 =	vmul.f32 v14, v2;
	v8 =	vmul.u32 v6, v10  }
0xa5: {  	v10 =	vmul.u32 v11, v15;
	v15 =	vld [tilespmem:s20+$0xFFFFFF00];
	v9 =	vcvt.s32.f32 v9  }
0xa6: {  	v17 =	vld [tilespmem:s20+$0xFFFFFF80];
	v14 =	vadd.f32 v14, v1;
	v8 =	vshra.s32 v8, $0x18  }
0xa7: {  	v18 =	vld [tilespmem:s20+$0x80];
	v10 =	vshra.s32 v10, $0x18;
	v9 =	vmul.f32 v9, v2;
	v8 =	vcvt.s32.f32 v8  }
0xa8: {  	v10 =	vcvt.s32.f32 v10;
	[tilespmem:s16+$0xFFFFFF30] =	vst v14;
	v14 =	vmul.u32 v7, v16  }
0xa9: {  	v9 =	vadd.f32 v9, v1;
	v16 =	vld [tilespmem:s13+$0xFFFFFF40];
	v8 =	vmul.f32 v8, v2  }
0xaa: {  	v10 =	vmul.f32 v10, v2;
	v15 =	vmul.u32 v3, v15;
	v14 =	vshra.s32 v14, $0x18  }
0xab: {  	[tilespmem:s16+$0xFFFFFFB0] =	vst v9;
	v9 =	vmul.u32 v4, v17;
	v8 =	vadd.f32 v8, v1;
	v14 =	vcvt.s32.f32 v14  }
0xac: {  	s18 =	simm.s32 $0x12A00;
	v18 =	vmul.u32 v5, v18;
	v10 =	vadd.f32 v10, v1;
	v15 =	vshra.s32 v15, $0x18;
	v17 =	vld [tilespmem:s13+$0xFFFFFFC0]  }
0xad: {  	v15 =	vcvt.s32.f32 v15;
	v9 =	vshra.s32 v9, $0x18;
	[tilespmem:s18+$0x0] =	vst v8;
	v14 =	vmul.f32 v14, v2  }
0xae: {  	[tilespmem:s16+$0xB0] =	vst v10;
	v8 =	vcvt.s32.f32 v9;
	v9 =	vshra.s32 v18, $0x18;
	v10 =	vmul.u32 v13, v16;
	v16 =	vld [tilespmem:s20+$0x10]  }
0xaf: {  	v18 =	vld [tilespmem:s13+$0xC0];
	v15 =	vmul.f32 v15, v2;
	v9 =	vcvt.s32.f32 v9  }
0xb0: {  	v14 =	vadd.f32 v14, v1;
	v8 =	vmul.f32 v8, v2;
	v10 =	vshra.s32 v10, $0x18  }
0xb1: {  	v15 =	vadd.f32 v15, v1;
	v17 =	vmul.u32 v12, v17;
	v9 =	vmul.f32 v9, v2  }
0xb2: {  	v10 =	vcvt.s32.f32 v10;
	[tilespmem:s16+$0x40] =	vst v14;
	v8 =	vadd.f32 v8, v1  }
0xb3: {  	[tilespmem:s18+$0xFFFFFF00] =	vst v15;
	v14 =	vld [tilespmem:s13+$0x50];
	v17 =	vshra.s32 v17, $0x18;
	v9 =	vadd.f32 v9, v1;
	v15 =	vmul.u32 v6, v16  }
0xb4: {  	v16 =	vcvt.s32.f32 v17;
	v17 =	vmul.u32 v11, v18;
	v18 =	vld [tilespmem:s20+$0xFFFFFF10];
	[tilespmem:s18+$0xFFFFFF80] =	vst v8  }
0xb5: {  	v8 =	vmul.f32 v10, v2;
	v10 =	vld [tilespmem:s20+$0xFFFFFF90];
	[tilespmem:s18+$0x80] =	vst v9;
	v9 =	vshra.s32 v15, $0x18  }
0xb6: {  	v15 =	vmul.f32 v16, v2;
	v16 =	vshra.s32 v17, $0x18;
	v9 =	vcvt.s32.f32 v9  }
0xb7: {  	v17 =	vld [tilespmem:s20+$0x90];
	v8 =	vadd.f32 v8, v1;
	v16 =	vcvt.s32.f32 v16  }
0xb8: {  	v14 =	vmul.u32 v7, v14;
	v9 =	vmul.f32 v9, v2  }
0xb9: {  	v15 =	vadd.f32 v15, v1;
	[tilespmem:s16+$0xFFFFFF40] =	vst v8;
	v8 =	vmul.f32 v16, v2;
	v16 =	vmul.u32 v3, v18  }
0xba: {  	v14 =	vshra.s32 v14, $0x18;
	v10 =	vmul.u32 v4, v10;
	v9 =	vadd.f32 v9, v1  }
0xbb: {  	v18 =	vld [tilespmem:s13+$0xFFFFFF50];
	[tilespmem:s16+$0xFFFFFFC0] =	vst v15;
	v14 =	vcvt.s32.f32 v14;
	v8 =	vadd.f32 v8, v1;
	v15 =	vshra.s32 v16, $0x18  }
0xbc: {  	v16 =	vmul.u32 v5, v17;
	v17 =	vld [tilespmem:s13+$0xFFFFFFD0];
	v15 =	vcvt.s32.f32 v15;
	v10 =	vshra.s32 v10, $0x18;
	[tilespmem:s18+$0x10] =	vst v9  }
0xbd: {  	v14 =	vmul.f32 v14, v2;
	[tilespmem:s16+$0xC0] =	vst v8;
	v8 =	vcvt.s32.f32 v10;
	v10 =	vld [tilespmem:s20+$0x20]  }
0xbe: {  	v9 =	vshra.s32 v16, $0x18  }
0xbf: {  	v16 =	vld [tilespmem:s13+$0xD0];
	v15 =	vmul.f32 v15, v2;
	v9 =	vcvt.s32.f32 v9;
	v14 =	vadd.f32 v14, v1  }
0xc0: {  	v18 =	vmul.u32 v13, v18;
	v8 =	vmul.f32 v8, v2  }
0xc1: {  	v15 =	vadd.f32 v15, v1;
	v9 =	vmul.f32 v9, v2;
	[tilespmem:s16+$0x50] =	vst v14;
	v14 =	vmul.u32 v12, v17  }
0xc2: {  	v8 =	vadd.f32 v8, v1;
	v17 =	vshra.s32 v18, $0x18;
	v10 =	vmul.u32 v6, v10  }
0xc3: {  	v18 =	vld [tilespmem:s13+$0x60];
	[tilespmem:s18+$0xFFFFFF10] =	vst v15;
	v9 =	vadd.f32 v9, v1;
	v15 =	vcvt.s32.f32 v17  }
0xc4: {  	v14 =	vshra.s32 v14, $0x18;
	v16 =	vmul.u32 v11, v16;
	v17 =	vld [tilespmem:s20+$0xFFFFFF20];
	[tilespmem:s18+$0xFFFFFF90] =	vst v8;
	v10 =	vshra.s32 v10, $0x18  }
0xc5: {  	v8 =	vcvt.s32.f32 v14;
	v14 =	vld [tilespmem:s20+$0xFFFFFFA0];
	[tilespmem:s18+$0x90] =	vst v9;
	v10 =	vcvt.s32.f32 v10  }
0xc6: {  	v9 =	vmul.f32 v15, v2;
	v15 =	vshra.s32 v16, $0x18;
	v16 =	vld [tilespmem:s20+$0xA0]  }
0xc7: {  	v8 =	vmul.f32 v8, v2;
	v10 =	vmul.f32 v10, v2  }
0xc8: {  	v9 =	vadd.f32 v9, v1;
	v15 =	vcvt.s32.f32 v15;
	v18 =	vmul.u32 v7, v18  }
0xc9: {  	v8 =	vadd.f32 v8, v1;
	v17 =	vmul.u32 v3, v17;
	v10 =	vadd.f32 v10, v1  }
0xca: {  	[tilespmem:s16+$0xFFFFFF50] =	vst v9;
	v15 =	vmul.f32 v15, v2;
	v9 =	vshra.s32 v18, $0x18;
	v14 =	vmul.u32 v4, v14  }
0xcb: {  	v18 =	vld [tilespmem:s13+$0xFFFFFF60];
	v9 =	vcvt.s32.f32 v9;
	v17 =	vshra.s32 v17, $0x18;
	v16 =	vmul.u32 v5, v16;
	[tilespmem:s18+$0x20] =	vst v10  }
0xcc: {  	s21 =	sadd.s32 $0x4, s4;
	[tilespmem:s16+$0xFFFFFFD0] =	vst v8;
	v8 =	vadd.f32 v15, v1;
	v17 =	vcvt.s32.f32 v17;
	v14 =	vshra.s32 v14, $0x18;
	v15 =	vld [tilespmem:s20+$0x30]  }
0xcd: {  	s10 =	sadd.s32 $0x4, s21;
	v9 =	vmul.f32 v9, v2;
	v10 =	vcvt.s32.f32 v14;
	v14 =	vshra.s32 v16, $0x18;
	v16 =	vld [tilespmem:s13+$0xFFFFFFE0]  }
0xce: {  	v19 =	vmov s10;
	v17 =	vmul.f32 v17, v2  }
0xcf: {  	s23 =	sadd.s32 $0x5, s21;
	[tilespmem:s16+$0xD0] =	vst v8;
	v14 =	vcvt.s32.f32 v14;
	v9 =	vadd.f32 v9, v1;
	v8 =	vmul.f32 v10, v2  }
0xd0: {  	s22 =	sadd.s32 $0x6, s21;
	v21 =	vmov s23;
	v10 =	vmul.u32 v13, v18;
	v17 =	vadd.f32 v17, v1  }
0xd1: {  	v14 =	vmul.f32 v14, v2;
	[tilespmem:s16+$0x60] =	vst v9;
	v9 =	vmov s22;
	v8 =	vadd.f32 v8, v1  }
0xd2: {  	v20 =	vld [tilespmem:s13+$0x70];
	v9 =	vand.u32 $0xFFFFFFFE, v9;
	v15 =	vmul.u32 v6, v15;
	v16 =	vmul.u32 v12, v16  }
0xd3: {  	[tilespmem:s18+$0xFFFFFF20] =	vst v17;
	v17 =	vand.u32 $0xFFFFFFFC, v19;
	v19 =	vand.u32 $0xFFFFFFFD, v21;
	v9 =	vbroadcast v9, $0x0  }
0xd4: {  	v14 =	vadd.f32 v14, v1;
	v21 =	vld [tilespmem:s20+$0xFFFFFF30];
	[tilespmem:s18+$0xFFFFFFA0] =	vst v8;
	v8 =	vbroadcast v17, $0x0;
	v15 =	vshra.s32 v15, $0x18  }
0xd5: {  	v19 =	vbroadcast v19, $0x0;
	v17 =	vld [tilespmem:s20+$0xFFFFFFB0];
	v16 =	vshra.s32 v16, $0x18;
	v15 =	vcvt.s32.f32 v15  }
0xd6: {  	s8 =	simm.s32 $0x2C00;
	v18 =	vld [tilespmem:s13+$0xE0];
	v16 =	vcvt.s32.f32 v16  }
0xd7: {  	v23 =	vld [tilespmem:s8+$0x0];
	s2 =	sadd.s32 $0x7, s21;
	v10 =	vshra.s32 v10, $0x18;
	[tilespmem:s18+$0xA0] =	vst v14;
	v7 =	vmul.u32 v7, v20;
	v15 =	vmul.f32 v15, v2  }
0xd8: {  	v22 =	vmov s2;
	v14 =	vcvt.s32.f32 v10;
	v20 =	vld [tilespmem:s20+$0xB0];
	v16 =	vmul.f32 v16, v2  }
0xd9: {  	v21 =	vmul.u32 v3, v21;
	v7 =	vshra.s32 v7, $0x18;
	v10 =	vld.idx.msk [tilespmem:v9+s25+$0x0], $0xffff;
	v15 =	vadd.f32 v15, v1  }
0xda: {  	v9 =	vmul.u32 v4, v17;
	v17 =	vcvt.s32.f32 v7;
	v7 =	vld.idx.msk [tilespmem:v8+s25+$0x0], $0xffff  }
0xdb: {  	v18 =	vmul.u32 v11, v18;
	v16 =	vadd.f32 v16, v1;
	v21 =	vshra.s32 v21, $0x18;
	v8 =	vld.idx.msk [tilespmem:v19+s25+$0x0], $0xffff;
	[tilespmem:s18+$0x30] =	vst v15  }
0xdc: {  	v19 =	vmul.f32 v14, v2;
	v21 =	vcvt.s32.f32 v21;
	v9 =	vshra.s32 v9, $0x18;
	v24 =	vld [tilespmem:s20+$0x40]  }
0xdd: {  	v18 =	vshra.s32 v18, $0x18;
	[tilespmem:s16+$0xFFFFFFE0] =	vst v16;
	v17 =	vmul.f32 v17, v2;
	v15 =	vcvt.s32.f32 v9;
	v9 =	vld.idx.msk [tilespmem:v22+s25+$0x0], $0xffff  }
0xde: {  	v18 =	vcvt.s32.f32 v18;
	v20 =	vmul.u32 v5, v20;
	v61 =	vld [tilespmem:s13+$0xFFFFFFF0];
	v21 =	vmul.f32 v21, v2  }
0xdf: {  	v14 =	vadd.f32 v17, v1;
	v17 =	vadd.f32 v19, v1;
	v19 =	vld [tilespmem:s8+$0xFFFFFF00];
	v22 =	vmul.u32 v10, v23  }
0xe0: {  	v15 =	vmul.f32 v15, v2;
	v20 =	vshra.s32 v20, $0x18;
	v23 =	vld [tilespmem:s8+$0xFFFFFF80];
	v21 =	vadd.f32 v21, v1  }
0xe1: {  	v25 =	vld [tilespmem:s8+$0x80];
	v18 =	vmul.f32 v18, v2;
	v20 =	vcvt.s32.f32 v20;
	v22 =	vshra.s32 v22, $0x18  }
0xe2: {  	v15 =	vadd.f32 v15, v1;
	[tilespmem:s18+$0xFFFFFF30] =	vst v21;
	v21 =	vcvt.s32.f32 v22;
	v22 =	vmul.u32 v6, v24  }
0xe3: {  	v18 =	vadd.f32 v18, v1;
	[tilespmem:s16+$0xFFFFFF60] =	vst v17;
	v20 =	vmul.f32 v20, v2;
	v12 =	vmul.u32 v12, v61;
	v60 =	vld [tilespmem:s20+$0xFFFFFF40]  }
0xe4: {  	v16 =	vld [tilespmem:s13+$0xFFFFFF70];
	[tilespmem:s18+$0xFFFFFFB0] =	vst v15;
	v15 =	vmul.u32 v7, v19;
	v19 =	vmul.f32 v21, v2;
	v21 =	vshra.s32 v22, $0x18  }
0xe5: {  	v17 =	vld [tilespmem:s20+$0xFFFFFFC0];
	v22 =	vmul.u32 v8, v23;
	v20 =	vadd.f32 v20, v1;
	v21 =	vcvt.s32.f32 v21  }
0xe6: {  	v23 =	vmul.u32 v9, v25;
	v15 =	vshra.s32 v15, $0x18;
	v19 =	vadd.f32 v19, v1  }
0xe7: {  	s10 =	simm.s32 $0x12C00;
	v22 =	vshra.s32 v22, $0x18;
	[tilespmem:s18+$0xB0] =	vst v20;
	v15 =	vcvt.s32.f32 v15;
	v21 =	vmul.f32 v21, v2  }
0xe8: {  	v20 =	vcvt.s32.f32 v22;
	[tilespmem:s10+$0x0] =	vst v19;
	v19 =	vshra.s32 v23, $0x18;
	v22 =	vmul.u32 v3, v60;
	v23 =	vld [tilespmem:s20+$0xC0]  }
0xe9: {  	[tilespmem:s16+$0xE0] =	vst v18;
	v15 =	vmul.f32 v15, v2;
	v18 =	vld [tilespmem:s8+$0x10];
	v19 =	vcvt.s32.f32 v19;
	v21 =	vadd.f32 v21, v1  }
0xea: {  	v13 =	vmul.u32 v13, v16;
	v20 =	vmul.f32 v20, v2;
	v17 =	vmul.u32 v4, v17  }
0xeb: {  	v22 =	vshra.s32 v22, $0x18;
	[tilespmem:s18+$0x40] =	vst v21;
	v15 =	vadd.f32 v15, v1;
	v19 =	vmul.f32 v19, v2  }
0xec: {  	v21 =	vcvt.s32.f32 v22;
	v20 =	vadd.f32 v20, v1;
	v17 =	vshra.s32 v17, $0x18;
	v16 =	vld [tilespmem:s20+$0x50]  }
0xed: {  	v62 =	vld [tilespmem:s13+$0xF0];
	v17 =	vcvt.s32.f32 v17;
	[tilespmem:s10+$0xFFFFFF00] =	vst v15;
	v15 =	vadd.f32 v19, v1;
	v19 =	vmul.u32 v5, v23  }
0xee: {  	[tilespmem:s10+$0xFFFFFF80] =	vst v20;
	v20 =	vmul.f32 v21, v2;
	v22 =	vld [tilespmem:s8+$0xFFFFFF10];
	v18 =	vmul.u32 v10, v18  }
0xef: {  	v12 =	vshra.s32 v12, $0x18;
	v21 =	vld [tilespmem:s8+$0xFFFFFF90];
	[tilespmem:s10+$0x80] =	vst v15;
	v15 =	vmul.f32 v17, v2;
	v17 =	vshra.s32 v19, $0x18  }
0xf0: {  	v20 =	vadd.f32 v20, v1;
	v18 =	vshra.s32 v18, $0x18;
	v19 =	vld [tilespmem:s8+$0x90];
	v17 =	vcvt.s32.f32 v17  }
0xf1: {  	v18 =	vcvt.s32.f32 v18;
	v15 =	vadd.f32 v15, v1;
	v16 =	vmul.u32 v6, v16  }
0xf2: {  	v11 =	vmul.u32 v11, v62;
	v12 =	vcvt.s32.f32 v12;
	[tilespmem:s18+$0xFFFFFF40] =	vst v20;
	v17 =	vmul.f32 v17, v2  }
0xf3: {  	v20 =	vmul.u32 v7, v22;
	v18 =	vmul.f32 v18, v2;
	v22 =	vld [tilespmem:s20+$0xFFFFFF50];
	[tilespmem:s18+$0xFFFFFFC0] =	vst v15;
	v15 =	vshra.s32 v16, $0x18  }
0xf4: {  	v16 =	vmul.u32 v8, v21;
	v21 =	vld [tilespmem:s20+$0xFFFFFFD0];
	v15 =	vcvt.s32.f32 v15;
	v17 =	vadd.f32 v17, v1  }
0xf5: {  	v20 =	vshra.s32 v20, $0x18;
	v18 =	vadd.f32 v18, v1;
	v19 =	vmul.u32 v9, v19  }
0xf6: {  	v16 =	vshra.s32 v16, $0x18;
	v20 =	vcvt.s32.f32 v20;
	v15 =	vmul.f32 v15, v2;
	[tilespmem:s18+$0xC0] =	vst v17  }
0xf7: {  	v13 =	vshra.s32 v13, $0x18;
	v16 =	vcvt.s32.f32 v16;
	[tilespmem:s10+$0x10] =	vst v18;
	v17 =	vshra.s32 v19, $0x18;
	v18 =	vld [tilespmem:s20+$0xD0]  }
0xf8: {  	v19 =	vmul.f32 v20, v2;
	v20 =	vld [tilespmem:s8+$0x20];
	v17 =	vcvt.s32.f32 v17;
	v15 =	vadd.f32 v15, v1  }
0xf9: {  	v16 =	vmul.f32 v16, v2;
	v22 =	vmul.u32 v3, v22;
	v21 =	vmul.u32 v4, v21  }
0xfa: {  	v19 =	vadd.f32 v19, v1;
	v17 =	vmul.f32 v17, v2;
	[tilespmem:s18+$0x50] =	vst v15;
	v15 =	vcvt.s32.f32 v13  }
0xfb: {  	v13 =	vadd.f32 v16, v1;
	v16 =	vshra.s32 v22, $0x18;
	v21 =	vshra.s32 v21, $0x18;
	v22 =	vld [tilespmem:s20+$0x60]  }
0xfc: {  	v16 =	vcvt.s32.f32 v16;
	[tilespmem:s10+$0xFFFFFF10] =	vst v19;
	v17 =	vadd.f32 v17, v1;
	v18 =	vmul.u32 v5, v18  }
0xfd: {  	v11 =	vshra.s32 v11, $0x18;
	[tilespmem:s10+$0xFFFFFF90] =	vst v13;
	v21 =	vcvt.s32.f32 v21;
	v19 =	vld [tilespmem:s8+$0xFFFFFF20];
	v20 =	vmul.u32 v10, v20  }
0xfe: {  	v13 =	vcvt.s32.f32 v11;
	v23 =	vld [tilespmem:s8+$0xFFFFFFA0];
	v16 =	vmul.f32 v16, v2;
	[tilespmem:s10+$0x90] =	vst v17;
	v17 =	vshra.s32 v18, $0x18  }
0xff: {  	v11 =	vshra.s32 v20, $0x18;
	v18 =	vld [tilespmem:s8+$0xA0];
	v20 =	vmul.f32 v21, v2;
	v17 =	vcvt.s32.f32 v17  }
0x100: {  	v16 =	vadd.f32 v16, v1;
	v21 =	vcvt.s32.f32 v11;
	v22 =	vmul.u32 v6, v22  }
0x101: {  	v11 =	vmul.f32 v15, v2;
	v20 =	vadd.f32 v20, v1;
	v17 =	vmul.f32 v17, v2  }
0x102: {  	[tilespmem:s18+$0xFFFFFF50] =	vst v16;
	v15 =	vmul.u32 v7, v19;
	v19 =	vmul.f32 v21, v2;
	v21 =	vshra.s32 v22, $0x18  }
0x103: {  	v22 =	vmul.u32 v8, v23;
	v21 =	vcvt.s32.f32 v21;
	v23 =	vadd.f32 v17, v1;
	v17 =	vld [tilespmem:s20+$0xFFFFFF60];
	[tilespmem:s18+$0xFFFFFFD0] =	vst v20  }
0x104: {  	v15 =	vshra.s32 v15, $0x18;
	v20 =	vadd.f32 v19, v1;
	v18 =	vmul.u32 v9, v18;
	v16 =	vld [tilespmem:s20+$0xFFFFFFE0]  }
0x105: {  	v63 =	vcvt.s32.f32 v15;
	v15 =	vshra.s32 v22, $0x18;
	v22 =	vmul.f32 v21, v2;
	[tilespmem:s18+$0xD0] =	vst v23  }
0x106: {  	s14 =	sshll.u32 s12, $0x2;
	v12 =	vmul.f32 v12, v2;
	v19 =	vcvt.s32.f32 v15;
	[tilespmem:s10+$0x20] =	vst v20;
	v21 =	vshra.s32 v18, $0x18;
	v15 =	vld [tilespmem:s20+$0xE0]  }
0x107: {  	s11 =	simm.s32 $0x2C00;
	s9 =	simm.s32 $0x12C00;
	[tilespmem:s16+$0x70] =	vst v14;
	s13 =	simm.s32 $0x8;
	v20 =	vmul.f32 v63, v2;
	v18 =	vld [tilespmem:s8+$0x30];
	v21 =	vcvt.s32.f32 v21;
	v14 =	vadd.f32 v22, v1  }
.LBB2_5:
0x108: {  	s2 =	sadd.s32 s13, s4;
	s13 =	sadd.s32 $0x4, s13;
	v19 =	vmul.f32 v19, v2;
	v17 =	vmul.u32 v3, v17;
	v13 =	vmul.f32 v13, v2  }
0x109: {  	s22 =	sadd.s32 $0x4, s2;
	s21 =	sadd.s32 $0x6, s2;
	p1 =	slt.u32 s13, $0x7C;
	v20 =	vadd.f32 v20, v1;
	v21 =	vmul.f32 v21, v2;
	v16 =	vmul.u32 v4, v16;
	[tilespmem:s18+$0x60] =	vst v14  }
0x10a: {  	v14 =	vmov s22;
	s22 =	sadd.s32 $0x5, s2;
	v22 =	vmov s21;
	s2 =	sadd.s32 $0x7, s2;
	v19 =	vadd.f32 v19, v1;
	v23 =	vld [tilespmem:s20+$0x70]  }
0x10b: {  	v14 =	vand.u32 $0xFFFFFFFC, v14;
	v24 =	vmov s22;
	v22 =	vand.u32 $0xFFFFFFFE, v22;
	[tilespmem:s10+$0xFFFFFF20] =	vst v20  }
0x10c: {  	v20 =	vand.u32 $0xFFFFFFFD, v24;
	v22 =	vbroadcast v22, $0x0;
	v24 =	vld [tilespmem:s8+$0xFFFFFF30];
	[tilespmem:s10+$0xFFFFFFA0] =	vst v19;
	v18 =	vmul.u32 v10, v18  }
0x10d: {  	v14 =	vbroadcast v14, $0x0;
	v19 =	vbroadcast v20, $0x0;
	v20 =	vmov s2;
	v25 =	vld [tilespmem:s8+$0xFFFFFFB0]  }
0x10e: {  	v21 =	vadd.f32 v21, v1;
	v15 =	vmul.u32 v5, v15;
	v18 =	vshra.s32 v18, $0x18  }
0x10f: {  	v17 =	vshra.s32 v17, $0x18;
	v18 =	vcvt.s32.f32 v18;
	v23 =	vmul.u32 v6, v23;
	v6 =	vmovc v10  }
0x110: {  	v17 =	vcvt.s32.f32 v17;
	v16 =	vshra.s32 v16, $0x18;
	v15 =	vshra.s32 v15, $0x18;
	[tilespmem:s10+$0xA0] =	vst v21  }
0x111: {  	v21 =	vmul.u32 v7, v24;
	v18 =	vmul.f32 v18, v2;
	v24 =	vld [tilespmem:s8+$0xB0];
	v23 =	vshra.s32 v23, $0x18  }
0x112: {  	v16 =	vcvt.s32.f32 v16;
	s8 =	sadd.s32 $0x200, s8;
	v10 =	vld.idx.msk [tilespmem:v22+s25+$0x0], $0xffff;
	v22 =	vmul.u32 v8, v25;
	v23 =	vcvt.s32.f32 v23  }
0x113: {  	v15 =	vcvt.s32.f32 v15;
	v25 =	vld [tilespmem:s8+$0x0];
	v21 =	vshra.s32 v21, $0x18;
	v18 =	vadd.f32 v18, v1  }
0x114: {  	v14 =	vld.idx.msk [tilespmem:v14+s25+$0x0], $0xffff;
	v21 =	vcvt.s32.f32 v21;
	v22 =	vshra.s32 v22, $0x18;
	v23 =	vmul.f32 v23, v2  }
0x115: {  	v11 =	vadd.f32 v11, v1;
	v17 =	vmul.f32 v17, v2;
	v19 =	vld.idx.msk [tilespmem:v19+s25+$0x0], $0xffff;
	v22 =	vcvt.s32.f32 v22;
	[tilespmem:s10+$0x30] =	vst v18  }
0x116: {  	v18 =	vmul.f32 v21, v2;
	v21 =	vld [tilespmem:s11+$0x40];
	v24 =	vmul.u32 v9, v24;
	v23 =	vadd.f32 v23, v1  }
0x117: {  	v16 =	vmul.f32 v16, v2;
	v17 =	vadd.f32 v17, v1;
	v20 =	vld.idx.msk [tilespmem:v20+s25+$0x0], $0xffff;
	v22 =	vmul.f32 v22, v2  }
0x118: {  	v26 =	vld [tilespmem:s8+$0xFFFFFF00];
	v25 =	vmul.u32 v10, v25;
	v18 =	vadd.f32 v18, v1;
	v24 =	vshra.s32 v24, $0x18;
	[tilespmem:s18+$0x70] =	vst v23  }
0x119: {  	v15 =	vmul.f32 v15, v2;
	v23 =	vld [tilespmem:s8+$0xFFFFFF80];
	v22 =	vadd.f32 v22, v1;
	v24 =	vcvt.s32.f32 v24;
	[tilespmem:s18+$0xFFFFFF60] =	vst v17  }
0x11a: {  	v12 =	vadd.f32 v12, v1;
	v16 =	vadd.f32 v16, v1;
	v17 =	vshra.s32 v25, $0x18;
	v25 =	vld [tilespmem:s8+$0x80];
	[tilespmem:s10+$0xFFFFFF30] =	vst v18  }
0x11b: {  	v17 =	vcvt.s32.f32 v17;
	v18 =	vld [tilespmem:s11+$0xFFFFFF40];
	[tilespmem:s10+$0xFFFFFFB0] =	vst v22;
	v21 =	vmul.u32 v6, v21;
	v22 =	vmul.f32 v24, v2  }
0x11c: {  	v13 =	vadd.f32 v13, v1;
	v15 =	vadd.f32 v15, v1;
	v24 =	vld [tilespmem:s11+$0xFFFFFFC0];
	[tilespmem:s18+$0xFFFFFFE0] =	vst v16  }
0x11d: {  	v16 =	vmul.u32 v14, v26;
	v17 =	vmul.f32 v17, v2;
	v21 =	vshra.s32 v21, $0x18;
	v26 =	vld [tilespmem:s20+$0xFFFFFF70];
	[tilespmem:s16+$0xFFFFFF70] =	vst v11  }
0x11e: {  	v22 =	vadd.f32 v22, v1;
	v11 =	vmul.u32 v19, v23;
	v21 =	vcvt.s32.f32 v21;
	v23 =	vld [tilespmem:s20+$0xFFFFFFF0];
	[tilespmem:s18+$0xE0] =	vst v15  }
0x11f: {  	v15 =	vshra.s32 v16, $0x18;
	v16 =	vadd.f32 v17, v1;
	v17 =	vmul.u32 v20, v25;
	v25 =	vld [tilespmem:s20+$0xF0];
	[tilespmem:s16+$0xFFFFFFF0] =	vst v12;
	s20 =	smov.u32 s11;
	s11 =	smov.u32 s8  }
0x120: {  	s10 =	sadd.s32 $0x200, s10;
	v12 =	vcvt.s32.f32 v15;
	v11 =	vshra.s32 v11, $0x18;
	v15 =	vmul.f32 v21, v2;
	[tilespmem:s9+$0xB0] =	vst v22  }
0x121: {  	v11 =	vcvt.s32.f32 v11;
	[tilespmem:s10+$0x0] =	vst v16;
	v16 =	vshra.s32 v17, $0x18;
	v17 =	vmul.u32 v7, v18;
	v18 =	vld [tilespmem:s20+$0xC0]  }
0x122: {  	v12 =	vmul.f32 v12, v2;
	v21 =	vld [tilespmem:s8+$0x10];
	v16 =	vcvt.s32.f32 v16;
	v15 =	vadd.f32 v15, v1;
	[tilespmem:s16+$0xF0] =	vst v13;
	s16 =	smov.u32 s18;
	s18 =	smov.u32 s9;
	s9 =	smov.u32 s10  }
0x123: {  	v11 =	vmul.f32 v11, v2;
	v13 =	vshra.s32 v17, $0x18;
	v17 =	vmul.u32 v8, v24  }
0x124: {  	v12 =	vadd.f32 v12, v1;
	v16 =	vmul.f32 v16, v2;
	v13 =	vcvt.s32.f32 v13;
	[tilespmem:s18+$0x40] =	vst v15  }
0x125: {  	v22 =	vmul.u32 v3, v26;
	v3 =	vmovc v7;
	v7 =	vmovc v14;
	v11 =	vadd.f32 v11, v1;
	v15 =	vshra.s32 v17, $0x18;
	v17 =	vld [tilespmem:s20+$0x50]  }
0x126: {  	[tilespmem:s10+$0xFFFFFF00] =	vst v12;
	v12 =	vadd.f32 v16, v1;
	v14 =	vcvt.s32.f32 v15;
	v15 =	vmul.u32 v9, v18  }
0x127: {  	v13 =	vmul.f32 v13, v2;
	v18 =	vmul.u32 v4, v23;
	v16 =	vld [tilespmem:s8+$0xFFFFFF10];
	[tilespmem:s10+$0xFFFFFF80] =	vst v11;
	v11 =	vmul.u32 v10, v21  }
0x128: {  	v4 =	vmovc v8;
	v21 =	vld [tilespmem:s8+$0xFFFFFF90];
	[tilespmem:s10+$0x80] =	vst v12;
	v12 =	vmul.f32 v14, v2;
	v14 =	vshra.s32 v15, $0x18;
	v15 =	vmul.u32 v5, v25  }
0x129: {  	v8 =	vmovc v19;
	v13 =	vadd.f32 v13, v1;
	v5 =	vmovc v9;
	v11 =	vshra.s32 v11, $0x18;
	v23 =	vld [tilespmem:s8+$0x90];
	v14 =	vcvt.s32.f32 v14  }
0x12a: {  	v9 =	vmovc v20;
	v11 =	vcvt.s32.f32 v11;
	v12 =	vadd.f32 v12, v1;
	v17 =	vmul.u32 v6, v17  }
0x12b: {  	v18 =	vshra.s32 v18, $0x18;
	[tilespmem:s18+$0xFFFFFF40] =	vst v13;
	v13 =	vmul.f32 v14, v2;
	v14 =	vshra.s32 v22, $0x18  }
0x12c: {  	v16 =	vmul.u32 v7, v16;
	v11 =	vmul.f32 v11, v2;
	v19 =	vld [tilespmem:s20+$0xFFFFFF50];
	[tilespmem:s18+$0xFFFFFFC0] =	vst v12;
	v12 =	vshra.s32 v17, $0x18  }
0x12d: {  	v17 =	vmul.u32 v8, v21;
	v20 =	vld [tilespmem:s20+$0xFFFFFFD0];
	v12 =	vcvt.s32.f32 v12;
	v13 =	vadd.f32 v13, v1  }
0x12e: {  	v16 =	vshra.s32 v16, $0x18;
	v11 =	vadd.f32 v11, v1;
	v21 =	vmul.u32 v9, v23  }
0x12f: {  	v16 =	vcvt.s32.f32 v16;
	v17 =	vshra.s32 v17, $0x18;
	v12 =	vmul.f32 v12, v2;
	[tilespmem:s18+$0xC0] =	vst v13  }
0x130: {  	v15 =	vshra.s32 v15, $0x18;
	v13 =	vcvt.s32.f32 v17;
	[tilespmem:s10+$0x10] =	vst v11;
	v11 =	vshra.s32 v21, $0x18;
	v17 =	vld [tilespmem:s20+$0xD0]  }
0x131: {  	v16 =	vmul.f32 v16, v2;
	v21 =	vld [tilespmem:s8+$0x20];
	v11 =	vcvt.s32.f32 v11;
	v12 =	vadd.f32 v12, v1  }
0x132: {  	v19 =	vmul.u32 v3, v19;
	v13 =	vmul.f32 v13, v2;
	v20 =	vmul.u32 v4, v20  }
0x133: {  	v16 =	vadd.f32 v16, v1;
	v11 =	vmul.f32 v11, v2;
	[tilespmem:s18+$0x50] =	vst v12;
	v12 =	vcvt.s32.f32 v14  }
0x134: {  	v14 =	vshra.s32 v19, $0x18;
	v13 =	vadd.f32 v13, v1;
	v19 =	vshra.s32 v20, $0x18;
	v20 =	vld [tilespmem:s20+$0x60]  }
0x135: {  	v14 =	vcvt.s32.f32 v14;
	[tilespmem:s10+$0xFFFFFF10] =	vst v16;
	v11 =	vadd.f32 v11, v1;
	v16 =	vmul.u32 v5, v17  }
0x136: {  	v18 =	vcvt.s32.f32 v18;
	v19 =	vcvt.s32.f32 v19;
	v17 =	vld [tilespmem:s8+$0xFFFFFF20];
	[tilespmem:s10+$0xFFFFFF90] =	vst v13;
	v21 =	vmul.u32 v10, v21  }
0x137: {  	v13 =	vcvt.s32.f32 v15;
	v22 =	vld [tilespmem:s8+$0xFFFFFFA0];
	[tilespmem:s10+$0x90] =	vst v11;
	v11 =	vmul.f32 v14, v2;
	v14 =	vshra.s32 v16, $0x18  }
0x138: {  	v19 =	vmul.f32 v19, v2;
	v15 =	vshra.s32 v21, $0x18;
	v16 =	vld [tilespmem:s8+$0xA0];
	v14 =	vcvt.s32.f32 v14  }
0x139: {  	v15 =	vcvt.s32.f32 v15;
	v21 =	vadd.f32 v11, v1;
	v20 =	vmul.u32 v6, v20  }
0x13a: {  	v19 =	vadd.f32 v19, v1;
	v11 =	vmul.f32 v12, v2;
	v14 =	vmul.f32 v14, v2  }
0x13b: {  	v12 =	vmul.u32 v7, v17;
	v15 =	vmul.f32 v15, v2;
	[tilespmem:s18+$0xFFFFFF50] =	vst v21;
	v20 =	vshra.s32 v20, $0x18  }
.Ltmp1:
0x13c: {  	v21 =	vmul.u32 v8, v22;
	v17 =	vld [tilespmem:s20+$0xFFFFFF60];
	[tilespmem:s18+$0xFFFFFFD0] =	vst v19;
	v19 =	vcvt.s32.f32 v20;
	v14 =	vadd.f32 v14, v1;
	(pc) =	sbr.rel @p1 .LBB2_5-.Ltmp1, $4  }
0x13d: {  	v12 =	vshra.s32 v12, $0x18;
	v15 =	vadd.f32 v15, v1;
	v20 =	vmul.u32 v9, v16;
	v16 =	vld [tilespmem:s20+$0xFFFFFFE0]  }
0x13e: {  	v22 =	vcvt.s32.f32 v12;
	v12 =	vshra.s32 v21, $0x18;
	v23 =	vmul.f32 v19, v2;
	[tilespmem:s18+$0xD0] =	vst v14  }
0x13f: {  	v19 =	vcvt.s32.f32 v12;
	[tilespmem:s10+$0x20] =	vst v15;
	v14 =	vshra.s32 v20, $0x18;
	v15 =	vld [tilespmem:s20+$0xE0];
	v12 =	vmul.f32 v18, v2  }
0x140: {  	v20 =	vmul.f32 v22, v2;
	v18 =	vld [tilespmem:s8+$0x30];
	v21 =	vcvt.s32.f32 v14;
	v14 =	vadd.f32 v23, v1  }
0x141: {  	v19 =	vmul.f32 v19, v2  }
0x142: {  	v20 =	vadd.f32 v20, v1;
	v21 =	vmul.f32 v21, v2  }
0x143: {  	v19 =	vadd.f32 v19, v1  }
0x144: {  	[tilespmem:s10+$0xFFFFFF20] =	vst v20;
	v20 =	vadd.f32 v21, v1  }
0x145: {  	v21 =	vld [tilespmem:s8+$0xFFFFFF30];
	[tilespmem:s10+$0xFFFFFFA0] =	vst v19  }
0x146: {  	v18 =	vmul.u32 v10, v18;
	v19 =	vld [tilespmem:s8+$0xFFFFFFB0];
	[tilespmem:s10+$0xA0] =	vst v20  }
0x147: {  	v20 =	vld [tilespmem:s8+$0xB0]  }
0x148: {  	v18 =	vshra.s32 v18, $0x18  }
0x149: {  	v18 =	vcvt.s32.f32 v18  }
0x14a: {  	v21 =	vmul.u32 v7, v21  }
0x14b: {  	v18 =	vmul.f32 v18, v2;
	v19 =	vmul.u32 v8, v19  }
0x14c: {  	v21 =	vshra.s32 v21, $0x18;
	v20 =	vmul.u32 v9, v20  }
0x14d: {  	v18 =	vadd.f32 v18, v1;
	v21 =	vcvt.s32.f32 v21;
	v19 =	vshra.s32 v19, $0x18  }
0x14e: {  	v19 =	vcvt.s32.f32 v19;
	v20 =	vshra.s32 v20, $0x18  }
0x14f: {  	[tilespmem:s10+$0x30] =	vst v18;
	v18 =	vmul.f32 v21, v2;
	v20 =	vcvt.s32.f32 v20  }
0x150: {  	v21 =	vld [tilespmem:s11+$0x40];
	v19 =	vmul.f32 v19, v2  }
0x151: {  	v18 =	vadd.f32 v18, v1;
	v20 =	vmul.f32 v20, v2  }
0x152: {  	v19 =	vadd.f32 v19, v1  }
0x153: {  	[tilespmem:s10+$0xFFFFFF30] =	vst v18;
	v18 =	vadd.f32 v20, v1  }
0x154: {  	v20 =	vld [tilespmem:s11+$0xFFFFFF40];
	[tilespmem:s10+$0xFFFFFFB0] =	vst v19  }
0x155: {  	v19 =	vmul.u32 v10, v21;
	v21 =	vld [tilespmem:s11+$0xFFFFFFC0];
	[tilespmem:s9+$0xB0] =	vst v18  }
0x156: {  	v18 =	vld [tilespmem:s11+$0xC0]  }
0x157: {  	v19 =	vshra.s32 v19, $0x18  }
0x158: {  	v19 =	vcvt.s32.f32 v19  }
0x159: {  	v20 =	vmul.u32 v7, v20  }
0x15a: {  	v19 =	vmul.f32 v19, v2;
	v21 =	vmul.u32 v8, v21  }
0x15b: {  	v20 =	vshra.s32 v20, $0x18;
	v18 =	vmul.u32 v9, v18  }
0x15c: {  	v19 =	vadd.f32 v19, v1;
	v20 =	vcvt.s32.f32 v20;
	v21 =	vshra.s32 v21, $0x18  }
0x15d: {  	v21 =	vcvt.s32.f32 v21;
	v18 =	vshra.s32 v18, $0x18  }
0x15e: {  	[tilespmem:s9+$0x40] =	vst v19;
	v19 =	vmul.f32 v20, v2;
	v18 =	vcvt.s32.f32 v18  }
0x15f: {  	v20 =	vld [tilespmem:s11+$0x50];
	v21 =	vmul.f32 v21, v2  }
0x160: {  	v19 =	vadd.f32 v19, v1;
	v18 =	vmul.f32 v18, v2  }
0x161: {  	v21 =	vadd.f32 v21, v1  }
0x162: {  	[tilespmem:s9+$0xFFFFFF40] =	vst v19;
	v18 =	vadd.f32 v18, v1  }
0x163: {  	v19 =	vld [tilespmem:s11+$0xFFFFFF50];
	[tilespmem:s9+$0xFFFFFFC0] =	vst v21  }
0x164: {  	v20 =	vmul.u32 v10, v20;
	v21 =	vld [tilespmem:s11+$0xFFFFFFD0];
	[tilespmem:s9+$0xC0] =	vst v18  }
0x165: {  	v18 =	vld [tilespmem:s11+$0xD0]  }
0x166: {  	v20 =	vshra.s32 v20, $0x18  }
0x167: {  	v20 =	vcvt.s32.f32 v20  }
0x168: {  	v19 =	vmul.u32 v7, v19  }
0x169: {  	v20 =	vmul.f32 v20, v2;
	v21 =	vmul.u32 v8, v21  }
0x16a: {  	v19 =	vshra.s32 v19, $0x18;
	v18 =	vmul.u32 v9, v18  }
0x16b: {  	v20 =	vadd.f32 v20, v1;
	v21 =	vshra.s32 v21, $0x18;
	v19 =	vcvt.s32.f32 v19  }
0x16c: {  	v21 =	vcvt.s32.f32 v21;
	v18 =	vshra.s32 v18, $0x18  }
0x16d: {  	[tilespmem:s9+$0x50] =	vst v20;
	v19 =	vmul.f32 v19, v2;
	v18 =	vcvt.s32.f32 v18  }
0x16e: {  	v20 =	vld [tilespmem:s11+$0x60];
	v21 =	vmul.f32 v21, v2  }
0x16f: {  	v19 =	vadd.f32 v19, v1;
	v18 =	vmul.f32 v18, v2  }
0x170: {  	v17 =	vmul.u32 v3, v17;
	[tilespmem:s18+$0x60] =	vst v14;
	v14 =	vadd.f32 v21, v1  }
0x171: {  	[tilespmem:s9+$0xFFFFFF50] =	vst v19;
	v18 =	vadd.f32 v18, v1  }
0x172: {  	v16 =	vmul.u32 v4, v16;
	v17 =	vshra.s32 v17, $0x18;
	v15 =	vmul.u32 v5, v15;
	v19 =	vld [tilespmem:s11+$0xFFFFFF60];
	[tilespmem:s9+$0xFFFFFFD0] =	vst v14  }
0x173: {  	v14 =	vcvt.s32.f32 v17;
	v17 =	vmul.u32 v10, v20;
	v20 =	vld [tilespmem:s11+$0xFFFFFFE0];
	[tilespmem:s9+$0xD0] =	vst v18  }
0x174: {  	v16 =	vshra.s32 v16, $0x18;
	v15 =	vshra.s32 v15, $0x18;
	v18 =	vld [tilespmem:s11+$0xE0]  }
0x175: {  	v16 =	vcvt.s32.f32 v16;
	v15 =	vcvt.s32.f32 v15;
	v17 =	vshra.s32 v17, $0x18  }
0x176: {  	v14 =	vmul.f32 v14, v2;
	v17 =	vcvt.s32.f32 v17  }
0x177: {  	v16 =	vmul.f32 v16, v2;
	v15 =	vmul.f32 v15, v2;
	v19 =	vmul.u32 v7, v19  }
0x178: {  	v14 =	vadd.f32 v14, v1;
	v17 =	vmul.f32 v17, v2;
	v20 =	vmul.u32 v8, v20  }
0x179: {  	v16 =	vadd.f32 v16, v1;
	v21 =	vld [tilespmem:s20+$0x70];
	v18 =	vmul.u32 v9, v18;
	v19 =	vshra.s32 v19, $0x18  }
0x17a: {  	[tilespmem:s18+$0xFFFFFF60] =	vst v14;
	v14 =	vadd.f32 v17, v1;
	v17 =	vcvt.s32.f32 v19;
	v19 =	vshra.s32 v20, $0x18  }
0x17b: {  	[tilespmem:s18+$0xFFFFFFE0] =	vst v16;
	v15 =	vadd.f32 v15, v1;
	v16 =	vld [tilespmem:s20+$0xFFFFFF70];
	v18 =	vshra.s32 v18, $0x18;
	v19 =	vcvt.s32.f32 v19  }
0x17c: {  	v20 =	vld [tilespmem:s20+$0xFFFFFFF0];
	[tilespmem:s9+$0x60] =	vst v14;
	v14 =	vcvt.s32.f32 v18;
	v17 =	vmul.f32 v17, v2  }
0x17d: {  	[tilespmem:s18+$0xE0] =	vst v15;
	v15 =	vld [tilespmem:s11+$0x70];
	v18 =	vmul.f32 v19, v2  }
0x17e: {  	v6 =	vmul.u32 v6, v21;
	v17 =	vadd.f32 v17, v1;
	v14 =	vmul.f32 v14, v2  }
0x17f: {  	v13 =	vmul.f32 v13, v2;
	v11 =	vadd.f32 v11, v1;
	v19 =	vld [tilespmem:s20+$0xF0];
	v18 =	vadd.f32 v18, v1  }
0x180: {  	v6 =	vshra.s32 v6, $0x18;
	v3 =	vmul.u32 v3, v16;
	[tilespmem:s9+$0xFFFFFF60] =	vst v17;
	v14 =	vadd.f32 v14, v1  }
0x181: {  	v12 =	vadd.f32 v12, v1;
	v6 =	vcvt.s32.f32 v6;
	v4 =	vmul.u32 v4, v20;
	[tilespmem:s9+$0xFFFFFFE0] =	vst v18;
	v16 =	vld [tilespmem:s11+$0xFFFFFF70]  }
0x182: {  	v13 =	vadd.f32 v13, v1;
	v3 =	vshra.s32 v3, $0x18;
	v10 =	vmul.u32 v10, v15;
	v15 =	vld [tilespmem:s11+$0xFFFFFFF0];
	[tilespmem:s9+$0xE0] =	vst v14  }
0x183: {  	v6 =	vmul.f32 v6, v2;
	v4 =	vshra.s32 v4, $0x18;
	v3 =	vcvt.s32.f32 v3;
	v14 =	vld [tilespmem:s11+$0xF0]  }
0x184: {  	v5 =	vmul.u32 v5, v19;
	v4 =	vcvt.s32.f32 v4;
	v10 =	vshra.s32 v10, $0x18  }
0x185: {  	v6 =	vadd.f32 v6, v1;
	v3 =	vmul.f32 v3, v2;
	v10 =	vcvt.s32.f32 v10  }
0x186: {  	v5 =	vshra.s32 v5, $0x18;
	v4 =	vmul.f32 v4, v2;
	v7 =	vmul.u32 v7, v16  }
0x187: {  	[tilespmem:s18+$0x70] =	vst v6;
	v5 =	vcvt.s32.f32 v5;
	v6 =	vmul.f32 v10, v2;
	v8 =	vmul.u32 v8, v15  }
0x188: {  	[tilespmem:s16+$0xFFFFFF70] =	vst v11;
	v3 =	vadd.f32 v3, v1;
	v9 =	vmul.u32 v9, v14;
	v7 =	vshra.s32 v7, $0x18  }
0x189: {  	[tilespmem:s16+$0xFFFFFFF0] =	vst v12;
	v6 =	vadd.f32 v6, v1;
	v8 =	vshra.s32 v8, $0x18;
	v7 =	vcvt.s32.f32 v7  }
0x18a: {  	[tilespmem:s16+$0xF0] =	vst v13;
	v5 =	vmul.f32 v5, v2;
	v9 =	vshra.s32 v9, $0x18;
	v8 =	vcvt.s32.f32 v8  }
0x18b: {  	v4 =	vadd.f32 v4, v1;
	[tilespmem:s9+$0x70] =	vst v6;
	v6 =	vcvt.s32.f32 v9;
	v7 =	vmul.f32 v7, v2  }
0x18c: {  	[tilespmem:s18+$0xFFFFFF70] =	vst v3;
	v5 =	vadd.f32 v5, v1;
	v3 =	vmul.f32 v8, v2  }
0x18d: {  	[tilespmem:s18+$0xFFFFFFF0] =	vst v4;
	v4 =	vmul.f32 v6, v2;
	v6 =	vadd.f32 v7, v1  }
0x18e: {  	[tilespmem:s18+$0xF0] =	vst v5;
	v3 =	vadd.f32 v3, v1  }
0x18f: {  	s2 =	sadd.s32 s7, s14;
	s17 =	sadd.s32 $0xFFFFFFFC, s4;
	v4 =	vadd.f32 v4, v1;
	[tilespmem:s9+$0xFFFFFF70] =	vst v6  }
0x190: {  	s2 =	sshll.u32 s2, $0xB;
	s18 =	sadd.s32 $0x86, s17;
	[tilespmem:s9+$0xFFFFFFF0] =	vst v3  }
0x191: {  	s2 =	sadd.s32 s5, s2;
	v3 =	vmov s18;
	[tilespmem:s9+$0xF0] =	vst v4  }
0x192: {  	v3 =	vand.u32 $0xFFFFFFFE, v3;
	[hbm4b:s2+s6] =	stream.linear.scatter [tilespmem:s26], [sflag:$0x5], $0x4000, $0x38;
	[tilespmem:$0x1A720] =	vst v63  }
0x193: {  	v3 =	vbroadcast v3, $0x0;
	_ =	swait.ge [sflag:s28], $0x4000  }
0x194: {  	[sflag:s28] =	ssyncset.done $0x0  }
0x195: {  	s2 =	simm.s32 @!p0 $0x6;
	[sflag:s28] =	ssyncadd.s32 $0xFFFFC000  }
0x196: {  	s20 =	sadd.s32 $0x84, s17;
	_ =	swait.ge @!p0 [sflag:s2], $0x4000  }
0x197: {  	v4 =	vmov s20;
	[sflag:s2] =	ssyncset.done @!p0 $0x0  }
0x198: {  	s21 =	sadd.s32 $0x85, s17;
	v4 =	vand.u32 $0xFFFFFFFC, v4;
	[sflag:s2] =	ssyncadd.s32 @!p0 $0xFFFFC000  }
0x199: {  	v5 =	vmov s21;
	s9 =	simm.s32 $0x6800;
	v4 =	vbroadcast v4, $0x0;
	v7 =	vld.idx.msk [tilespmem:v3+s25+$0x0], $0xffff  }
0x19a: {  	v3 =	vand.u32 $0xFFFFFFFD, v5;
	v5 =	vld [tilespmem:s9+$0x0]  }
0x19b: {  	v3 =	vbroadcast v3, $0x0  }
0x19c: {  	s22 =	sadd.s32 $0x87, s17  }
0x19d: {  	v6 =	vmov s22;
	_ =	sdelay $0x1  }
0x19e: {  	v13 =	vld.idx.msk [tilespmem:v4+s25+$0x0], $0xffff;
	v4 =	vmul.u32 v7, v5  }
0x19f: {  	v5 =	vld [tilespmem:s9+$0xFFFFFF00]  }
0x1a0: {  	v12 =	vld.idx.msk [tilespmem:v3+s25+$0x0], $0xffff;
	v3 =	vshra.s32 v4, $0x18  }
0x1a1: {  	v11 =	vld.idx.msk [tilespmem:v6+s25+$0x0], $0xffff;
	v3 =	vcvt.s32.f32 v3  }
0x1a2: {  	v4 =	vld [tilespmem:s9+$0xFFFFFF80]  }
0x1a3: {  	v6 =	vld [tilespmem:s9+$0x80];
	v3 =	vmul.f32 v3, v2  }
0x1a4: {  	v5 =	vmul.u32 v13, v5  }
0x1a5: {  	v3 =	vadd.f32 v3, v1  }
0x1a6: {  	s16 =	simm.s32 $0x16800;
	v5 =	vshra.s32 v5, $0x18  }
0x1a7: {  	v4 =	vmul.u32 v12, v4;
	v5 =	vcvt.s32.f32 v5;
	[tilespmem:s16+$0x0] =	vst v3  }
0x1a8: {  	v3 =	vmul.u32 v11, v6;
	v6 =	vld [tilespmem:s9+$0x10]  }
0x1a9: {  	v4 =	vshra.s32 v4, $0x18;
	v5 =	vmul.f32 v5, v2  }
0x1aa: {  	v4 =	vcvt.s32.f32 v4;
	v3 =	vshra.s32 v3, $0x18  }
0x1ab: {  	v3 =	vcvt.s32.f32 v3;
	v5 =	vadd.f32 v5, v1  }
0x1ac: {  	v4 =	vmul.f32 v4, v2  }
0x1ad: {  	v3 =	vmul.f32 v3, v2;
	[tilespmem:s16+$0xFFFFFF00] =	vst v5;
	v5 =	vmul.u32 v7, v6  }
0x1ae: {  	v4 =	vadd.f32 v4, v1;
	v6 =	vld [tilespmem:s9+$0xFFFFFF10]  }
0x1af: {  	v3 =	vadd.f32 v3, v1;
	v5 =	vshra.s32 v5, $0x18  }
0x1b0: {  	[tilespmem:s16+$0xFFFFFF80] =	vst v4;
	v4 =	vcvt.s32.f32 v5  }
0x1b1: {  	v5 =	vld [tilespmem:s9+$0xFFFFFF90];
	[tilespmem:s16+$0x80] =	vst v3  }
0x1b2: {  	v3 =	vld [tilespmem:s9+$0x90];
	v4 =	vmul.f32 v4, v2  }
0x1b3: {  	v6 =	vmul.u32 v13, v6  }
0x1b4: {  	v4 =	vadd.f32 v4, v1  }
0x1b5: {  	v6 =	vshra.s32 v6, $0x18  }
0x1b6: {  	v5 =	vmul.u32 v12, v5;
	v6 =	vcvt.s32.f32 v6;
	[tilespmem:s16+$0x10] =	vst v4  }
0x1b7: {  	v3 =	vmul.u32 v11, v3;
	v4 =	vld [tilespmem:s9+$0x20]  }
0x1b8: {  	v5 =	vshra.s32 v5, $0x18;
	v6 =	vmul.f32 v6, v2  }
0x1b9: {  	v5 =	vcvt.s32.f32 v5;
	v3 =	vshra.s32 v3, $0x18  }
0x1ba: {  	v3 =	vcvt.s32.f32 v3;
	v6 =	vadd.f32 v6, v1  }
0x1bb: {  	v5 =	vmul.f32 v5, v2  }
0x1bc: {  	v3 =	vmul.f32 v3, v2;
	[tilespmem:s16+$0xFFFFFF10] =	vst v6;
	v4 =	vmul.u32 v7, v4  }
0x1bd: {  	v5 =	vadd.f32 v5, v1;
	v6 =	vld [tilespmem:s9+$0xFFFFFF20]  }
0x1be: {  	v3 =	vadd.f32 v3, v1;
	v4 =	vshra.s32 v4, $0x18  }
0x1bf: {  	[tilespmem:s16+$0xFFFFFF90] =	vst v5;
	v4 =	vcvt.s32.f32 v4  }
0x1c0: {  	v5 =	vld [tilespmem:s9+$0xFFFFFFA0];
	[tilespmem:s16+$0x90] =	vst v3  }
0x1c1: {  	v3 =	vld [tilespmem:s9+$0xA0];
	v4 =	vmul.f32 v4, v2  }
0x1c2: {  	v6 =	vmul.u32 v13, v6  }
0x1c3: {  	v4 =	vadd.f32 v4, v1  }
0x1c4: {  	v6 =	vshra.s32 v6, $0x18  }
0x1c5: {  	v5 =	vmul.u32 v12, v5;
	v6 =	vcvt.s32.f32 v6;
	[tilespmem:s16+$0x20] =	vst v4  }
0x1c6: {  	s23 =	sadd.s32 $0x0, s4;
	v3 =	vmul.u32 v11, v3;
	v4 =	vld [tilespmem:s9+$0x30]  }
0x1c7: {  	s10 =	sadd.s32 $0x86, s23;
	v5 =	vshra.s32 v5, $0x18;
	v6 =	vmul.f32 v6, v2  }
0x1c8: {  	v8 =	vmov s10;
	v5 =	vcvt.s32.f32 v5;
	v3 =	vshra.s32 v3, $0x18  }
0x1c9: {  	v8 =	vand.u32 $0xFFFFFFFE, v8;
	v3 =	vcvt.s32.f32 v3;
	v6 =	vadd.f32 v6, v1  }
0x1ca: {  	s11 =	sadd.s32 $0x84, s23;
	v8 =	vbroadcast v8, $0x0;
	v5 =	vmul.f32 v5, v2  }
0x1cb: {  	s13 =	sadd.s32 $0x85, s23;
	v9 =	vmov s11;
	v3 =	vmul.f32 v3, v2;
	[tilespmem:s16+$0xFFFFFF20] =	vst v6;
	v4 =	vmul.u32 v7, v4  }
0x1cc: {  	v6 =	vand.u32 $0xFFFFFFFC, v9;
	v9 =	vmov s13;
	v5 =	vadd.f32 v5, v1;
	v10 =	vld [tilespmem:s9+$0xFFFFFF30]  }
0x1cd: {  	v9 =	vand.u32 $0xFFFFFFFD, v9;
	v14 =	vbroadcast v6, $0x0;
	v4 =	vshra.s32 v4, $0x18  }
0x1ce: {  	[tilespmem:s16+$0xFFFFFFA0] =	vst v5;
	v5 =	vbroadcast v9, $0x0;
	v4 =	vcvt.s32.f32 v4  }
0x1cf: {  	v3 =	vadd.f32 v3, v1;
	v9 =	vld [tilespmem:s9+$0xFFFFFFB0]  }
0x1d0: {  	s20 =	simm.s32 $0x6A00;
	s2 =	sadd.s32 $0x87, s23;
	v6 =	vld.idx.msk [tilespmem:v8+s25+$0x0], $0xffff;
	v4 =	vmul.f32 v4, v2  }
0x1d1: {  	v8 =	vmov s2;
	[tilespmem:s16+$0xA0] =	vst v3;
	v3 =	vmul.u32 v13, v10;
	v10 =	vld [tilespmem:s20+$0x0]  }
0x1d2: {  	v15 =	vld [tilespmem:s9+$0xB0];
	v16 =	vadd.f32 v4, v1  }
0x1d3: {  	v4 =	vshra.s32 v3, $0x18;
	v3 =	vld.idx.msk [tilespmem:v14+s25+$0x0], $0xffff  }
0x1d4: {  	v9 =	vmul.u32 v12, v9;
	v14 =	vcvt.s32.f32 v4;
	v4 =	vld.idx.msk [tilespmem:v5+s25+$0x0], $0xffff;
	[tilespmem:s16+$0x30] =	vst v16  }
0x1d5: {  	v16 =	vld [tilespmem:s9+$0x40]  }
0x1d6: {  	v5 =	vld.idx.msk [tilespmem:v8+s25+$0x0], $0xffff;
	v9 =	vshra.s32 v9, $0x18;
	v14 =	vmul.f32 v14, v2;
	v8 =	vmul.u32 v6, v10  }
0x1d7: {  	v10 =	vmul.u32 v11, v15;
	v15 =	vld [tilespmem:s20+$0xFFFFFF00];
	v9 =	vcvt.s32.f32 v9  }
0x1d8: {  	v17 =	vld [tilespmem:s20+$0xFFFFFF80];
	v14 =	vadd.f32 v14, v1;
	v8 =	vshra.s32 v8, $0x18  }
0x1d9: {  	v18 =	vld [tilespmem:s20+$0x80];
	v10 =	vshra.s32 v10, $0x18;
	v9 =	vmul.f32 v9, v2;
	v8 =	vcvt.s32.f32 v8  }
0x1da: {  	v10 =	vcvt.s32.f32 v10;
	[tilespmem:s16+$0xFFFFFF30] =	vst v14;
	v14 =	vmul.u32 v7, v16  }
0x1db: {  	v9 =	vadd.f32 v9, v1;
	v16 =	vld [tilespmem:s9+$0xFFFFFF40];
	v8 =	vmul.f32 v8, v2  }
0x1dc: {  	v10 =	vmul.f32 v10, v2;
	v15 =	vmul.u32 v3, v15;
	v14 =	vshra.s32 v14, $0x18  }
0x1dd: {  	[tilespmem:s16+$0xFFFFFFB0] =	vst v9;
	v9 =	vmul.u32 v4, v17;
	v8 =	vadd.f32 v8, v1;
	v14 =	vcvt.s32.f32 v14  }
0x1de: {  	s18 =	simm.s32 $0x16A00;
	v18 =	vmul.u32 v5, v18;
	v10 =	vadd.f32 v10, v1;
	v15 =	vshra.s32 v15, $0x18;
	v17 =	vld [tilespmem:s9+$0xFFFFFFC0]  }
0x1df: {  	v15 =	vcvt.s32.f32 v15;
	v9 =	vshra.s32 v9, $0x18;
	[tilespmem:s18+$0x0] =	vst v8;
	v14 =	vmul.f32 v14, v2  }
0x1e0: {  	[tilespmem:s16+$0xB0] =	vst v10;
	v8 =	vcvt.s32.f32 v9;
	v9 =	vshra.s32 v18, $0x18;
	v10 =	vmul.u32 v13, v16;
	v16 =	vld [tilespmem:s20+$0x10]  }
0x1e1: {  	v18 =	vld [tilespmem:s9+$0xC0];
	v15 =	vmul.f32 v15, v2;
	v9 =	vcvt.s32.f32 v9  }
0x1e2: {  	v14 =	vadd.f32 v14, v1;
	v8 =	vmul.f32 v8, v2;
	v10 =	vshra.s32 v10, $0x18  }
0x1e3: {  	v15 =	vadd.f32 v15, v1;
	v17 =	vmul.u32 v12, v17;
	v9 =	vmul.f32 v9, v2  }
0x1e4: {  	v10 =	vcvt.s32.f32 v10;
	[tilespmem:s16+$0x40] =	vst v14;
	v8 =	vadd.f32 v8, v1  }
0x1e5: {  	[tilespmem:s18+$0xFFFFFF00] =	vst v15;
	v14 =	vld [tilespmem:s9+$0x50];
	v17 =	vshra.s32 v17, $0x18;
	v9 =	vadd.f32 v9, v1;
	v15 =	vmul.u32 v6, v16  }
0x1e6: {  	v16 =	vcvt.s32.f32 v17;
	v17 =	vmul.u32 v11, v18;
	v18 =	vld [tilespmem:s20+$0xFFFFFF10];
	[tilespmem:s18+$0xFFFFFF80] =	vst v8  }
0x1e7: {  	v8 =	vmul.f32 v10, v2;
	v10 =	vld [tilespmem:s20+$0xFFFFFF90];
	[tilespmem:s18+$0x80] =	vst v9;
	v9 =	vshra.s32 v15, $0x18  }
0x1e8: {  	v15 =	vmul.f32 v16, v2;
	v16 =	vshra.s32 v17, $0x18;
	v9 =	vcvt.s32.f32 v9  }
0x1e9: {  	v17 =	vld [tilespmem:s20+$0x90];
	v8 =	vadd.f32 v8, v1;
	v16 =	vcvt.s32.f32 v16  }
0x1ea: {  	v14 =	vmul.u32 v7, v14;
	v9 =	vmul.f32 v9, v2  }
0x1eb: {  	v15 =	vadd.f32 v15, v1;
	[tilespmem:s16+$0xFFFFFF40] =	vst v8;
	v8 =	vmul.f32 v16, v2;
	v16 =	vmul.u32 v3, v18  }
0x1ec: {  	v14 =	vshra.s32 v14, $0x18;
	v10 =	vmul.u32 v4, v10;
	v9 =	vadd.f32 v9, v1  }
0x1ed: {  	v18 =	vld [tilespmem:s9+$0xFFFFFF50];
	[tilespmem:s16+$0xFFFFFFC0] =	vst v15;
	v14 =	vcvt.s32.f32 v14;
	v8 =	vadd.f32 v8, v1;
	v15 =	vshra.s32 v16, $0x18  }
0x1ee: {  	v16 =	vmul.u32 v5, v17;
	v17 =	vld [tilespmem:s9+$0xFFFFFFD0];
	v15 =	vcvt.s32.f32 v15;
	v10 =	vshra.s32 v10, $0x18;
	[tilespmem:s18+$0x10] =	vst v9  }
0x1ef: {  	v14 =	vmul.f32 v14, v2;
	[tilespmem:s16+$0xC0] =	vst v8;
	v8 =	vcvt.s32.f32 v10;
	v10 =	vld [tilespmem:s20+$0x20]  }
0x1f0: {  	v9 =	vshra.s32 v16, $0x18  }
0x1f1: {  	v16 =	vld [tilespmem:s9+$0xD0];
	v15 =	vmul.f32 v15, v2;
	v9 =	vcvt.s32.f32 v9;
	v14 =	vadd.f32 v14, v1  }
0x1f2: {  	v18 =	vmul.u32 v13, v18;
	v8 =	vmul.f32 v8, v2  }
0x1f3: {  	v15 =	vadd.f32 v15, v1;
	v9 =	vmul.f32 v9, v2;
	[tilespmem:s16+$0x50] =	vst v14;
	v14 =	vmul.u32 v12, v17  }
0x1f4: {  	v8 =	vadd.f32 v8, v1;
	v17 =	vshra.s32 v18, $0x18;
	v10 =	vmul.u32 v6, v10  }
0x1f5: {  	v18 =	vld [tilespmem:s9+$0x60];
	[tilespmem:s18+$0xFFFFFF10] =	vst v15;
	v9 =	vadd.f32 v9, v1;
	v15 =	vcvt.s32.f32 v17  }
0x1f6: {  	v14 =	vshra.s32 v14, $0x18;
	v16 =	vmul.u32 v11, v16;
	v17 =	vld [tilespmem:s20+$0xFFFFFF20];
	[tilespmem:s18+$0xFFFFFF90] =	vst v8;
	v10 =	vshra.s32 v10, $0x18  }
0x1f7: {  	v8 =	vcvt.s32.f32 v14;
	v14 =	vld [tilespmem:s20+$0xFFFFFFA0];
	[tilespmem:s18+$0x90] =	vst v9;
	v10 =	vcvt.s32.f32 v10  }
0x1f8: {  	v9 =	vmul.f32 v15, v2;
	v15 =	vshra.s32 v16, $0x18;
	v16 =	vld [tilespmem:s20+$0xA0]  }
0x1f9: {  	v8 =	vmul.f32 v8, v2;
	v10 =	vmul.f32 v10, v2  }
0x1fa: {  	v9 =	vadd.f32 v9, v1;
	v15 =	vcvt.s32.f32 v15;
	v18 =	vmul.u32 v7, v18  }
0x1fb: {  	v8 =	vadd.f32 v8, v1;
	v17 =	vmul.u32 v3, v17;
	v10 =	vadd.f32 v10, v1  }
0x1fc: {  	[tilespmem:s16+$0xFFFFFF50] =	vst v9;
	v15 =	vmul.f32 v15, v2;
	v9 =	vshra.s32 v18, $0x18;
	v14 =	vmul.u32 v4, v14  }
0x1fd: {  	v18 =	vld [tilespmem:s9+$0xFFFFFF60];
	v9 =	vcvt.s32.f32 v9;
	v17 =	vshra.s32 v17, $0x18;
	v16 =	vmul.u32 v5, v16;
	[tilespmem:s18+$0x20] =	vst v10  }
0x1fe: {  	s17 =	sadd.s32 $0x4, s4;
	[tilespmem:s16+$0xFFFFFFD0] =	vst v8;
	v8 =	vadd.f32 v15, v1;
	v17 =	vcvt.s32.f32 v17;
	v14 =	vshra.s32 v14, $0x18;
	v15 =	vld [tilespmem:s20+$0x30]  }
0x1ff: {  	s22 =	sadd.s32 $0x84, s17;
	v9 =	vmul.f32 v9, v2;
	v10 =	vcvt.s32.f32 v14;
	v14 =	vshra.s32 v16, $0x18;
	v16 =	vld [tilespmem:s9+$0xFFFFFFE0]  }
0x200: {  	v19 =	vmov s22;
	v17 =	vmul.f32 v17, v2  }
0x201: {  	s23 =	sadd.s32 $0x85, s17;
	[tilespmem:s16+$0xD0] =	vst v8;
	v14 =	vcvt.s32.f32 v14;
	v9 =	vadd.f32 v9, v1;
	v8 =	vmul.f32 v10, v2  }
0x202: {  	s21 =	sadd.s32 $0x86, s17;
	v21 =	vmov s23;
	v10 =	vmul.u32 v13, v18;
	v17 =	vadd.f32 v17, v1  }
0x203: {  	v14 =	vmul.f32 v14, v2;
	[tilespmem:s16+$0x60] =	vst v9;
	v9 =	vmov s21;
	v8 =	vadd.f32 v8, v1  }
0x204: {  	v20 =	vld [tilespmem:s9+$0x70];
	v9 =	vand.u32 $0xFFFFFFFE, v9;
	v15 =	vmul.u32 v6, v15;
	v16 =	vmul.u32 v12, v16  }
0x205: {  	[tilespmem:s18+$0xFFFFFF20] =	vst v17;
	v17 =	vand.u32 $0xFFFFFFFC, v19;
	v19 =	vand.u32 $0xFFFFFFFD, v21;
	v9 =	vbroadcast v9, $0x0  }
0x206: {  	v14 =	vadd.f32 v14, v1;
	v21 =	vld [tilespmem:s20+$0xFFFFFF30];
	[tilespmem:s18+$0xFFFFFFA0] =	vst v8;
	v8 =	vbroadcast v17, $0x0;
	v15 =	vshra.s32 v15, $0x18  }
0x207: {  	v19 =	vbroadcast v19, $0x0;
	v17 =	vld [tilespmem:s20+$0xFFFFFFB0];
	v16 =	vshra.s32 v16, $0x18;
	v15 =	vcvt.s32.f32 v15  }
0x208: {  	s8 =	simm.s32 $0x6C00;
	v18 =	vld [tilespmem:s9+$0xE0];
	v16 =	vcvt.s32.f32 v16  }
0x209: {  	v23 =	vld [tilespmem:s8+$0x0];
	s2 =	sadd.s32 $0x87, s17;
	v10 =	vshra.s32 v10, $0x18;
	[tilespmem:s18+$0xA0] =	vst v14;
	v7 =	vmul.u32 v7, v20;
	v15 =	vmul.f32 v15, v2  }
0x20a: {  	v22 =	vmov s2;
	v14 =	vcvt.s32.f32 v10;
	v20 =	vld [tilespmem:s20+$0xB0];
	v16 =	vmul.f32 v16, v2  }
0x20b: {  	v21 =	vmul.u32 v3, v21;
	v7 =	vshra.s32 v7, $0x18;
	v10 =	vld.idx.msk [tilespmem:v9+s25+$0x0], $0xffff;
	v15 =	vadd.f32 v15, v1  }
0x20c: {  	v9 =	vmul.u32 v4, v17;
	v17 =	vcvt.s32.f32 v7;
	v7 =	vld.idx.msk [tilespmem:v8+s25+$0x0], $0xffff  }
0x20d: {  	v18 =	vmul.u32 v11, v18;
	v16 =	vadd.f32 v16, v1;
	v21 =	vshra.s32 v21, $0x18;
	v8 =	vld.idx.msk [tilespmem:v19+s25+$0x0], $0xffff;
	[tilespmem:s18+$0x30] =	vst v15  }
0x20e: {  	v19 =	vmul.f32 v14, v2;
	v21 =	vcvt.s32.f32 v21;
	v9 =	vshra.s32 v9, $0x18;
	v24 =	vld [tilespmem:s20+$0x40]  }
0x20f: {  	v18 =	vshra.s32 v18, $0x18;
	[tilespmem:s16+$0xFFFFFFE0] =	vst v16;
	v17 =	vmul.f32 v17, v2;
	v15 =	vcvt.s32.f32 v9;
	v9 =	vld.idx.msk [tilespmem:v22+s25+$0x0], $0xffff  }
0x210: {  	v18 =	vcvt.s32.f32 v18;
	v20 =	vmul.u32 v5, v20;
	v61 =	vld [tilespmem:s9+$0xFFFFFFF0];
	v21 =	vmul.f32 v21, v2  }
0x211: {  	v14 =	vadd.f32 v17, v1;
	v17 =	vadd.f32 v19, v1;
	v19 =	vld [tilespmem:s8+$0xFFFFFF00];
	v22 =	vmul.u32 v10, v23  }
0x212: {  	v15 =	vmul.f32 v15, v2;
	v20 =	vshra.s32 v20, $0x18;
	v23 =	vld [tilespmem:s8+$0xFFFFFF80];
	v21 =	vadd.f32 v21, v1  }
0x213: {  	v25 =	vld [tilespmem:s8+$0x80];
	v18 =	vmul.f32 v18, v2;
	v20 =	vcvt.s32.f32 v20;
	v22 =	vshra.s32 v22, $0x18  }
0x214: {  	v15 =	vadd.f32 v15, v1;
	[tilespmem:s18+$0xFFFFFF30] =	vst v21;
	v21 =	vcvt.s32.f32 v22;
	v22 =	vmul.u32 v6, v24  }
0x215: {  	v18 =	vadd.f32 v18, v1;
	[tilespmem:s16+$0xFFFFFF60] =	vst v17;
	v20 =	vmul.f32 v20, v2;
	v12 =	vmul.u32 v12, v61;
	v60 =	vld [tilespmem:s20+$0xFFFFFF40]  }
0x216: {  	v16 =	vld [tilespmem:s9+$0xFFFFFF70];
	[tilespmem:s18+$0xFFFFFFB0] =	vst v15;
	v15 =	vmul.u32 v7, v19;
	v19 =	vmul.f32 v21, v2;
	v21 =	vshra.s32 v22, $0x18  }
0x217: {  	v17 =	vld [tilespmem:s20+$0xFFFFFFC0];
	v22 =	vmul.u32 v8, v23;
	v20 =	vadd.f32 v20, v1;
	v21 =	vcvt.s32.f32 v21  }
0x218: {  	v23 =	vmul.u32 v9, v25;
	v15 =	vshra.s32 v15, $0x18;
	v19 =	vadd.f32 v19, v1  }
0x219: {  	s10 =	simm.s32 $0x16C00;
	v22 =	vshra.s32 v22, $0x18;
	[tilespmem:s18+$0xB0] =	vst v20;
	v15 =	vcvt.s32.f32 v15;
	v21 =	vmul.f32 v21, v2  }
0x21a: {  	v20 =	vcvt.s32.f32 v22;
	[tilespmem:s10+$0x0] =	vst v19;
	v19 =	vshra.s32 v23, $0x18;
	v22 =	vmul.u32 v3, v60;
	v23 =	vld [tilespmem:s20+$0xC0]  }
0x21b: {  	[tilespmem:s16+$0xE0] =	vst v18;
	v15 =	vmul.f32 v15, v2;
	v18 =	vld [tilespmem:s8+$0x10];
	v19 =	vcvt.s32.f32 v19;
	v21 =	vadd.f32 v21, v1  }
0x21c: {  	v13 =	vmul.u32 v13, v16;
	v20 =	vmul.f32 v20, v2;
	v17 =	vmul.u32 v4, v17  }
0x21d: {  	v22 =	vshra.s32 v22, $0x18;
	[tilespmem:s18+$0x40] =	vst v21;
	v15 =	vadd.f32 v15, v1;
	v19 =	vmul.f32 v19, v2  }
0x21e: {  	v21 =	vcvt.s32.f32 v22;
	v20 =	vadd.f32 v20, v1;
	v17 =	vshra.s32 v17, $0x18;
	v16 =	vld [tilespmem:s20+$0x50]  }
0x21f: {  	v62 =	vld [tilespmem:s9+$0xF0];
	v17 =	vcvt.s32.f32 v17;
	[tilespmem:s10+$0xFFFFFF00] =	vst v15;
	v15 =	vadd.f32 v19, v1;
	v19 =	vmul.u32 v5, v23  }
0x220: {  	[tilespmem:s10+$0xFFFFFF80] =	vst v20;
	v20 =	vmul.f32 v21, v2;
	v22 =	vld [tilespmem:s8+$0xFFFFFF10];
	v18 =	vmul.u32 v10, v18  }
0x221: {  	v12 =	vshra.s32 v12, $0x18;
	v21 =	vld [tilespmem:s8+$0xFFFFFF90];
	[tilespmem:s10+$0x80] =	vst v15;
	v15 =	vmul.f32 v17, v2;
	v17 =	vshra.s32 v19, $0x18  }
0x222: {  	v20 =	vadd.f32 v20, v1;
	v18 =	vshra.s32 v18, $0x18;
	v19 =	vld [tilespmem:s8+$0x90];
	v17 =	vcvt.s32.f32 v17  }
0x223: {  	v18 =	vcvt.s32.f32 v18;
	v15 =	vadd.f32 v15, v1;
	v16 =	vmul.u32 v6, v16  }
0x224: {  	v11 =	vmul.u32 v11, v62;
	v12 =	vcvt.s32.f32 v12;
	[tilespmem:s18+$0xFFFFFF40] =	vst v20;
	v17 =	vmul.f32 v17, v2  }
0x225: {  	v20 =	vmul.u32 v7, v22;
	v18 =	vmul.f32 v18, v2;
	v22 =	vld [tilespmem:s20+$0xFFFFFF50];
	[tilespmem:s18+$0xFFFFFFC0] =	vst v15;
	v15 =	vshra.s32 v16, $0x18  }
0x226: {  	v16 =	vmul.u32 v8, v21;
	v21 =	vld [tilespmem:s20+$0xFFFFFFD0];
	v15 =	vcvt.s32.f32 v15;
	v17 =	vadd.f32 v17, v1  }
0x227: {  	v20 =	vshra.s32 v20, $0x18;
	v18 =	vadd.f32 v18, v1;
	v19 =	vmul.u32 v9, v19  }
0x228: {  	v16 =	vshra.s32 v16, $0x18;
	v20 =	vcvt.s32.f32 v20;
	v15 =	vmul.f32 v15, v2;
	[tilespmem:s18+$0xC0] =	vst v17  }
0x229: {  	v13 =	vshra.s32 v13, $0x18;
	v16 =	vcvt.s32.f32 v16;
	[tilespmem:s10+$0x10] =	vst v18;
	v17 =	vshra.s32 v19, $0x18;
	v18 =	vld [tilespmem:s20+$0xD0]  }
0x22a: {  	v19 =	vmul.f32 v20, v2;
	v20 =	vld [tilespmem:s8+$0x20];
	v17 =	vcvt.s32.f32 v17;
	v15 =	vadd.f32 v15, v1  }
0x22b: {  	v16 =	vmul.f32 v16, v2;
	v22 =	vmul.u32 v3, v22;
	v21 =	vmul.u32 v4, v21  }
0x22c: {  	v19 =	vadd.f32 v19, v1;
	v17 =	vmul.f32 v17, v2;
	[tilespmem:s18+$0x50] =	vst v15;
	v15 =	vcvt.s32.f32 v13  }
0x22d: {  	v13 =	vadd.f32 v16, v1;
	v16 =	vshra.s32 v22, $0x18;
	v21 =	vshra.s32 v21, $0x18;
	v22 =	vld [tilespmem:s20+$0x60]  }
0x22e: {  	v16 =	vcvt.s32.f32 v16;
	[tilespmem:s10+$0xFFFFFF10] =	vst v19;
	v17 =	vadd.f32 v17, v1;
	v18 =	vmul.u32 v5, v18  }
0x22f: {  	v11 =	vshra.s32 v11, $0x18;
	[tilespmem:s10+$0xFFFFFF90] =	vst v13;
	v21 =	vcvt.s32.f32 v21;
	v19 =	vld [tilespmem:s8+$0xFFFFFF20];
	v20 =	vmul.u32 v10, v20  }
0x230: {  	v13 =	vcvt.s32.f32 v11;
	v23 =	vld [tilespmem:s8+$0xFFFFFFA0];
	v16 =	vmul.f32 v16, v2;
	[tilespmem:s10+$0x90] =	vst v17;
	v17 =	vshra.s32 v18, $0x18  }
0x231: {  	v11 =	vshra.s32 v20, $0x18;
	v18 =	vld [tilespmem:s8+$0xA0];
	v20 =	vmul.f32 v21, v2;
	v17 =	vcvt.s32.f32 v17  }
0x232: {  	v16 =	vadd.f32 v16, v1;
	v21 =	vcvt.s32.f32 v11;
	v22 =	vmul.u32 v6, v22  }
0x233: {  	v11 =	vmul.f32 v15, v2;
	v20 =	vadd.f32 v20, v1;
	v17 =	vmul.f32 v17, v2  }
0x234: {  	[tilespmem:s18+$0xFFFFFF50] =	vst v16;
	v15 =	vmul.u32 v7, v19;
	v19 =	vmul.f32 v21, v2;
	v21 =	vshra.s32 v22, $0x18  }
0x235: {  	v22 =	vmul.u32 v8, v23;
	v21 =	vcvt.s32.f32 v21;
	v23 =	vadd.f32 v17, v1;
	v17 =	vld [tilespmem:s20+$0xFFFFFF60];
	[tilespmem:s18+$0xFFFFFFD0] =	vst v20  }
0x236: {  	v15 =	vshra.s32 v15, $0x18;
	v20 =	vadd.f32 v19, v1;
	v18 =	vmul.u32 v9, v18;
	v16 =	vld [tilespmem:s20+$0xFFFFFFE0]  }
0x237: {  	v63 =	vcvt.s32.f32 v15;
	v15 =	vshra.s32 v22, $0x18;
	v22 =	vmul.f32 v21, v2;
	[tilespmem:s18+$0xD0] =	vst v23  }
0x238: {  	s11 =	simm.s32 $0x6C00;
	v12 =	vmul.f32 v12, v2;
	v19 =	vcvt.s32.f32 v15;
	[tilespmem:s10+$0x20] =	vst v20;
	v21 =	vshra.s32 v18, $0x18;
	v15 =	vld [tilespmem:s20+$0xE0]  }
0x239: {  	s22 =	sor.u32 $0x1, s14;
	s13 =	simm.s32 $0x8;
	[tilespmem:s16+$0x70] =	vst v14;
	s9 =	simm.s32 $0x16C00;
	v20 =	vmul.f32 v63, v2;
	v18 =	vld [tilespmem:s8+$0x30];
	v21 =	vcvt.s32.f32 v21;
	v14 =	vadd.f32 v22, v1  }
.LBB2_7:
0x23a: {  	s2 =	sadd.s32 s13, s4;
	s13 =	sadd.s32 $0x4, s13;
	v19 =	vmul.f32 v19, v2;
	v17 =	vmul.u32 v3, v17;
	v13 =	vmul.f32 v13, v2  }
0x23b: {  	s21 =	sadd.s32 $0x84, s2;
	s23 =	sadd.s32 $0x86, s2;
	p0 =	slt.u32 s13, $0x7C;
	v20 =	vadd.f32 v20, v1;
	v21 =	vmul.f32 v21, v2;
	v16 =	vmul.u32 v4, v16;
	[tilespmem:s18+$0x60] =	vst v14  }
0x23c: {  	v14 =	vmov s21;
	s21 =	sadd.s32 $0x85, s2;
	v22 =	vmov s23;
	s2 =	sadd.s32 $0x87, s2;
	v19 =	vadd.f32 v19, v1;
	v23 =	vld [tilespmem:s20+$0x70]  }
0x23d: {  	v14 =	vand.u32 $0xFFFFFFFC, v14;
	v24 =	vmov s21;
	v22 =	vand.u32 $0xFFFFFFFE, v22;
	[tilespmem:s10+$0xFFFFFF20] =	vst v20  }
0x23e: {  	v20 =	vand.u32 $0xFFFFFFFD, v24;
	v22 =	vbroadcast v22, $0x0;
	v24 =	vld [tilespmem:s8+$0xFFFFFF30];
	[tilespmem:s10+$0xFFFFFFA0] =	vst v19;
	v18 =	vmul.u32 v10, v18  }
0x23f: {  	v14 =	vbroadcast v14, $0x0;
	v19 =	vbroadcast v20, $0x0;
	v20 =	vmov s2;
	v25 =	vld [tilespmem:s8+$0xFFFFFFB0]  }
0x240: {  	v21 =	vadd.f32 v21, v1;
	v15 =	vmul.u32 v5, v15;
	v18 =	vshra.s32 v18, $0x18  }
0x241: {  	v17 =	vshra.s32 v17, $0x18;
	v18 =	vcvt.s32.f32 v18;
	v23 =	vmul.u32 v6, v23;
	v6 =	vmovc v10  }
0x242: {  	v17 =	vcvt.s32.f32 v17;
	v16 =	vshra.s32 v16, $0x18;
	v15 =	vshra.s32 v15, $0x18;
	[tilespmem:s10+$0xA0] =	vst v21  }
0x243: {  	v21 =	vmul.u32 v7, v24;
	v18 =	vmul.f32 v18, v2;
	v24 =	vld [tilespmem:s8+$0xB0];
	v23 =	vshra.s32 v23, $0x18  }
0x244: {  	v16 =	vcvt.s32.f32 v16;
	s8 =	sadd.s32 $0x200, s8;
	v10 =	vld.idx.msk [tilespmem:v22+s25+$0x0], $0xffff;
	v22 =	vmul.u32 v8, v25;
	v23 =	vcvt.s32.f32 v23  }
0x245: {  	v15 =	vcvt.s32.f32 v15;
	v25 =	vld [tilespmem:s8+$0x0];
	v21 =	vshra.s32 v21, $0x18;
	v18 =	vadd.f32 v18, v1  }
0x246: {  	v14 =	vld.idx.msk [tilespmem:v14+s25+$0x0], $0xffff;
	v21 =	vcvt.s32.f32 v21;
	v22 =	vshra.s32 v22, $0x18;
	v23 =	vmul.f32 v23, v2  }
0x247: {  	v11 =	vadd.f32 v11, v1;
	v17 =	vmul.f32 v17, v2;
	v19 =	vld.idx.msk [tilespmem:v19+s25+$0x0], $0xffff;
	v22 =	vcvt.s32.f32 v22;
	[tilespmem:s10+$0x30] =	vst v18  }
0x248: {  	v18 =	vmul.f32 v21, v2;
	v21 =	vld [tilespmem:s11+$0x40];
	v24 =	vmul.u32 v9, v24;
	v23 =	vadd.f32 v23, v1  }
0x249: {  	v16 =	vmul.f32 v16, v2;
	v17 =	vadd.f32 v17, v1;
	v20 =	vld.idx.msk [tilespmem:v20+s25+$0x0], $0xffff;
	v22 =	vmul.f32 v22, v2  }
0x24a: {  	v26 =	vld [tilespmem:s8+$0xFFFFFF00];
	v25 =	vmul.u32 v10, v25;
	v18 =	vadd.f32 v18, v1;
	v24 =	vshra.s32 v24, $0x18;
	[tilespmem:s18+$0x70] =	vst v23  }
0x24b: {  	v15 =	vmul.f32 v15, v2;
	v23 =	vld [tilespmem:s8+$0xFFFFFF80];
	v22 =	vadd.f32 v22, v1;
	v24 =	vcvt.s32.f32 v24;
	[tilespmem:s18+$0xFFFFFF60] =	vst v17  }
0x24c: {  	v12 =	vadd.f32 v12, v1;
	v16 =	vadd.f32 v16, v1;
	v17 =	vshra.s32 v25, $0x18;
	v25 =	vld [tilespmem:s8+$0x80];
	[tilespmem:s10+$0xFFFFFF30] =	vst v18  }
0x24d: {  	v17 =	vcvt.s32.f32 v17;
	v18 =	vld [tilespmem:s11+$0xFFFFFF40];
	[tilespmem:s10+$0xFFFFFFB0] =	vst v22;
	v21 =	vmul.u32 v6, v21;
	v22 =	vmul.f32 v24, v2  }
0x24e: {  	v13 =	vadd.f32 v13, v1;
	v15 =	vadd.f32 v15, v1;
	v24 =	vld [tilespmem:s11+$0xFFFFFFC0];
	[tilespmem:s18+$0xFFFFFFE0] =	vst v16  }
0x24f: {  	v16 =	vmul.u32 v14, v26;
	v17 =	vmul.f32 v17, v2;
	v21 =	vshra.s32 v21, $0x18;
	v26 =	vld [tilespmem:s20+$0xFFFFFF70];
	[tilespmem:s16+$0xFFFFFF70] =	vst v11  }
0x250: {  	v22 =	vadd.f32 v22, v1;
	v11 =	vmul.u32 v19, v23;
	v21 =	vcvt.s32.f32 v21;
	v23 =	vld [tilespmem:s20+$0xFFFFFFF0];
	[tilespmem:s18+$0xE0] =	vst v15  }
0x251: {  	v15 =	vshra.s32 v16, $0x18;
	v16 =	vadd.f32 v17, v1;
	v17 =	vmul.u32 v20, v25;
	v25 =	vld [tilespmem:s20+$0xF0];
	[tilespmem:s16+$0xFFFFFFF0] =	vst v12;
	s20 =	smov.u32 s11;
	s11 =	smov.u32 s8  }
0x252: {  	s10 =	sadd.s32 $0x200, s10;
	v12 =	vcvt.s32.f32 v15;
	v11 =	vshra.s32 v11, $0x18;
	v15 =	vmul.f32 v21, v2;
	[tilespmem:s9+$0xB0] =	vst v22  }
0x253: {  	v11 =	vcvt.s32.f32 v11;
	[tilespmem:s10+$0x0] =	vst v16;
	v16 =	vshra.s32 v17, $0x18;
	v17 =	vmul.u32 v7, v18;
	v18 =	vld [tilespmem:s20+$0xC0]  }
0x254: {  	v12 =	vmul.f32 v12, v2;
	v21 =	vld [tilespmem:s8+$0x10];
	v16 =	vcvt.s32.f32 v16;
	v15 =	vadd.f32 v15, v1;
	[tilespmem:s16+$0xF0] =	vst v13;
	s16 =	smov.u32 s18;
	s18 =	smov.u32 s9;
	s9 =	smov.u32 s10  }
0x255: {  	v11 =	vmul.f32 v11, v2;
	v13 =	vshra.s32 v17, $0x18;
	v17 =	vmul.u32 v8, v24  }
0x256: {  	v12 =	vadd.f32 v12, v1;
	v16 =	vmul.f32 v16, v2;
	v13 =	vcvt.s32.f32 v13;
	[tilespmem:s18+$0x40] =	vst v15  }
0x257: {  	v22 =	vmul.u32 v3, v26;
	v3 =	vmovc v7;
	v7 =	vmovc v14;
	v11 =	vadd.f32 v11, v1;
	v15 =	vshra.s32 v17, $0x18;
	v17 =	vld [tilespmem:s20+$0x50]  }
0x258: {  	[tilespmem:s10+$0xFFFFFF00] =	vst v12;
	v12 =	vadd.f32 v16, v1;
	v14 =	vcvt.s32.f32 v15;
	v15 =	vmul.u32 v9, v18  }
0x259: {  	v13 =	vmul.f32 v13, v2;
	v18 =	vmul.u32 v4, v23;
	v16 =	vld [tilespmem:s8+$0xFFFFFF10];
	[tilespmem:s10+$0xFFFFFF80] =	vst v11;
	v11 =	vmul.u32 v10, v21  }
0x25a: {  	v4 =	vmovc v8;
	v21 =	vld [tilespmem:s8+$0xFFFFFF90];
	[tilespmem:s10+$0x80] =	vst v12;
	v12 =	vmul.f32 v14, v2;
	v14 =	vshra.s32 v15, $0x18;
	v15 =	vmul.u32 v5, v25  }
0x25b: {  	v8 =	vmovc v19;
	v13 =	vadd.f32 v13, v1;
	v5 =	vmovc v9;
	v11 =	vshra.s32 v11, $0x18;
	v23 =	vld [tilespmem:s8+$0x90];
	v14 =	vcvt.s32.f32 v14  }
0x25c: {  	v9 =	vmovc v20;
	v11 =	vcvt.s32.f32 v11;
	v12 =	vadd.f32 v12, v1;
	v17 =	vmul.u32 v6, v17  }
0x25d: {  	v18 =	vshra.s32 v18, $0x18;
	[tilespmem:s18+$0xFFFFFF40] =	vst v13;
	v13 =	vmul.f32 v14, v2;
	v14 =	vshra.s32 v22, $0x18  }
0x25e: {  	v16 =	vmul.u32 v7, v16;
	v11 =	vmul.f32 v11, v2;
	v19 =	vld [tilespmem:s20+$0xFFFFFF50];
	[tilespmem:s18+$0xFFFFFFC0] =	vst v12;
	v12 =	vshra.s32 v17, $0x18  }
0x25f: {  	v17 =	vmul.u32 v8, v21;
	v20 =	vld [tilespmem:s20+$0xFFFFFFD0];
	v12 =	vcvt.s32.f32 v12;
	v13 =	vadd.f32 v13, v1  }
0x260: {  	v16 =	vshra.s32 v16, $0x18;
	v11 =	vadd.f32 v11, v1;
	v21 =	vmul.u32 v9, v23  }
0x261: {  	v16 =	vcvt.s32.f32 v16;
	v17 =	vshra.s32 v17, $0x18;
	v12 =	vmul.f32 v12, v2;
	[tilespmem:s18+$0xC0] =	vst v13  }
0x262: {  	v15 =	vshra.s32 v15, $0x18;
	v13 =	vcvt.s32.f32 v17;
	[tilespmem:s10+$0x10] =	vst v11;
	v11 =	vshra.s32 v21, $0x18;
	v17 =	vld [tilespmem:s20+$0xD0]  }
0x263: {  	v16 =	vmul.f32 v16, v2;
	v21 =	vld [tilespmem:s8+$0x20];
	v11 =	vcvt.s32.f32 v11;
	v12 =	vadd.f32 v12, v1  }
0x264: {  	v19 =	vmul.u32 v3, v19;
	v13 =	vmul.f32 v13, v2;
	v20 =	vmul.u32 v4, v20  }
0x265: {  	v16 =	vadd.f32 v16, v1;
	v11 =	vmul.f32 v11, v2;
	[tilespmem:s18+$0x50] =	vst v12;
	v12 =	vcvt.s32.f32 v14  }
0x266: {  	v14 =	vshra.s32 v19, $0x18;
	v13 =	vadd.f32 v13, v1;
	v19 =	vshra.s32 v20, $0x18;
	v20 =	vld [tilespmem:s20+$0x60]  }
0x267: {  	v14 =	vcvt.s32.f32 v14;
	[tilespmem:s10+$0xFFFFFF10] =	vst v16;
	v11 =	vadd.f32 v11, v1;
	v16 =	vmul.u32 v5, v17  }
0x268: {  	v18 =	vcvt.s32.f32 v18;
	v19 =	vcvt.s32.f32 v19;
	v17 =	vld [tilespmem:s8+$0xFFFFFF20];
	[tilespmem:s10+$0xFFFFFF90] =	vst v13;
	v21 =	vmul.u32 v10, v21  }
0x269: {  	v13 =	vcvt.s32.f32 v15;
	v22 =	vld [tilespmem:s8+$0xFFFFFFA0];
	[tilespmem:s10+$0x90] =	vst v11;
	v11 =	vmul.f32 v14, v2;
	v14 =	vshra.s32 v16, $0x18  }
0x26a: {  	v19 =	vmul.f32 v19, v2;
	v15 =	vshra.s32 v21, $0x18;
	v16 =	vld [tilespmem:s8+$0xA0];
	v14 =	vcvt.s32.f32 v14  }
0x26b: {  	v15 =	vcvt.s32.f32 v15;
	v21 =	vadd.f32 v11, v1;
	v20 =	vmul.u32 v6, v20  }
0x26c: {  	v19 =	vadd.f32 v19, v1;
	v11 =	vmul.f32 v12, v2;
	v14 =	vmul.f32 v14, v2  }
0x26d: {  	v12 =	vmul.u32 v7, v17;
	v15 =	vmul.f32 v15, v2;
	[tilespmem:s18+$0xFFFFFF50] =	vst v21;
	v20 =	vshra.s32 v20, $0x18  }
.Ltmp2:
0x26e: {  	v21 =	vmul.u32 v8, v22;
	v17 =	vld [tilespmem:s20+$0xFFFFFF60];
	[tilespmem:s18+$0xFFFFFFD0] =	vst v19;
	v19 =	vcvt.s32.f32 v20;
	v14 =	vadd.f32 v14, v1;
	(pc) =	sbr.rel @p0 .LBB2_7-.Ltmp2, $4  }
0x26f: {  	v12 =	vshra.s32 v12, $0x18;
	v15 =	vadd.f32 v15, v1;
	v20 =	vmul.u32 v9, v16;
	v16 =	vld [tilespmem:s20+$0xFFFFFFE0]  }
0x270: {  	v22 =	vcvt.s32.f32 v12;
	v12 =	vshra.s32 v21, $0x18;
	v23 =	vmul.f32 v19, v2;
	[tilespmem:s18+$0xD0] =	vst v14  }
0x271: {  	v19 =	vcvt.s32.f32 v12;
	[tilespmem:s10+$0x20] =	vst v15;
	v14 =	vshra.s32 v20, $0x18;
	v15 =	vld [tilespmem:s20+$0xE0];
	v12 =	vmul.f32 v18, v2  }
0x272: {  	v20 =	vmul.f32 v22, v2;
	v18 =	vld [tilespmem:s8+$0x30];
	v21 =	vcvt.s32.f32 v14;
	v14 =	vadd.f32 v23, v1  }
0x273: {  	v19 =	vmul.f32 v19, v2  }
0x274: {  	v20 =	vadd.f32 v20, v1;
	v21 =	vmul.f32 v21, v2  }
0x275: {  	v19 =	vadd.f32 v19, v1  }
0x276: {  	[tilespmem:s10+$0xFFFFFF20] =	vst v20;
	v20 =	vadd.f32 v21, v1  }
0x277: {  	v21 =	vld [tilespmem:s8+$0xFFFFFF30];
	[tilespmem:s10+$0xFFFFFFA0] =	vst v19  }
0x278: {  	v18 =	vmul.u32 v10, v18;
	v19 =	vld [tilespmem:s8+$0xFFFFFFB0];
	[tilespmem:s10+$0xA0] =	vst v20  }
0x279: {  	v20 =	vld [tilespmem:s8+$0xB0]  }
0x27a: {  	v18 =	vshra.s32 v18, $0x18  }
0x27b: {  	v18 =	vcvt.s32.f32 v18  }
0x27c: {  	v21 =	vmul.u32 v7, v21  }
0x27d: {  	v18 =	vmul.f32 v18, v2;
	v19 =	vmul.u32 v8, v19  }
0x27e: {  	v21 =	vshra.s32 v21, $0x18;
	v20 =	vmul.u32 v9, v20  }
0x27f: {  	v18 =	vadd.f32 v18, v1;
	v21 =	vcvt.s32.f32 v21;
	v19 =	vshra.s32 v19, $0x18  }
0x280: {  	v19 =	vcvt.s32.f32 v19;
	v20 =	vshra.s32 v20, $0x18  }
0x281: {  	[tilespmem:s10+$0x30] =	vst v18;
	v18 =	vmul.f32 v21, v2;
	v20 =	vcvt.s32.f32 v20  }
0x282: {  	v21 =	vld [tilespmem:s11+$0x40];
	v19 =	vmul.f32 v19, v2  }
0x283: {  	v18 =	vadd.f32 v18, v1;
	v20 =	vmul.f32 v20, v2  }
0x284: {  	v19 =	vadd.f32 v19, v1  }
0x285: {  	[tilespmem:s10+$0xFFFFFF30] =	vst v18;
	v18 =	vadd.f32 v20, v1  }
0x286: {  	v20 =	vld [tilespmem:s11+$0xFFFFFF40];
	[tilespmem:s10+$0xFFFFFFB0] =	vst v19  }
0x287: {  	v19 =	vmul.u32 v10, v21;
	v21 =	vld [tilespmem:s11+$0xFFFFFFC0];
	[tilespmem:s9+$0xB0] =	vst v18  }
0x288: {  	v18 =	vld [tilespmem:s11+$0xC0]  }
0x289: {  	v19 =	vshra.s32 v19, $0x18  }
0x28a: {  	v19 =	vcvt.s32.f32 v19  }
0x28b: {  	v20 =	vmul.u32 v7, v20  }
0x28c: {  	v19 =	vmul.f32 v19, v2;
	v21 =	vmul.u32 v8, v21  }
0x28d: {  	v20 =	vshra.s32 v20, $0x18;
	v18 =	vmul.u32 v9, v18  }
0x28e: {  	v19 =	vadd.f32 v19, v1;
	v20 =	vcvt.s32.f32 v20;
	v21 =	vshra.s32 v21, $0x18  }
0x28f: {  	v21 =	vcvt.s32.f32 v21;
	v18 =	vshra.s32 v18, $0x18  }
0x290: {  	[tilespmem:s9+$0x40] =	vst v19;
	v19 =	vmul.f32 v20, v2;
	v18 =	vcvt.s32.f32 v18  }
0x291: {  	v20 =	vld [tilespmem:s11+$0x50];
	v21 =	vmul.f32 v21, v2  }
0x292: {  	v19 =	vadd.f32 v19, v1;
	v18 =	vmul.f32 v18, v2  }
0x293: {  	v21 =	vadd.f32 v21, v1  }
0x294: {  	[tilespmem:s9+$0xFFFFFF40] =	vst v19;
	v18 =	vadd.f32 v18, v1  }
0x295: {  	v19 =	vld [tilespmem:s11+$0xFFFFFF50];
	[tilespmem:s9+$0xFFFFFFC0] =	vst v21  }
0x296: {  	v20 =	vmul.u32 v10, v20;
	v21 =	vld [tilespmem:s11+$0xFFFFFFD0];
	[tilespmem:s9+$0xC0] =	vst v18  }
0x297: {  	v18 =	vld [tilespmem:s11+$0xD0]  }
0x298: {  	v20 =	vshra.s32 v20, $0x18  }
0x299: {  	v20 =	vcvt.s32.f32 v20  }
0x29a: {  	v19 =	vmul.u32 v7, v19  }
0x29b: {  	v20 =	vmul.f32 v20, v2;
	v21 =	vmul.u32 v8, v21  }
0x29c: {  	v19 =	vshra.s32 v19, $0x18;
	v18 =	vmul.u32 v9, v18  }
0x29d: {  	v20 =	vadd.f32 v20, v1;
	v21 =	vshra.s32 v21, $0x18;
	v19 =	vcvt.s32.f32 v19  }
0x29e: {  	v21 =	vcvt.s32.f32 v21;
	v18 =	vshra.s32 v18, $0x18  }
0x29f: {  	[tilespmem:s9+$0x50] =	vst v20;
	v19 =	vmul.f32 v19, v2;
	v18 =	vcvt.s32.f32 v18  }
0x2a0: {  	v20 =	vld [tilespmem:s11+$0x60];
	v21 =	vmul.f32 v21, v2  }
0x2a1: {  	v19 =	vadd.f32 v19, v1;
	v18 =	vmul.f32 v18, v2  }
0x2a2: {  	v17 =	vmul.u32 v3, v17;
	[tilespmem:s18+$0x60] =	vst v14;
	v14 =	vadd.f32 v21, v1  }
0x2a3: {  	[tilespmem:s9+$0xFFFFFF50] =	vst v19;
	v18 =	vadd.f32 v18, v1  }
0x2a4: {  	v16 =	vmul.u32 v4, v16;
	v17 =	vshra.s32 v17, $0x18;
	v15 =	vmul.u32 v5, v15;
	v19 =	vld [tilespmem:s11+$0xFFFFFF60];
	[tilespmem:s9+$0xFFFFFFD0] =	vst v14  }
0x2a5: {  	v14 =	vcvt.s32.f32 v17;
	v17 =	vmul.u32 v10, v20;
	v20 =	vld [tilespmem:s11+$0xFFFFFFE0];
	[tilespmem:s9+$0xD0] =	vst v18  }
0x2a6: {  	v16 =	vshra.s32 v16, $0x18;
	v15 =	vshra.s32 v15, $0x18;
	v18 =	vld [tilespmem:s11+$0xE0]  }
0x2a7: {  	v16 =	vcvt.s32.f32 v16;
	v15 =	vcvt.s32.f32 v15;
	v17 =	vshra.s32 v17, $0x18  }
0x2a8: {  	v14 =	vmul.f32 v14, v2;
	v17 =	vcvt.s32.f32 v17  }
0x2a9: {  	v16 =	vmul.f32 v16, v2;
	v15 =	vmul.f32 v15, v2;
	v19 =	vmul.u32 v7, v19  }
0x2aa: {  	v14 =	vadd.f32 v14, v1;
	v17 =	vmul.f32 v17, v2;
	v20 =	vmul.u32 v8, v20  }
0x2ab: {  	v16 =	vadd.f32 v16, v1;
	v21 =	vld [tilespmem:s20+$0x70];
	v18 =	vmul.u32 v9, v18;
	v19 =	vshra.s32 v19, $0x18  }
0x2ac: {  	[tilespmem:s18+$0xFFFFFF60] =	vst v14;
	v14 =	vadd.f32 v17, v1;
	v17 =	vcvt.s32.f32 v19;
	v19 =	vshra.s32 v20, $0x18  }
0x2ad: {  	[tilespmem:s18+$0xFFFFFFE0] =	vst v16;
	v15 =	vadd.f32 v15, v1;
	v16 =	vld [tilespmem:s20+$0xFFFFFF70];
	v18 =	vshra.s32 v18, $0x18;
	v19 =	vcvt.s32.f32 v19  }
0x2ae: {  	v20 =	vld [tilespmem:s20+$0xFFFFFFF0];
	[tilespmem:s9+$0x60] =	vst v14;
	v14 =	vcvt.s32.f32 v18;
	v17 =	vmul.f32 v17, v2  }
0x2af: {  	[tilespmem:s18+$0xE0] =	vst v15;
	v15 =	vld [tilespmem:s11+$0x70];
	v18 =	vmul.f32 v19, v2  }
0x2b0: {  	v6 =	vmul.u32 v6, v21;
	v17 =	vadd.f32 v17, v1;
	v14 =	vmul.f32 v14, v2  }
0x2b1: {  	v13 =	vmul.f32 v13, v2;
	v11 =	vadd.f32 v11, v1;
	v19 =	vld [tilespmem:s20+$0xF0];
	v18 =	vadd.f32 v18, v1  }
0x2b2: {  	v6 =	vshra.s32 v6, $0x18;
	v3 =	vmul.u32 v3, v16;
	[tilespmem:s9+$0xFFFFFF60] =	vst v17;
	v14 =	vadd.f32 v14, v1  }
0x2b3: {  	v12 =	vadd.f32 v12, v1;
	v6 =	vcvt.s32.f32 v6;
	v4 =	vmul.u32 v4, v20;
	[tilespmem:s9+$0xFFFFFFE0] =	vst v18;
	v16 =	vld [tilespmem:s11+$0xFFFFFF70]  }
0x2b4: {  	v13 =	vadd.f32 v13, v1;
	v3 =	vshra.s32 v3, $0x18;
	v10 =	vmul.u32 v10, v15;
	v15 =	vld [tilespmem:s11+$0xFFFFFFF0];
	[tilespmem:s9+$0xE0] =	vst v14  }
0x2b5: {  	v6 =	vmul.f32 v6, v2;
	v4 =	vshra.s32 v4, $0x18;
	v3 =	vcvt.s32.f32 v3;
	v14 =	vld [tilespmem:s11+$0xF0]  }
0x2b6: {  	v5 =	vmul.u32 v5, v19;
	v4 =	vcvt.s32.f32 v4;
	v10 =	vshra.s32 v10, $0x18  }
0x2b7: {  	v6 =	vadd.f32 v6, v1;
	v3 =	vmul.f32 v3, v2;
	v10 =	vcvt.s32.f32 v10  }
0x2b8: {  	v5 =	vshra.s32 v5, $0x18;
	v4 =	vmul.f32 v4, v2;
	v7 =	vmul.u32 v7, v16  }
0x2b9: {  	[tilespmem:s18+$0x70] =	vst v6;
	v5 =	vcvt.s32.f32 v5;
	v6 =	vmul.f32 v10, v2;
	v8 =	vmul.u32 v8, v15  }
0x2ba: {  	[tilespmem:s16+$0xFFFFFF70] =	vst v11;
	v3 =	vadd.f32 v3, v1;
	v9 =	vmul.u32 v9, v14;
	v7 =	vshra.s32 v7, $0x18  }
0x2bb: {  	[tilespmem:s16+$0xFFFFFFF0] =	vst v12;
	v6 =	vadd.f32 v6, v1;
	v8 =	vshra.s32 v8, $0x18;
	v7 =	vcvt.s32.f32 v7  }
0x2bc: {  	[tilespmem:s16+$0xF0] =	vst v13;
	v5 =	vmul.f32 v5, v2;
	v9 =	vshra.s32 v9, $0x18;
	v8 =	vcvt.s32.f32 v8  }
0x2bd: {  	v4 =	vadd.f32 v4, v1;
	[tilespmem:s9+$0x70] =	vst v6;
	v6 =	vcvt.s32.f32 v9;
	v7 =	vmul.f32 v7, v2  }
0x2be: {  	[tilespmem:s18+$0xFFFFFF70] =	vst v3;
	v5 =	vadd.f32 v5, v1;
	v3 =	vmul.f32 v8, v2  }
0x2bf: {  	[tilespmem:s18+$0xFFFFFFF0] =	vst v4;
	v4 =	vmul.f32 v6, v2;
	v6 =	vadd.f32 v7, v1  }
0x2c0: {  	s2 =	sadd.s32 s7, s22;
	[tilespmem:s18+$0xF0] =	vst v5;
	v3 =	vadd.f32 v3, v1  }
0x2c1: {  	s2 =	sshll.u32 s2, $0xB;
	v4 =	vadd.f32 v4, v1;
	[tilespmem:s9+$0xFFFFFF70] =	vst v6  }
0x2c2: {  	s2 =	sand.u32 $0x1FFFF800, s2;
	s10 =	sshll.u32 s12, $0x9;
	[tilespmem:s9+$0xFFFFFFF0] =	vst v3  }
0x2c3: {  	s13 =	sadd.s32 $0xFFFFFFFC, s4;
	s2 =	sadd.s32 s5, s2;
	s16 =	sand.u32 $0x3FFFFE00, s10;
	[tilespmem:s9+$0xF0] =	vst v4  }
0x2c4: {  	[hbm4b:s2+s6] =	stream.linear.scatter [tilespmem:s29], [sflag:$0x6], $0x4000, $0x38;
	[tilespmem:$0x1A720] =	vst v63  }
0x2c5: {  	s17 =	sadd.s32 $0x106, s13;
	s11 =	simm.s32 $0x2700;
	s2 =	sadd.s32 $0xF00, s16  }
0x2c6: {  	[tilespmem:s11], [sflag:$0x1] =	stream.indirect.gather [hbm4b:s1+s15], $0x80, s2, s15, $0xb8;
	[tilespmem:$0x1A720] =	vst v63  }
0x2c7: {  	s18 =	sadd.s32 $0xF80, s16;
	v3 =	vmov s17  }
0x2c8: {  	v3 =	vand.u32 $0xFFFFFFFE, v3;
	[tilespmem:s19], [sflag:$0x2] =	stream.indirect.gather [hbm4b:s1+s15], $0x80, s18, s15, $0xb8;
	[tilespmem:$0x1A720] =	vst v63  }
0x2c9: {  	v3 =	vbroadcast v3, $0x0;
	_ =	swait.ge [sflag:s30], $0x4000  }
0x2ca: {  	[sflag:s30] =	ssyncset.done $0x0  }
0x2cb: {  	[sflag:s30] =	ssyncadd.s32 $0xFFFFC000  }
0x2cc: {  	s20 =	sadd.s32 $0x104, s13;
	_ =	swait.ge [sflag:s31], $0x4000  }
0x2cd: {  	v4 =	vmov s20;
	[sflag:s31] =	ssyncset.done $0x0  }
0x2ce: {  	s21 =	sadd.s32 $0x105, s13;
	v4 =	vand.u32 $0xFFFFFFFC, v4;
	[sflag:s31] =	ssyncadd.s32 $0xFFFFC000  }
0x2cf: {  	s8 =	simm.s32 $0xA800;
	v5 =	vmov s21;
	v4 =	vbroadcast v4, $0x0;
	v7 =	vld.idx.msk [tilespmem:v3+s25+$0x0], $0xffff  }
0x2d0: {  	v3 =	vand.u32 $0xFFFFFFFD, v5;
	v5 =	vld [tilespmem:s8+$0x0]  }
0x2d1: {  	v3 =	vbroadcast v3, $0x0  }
0x2d2: {  	s2 =	sadd.s32 $0x107, s13  }
0x2d3: {  	v6 =	vmov s2;
	_ =	sdelay $0x1  }
0x2d4: {  	v13 =	vld.idx.msk [tilespmem:v4+s25+$0x0], $0xffff;
	v4 =	vmul.u32 v7, v5  }
0x2d5: {  	v5 =	vld [tilespmem:s8+$0xFFFFFF00]  }
0x2d6: {  	v12 =	vld.idx.msk [tilespmem:v3+s25+$0x0], $0xffff;
	v3 =	vshra.s32 v4, $0x18  }
0x2d7: {  	v11 =	vld.idx.msk [tilespmem:v6+s25+$0x0], $0xffff;
	v3 =	vcvt.s32.f32 v3  }
0x2d8: {  	v4 =	vld [tilespmem:s8+$0xFFFFFF80]  }
0x2d9: {  	v6 =	vld [tilespmem:s8+$0x80];
	v3 =	vmul.f32 v3, v2  }
0x2da: {  	v5 =	vmul.u32 v13, v5  }
0x2db: {  	v3 =	vadd.f32 v3, v1  }
0x2dc: {  	s18 =	simm.s32 $0x12800;
	v5 =	vshra.s32 v5, $0x18  }
0x2dd: {  	v4 =	vmul.u32 v12, v4;
	v5 =	vcvt.s32.f32 v5;
	[tilespmem:s18+$0x0] =	vst v3  }
0x2de: {  	v3 =	vmul.u32 v11, v6;
	v6 =	vld [tilespmem:s8+$0x10]  }
0x2df: {  	v4 =	vshra.s32 v4, $0x18;
	v5 =	vmul.f32 v5, v2  }
0x2e0: {  	v4 =	vcvt.s32.f32 v4;
	v3 =	vshra.s32 v3, $0x18  }
0x2e1: {  	v3 =	vcvt.s32.f32 v3;
	v5 =	vadd.f32 v5, v1  }
0x2e2: {  	v4 =	vmul.f32 v4, v2  }
0x2e3: {  	v3 =	vmul.f32 v3, v2;
	[tilespmem:s18+$0xFFFFFF00] =	vst v5;
	v5 =	vmul.u32 v7, v6  }
0x2e4: {  	v4 =	vadd.f32 v4, v1;
	v6 =	vld [tilespmem:s8+$0xFFFFFF10]  }
0x2e5: {  	v3 =	vadd.f32 v3, v1;
	v5 =	vshra.s32 v5, $0x18  }
0x2e6: {  	[tilespmem:s18+$0xFFFFFF80] =	vst v4;
	v4 =	vcvt.s32.f32 v5  }
0x2e7: {  	v5 =	vld [tilespmem:s8+$0xFFFFFF90];
	[tilespmem:s18+$0x80] =	vst v3  }
0x2e8: {  	v3 =	vld [tilespmem:s8+$0x90];
	v4 =	vmul.f32 v4, v2  }
0x2e9: {  	v6 =	vmul.u32 v13, v6  }
0x2ea: {  	v4 =	vadd.f32 v4, v1  }
0x2eb: {  	v6 =	vshra.s32 v6, $0x18  }
0x2ec: {  	v5 =	vmul.u32 v12, v5;
	v6 =	vcvt.s32.f32 v6;
	[tilespmem:s18+$0x10] =	vst v4  }
0x2ed: {  	v3 =	vmul.u32 v11, v3;
	v4 =	vld [tilespmem:s8+$0x20]  }
0x2ee: {  	v5 =	vshra.s32 v5, $0x18;
	v6 =	vmul.f32 v6, v2  }
0x2ef: {  	v5 =	vcvt.s32.f32 v5;
	v3 =	vshra.s32 v3, $0x18  }
0x2f0: {  	v3 =	vcvt.s32.f32 v3;
	v6 =	vadd.f32 v6, v1  }
0x2f1: {  	v5 =	vmul.f32 v5, v2  }
0x2f2: {  	v3 =	vmul.f32 v3, v2;
	[tilespmem:s18+$0xFFFFFF10] =	vst v6;
	v4 =	vmul.u32 v7, v4  }
0x2f3: {  	v5 =	vadd.f32 v5, v1;
	v6 =	vld [tilespmem:s8+$0xFFFFFF20]  }
0x2f4: {  	v3 =	vadd.f32 v3, v1;
	v4 =	vshra.s32 v4, $0x18  }
0x2f5: {  	[tilespmem:s18+$0xFFFFFF90] =	vst v5;
	v4 =	vcvt.s32.f32 v4  }
0x2f6: {  	v5 =	vld [tilespmem:s8+$0xFFFFFFA0];
	[tilespmem:s18+$0x90] =	vst v3  }
0x2f7: {  	v3 =	vld [tilespmem:s8+$0xA0];
	v4 =	vmul.f32 v4, v2  }
0x2f8: {  	v6 =	vmul.u32 v13, v6  }
0x2f9: {  	v4 =	vadd.f32 v4, v1  }
0x2fa: {  	v6 =	vshra.s32 v6, $0x18  }
0x2fb: {  	v5 =	vmul.u32 v12, v5;
	v6 =	vcvt.s32.f32 v6;
	[tilespmem:s18+$0x20] =	vst v4  }
0x2fc: {  	s22 =	sadd.s32 $0x0, s4;
	v3 =	vmul.u32 v11, v3;
	v4 =	vld [tilespmem:s8+$0x30]  }
0x2fd: {  	s23 =	sadd.s32 $0x106, s22;
	v5 =	vshra.s32 v5, $0x18;
	v6 =	vmul.f32 v6, v2  }
0x2fe: {  	v8 =	vmov s23;
	v5 =	vcvt.s32.f32 v5;
	v3 =	vshra.s32 v3, $0x18  }
0x2ff: {  	v8 =	vand.u32 $0xFFFFFFFE, v8;
	v3 =	vcvt.s32.f32 v3;
	v6 =	vadd.f32 v6, v1  }
0x300: {  	s10 =	sadd.s32 $0x104, s22;
	v8 =	vbroadcast v8, $0x0;
	v5 =	vmul.f32 v5, v2  }
0x301: {  	v9 =	vmov s10;
	s11 =	sadd.s32 $0x105, s22;
	v3 =	vmul.f32 v3, v2;
	[tilespmem:s18+$0xFFFFFF20] =	vst v6;
	v4 =	vmul.u32 v7, v4  }
0x302: {  	v6 =	vand.u32 $0xFFFFFFFC, v9;
	v9 =	vmov s11;
	v5 =	vadd.f32 v5, v1;
	v10 =	vld [tilespmem:s8+$0xFFFFFF30]  }
0x303: {  	v9 =	vand.u32 $0xFFFFFFFD, v9;
	v14 =	vbroadcast v6, $0x0;
	v4 =	vshra.s32 v4, $0x18  }
0x304: {  	[tilespmem:s18+$0xFFFFFFA0] =	vst v5;
	v5 =	vbroadcast v9, $0x0;
	v4 =	vcvt.s32.f32 v4  }
0x305: {  	v3 =	vadd.f32 v3, v1;
	v9 =	vld [tilespmem:s8+$0xFFFFFFB0]  }
0x306: {  	s2 =	sadd.s32 $0x107, s22;
	s22 =	simm.s32 $0xAA00;
	v6 =	vld.idx.msk [tilespmem:v8+s25+$0x0], $0xffff;
	v4 =	vmul.f32 v4, v2  }
0x307: {  	v8 =	vmov s2;
	[tilespmem:s18+$0xA0] =	vst v3;
	v3 =	vmul.u32 v13, v10;
	v10 =	vld [tilespmem:s22+$0x0]  }
0x308: {  	v15 =	vld [tilespmem:s8+$0xB0];
	v16 =	vadd.f32 v4, v1  }
0x309: {  	v4 =	vshra.s32 v3, $0x18;
	v3 =	vld.idx.msk [tilespmem:v14+s25+$0x0], $0xffff  }
0x30a: {  	v9 =	vmul.u32 v12, v9;
	v14 =	vcvt.s32.f32 v4;
	v4 =	vld.idx.msk [tilespmem:v5+s25+$0x0], $0xffff;
	[tilespmem:s18+$0x30] =	vst v16  }
0x30b: {  	v16 =	vld [tilespmem:s8+$0x40]  }
0x30c: {  	v5 =	vld.idx.msk [tilespmem:v8+s25+$0x0], $0xffff;
	v9 =	vshra.s32 v9, $0x18;
	v14 =	vmul.f32 v14, v2;
	v8 =	vmul.u32 v6, v10  }
0x30d: {  	v10 =	vmul.u32 v11, v15;
	v15 =	vld [tilespmem:s22+$0xFFFFFF00];
	v9 =	vcvt.s32.f32 v9  }
0x30e: {  	v17 =	vld [tilespmem:s22+$0xFFFFFF80];
	v14 =	vadd.f32 v14, v1;
	v8 =	vshra.s32 v8, $0x18  }
0x30f: {  	v18 =	vld [tilespmem:s22+$0x80];
	v10 =	vshra.s32 v10, $0x18;
	v9 =	vmul.f32 v9, v2;
	v8 =	vcvt.s32.f32 v8  }
0x310: {  	v10 =	vcvt.s32.f32 v10;
	[tilespmem:s18+$0xFFFFFF30] =	vst v14;
	v14 =	vmul.u32 v7, v16  }
0x311: {  	v9 =	vadd.f32 v9, v1;
	v16 =	vld [tilespmem:s8+$0xFFFFFF40];
	v8 =	vmul.f32 v8, v2  }
0x312: {  	v10 =	vmul.f32 v10, v2;
	v15 =	vmul.u32 v3, v15;
	v14 =	vshra.s32 v14, $0x18  }
0x313: {  	[tilespmem:s18+$0xFFFFFFB0] =	vst v9;
	v9 =	vmul.u32 v4, v17;
	v8 =	vadd.f32 v8, v1;
	v14 =	vcvt.s32.f32 v14  }
0x314: {  	s20 =	simm.s32 $0x12A00;
	v18 =	vmul.u32 v5, v18;
	v10 =	vadd.f32 v10, v1;
	v15 =	vshra.s32 v15, $0x18;
	v17 =	vld [tilespmem:s8+$0xFFFFFFC0]  }
0x315: {  	v15 =	vcvt.s32.f32 v15;
	v9 =	vshra.s32 v9, $0x18;
	[tilespmem:s20+$0x0] =	vst v8;
	v14 =	vmul.f32 v14, v2  }
0x316: {  	[tilespmem:s18+$0xB0] =	vst v10;
	v8 =	vcvt.s32.f32 v9;
	v9 =	vshra.s32 v18, $0x18;
	v10 =	vmul.u32 v13, v16;
	v16 =	vld [tilespmem:s22+$0x10]  }
0x317: {  	v18 =	vld [tilespmem:s8+$0xC0];
	v15 =	vmul.f32 v15, v2;
	v9 =	vcvt.s32.f32 v9  }
0x318: {  	v14 =	vadd.f32 v14, v1;
	v8 =	vmul.f32 v8, v2;
	v10 =	vshra.s32 v10, $0x18  }
0x319: {  	v15 =	vadd.f32 v15, v1;
	v17 =	vmul.u32 v12, v17;
	v9 =	vmul.f32 v9, v2  }
0x31a: {  	v10 =	vcvt.s32.f32 v10;
	[tilespmem:s18+$0x40] =	vst v14;
	v8 =	vadd.f32 v8, v1  }
0x31b: {  	[tilespmem:s20+$0xFFFFFF00] =	vst v15;
	v14 =	vld [tilespmem:s8+$0x50];
	v17 =	vshra.s32 v17, $0x18;
	v9 =	vadd.f32 v9, v1;
	v15 =	vmul.u32 v6, v16  }
0x31c: {  	v16 =	vcvt.s32.f32 v17;
	v17 =	vmul.u32 v11, v18;
	v18 =	vld [tilespmem:s22+$0xFFFFFF10];
	[tilespmem:s20+$0xFFFFFF80] =	vst v8  }
0x31d: {  	v8 =	vmul.f32 v10, v2;
	v10 =	vld [tilespmem:s22+$0xFFFFFF90];
	[tilespmem:s20+$0x80] =	vst v9;
	v9 =	vshra.s32 v15, $0x18  }
0x31e: {  	v15 =	vmul.f32 v16, v2;
	v16 =	vshra.s32 v17, $0x18;
	v9 =	vcvt.s32.f32 v9  }
0x31f: {  	v17 =	vld [tilespmem:s22+$0x90];
	v8 =	vadd.f32 v8, v1;
	v16 =	vcvt.s32.f32 v16  }
0x320: {  	v14 =	vmul.u32 v7, v14;
	v9 =	vmul.f32 v9, v2  }
0x321: {  	v15 =	vadd.f32 v15, v1;
	[tilespmem:s18+$0xFFFFFF40] =	vst v8;
	v8 =	vmul.f32 v16, v2;
	v16 =	vmul.u32 v3, v18  }
0x322: {  	v14 =	vshra.s32 v14, $0x18;
	v10 =	vmul.u32 v4, v10;
	v9 =	vadd.f32 v9, v1  }
0x323: {  	v18 =	vld [tilespmem:s8+$0xFFFFFF50];
	[tilespmem:s18+$0xFFFFFFC0] =	vst v15;
	v14 =	vcvt.s32.f32 v14;
	v8 =	vadd.f32 v8, v1;
	v15 =	vshra.s32 v16, $0x18  }
0x324: {  	v16 =	vmul.u32 v5, v17;
	v17 =	vld [tilespmem:s8+$0xFFFFFFD0];
	v15 =	vcvt.s32.f32 v15;
	v10 =	vshra.s32 v10, $0x18;
	[tilespmem:s20+$0x10] =	vst v9  }
0x325: {  	v14 =	vmul.f32 v14, v2;
	[tilespmem:s18+$0xC0] =	vst v8;
	v8 =	vcvt.s32.f32 v10;
	v10 =	vld [tilespmem:s22+$0x20]  }
0x326: {  	v9 =	vshra.s32 v16, $0x18  }
0x327: {  	v16 =	vld [tilespmem:s8+$0xD0];
	v15 =	vmul.f32 v15, v2;
	v9 =	vcvt.s32.f32 v9;
	v14 =	vadd.f32 v14, v1  }
0x328: {  	v18 =	vmul.u32 v13, v18;
	v8 =	vmul.f32 v8, v2  }
0x329: {  	v15 =	vadd.f32 v15, v1;
	v9 =	vmul.f32 v9, v2;
	[tilespmem:s18+$0x50] =	vst v14;
	v14 =	vmul.u32 v12, v17  }
0x32a: {  	v8 =	vadd.f32 v8, v1;
	v17 =	vshra.s32 v18, $0x18;
	v10 =	vmul.u32 v6, v10  }
0x32b: {  	v18 =	vld [tilespmem:s8+$0x60];
	[tilespmem:s20+$0xFFFFFF10] =	vst v15;
	v9 =	vadd.f32 v9, v1;
	v15 =	vcvt.s32.f32 v17  }
0x32c: {  	v14 =	vshra.s32 v14, $0x18;
	v16 =	vmul.u32 v11, v16;
	v17 =	vld [tilespmem:s22+$0xFFFFFF20];
	[tilespmem:s20+$0xFFFFFF90] =	vst v8;
	v10 =	vshra.s32 v10, $0x18  }
0x32d: {  	v8 =	vcvt.s32.f32 v14;
	v14 =	vld [tilespmem:s22+$0xFFFFFFA0];
	[tilespmem:s20+$0x90] =	vst v9;
	v10 =	vcvt.s32.f32 v10  }
0x32e: {  	v9 =	vmul.f32 v15, v2;
	v15 =	vshra.s32 v16, $0x18;
	v16 =	vld [tilespmem:s22+$0xA0]  }
0x32f: {  	v8 =	vmul.f32 v8, v2;
	v10 =	vmul.f32 v10, v2  }
0x330: {  	v9 =	vadd.f32 v9, v1;
	v15 =	vcvt.s32.f32 v15;
	v18 =	vmul.u32 v7, v18  }
0x331: {  	v8 =	vadd.f32 v8, v1;
	v17 =	vmul.u32 v3, v17;
	v10 =	vadd.f32 v10, v1  }
0x332: {  	[tilespmem:s18+$0xFFFFFF50] =	vst v9;
	v15 =	vmul.f32 v15, v2;
	v9 =	vshra.s32 v18, $0x18;
	v14 =	vmul.u32 v4, v14  }
0x333: {  	v18 =	vld [tilespmem:s8+$0xFFFFFF60];
	v9 =	vcvt.s32.f32 v9;
	v17 =	vshra.s32 v17, $0x18;
	v16 =	vmul.u32 v5, v16;
	[tilespmem:s20+$0x20] =	vst v10  }
0x334: {  	s13 =	sadd.s32 $0x4, s4;
	[tilespmem:s18+$0xFFFFFFD0] =	vst v8;
	v8 =	vadd.f32 v15, v1;
	v17 =	vcvt.s32.f32 v17;
	v14 =	vshra.s32 v14, $0x18;
	v15 =	vld [tilespmem:s22+$0x30]  }
0x335: {  	s21 =	sadd.s32 $0x104, s13;
	v9 =	vmul.f32 v9, v2;
	v10 =	vcvt.s32.f32 v14;
	v14 =	vshra.s32 v16, $0x18;
	v16 =	vld [tilespmem:s8+$0xFFFFFFE0]  }
0x336: {  	v19 =	vmov s21;
	v17 =	vmul.f32 v17, v2  }
0x337: {  	s23 =	sadd.s32 $0x105, s13;
	[tilespmem:s18+$0xD0] =	vst v8;
	v14 =	vcvt.s32.f32 v14;
	v9 =	vadd.f32 v9, v1;
	v8 =	vmul.f32 v10, v2  }
0x338: {  	s17 =	sadd.s32 $0x106, s13;
	v21 =	vmov s23;
	v10 =	vmul.u32 v13, v18;
	v17 =	vadd.f32 v17, v1  }
0x339: {  	v14 =	vmul.f32 v14, v2;
	[tilespmem:s18+$0x60] =	vst v9;
	v9 =	vmov s17;
	v8 =	vadd.f32 v8, v1  }
0x33a: {  	v20 =	vld [tilespmem:s8+$0x70];
	v9 =	vand.u32 $0xFFFFFFFE, v9;
	v15 =	vmul.u32 v6, v15;
	v16 =	vmul.u32 v12, v16  }
0x33b: {  	[tilespmem:s20+$0xFFFFFF20] =	vst v17;
	v17 =	vand.u32 $0xFFFFFFFC, v19;
	v19 =	vand.u32 $0xFFFFFFFD, v21;
	v9 =	vbroadcast v9, $0x0  }
0x33c: {  	v14 =	vadd.f32 v14, v1;
	v21 =	vld [tilespmem:s22+$0xFFFFFF30];
	[tilespmem:s20+$0xFFFFFFA0] =	vst v8;
	v8 =	vbroadcast v17, $0x0;
	v15 =	vshra.s32 v15, $0x18  }
0x33d: {  	v19 =	vbroadcast v19, $0x0;
	v17 =	vld [tilespmem:s22+$0xFFFFFFB0];
	v16 =	vshra.s32 v16, $0x18;
	v15 =	vcvt.s32.f32 v15  }
0x33e: {  	s9 =	simm.s32 $0xAC00;
	v18 =	vld [tilespmem:s8+$0xE0];
	v16 =	vcvt.s32.f32 v16  }
0x33f: {  	v23 =	vld [tilespmem:s9+$0x0];
	s2 =	sadd.s32 $0x107, s13;
	v10 =	vshra.s32 v10, $0x18;
	[tilespmem:s20+$0xA0] =	vst v14;
	v7 =	vmul.u32 v7, v20;
	v15 =	vmul.f32 v15, v2  }
0x340: {  	v22 =	vmov s2;
	v14 =	vcvt.s32.f32 v10;
	v20 =	vld [tilespmem:s22+$0xB0];
	v16 =	vmul.f32 v16, v2  }
0x341: {  	v21 =	vmul.u32 v3, v21;
	v7 =	vshra.s32 v7, $0x18;
	v10 =	vld.idx.msk [tilespmem:v9+s25+$0x0], $0xffff;
	v15 =	vadd.f32 v15, v1  }
0x342: {  	v9 =	vmul.u32 v4, v17;
	v17 =	vcvt.s32.f32 v7;
	v7 =	vld.idx.msk [tilespmem:v8+s25+$0x0], $0xffff  }
0x343: {  	v18 =	vmul.u32 v11, v18;
	v16 =	vadd.f32 v16, v1;
	v21 =	vshra.s32 v21, $0x18;
	v8 =	vld.idx.msk [tilespmem:v19+s25+$0x0], $0xffff;
	[tilespmem:s20+$0x30] =	vst v15  }
0x344: {  	v19 =	vmul.f32 v14, v2;
	v21 =	vcvt.s32.f32 v21;
	v9 =	vshra.s32 v9, $0x18;
	v24 =	vld [tilespmem:s22+$0x40]  }
0x345: {  	v18 =	vshra.s32 v18, $0x18;
	[tilespmem:s18+$0xFFFFFFE0] =	vst v16;
	v17 =	vmul.f32 v17, v2;
	v15 =	vcvt.s32.f32 v9;
	v9 =	vld.idx.msk [tilespmem:v22+s25+$0x0], $0xffff  }
0x346: {  	v18 =	vcvt.s32.f32 v18;
	v20 =	vmul.u32 v5, v20;
	v61 =	vld [tilespmem:s8+$0xFFFFFFF0];
	v21 =	vmul.f32 v21, v2  }
0x347: {  	v14 =	vadd.f32 v17, v1;
	v17 =	vadd.f32 v19, v1;
	v19 =	vld [tilespmem:s9+$0xFFFFFF00];
	v22 =	vmul.u32 v10, v23  }
0x348: {  	v15 =	vmul.f32 v15, v2;
	v20 =	vshra.s32 v20, $0x18;
	v23 =	vld [tilespmem:s9+$0xFFFFFF80];
	v21 =	vadd.f32 v21, v1  }
0x349: {  	v25 =	vld [tilespmem:s9+$0x80];
	v18 =	vmul.f32 v18, v2;
	v20 =	vcvt.s32.f32 v20;
	v22 =	vshra.s32 v22, $0x18  }
0x34a: {  	v15 =	vadd.f32 v15, v1;
	[tilespmem:s20+$0xFFFFFF30] =	vst v21;
	v21 =	vcvt.s32.f32 v22;
	v22 =	vmul.u32 v6, v24  }
0x34b: {  	v18 =	vadd.f32 v18, v1;
	[tilespmem:s18+$0xFFFFFF60] =	vst v17;
	v20 =	vmul.f32 v20, v2;
	v12 =	vmul.u32 v12, v61;
	v60 =	vld [tilespmem:s22+$0xFFFFFF40]  }
0x34c: {  	v16 =	vld [tilespmem:s8+$0xFFFFFF70];
	[tilespmem:s20+$0xFFFFFFB0] =	vst v15;
	v15 =	vmul.u32 v7, v19;
	v19 =	vmul.f32 v21, v2;
	v21 =	vshra.s32 v22, $0x18  }
0x34d: {  	v17 =	vld [tilespmem:s22+$0xFFFFFFC0];
	v22 =	vmul.u32 v8, v23;
	v20 =	vadd.f32 v20, v1;
	v21 =	vcvt.s32.f32 v21  }
0x34e: {  	v23 =	vmul.u32 v9, v25;
	v15 =	vshra.s32 v15, $0x18;
	v19 =	vadd.f32 v19, v1  }
0x34f: {  	s11 =	simm.s32 $0x12C00;
	v22 =	vshra.s32 v22, $0x18;
	[tilespmem:s20+$0xB0] =	vst v20;
	v15 =	vcvt.s32.f32 v15;
	v21 =	vmul.f32 v21, v2  }
0x350: {  	v20 =	vcvt.s32.f32 v22;
	[tilespmem:s11+$0x0] =	vst v19;
	v19 =	vshra.s32 v23, $0x18;
	v22 =	vmul.u32 v3, v60;
	v23 =	vld [tilespmem:s22+$0xC0]  }
0x351: {  	[tilespmem:s18+$0xE0] =	vst v18;
	v15 =	vmul.f32 v15, v2;
	v18 =	vld [tilespmem:s9+$0x10];
	v19 =	vcvt.s32.f32 v19;
	v21 =	vadd.f32 v21, v1  }
0x352: {  	v13 =	vmul.u32 v13, v16;
	v20 =	vmul.f32 v20, v2;
	v17 =	vmul.u32 v4, v17  }
0x353: {  	v22 =	vshra.s32 v22, $0x18;
	[tilespmem:s20+$0x40] =	vst v21;
	v15 =	vadd.f32 v15, v1;
	v19 =	vmul.f32 v19, v2  }
0x354: {  	v21 =	vcvt.s32.f32 v22;
	v20 =	vadd.f32 v20, v1;
	v17 =	vshra.s32 v17, $0x18;
	v16 =	vld [tilespmem:s22+$0x50]  }
0x355: {  	v62 =	vld [tilespmem:s8+$0xF0];
	v17 =	vcvt.s32.f32 v17;
	[tilespmem:s11+$0xFFFFFF00] =	vst v15;
	v15 =	vadd.f32 v19, v1;
	v19 =	vmul.u32 v5, v23  }
0x356: {  	[tilespmem:s11+$0xFFFFFF80] =	vst v20;
	v20 =	vmul.f32 v21, v2;
	v22 =	vld [tilespmem:s9+$0xFFFFFF10];
	v18 =	vmul.u32 v10, v18  }
0x357: {  	v12 =	vshra.s32 v12, $0x18;
	v21 =	vld [tilespmem:s9+$0xFFFFFF90];
	[tilespmem:s11+$0x80] =	vst v15;
	v15 =	vmul.f32 v17, v2;
	v17 =	vshra.s32 v19, $0x18  }
0x358: {  	v20 =	vadd.f32 v20, v1;
	v18 =	vshra.s32 v18, $0x18;
	v19 =	vld [tilespmem:s9+$0x90];
	v17 =	vcvt.s32.f32 v17  }
0x359: {  	v18 =	vcvt.s32.f32 v18;
	v15 =	vadd.f32 v15, v1;
	v16 =	vmul.u32 v6, v16  }
0x35a: {  	v11 =	vmul.u32 v11, v62;
	v12 =	vcvt.s32.f32 v12;
	[tilespmem:s20+$0xFFFFFF40] =	vst v20;
	v17 =	vmul.f32 v17, v2  }
0x35b: {  	v20 =	vmul.u32 v7, v22;
	v18 =	vmul.f32 v18, v2;
	v22 =	vld [tilespmem:s22+$0xFFFFFF50];
	[tilespmem:s20+$0xFFFFFFC0] =	vst v15;
	v15 =	vshra.s32 v16, $0x18  }
0x35c: {  	v16 =	vmul.u32 v8, v21;
	v21 =	vld [tilespmem:s22+$0xFFFFFFD0];
	v15 =	vcvt.s32.f32 v15;
	v17 =	vadd.f32 v17, v1  }
0x35d: {  	v20 =	vshra.s32 v20, $0x18;
	v18 =	vadd.f32 v18, v1;
	v19 =	vmul.u32 v9, v19  }
0x35e: {  	v16 =	vshra.s32 v16, $0x18;
	v20 =	vcvt.s32.f32 v20;
	v15 =	vmul.f32 v15, v2;
	[tilespmem:s20+$0xC0] =	vst v17  }
0x35f: {  	v13 =	vshra.s32 v13, $0x18;
	v16 =	vcvt.s32.f32 v16;
	[tilespmem:s11+$0x10] =	vst v18;
	v17 =	vshra.s32 v19, $0x18;
	v18 =	vld [tilespmem:s22+$0xD0]  }
0x360: {  	v19 =	vmul.f32 v20, v2;
	v20 =	vld [tilespmem:s9+$0x20];
	v17 =	vcvt.s32.f32 v17;
	v15 =	vadd.f32 v15, v1  }
0x361: {  	v16 =	vmul.f32 v16, v2;
	v22 =	vmul.u32 v3, v22;
	v21 =	vmul.u32 v4, v21  }
0x362: {  	v19 =	vadd.f32 v19, v1;
	v17 =	vmul.f32 v17, v2;
	[tilespmem:s20+$0x50] =	vst v15;
	v15 =	vcvt.s32.f32 v13  }
0x363: {  	v13 =	vadd.f32 v16, v1;
	v16 =	vshra.s32 v22, $0x18;
	v21 =	vshra.s32 v21, $0x18;
	v22 =	vld [tilespmem:s22+$0x60]  }
0x364: {  	v16 =	vcvt.s32.f32 v16;
	[tilespmem:s11+$0xFFFFFF10] =	vst v19;
	v17 =	vadd.f32 v17, v1;
	v18 =	vmul.u32 v5, v18  }
0x365: {  	v11 =	vshra.s32 v11, $0x18;
	[tilespmem:s11+$0xFFFFFF90] =	vst v13;
	v21 =	vcvt.s32.f32 v21;
	v19 =	vld [tilespmem:s9+$0xFFFFFF20];
	v20 =	vmul.u32 v10, v20  }
0x366: {  	v13 =	vcvt.s32.f32 v11;
	v23 =	vld [tilespmem:s9+$0xFFFFFFA0];
	v16 =	vmul.f32 v16, v2;
	[tilespmem:s11+$0x90] =	vst v17;
	v17 =	vshra.s32 v18, $0x18  }
0x367: {  	v11 =	vshra.s32 v20, $0x18;
	v18 =	vld [tilespmem:s9+$0xA0];
	v20 =	vmul.f32 v21, v2;
	v17 =	vcvt.s32.f32 v17  }
0x368: {  	v16 =	vadd.f32 v16, v1;
	v21 =	vcvt.s32.f32 v11;
	v22 =	vmul.u32 v6, v22  }
0x369: {  	v11 =	vmul.f32 v15, v2;
	v20 =	vadd.f32 v20, v1;
	v17 =	vmul.f32 v17, v2  }
0x36a: {  	[tilespmem:s20+$0xFFFFFF50] =	vst v16;
	v15 =	vmul.u32 v7, v19;
	v19 =	vmul.f32 v21, v2;
	v21 =	vshra.s32 v22, $0x18  }
0x36b: {  	v22 =	vmul.u32 v8, v23;
	v21 =	vcvt.s32.f32 v21;
	v23 =	vadd.f32 v17, v1;
	v17 =	vld [tilespmem:s22+$0xFFFFFF60];
	[tilespmem:s20+$0xFFFFFFD0] =	vst v20  }
0x36c: {  	v15 =	vshra.s32 v15, $0x18;
	v20 =	vadd.f32 v19, v1;
	v18 =	vmul.u32 v9, v18;
	v16 =	vld [tilespmem:s22+$0xFFFFFFE0]  }
0x36d: {  	v63 =	vcvt.s32.f32 v15;
	v15 =	vshra.s32 v22, $0x18;
	v22 =	vmul.f32 v21, v2;
	[tilespmem:s20+$0xD0] =	vst v23  }
0x36e: {  	s10 =	simm.s32 $0x12C00;
	v12 =	vmul.f32 v12, v2;
	v19 =	vcvt.s32.f32 v15;
	[tilespmem:s11+$0x20] =	vst v20;
	v21 =	vshra.s32 v18, $0x18;
	v15 =	vld [tilespmem:s22+$0xE0]  }
0x36f: {  	s13 =	simm.s32 $0xAC00;
	s2 =	simm.s32 $0x8;
	[tilespmem:s18+$0x70] =	vst v14;
	s8 =	sor.u32 $0x2, s14;
	v20 =	vmul.f32 v63, v2;
	v18 =	vld [tilespmem:s9+$0x30];
	v21 =	vcvt.s32.f32 v21;
	v14 =	vadd.f32 v22, v1  }
.LBB2_9:
0x370: {  	s21 =	sadd.s32 s2, s4;
	s2 =	sadd.s32 $0x4, s2;
	v19 =	vmul.f32 v19, v2;
	v17 =	vmul.u32 v3, v17;
	v13 =	vmul.f32 v13, v2  }
0x371: {  	s23 =	sadd.s32 $0x104, s21;
	s17 =	sadd.s32 $0x106, s21;
	p0 =	slt.u32 s2, $0x7C;
	v20 =	vadd.f32 v20, v1;
	v21 =	vmul.f32 v21, v2;
	v16 =	vmul.u32 v4, v16;
	[tilespmem:s20+$0x60] =	vst v14  }
0x372: {  	v14 =	vmov s23;
	s23 =	sadd.s32 $0x105, s21;
	v22 =	vmov s17;
	s17 =	sadd.s32 $0x107, s21;
	v19 =	vadd.f32 v19, v1;
	v23 =	vld [tilespmem:s22+$0x70]  }
0x373: {  	v14 =	vand.u32 $0xFFFFFFFC, v14;
	v24 =	vmov s23;
	v22 =	vand.u32 $0xFFFFFFFE, v22;
	[tilespmem:s11+$0xFFFFFF20] =	vst v20  }
0x374: {  	v20 =	vand.u32 $0xFFFFFFFD, v24;
	v22 =	vbroadcast v22, $0x0;
	v24 =	vld [tilespmem:s9+$0xFFFFFF30];
	[tilespmem:s11+$0xFFFFFFA0] =	vst v19;
	v18 =	vmul.u32 v10, v18  }
0x375: {  	v14 =	vbroadcast v14, $0x0;
	v19 =	vbroadcast v20, $0x0;
	v20 =	vmov s17;
	v25 =	vld [tilespmem:s9+$0xFFFFFFB0]  }
0x376: {  	v21 =	vadd.f32 v21, v1;
	v15 =	vmul.u32 v5, v15;
	v18 =	vshra.s32 v18, $0x18  }
0x377: {  	v17 =	vshra.s32 v17, $0x18;
	v18 =	vcvt.s32.f32 v18;
	v23 =	vmul.u32 v6, v23;
	v6 =	vmovc v10  }
0x378: {  	v17 =	vcvt.s32.f32 v17;
	v16 =	vshra.s32 v16, $0x18;
	v15 =	vshra.s32 v15, $0x18;
	[tilespmem:s11+$0xA0] =	vst v21  }
0x379: {  	v21 =	vmul.u32 v7, v24;
	v18 =	vmul.f32 v18, v2;
	v24 =	vld [tilespmem:s9+$0xB0];
	v23 =	vshra.s32 v23, $0x18  }
0x37a: {  	v16 =	vcvt.s32.f32 v16;
	s9 =	sadd.s32 $0x200, s9;
	v10 =	vld.idx.msk [tilespmem:v22+s25+$0x0], $0xffff;
	v22 =	vmul.u32 v8, v25;
	v23 =	vcvt.s32.f32 v23  }
0x37b: {  	v15 =	vcvt.s32.f32 v15;
	v25 =	vld [tilespmem:s9+$0x0];
	v21 =	vshra.s32 v21, $0x18;
	v18 =	vadd.f32 v18, v1  }
0x37c: {  	v14 =	vld.idx.msk [tilespmem:v14+s25+$0x0], $0xffff;
	v21 =	vcvt.s32.f32 v21;
	v22 =	vshra.s32 v22, $0x18;
	v23 =	vmul.f32 v23, v2  }
0x37d: {  	v11 =	vadd.f32 v11, v1;
	v17 =	vmul.f32 v17, v2;
	v19 =	vld.idx.msk [tilespmem:v19+s25+$0x0], $0xffff;
	v22 =	vcvt.s32.f32 v22;
	[tilespmem:s11+$0x30] =	vst v18  }
0x37e: {  	v18 =	vmul.f32 v21, v2;
	v21 =	vld [tilespmem:s13+$0x40];
	v24 =	vmul.u32 v9, v24;
	v23 =	vadd.f32 v23, v1  }
0x37f: {  	v16 =	vmul.f32 v16, v2;
	v17 =	vadd.f32 v17, v1;
	v20 =	vld.idx.msk [tilespmem:v20+s25+$0x0], $0xffff;
	v22 =	vmul.f32 v22, v2  }
0x380: {  	v26 =	vld [tilespmem:s9+$0xFFFFFF00];
	v25 =	vmul.u32 v10, v25;
	v18 =	vadd.f32 v18, v1;
	v24 =	vshra.s32 v24, $0x18;
	[tilespmem:s20+$0x70] =	vst v23  }
0x381: {  	v15 =	vmul.f32 v15, v2;
	v23 =	vld [tilespmem:s9+$0xFFFFFF80];
	v22 =	vadd.f32 v22, v1;
	v24 =	vcvt.s32.f32 v24;
	[tilespmem:s20+$0xFFFFFF60] =	vst v17  }
0x382: {  	v12 =	vadd.f32 v12, v1;
	v16 =	vadd.f32 v16, v1;
	v17 =	vshra.s32 v25, $0x18;
	v25 =	vld [tilespmem:s9+$0x80];
	[tilespmem:s11+$0xFFFFFF30] =	vst v18  }
0x383: {  	v17 =	vcvt.s32.f32 v17;
	v18 =	vld [tilespmem:s13+$0xFFFFFF40];
	[tilespmem:s11+$0xFFFFFFB0] =	vst v22;
	v21 =	vmul.u32 v6, v21;
	v22 =	vmul.f32 v24, v2  }
0x384: {  	v13 =	vadd.f32 v13, v1;
	v15 =	vadd.f32 v15, v1;
	v24 =	vld [tilespmem:s13+$0xFFFFFFC0];
	[tilespmem:s20+$0xFFFFFFE0] =	vst v16  }
0x385: {  	v16 =	vmul.u32 v14, v26;
	v17 =	vmul.f32 v17, v2;
	v21 =	vshra.s32 v21, $0x18;
	v26 =	vld [tilespmem:s22+$0xFFFFFF70];
	[tilespmem:s18+$0xFFFFFF70] =	vst v11  }
0x386: {  	v22 =	vadd.f32 v22, v1;
	v11 =	vmul.u32 v19, v23;
	v21 =	vcvt.s32.f32 v21;
	v23 =	vld [tilespmem:s22+$0xFFFFFFF0];
	[tilespmem:s20+$0xE0] =	vst v15  }
0x387: {  	v15 =	vshra.s32 v16, $0x18;
	v16 =	vadd.f32 v17, v1;
	v17 =	vmul.u32 v20, v25;
	v25 =	vld [tilespmem:s22+$0xF0];
	[tilespmem:s18+$0xFFFFFFF0] =	vst v12;
	s22 =	smov.u32 s13;
	s13 =	smov.u32 s9  }
0x388: {  	s11 =	sadd.s32 $0x200, s11;
	v12 =	vcvt.s32.f32 v15;
	v11 =	vshra.s32 v11, $0x18;
	v15 =	vmul.f32 v21, v2;
	[tilespmem:s10+$0xB0] =	vst v22  }
0x389: {  	v11 =	vcvt.s32.f32 v11;
	[tilespmem:s11+$0x0] =	vst v16;
	v16 =	vshra.s32 v17, $0x18;
	v17 =	vmul.u32 v7, v18;
	v18 =	vld [tilespmem:s22+$0xC0]  }
0x38a: {  	v12 =	vmul.f32 v12, v2;
	v21 =	vld [tilespmem:s9+$0x10];
	v16 =	vcvt.s32.f32 v16;
	v15 =	vadd.f32 v15, v1;
	[tilespmem:s18+$0xF0] =	vst v13;
	s18 =	smov.u32 s20;
	s20 =	smov.u32 s10;
	s10 =	smov.u32 s11  }
0x38b: {  	v11 =	vmul.f32 v11, v2;
	v13 =	vshra.s32 v17, $0x18;
	v17 =	vmul.u32 v8, v24  }
0x38c: {  	v12 =	vadd.f32 v12, v1;
	v16 =	vmul.f32 v16, v2;
	v13 =	vcvt.s32.f32 v13;
	[tilespmem:s20+$0x40] =	vst v15  }
0x38d: {  	v22 =	vmul.u32 v3, v26;
	v3 =	vmovc v7;
	v7 =	vmovc v14;
	v11 =	vadd.f32 v11, v1;
	v15 =	vshra.s32 v17, $0x18;
	v17 =	vld [tilespmem:s22+$0x50]  }
0x38e: {  	[tilespmem:s11+$0xFFFFFF00] =	vst v12;
	v12 =	vadd.f32 v16, v1;
	v14 =	vcvt.s32.f32 v15;
	v15 =	vmul.u32 v9, v18  }
0x38f: {  	v13 =	vmul.f32 v13, v2;
	v18 =	vmul.u32 v4, v23;
	v16 =	vld [tilespmem:s9+$0xFFFFFF10];
	[tilespmem:s11+$0xFFFFFF80] =	vst v11;
	v11 =	vmul.u32 v10, v21  }
0x390: {  	v4 =	vmovc v8;
	v21 =	vld [tilespmem:s9+$0xFFFFFF90];
	[tilespmem:s11+$0x80] =	vst v12;
	v12 =	vmul.f32 v14, v2;
	v14 =	vshra.s32 v15, $0x18;
	v15 =	vmul.u32 v5, v25  }
0x391: {  	v8 =	vmovc v19;
	v13 =	vadd.f32 v13, v1;
	v5 =	vmovc v9;
	v11 =	vshra.s32 v11, $0x18;
	v23 =	vld [tilespmem:s9+$0x90];
	v14 =	vcvt.s32.f32 v14  }
0x392: {  	v9 =	vmovc v20;
	v11 =	vcvt.s32.f32 v11;
	v12 =	vadd.f32 v12, v1;
	v17 =	vmul.u32 v6, v17  }
0x393: {  	v18 =	vshra.s32 v18, $0x18;
	[tilespmem:s20+$0xFFFFFF40] =	vst v13;
	v13 =	vmul.f32 v14, v2;
	v14 =	vshra.s32 v22, $0x18  }
0x394: {  	v16 =	vmul.u32 v7, v16;
	v11 =	vmul.f32 v11, v2;
	v19 =	vld [tilespmem:s22+$0xFFFFFF50];
	[tilespmem:s20+$0xFFFFFFC0] =	vst v12;
	v12 =	vshra.s32 v17, $0x18  }
0x395: {  	v17 =	vmul.u32 v8, v21;
	v20 =	vld [tilespmem:s22+$0xFFFFFFD0];
	v12 =	vcvt.s32.f32 v12;
	v13 =	vadd.f32 v13, v1  }
0x396: {  	v16 =	vshra.s32 v16, $0x18;
	v11 =	vadd.f32 v11, v1;
	v21 =	vmul.u32 v9, v23  }
0x397: {  	v16 =	vcvt.s32.f32 v16;
	v17 =	vshra.s32 v17, $0x18;
	v12 =	vmul.f32 v12, v2;
	[tilespmem:s20+$0xC0] =	vst v13  }
0x398: {  	v15 =	vshra.s32 v15, $0x18;
	v13 =	vcvt.s32.f32 v17;
	[tilespmem:s11+$0x10] =	vst v11;
	v11 =	vshra.s32 v21, $0x18;
	v17 =	vld [tilespmem:s22+$0xD0]  }
0x399: {  	v16 =	vmul.f32 v16, v2;
	v21 =	vld [tilespmem:s9+$0x20];
	v11 =	vcvt.s32.f32 v11;
	v12 =	vadd.f32 v12, v1  }
0x39a: {  	v19 =	vmul.u32 v3, v19;
	v13 =	vmul.f32 v13, v2;
	v20 =	vmul.u32 v4, v20  }
0x39b: {  	v16 =	vadd.f32 v16, v1;
	v11 =	vmul.f32 v11, v2;
	[tilespmem:s20+$0x50] =	vst v12;
	v12 =	vcvt.s32.f32 v14  }
0x39c: {  	v14 =	vshra.s32 v19, $0x18;
	v13 =	vadd.f32 v13, v1;
	v19 =	vshra.s32 v20, $0x18;
	v20 =	vld [tilespmem:s22+$0x60]  }
0x39d: {  	v14 =	vcvt.s32.f32 v14;
	[tilespmem:s11+$0xFFFFFF10] =	vst v16;
	v11 =	vadd.f32 v11, v1;
	v16 =	vmul.u32 v5, v17  }
0x39e: {  	v18 =	vcvt.s32.f32 v18;
	v19 =	vcvt.s32.f32 v19;
	v17 =	vld [tilespmem:s9+$0xFFFFFF20];
	[tilespmem:s11+$0xFFFFFF90] =	vst v13;
	v21 =	vmul.u32 v10, v21  }
0x39f: {  	v13 =	vcvt.s32.f32 v15;
	v22 =	vld [tilespmem:s9+$0xFFFFFFA0];
	[tilespmem:s11+$0x90] =	vst v11;
	v11 =	vmul.f32 v14, v2;
	v14 =	vshra.s32 v16, $0x18  }
0x3a0: {  	v19 =	vmul.f32 v19, v2;
	v15 =	vshra.s32 v21, $0x18;
	v16 =	vld [tilespmem:s9+$0xA0];
	v14 =	vcvt.s32.f32 v14  }
0x3a1: {  	v15 =	vcvt.s32.f32 v15;
	v21 =	vadd.f32 v11, v1;
	v20 =	vmul.u32 v6, v20  }
0x3a2: {  	v19 =	vadd.f32 v19, v1;
	v11 =	vmul.f32 v12, v2;
	v14 =	vmul.f32 v14, v2  }
0x3a3: {  	v12 =	vmul.u32 v7, v17;
	v15 =	vmul.f32 v15, v2;
	[tilespmem:s20+$0xFFFFFF50] =	vst v21;
	v20 =	vshra.s32 v20, $0x18  }
.Ltmp3:
0x3a4: {  	v21 =	vmul.u32 v8, v22;
	v17 =	vld [tilespmem:s22+$0xFFFFFF60];
	[tilespmem:s20+$0xFFFFFFD0] =	vst v19;
	v19 =	vcvt.s32.f32 v20;
	v14 =	vadd.f32 v14, v1;
	(pc) =	sbr.rel @p0 .LBB2_9-.Ltmp3, $4  }
0x3a5: {  	v12 =	vshra.s32 v12, $0x18;
	v15 =	vadd.f32 v15, v1;
	v20 =	vmul.u32 v9, v16;
	v16 =	vld [tilespmem:s22+$0xFFFFFFE0]  }
0x3a6: {  	v22 =	vcvt.s32.f32 v12;
	v12 =	vshra.s32 v21, $0x18;
	v23 =	vmul.f32 v19, v2;
	[tilespmem:s20+$0xD0] =	vst v14  }
0x3a7: {  	v19 =	vcvt.s32.f32 v12;
	[tilespmem:s11+$0x20] =	vst v15;
	v14 =	vshra.s32 v20, $0x18;
	v15 =	vld [tilespmem:s22+$0xE0];
	v12 =	vmul.f32 v18, v2  }
0x3a8: {  	v20 =	vmul.f32 v22, v2;
	v18 =	vld [tilespmem:s9+$0x30];
	v21 =	vcvt.s32.f32 v14;
	v14 =	vadd.f32 v23, v1  }
0x3a9: {  	v19 =	vmul.f32 v19, v2  }
0x3aa: {  	v20 =	vadd.f32 v20, v1;
	v21 =	vmul.f32 v21, v2  }
0x3ab: {  	v19 =	vadd.f32 v19, v1  }
0x3ac: {  	[tilespmem:s11+$0xFFFFFF20] =	vst v20;
	v20 =	vadd.f32 v21, v1  }
0x3ad: {  	v21 =	vld [tilespmem:s9+$0xFFFFFF30];
	[tilespmem:s11+$0xFFFFFFA0] =	vst v19  }
0x3ae: {  	v18 =	vmul.u32 v10, v18;
	v19 =	vld [tilespmem:s9+$0xFFFFFFB0];
	[tilespmem:s11+$0xA0] =	vst v20  }
0x3af: {  	v20 =	vld [tilespmem:s9+$0xB0]  }
0x3b0: {  	v18 =	vshra.s32 v18, $0x18  }
0x3b1: {  	v18 =	vcvt.s32.f32 v18  }
0x3b2: {  	v21 =	vmul.u32 v7, v21  }
0x3b3: {  	v18 =	vmul.f32 v18, v2;
	v19 =	vmul.u32 v8, v19  }
0x3b4: {  	v21 =	vshra.s32 v21, $0x18;
	v20 =	vmul.u32 v9, v20  }
0x3b5: {  	v18 =	vadd.f32 v18, v1;
	v21 =	vcvt.s32.f32 v21;
	v19 =	vshra.s32 v19, $0x18  }
0x3b6: {  	v19 =	vcvt.s32.f32 v19;
	v20 =	vshra.s32 v20, $0x18  }
0x3b7: {  	[tilespmem:s11+$0x30] =	vst v18;
	v18 =	vmul.f32 v21, v2;
	v20 =	vcvt.s32.f32 v20  }
0x3b8: {  	v21 =	vld [tilespmem:s13+$0x40];
	v19 =	vmul.f32 v19, v2  }
0x3b9: {  	v18 =	vadd.f32 v18, v1;
	v20 =	vmul.f32 v20, v2  }
0x3ba: {  	v19 =	vadd.f32 v19, v1  }
0x3bb: {  	[tilespmem:s11+$0xFFFFFF30] =	vst v18;
	v18 =	vadd.f32 v20, v1  }
0x3bc: {  	v20 =	vld [tilespmem:s13+$0xFFFFFF40];
	[tilespmem:s11+$0xFFFFFFB0] =	vst v19  }
0x3bd: {  	v19 =	vmul.u32 v10, v21;
	v21 =	vld [tilespmem:s13+$0xFFFFFFC0];
	[tilespmem:s10+$0xB0] =	vst v18  }
0x3be: {  	v18 =	vld [tilespmem:s13+$0xC0]  }
0x3bf: {  	v19 =	vshra.s32 v19, $0x18  }
0x3c0: {  	v19 =	vcvt.s32.f32 v19  }
0x3c1: {  	v20 =	vmul.u32 v7, v20  }
0x3c2: {  	v19 =	vmul.f32 v19, v2;
	v21 =	vmul.u32 v8, v21  }
0x3c3: {  	v20 =	vshra.s32 v20, $0x18;
	v18 =	vmul.u32 v9, v18  }
0x3c4: {  	v19 =	vadd.f32 v19, v1;
	v20 =	vcvt.s32.f32 v20;
	v21 =	vshra.s32 v21, $0x18  }
0x3c5: {  	v21 =	vcvt.s32.f32 v21;
	v18 =	vshra.s32 v18, $0x18  }
0x3c6: {  	[tilespmem:s10+$0x40] =	vst v19;
	v19 =	vmul.f32 v20, v2;
	v18 =	vcvt.s32.f32 v18  }
0x3c7: {  	v20 =	vld [tilespmem:s13+$0x50];
	v21 =	vmul.f32 v21, v2  }
0x3c8: {  	v19 =	vadd.f32 v19, v1;
	v18 =	vmul.f32 v18, v2  }
0x3c9: {  	v21 =	vadd.f32 v21, v1  }
0x3ca: {  	[tilespmem:s10+$0xFFFFFF40] =	vst v19;
	v18 =	vadd.f32 v18, v1  }
0x3cb: {  	v19 =	vld [tilespmem:s13+$0xFFFFFF50];
	[tilespmem:s10+$0xFFFFFFC0] =	vst v21  }
0x3cc: {  	v20 =	vmul.u32 v10, v20;
	v21 =	vld [tilespmem:s13+$0xFFFFFFD0];
	[tilespmem:s10+$0xC0] =	vst v18  }
0x3cd: {  	v18 =	vld [tilespmem:s13+$0xD0]  }
0x3ce: {  	v20 =	vshra.s32 v20, $0x18  }
0x3cf: {  	v20 =	vcvt.s32.f32 v20  }
0x3d0: {  	v19 =	vmul.u32 v7, v19  }
0x3d1: {  	v20 =	vmul.f32 v20, v2;
	v21 =	vmul.u32 v8, v21  }
0x3d2: {  	v19 =	vshra.s32 v19, $0x18;
	v18 =	vmul.u32 v9, v18  }
0x3d3: {  	v20 =	vadd.f32 v20, v1;
	v21 =	vshra.s32 v21, $0x18;
	v19 =	vcvt.s32.f32 v19  }
0x3d4: {  	v21 =	vcvt.s32.f32 v21;
	v18 =	vshra.s32 v18, $0x18  }
0x3d5: {  	[tilespmem:s10+$0x50] =	vst v20;
	v19 =	vmul.f32 v19, v2;
	v18 =	vcvt.s32.f32 v18  }
0x3d6: {  	v20 =	vld [tilespmem:s13+$0x60];
	v21 =	vmul.f32 v21, v2  }
0x3d7: {  	v19 =	vadd.f32 v19, v1;
	v18 =	vmul.f32 v18, v2  }
0x3d8: {  	v17 =	vmul.u32 v3, v17;
	[tilespmem:s20+$0x60] =	vst v14;
	v14 =	vadd.f32 v21, v1  }
0x3d9: {  	[tilespmem:s10+$0xFFFFFF50] =	vst v19;
	v18 =	vadd.f32 v18, v1  }
0x3da: {  	v16 =	vmul.u32 v4, v16;
	v17 =	vshra.s32 v17, $0x18;
	v15 =	vmul.u32 v5, v15;
	v19 =	vld [tilespmem:s13+$0xFFFFFF60];
	[tilespmem:s10+$0xFFFFFFD0] =	vst v14  }
0x3db: {  	v14 =	vcvt.s32.f32 v17;
	v17 =	vmul.u32 v10, v20;
	v20 =	vld [tilespmem:s13+$0xFFFFFFE0];
	[tilespmem:s10+$0xD0] =	vst v18  }
0x3dc: {  	v16 =	vshra.s32 v16, $0x18;
	v15 =	vshra.s32 v15, $0x18;
	v18 =	vld [tilespmem:s13+$0xE0]  }
0x3dd: {  	v16 =	vcvt.s32.f32 v16;
	v15 =	vcvt.s32.f32 v15;
	v17 =	vshra.s32 v17, $0x18  }
0x3de: {  	v14 =	vmul.f32 v14, v2;
	v17 =	vcvt.s32.f32 v17  }
0x3df: {  	v16 =	vmul.f32 v16, v2;
	v15 =	vmul.f32 v15, v2;
	v19 =	vmul.u32 v7, v19  }
0x3e0: {  	v14 =	vadd.f32 v14, v1;
	v17 =	vmul.f32 v17, v2;
	v20 =	vmul.u32 v8, v20  }
0x3e1: {  	v16 =	vadd.f32 v16, v1;
	v21 =	vld [tilespmem:s22+$0x70];
	v18 =	vmul.u32 v9, v18;
	v19 =	vshra.s32 v19, $0x18  }
0x3e2: {  	[tilespmem:s20+$0xFFFFFF60] =	vst v14;
	v14 =	vadd.f32 v17, v1;
	v17 =	vcvt.s32.f32 v19;
	v19 =	vshra.s32 v20, $0x18  }
0x3e3: {  	[tilespmem:s20+$0xFFFFFFE0] =	vst v16;
	v15 =	vadd.f32 v15, v1;
	v16 =	vld [tilespmem:s22+$0xFFFFFF70];
	v18 =	vshra.s32 v18, $0x18;
	v19 =	vcvt.s32.f32 v19  }
0x3e4: {  	v20 =	vld [tilespmem:s22+$0xFFFFFFF0];
	[tilespmem:s10+$0x60] =	vst v14;
	v14 =	vcvt.s32.f32 v18;
	v17 =	vmul.f32 v17, v2  }
0x3e5: {  	[tilespmem:s20+$0xE0] =	vst v15;
	v15 =	vld [tilespmem:s13+$0x70];
	v18 =	vmul.f32 v19, v2  }
0x3e6: {  	v6 =	vmul.u32 v6, v21;
	v17 =	vadd.f32 v17, v1;
	v14 =	vmul.f32 v14, v2  }
0x3e7: {  	v13 =	vmul.f32 v13, v2;
	v11 =	vadd.f32 v11, v1;
	v19 =	vld [tilespmem:s22+$0xF0];
	v18 =	vadd.f32 v18, v1  }
0x3e8: {  	v6 =	vshra.s32 v6, $0x18;
	v3 =	vmul.u32 v3, v16;
	[tilespmem:s10+$0xFFFFFF60] =	vst v17;
	v14 =	vadd.f32 v14, v1  }
0x3e9: {  	v12 =	vadd.f32 v12, v1;
	v6 =	vcvt.s32.f32 v6;
	v4 =	vmul.u32 v4, v20;
	[tilespmem:s10+$0xFFFFFFE0] =	vst v18;
	v16 =	vld [tilespmem:s13+$0xFFFFFF70]  }
0x3ea: {  	v13 =	vadd.f32 v13, v1;
	v3 =	vshra.s32 v3, $0x18;
	v10 =	vmul.u32 v10, v15;
	v15 =	vld [tilespmem:s13+$0xFFFFFFF0];
	[tilespmem:s10+$0xE0] =	vst v14  }
0x3eb: {  	v6 =	vmul.f32 v6, v2;
	v4 =	vshra.s32 v4, $0x18;
	v3 =	vcvt.s32.f32 v3;
	v14 =	vld [tilespmem:s13+$0xF0]  }
0x3ec: {  	v5 =	vmul.u32 v5, v19;
	v4 =	vcvt.s32.f32 v4;
	v10 =	vshra.s32 v10, $0x18  }
0x3ed: {  	v6 =	vadd.f32 v6, v1;
	v3 =	vmul.f32 v3, v2;
	v10 =	vcvt.s32.f32 v10  }
0x3ee: {  	v5 =	vshra.s32 v5, $0x18;
	v4 =	vmul.f32 v4, v2;
	v7 =	vmul.u32 v7, v16  }
0x3ef: {  	[tilespmem:s20+$0x70] =	vst v6;
	v5 =	vcvt.s32.f32 v5;
	v6 =	vmul.f32 v10, v2;
	v8 =	vmul.u32 v8, v15  }
0x3f0: {  	[tilespmem:s18+$0xFFFFFF70] =	vst v11;
	v3 =	vadd.f32 v3, v1;
	v9 =	vmul.u32 v9, v14;
	v7 =	vshra.s32 v7, $0x18  }
0x3f1: {  	[tilespmem:s18+$0xFFFFFFF0] =	vst v12;
	v6 =	vadd.f32 v6, v1;
	v8 =	vshra.s32 v8, $0x18;
	v7 =	vcvt.s32.f32 v7  }
0x3f2: {  	[tilespmem:s18+$0xF0] =	vst v13;
	v5 =	vmul.f32 v5, v2;
	v9 =	vshra.s32 v9, $0x18;
	v8 =	vcvt.s32.f32 v8  }
0x3f3: {  	v4 =	vadd.f32 v4, v1;
	[tilespmem:s10+$0x70] =	vst v6;
	v6 =	vcvt.s32.f32 v9;
	v7 =	vmul.f32 v7, v2  }
0x3f4: {  	[tilespmem:s20+$0xFFFFFF70] =	vst v3;
	v5 =	vadd.f32 v5, v1;
	v3 =	vmul.f32 v8, v2  }
0x3f5: {  	[tilespmem:s20+$0xFFFFFFF0] =	vst v4;
	v4 =	vmul.f32 v6, v2;
	v6 =	vadd.f32 v7, v1  }
0x3f6: {  	s2 =	sadd.s32 s7, s8;
	[tilespmem:s20+$0xF0] =	vst v5;
	v3 =	vadd.f32 v3, v1  }
0x3f7: {  	s2 =	sshll.u32 s2, $0xB;
	s13 =	sadd.s32 $0xFFFFFFFC, s4;
	v4 =	vadd.f32 v4, v1;
	[tilespmem:s10+$0xFFFFFF70] =	vst v6  }
0x3f8: {  	s2 =	sand.u32 $0x1FFFF000, s2;
	s17 =	sadd.s32 $0x186, s13;
	[tilespmem:s10+$0xFFFFFFF0] =	vst v3  }
0x3f9: {  	s2 =	sadd.s32 s5, s2;
	v3 =	vmov s17;
	[tilespmem:s10+$0xF0] =	vst v4  }
0x3fa: {  	v3 =	vand.u32 $0xFFFFFFFE, v3;
	[hbm4b:s2+s6] =	stream.linear.scatter [tilespmem:s26], [sflag:$0x5], $0x4000, $0x38;
	[tilespmem:$0x1A720] =	vst v63  }
0x3fb: {  	v3 =	vbroadcast v3, $0x0;
	_ =	swait.ge [sflag:s3], $0x4000  }
0x3fc: {  	[sflag:s3] =	ssyncset.done $0x0  }
0x3fd: {  	[sflag:s3] =	ssyncadd.s32 $0xFFFFC000  }
0x3fe: {  	s18 =	sadd.s32 $0x184, s13;
	_ =	swait.ge [sflag:s0], $0x4000  }
0x3ff: {  	v4 =	vmov s18;
	[sflag:s0] =	ssyncset.done $0x0  }
0x400: {  	s20 =	sadd.s32 $0x185, s13;
	v4 =	vand.u32 $0xFFFFFFFC, v4;
	[sflag:s0] =	ssyncadd.s32 $0xFFFFC000  }
0x401: {  	s8 =	simm.s32 $0xE800;
	v5 =	vmov s20;
	v4 =	vbroadcast v4, $0x0;
	v7 =	vld.idx.msk [tilespmem:v3+s25+$0x0], $0xffff  }
0x402: {  	v3 =	vand.u32 $0xFFFFFFFD, v5;
	v5 =	vld [tilespmem:s8+$0x0]  }
0x403: {  	v3 =	vbroadcast v3, $0x0  }
0x404: {  	s21 =	sadd.s32 $0x187, s13  }
0x405: {  	v6 =	vmov s21;
	_ =	sdelay $0x1  }
0x406: {  	v13 =	vld.idx.msk [tilespmem:v4+s25+$0x0], $0xffff;
	v4 =	vmul.u32 v7, v5  }
0x407: {  	v5 =	vld [tilespmem:s8+$0xFFFFFF00]  }
0x408: {  	v12 =	vld.idx.msk [tilespmem:v3+s25+$0x0], $0xffff;
	v3 =	vshra.s32 v4, $0x18  }
0x409: {  	v11 =	vld.idx.msk [tilespmem:v6+s25+$0x0], $0xffff;
	v3 =	vcvt.s32.f32 v3  }
0x40a: {  	v4 =	vld [tilespmem:s8+$0xFFFFFF80]  }
0x40b: {  	v6 =	vld [tilespmem:s8+$0x80];
	v3 =	vmul.f32 v3, v2  }
0x40c: {  	v5 =	vmul.u32 v13, v5  }
0x40d: {  	v3 =	vadd.f32 v3, v1  }
0x40e: {  	s18 =	simm.s32 $0x16800;
	v5 =	vshra.s32 v5, $0x18  }
0x40f: {  	v4 =	vmul.u32 v12, v4;
	v5 =	vcvt.s32.f32 v5;
	[tilespmem:s18+$0x0] =	vst v3  }
0x410: {  	v3 =	vmul.u32 v11, v6;
	v6 =	vld [tilespmem:s8+$0x10]  }
0x411: {  	v4 =	vshra.s32 v4, $0x18;
	v5 =	vmul.f32 v5, v2  }
0x412: {  	v4 =	vcvt.s32.f32 v4;
	v3 =	vshra.s32 v3, $0x18  }
0x413: {  	v3 =	vcvt.s32.f32 v3;
	v5 =	vadd.f32 v5, v1  }
0x414: {  	v4 =	vmul.f32 v4, v2  }
0x415: {  	v3 =	vmul.f32 v3, v2;
	[tilespmem:s18+$0xFFFFFF00] =	vst v5;
	v5 =	vmul.u32 v7, v6  }
0x416: {  	v4 =	vadd.f32 v4, v1;
	v6 =	vld [tilespmem:s8+$0xFFFFFF10]  }
0x417: {  	v3 =	vadd.f32 v3, v1;
	v5 =	vshra.s32 v5, $0x18  }
0x418: {  	[tilespmem:s18+$0xFFFFFF80] =	vst v4;
	v4 =	vcvt.s32.f32 v5  }
0x419: {  	v5 =	vld [tilespmem:s8+$0xFFFFFF90];
	[tilespmem:s18+$0x80] =	vst v3  }
0x41a: {  	v3 =	vld [tilespmem:s8+$0x90];
	v4 =	vmul.f32 v4, v2  }
0x41b: {  	v6 =	vmul.u32 v13, v6  }
0x41c: {  	v4 =	vadd.f32 v4, v1  }
0x41d: {  	v6 =	vshra.s32 v6, $0x18  }
0x41e: {  	v5 =	vmul.u32 v12, v5;
	v6 =	vcvt.s32.f32 v6;
	[tilespmem:s18+$0x10] =	vst v4  }
0x41f: {  	v3 =	vmul.u32 v11, v3;
	v4 =	vld [tilespmem:s8+$0x20]  }
0x420: {  	v5 =	vshra.s32 v5, $0x18;
	v6 =	vmul.f32 v6, v2  }
0x421: {  	v5 =	vcvt.s32.f32 v5;
	v3 =	vshra.s32 v3, $0x18  }
0x422: {  	v3 =	vcvt.s32.f32 v3;
	v6 =	vadd.f32 v6, v1  }
0x423: {  	v5 =	vmul.f32 v5, v2  }
0x424: {  	v3 =	vmul.f32 v3, v2;
	[tilespmem:s18+$0xFFFFFF10] =	vst v6;
	v4 =	vmul.u32 v7, v4  }
0x425: {  	v5 =	vadd.f32 v5, v1;
	v6 =	vld [tilespmem:s8+$0xFFFFFF20]  }
0x426: {  	v3 =	vadd.f32 v3, v1;
	v4 =	vshra.s32 v4, $0x18  }
0x427: {  	[tilespmem:s18+$0xFFFFFF90] =	vst v5;
	v4 =	vcvt.s32.f32 v4  }
0x428: {  	v5 =	vld [tilespmem:s8+$0xFFFFFFA0];
	[tilespmem:s18+$0x90] =	vst v3  }
0x429: {  	v3 =	vld [tilespmem:s8+$0xA0];
	v4 =	vmul.f32 v4, v2  }
0x42a: {  	v6 =	vmul.u32 v13, v6  }
0x42b: {  	v4 =	vadd.f32 v4, v1  }
0x42c: {  	v6 =	vshra.s32 v6, $0x18  }
0x42d: {  	v5 =	vmul.u32 v12, v5;
	v6 =	vcvt.s32.f32 v6;
	[tilespmem:s18+$0x20] =	vst v4  }
0x42e: {  	s22 =	sadd.s32 $0x0, s4;
	v3 =	vmul.u32 v11, v3;
	v4 =	vld [tilespmem:s8+$0x30]  }
0x42f: {  	s23 =	sadd.s32 $0x186, s22;
	v5 =	vshra.s32 v5, $0x18;
	v6 =	vmul.f32 v6, v2  }
0x430: {  	v8 =	vmov s23;
	v5 =	vcvt.s32.f32 v5;
	v3 =	vshra.s32 v3, $0x18  }
0x431: {  	v8 =	vand.u32 $0xFFFFFFFE, v8;
	v3 =	vcvt.s32.f32 v3;
	v6 =	vadd.f32 v6, v1  }
0x432: {  	v8 =	vbroadcast v8, $0x0;
	s10 =	sadd.s32 $0x184, s22;
	v5 =	vmul.f32 v5, v2  }
0x433: {  	s11 =	sadd.s32 $0x185, s22;
	v9 =	vmov s10;
	v3 =	vmul.f32 v3, v2;
	[tilespmem:s18+$0xFFFFFF20] =	vst v6;
	v4 =	vmul.u32 v7, v4  }
0x434: {  	v6 =	vand.u32 $0xFFFFFFFC, v9;
	v9 =	vmov s11;
	v5 =	vadd.f32 v5, v1;
	v10 =	vld [tilespmem:s8+$0xFFFFFF30]  }
0x435: {  	v9 =	vand.u32 $0xFFFFFFFD, v9;
	v14 =	vbroadcast v6, $0x0;
	v4 =	vshra.s32 v4, $0x18  }
0x436: {  	[tilespmem:s18+$0xFFFFFFA0] =	vst v5;
	v5 =	vbroadcast v9, $0x0;
	v4 =	vcvt.s32.f32 v4  }
0x437: {  	v3 =	vadd.f32 v3, v1;
	v9 =	vld [tilespmem:s8+$0xFFFFFFB0]  }
0x438: {  	s2 =	sadd.s32 $0x187, s22;
	s22 =	simm.s32 $0xEA00;
	v6 =	vld.idx.msk [tilespmem:v8+s25+$0x0], $0xffff;
	v4 =	vmul.f32 v4, v2  }
0x439: {  	v8 =	vmov s2;
	[tilespmem:s18+$0xA0] =	vst v3;
	v3 =	vmul.u32 v13, v10;
	v10 =	vld [tilespmem:s22+$0x0]  }
0x43a: {  	v15 =	vld [tilespmem:s8+$0xB0];
	v16 =	vadd.f32 v4, v1  }
0x43b: {  	v4 =	vshra.s32 v3, $0x18;
	v3 =	vld.idx.msk [tilespmem:v14+s25+$0x0], $0xffff  }
0x43c: {  	v9 =	vmul.u32 v12, v9;
	v14 =	vcvt.s32.f32 v4;
	v4 =	vld.idx.msk [tilespmem:v5+s25+$0x0], $0xffff;
	[tilespmem:s18+$0x30] =	vst v16  }
0x43d: {  	v16 =	vld [tilespmem:s8+$0x40]  }
0x43e: {  	v5 =	vld.idx.msk [tilespmem:v8+s25+$0x0], $0xffff;
	v9 =	vshra.s32 v9, $0x18;
	v14 =	vmul.f32 v14, v2;
	v8 =	vmul.u32 v6, v10  }
0x43f: {  	v10 =	vmul.u32 v11, v15;
	v15 =	vld [tilespmem:s22+$0xFFFFFF00];
	v9 =	vcvt.s32.f32 v9  }
0x440: {  	v17 =	vld [tilespmem:s22+$0xFFFFFF80];
	v14 =	vadd.f32 v14, v1;
	v8 =	vshra.s32 v8, $0x18  }
0x441: {  	v18 =	vld [tilespmem:s22+$0x80];
	v10 =	vshra.s32 v10, $0x18;
	v9 =	vmul.f32 v9, v2;
	v8 =	vcvt.s32.f32 v8  }
0x442: {  	v10 =	vcvt.s32.f32 v10;
	[tilespmem:s18+$0xFFFFFF30] =	vst v14;
	v14 =	vmul.u32 v7, v16  }
0x443: {  	v9 =	vadd.f32 v9, v1;
	v16 =	vld [tilespmem:s8+$0xFFFFFF40];
	v8 =	vmul.f32 v8, v2  }
0x444: {  	v10 =	vmul.f32 v10, v2;
	v15 =	vmul.u32 v3, v15;
	v14 =	vshra.s32 v14, $0x18  }
0x445: {  	[tilespmem:s18+$0xFFFFFFB0] =	vst v9;
	v9 =	vmul.u32 v4, v17;
	v8 =	vadd.f32 v8, v1;
	v14 =	vcvt.s32.f32 v14  }
0x446: {  	s20 =	simm.s32 $0x16A00;
	v18 =	vmul.u32 v5, v18;
	v10 =	vadd.f32 v10, v1;
	v15 =	vshra.s32 v15, $0x18;
	v17 =	vld [tilespmem:s8+$0xFFFFFFC0]  }
0x447: {  	v15 =	vcvt.s32.f32 v15;
	v9 =	vshra.s32 v9, $0x18;
	[tilespmem:s20+$0x0] =	vst v8;
	v14 =	vmul.f32 v14, v2  }
0x448: {  	[tilespmem:s18+$0xB0] =	vst v10;
	v8 =	vcvt.s32.f32 v9;
	v9 =	vshra.s32 v18, $0x18;
	v10 =	vmul.u32 v13, v16;
	v16 =	vld [tilespmem:s22+$0x10]  }
0x449: {  	v18 =	vld [tilespmem:s8+$0xC0];
	v15 =	vmul.f32 v15, v2;
	v9 =	vcvt.s32.f32 v9  }
0x44a: {  	v14 =	vadd.f32 v14, v1;
	v8 =	vmul.f32 v8, v2;
	v10 =	vshra.s32 v10, $0x18  }
0x44b: {  	v15 =	vadd.f32 v15, v1;
	v17 =	vmul.u32 v12, v17;
	v9 =	vmul.f32 v9, v2  }
0x44c: {  	v10 =	vcvt.s32.f32 v10;
	[tilespmem:s18+$0x40] =	vst v14;
	v8 =	vadd.f32 v8, v1  }
0x44d: {  	[tilespmem:s20+$0xFFFFFF00] =	vst v15;
	v14 =	vld [tilespmem:s8+$0x50];
	v17 =	vshra.s32 v17, $0x18;
	v9 =	vadd.f32 v9, v1;
	v15 =	vmul.u32 v6, v16  }
0x44e: {  	v16 =	vcvt.s32.f32 v17;
	v17 =	vmul.u32 v11, v18;
	v18 =	vld [tilespmem:s22+$0xFFFFFF10];
	[tilespmem:s20+$0xFFFFFF80] =	vst v8  }
0x44f: {  	v8 =	vmul.f32 v10, v2;
	v10 =	vld [tilespmem:s22+$0xFFFFFF90];
	[tilespmem:s20+$0x80] =	vst v9;
	v9 =	vshra.s32 v15, $0x18  }
0x450: {  	v15 =	vmul.f32 v16, v2;
	v16 =	vshra.s32 v17, $0x18;
	v9 =	vcvt.s32.f32 v9  }
0x451: {  	v17 =	vld [tilespmem:s22+$0x90];
	v8 =	vadd.f32 v8, v1;
	v16 =	vcvt.s32.f32 v16  }
0x452: {  	v14 =	vmul.u32 v7, v14;
	v9 =	vmul.f32 v9, v2  }
0x453: {  	v15 =	vadd.f32 v15, v1;
	[tilespmem:s18+$0xFFFFFF40] =	vst v8;
	v8 =	vmul.f32 v16, v2;
	v16 =	vmul.u32 v3, v18  }
0x454: {  	v14 =	vshra.s32 v14, $0x18;
	v10 =	vmul.u32 v4, v10;
	v9 =	vadd.f32 v9, v1  }
0x455: {  	v18 =	vld [tilespmem:s8+$0xFFFFFF50];
	[tilespmem:s18+$0xFFFFFFC0] =	vst v15;
	v14 =	vcvt.s32.f32 v14;
	v8 =	vadd.f32 v8, v1;
	v15 =	vshra.s32 v16, $0x18  }
0x456: {  	v16 =	vmul.u32 v5, v17;
	v17 =	vld [tilespmem:s8+$0xFFFFFFD0];
	v15 =	vcvt.s32.f32 v15;
	v10 =	vshra.s32 v10, $0x18;
	[tilespmem:s20+$0x10] =	vst v9  }
0x457: {  	v14 =	vmul.f32 v14, v2;
	[tilespmem:s18+$0xC0] =	vst v8;
	v8 =	vcvt.s32.f32 v10;
	v10 =	vld [tilespmem:s22+$0x20]  }
0x458: {  	v9 =	vshra.s32 v16, $0x18  }
0x459: {  	v16 =	vld [tilespmem:s8+$0xD0];
	v15 =	vmul.f32 v15, v2;
	v9 =	vcvt.s32.f32 v9;
	v14 =	vadd.f32 v14, v1  }
0x45a: {  	v18 =	vmul.u32 v13, v18;
	v8 =	vmul.f32 v8, v2  }
0x45b: {  	v15 =	vadd.f32 v15, v1;
	v9 =	vmul.f32 v9, v2;
	[tilespmem:s18+$0x50] =	vst v14;
	v14 =	vmul.u32 v12, v17  }
0x45c: {  	v8 =	vadd.f32 v8, v1;
	v17 =	vshra.s32 v18, $0x18;
	v10 =	vmul.u32 v6, v10  }
0x45d: {  	v18 =	vld [tilespmem:s8+$0x60];
	[tilespmem:s20+$0xFFFFFF10] =	vst v15;
	v9 =	vadd.f32 v9, v1;
	v15 =	vcvt.s32.f32 v17  }
0x45e: {  	v14 =	vshra.s32 v14, $0x18;
	v16 =	vmul.u32 v11, v16;
	v17 =	vld [tilespmem:s22+$0xFFFFFF20];
	[tilespmem:s20+$0xFFFFFF90] =	vst v8;
	v10 =	vshra.s32 v10, $0x18  }
0x45f: {  	v8 =	vcvt.s32.f32 v14;
	v14 =	vld [tilespmem:s22+$0xFFFFFFA0];
	[tilespmem:s20+$0x90] =	vst v9;
	v10 =	vcvt.s32.f32 v10  }
0x460: {  	v9 =	vmul.f32 v15, v2;
	v15 =	vshra.s32 v16, $0x18;
	v16 =	vld [tilespmem:s22+$0xA0]  }
0x461: {  	v8 =	vmul.f32 v8, v2;
	v10 =	vmul.f32 v10, v2  }
0x462: {  	v9 =	vadd.f32 v9, v1;
	v15 =	vcvt.s32.f32 v15;
	v18 =	vmul.u32 v7, v18  }
0x463: {  	v8 =	vadd.f32 v8, v1;
	v17 =	vmul.u32 v3, v17;
	v10 =	vadd.f32 v10, v1  }
0x464: {  	[tilespmem:s18+$0xFFFFFF50] =	vst v9;
	v15 =	vmul.f32 v15, v2;
	v9 =	vshra.s32 v18, $0x18;
	v14 =	vmul.u32 v4, v14  }
0x465: {  	v18 =	vld [tilespmem:s8+$0xFFFFFF60];
	v9 =	vcvt.s32.f32 v9;
	v17 =	vshra.s32 v17, $0x18;
	v16 =	vmul.u32 v5, v16;
	[tilespmem:s20+$0x20] =	vst v10  }
0x466: {  	s13 =	sadd.s32 $0x4, s4;
	[tilespmem:s18+$0xFFFFFFD0] =	vst v8;
	v8 =	vadd.f32 v15, v1;
	v17 =	vcvt.s32.f32 v17;
	v14 =	vshra.s32 v14, $0x18;
	v15 =	vld [tilespmem:s22+$0x30]  }
0x467: {  	s23 =	sadd.s32 $0x185, s13;
	v9 =	vmul.f32 v9, v2;
	v10 =	vcvt.s32.f32 v14;
	v14 =	vshra.s32 v16, $0x18;
	v16 =	vld [tilespmem:s8+$0xFFFFFFE0]  }
0x468: {  	v21 =	vmov s23;
	v17 =	vmul.f32 v17, v2  }
0x469: {  	s21 =	sadd.s32 $0x184, s13;
	[tilespmem:s18+$0xD0] =	vst v8;
	v14 =	vcvt.s32.f32 v14;
	v9 =	vadd.f32 v9, v1;
	v8 =	vmul.f32 v10, v2  }
0x46a: {  	s17 =	sadd.s32 $0x186, s13;
	v19 =	vmov s21;
	v10 =	vmul.u32 v13, v18;
	v17 =	vadd.f32 v17, v1  }
0x46b: {  	v14 =	vmul.f32 v14, v2;
	[tilespmem:s18+$0x60] =	vst v9;
	v9 =	vmov s17;
	v8 =	vadd.f32 v8, v1  }
0x46c: {  	v20 =	vld [tilespmem:s8+$0x70];
	v9 =	vand.u32 $0xFFFFFFFE, v9;
	v15 =	vmul.u32 v6, v15;
	v16 =	vmul.u32 v12, v16  }
0x46d: {  	[tilespmem:s20+$0xFFFFFF20] =	vst v17;
	v17 =	vand.u32 $0xFFFFFFFC, v19;
	v19 =	vand.u32 $0xFFFFFFFD, v21;
	v9 =	vbroadcast v9, $0x0  }
0x46e: {  	v14 =	vadd.f32 v14, v1;
	v21 =	vld [tilespmem:s22+$0xFFFFFF30];
	[tilespmem:s20+$0xFFFFFFA0] =	vst v8;
	v8 =	vbroadcast v17, $0x0;
	v15 =	vshra.s32 v15, $0x18  }
0x46f: {  	v19 =	vbroadcast v19, $0x0;
	v17 =	vld [tilespmem:s22+$0xFFFFFFB0];
	v16 =	vshra.s32 v16, $0x18;
	v15 =	vcvt.s32.f32 v15  }
0x470: {  	s9 =	simm.s32 $0xEC00;
	v18 =	vld [tilespmem:s8+$0xE0];
	v16 =	vcvt.s32.f32 v16  }
0x471: {  	v23 =	vld [tilespmem:s9+$0x0];
	s2 =	sadd.s32 $0x187, s13;
	v10 =	vshra.s32 v10, $0x18;
	[tilespmem:s20+$0xA0] =	vst v14;
	v7 =	vmul.u32 v7, v20;
	v15 =	vmul.f32 v15, v2  }
0x472: {  	v22 =	vmov s2;
	v14 =	vcvt.s32.f32 v10;
	v20 =	vld [tilespmem:s22+$0xB0];
	v16 =	vmul.f32 v16, v2  }
0x473: {  	v21 =	vmul.u32 v3, v21;
	v7 =	vshra.s32 v7, $0x18;
	v10 =	vld.idx.msk [tilespmem:v9+s25+$0x0], $0xffff;
	v15 =	vadd.f32 v15, v1  }
0x474: {  	v9 =	vmul.u32 v4, v17;
	v17 =	vcvt.s32.f32 v7;
	v7 =	vld.idx.msk [tilespmem:v8+s25+$0x0], $0xffff  }
0x475: {  	v18 =	vmul.u32 v11, v18;
	v16 =	vadd.f32 v16, v1;
	v21 =	vshra.s32 v21, $0x18;
	v8 =	vld.idx.msk [tilespmem:v19+s25+$0x0], $0xffff;
	[tilespmem:s20+$0x30] =	vst v15  }
0x476: {  	v19 =	vmul.f32 v14, v2;
	v21 =	vcvt.s32.f32 v21;
	v9 =	vshra.s32 v9, $0x18;
	v24 =	vld [tilespmem:s22+$0x40]  }
0x477: {  	v18 =	vshra.s32 v18, $0x18;
	[tilespmem:s18+$0xFFFFFFE0] =	vst v16;
	v17 =	vmul.f32 v17, v2;
	v15 =	vcvt.s32.f32 v9;
	v9 =	vld.idx.msk [tilespmem:v22+s25+$0x0], $0xffff  }
0x478: {  	v18 =	vcvt.s32.f32 v18;
	v20 =	vmul.u32 v5, v20;
	v61 =	vld [tilespmem:s8+$0xFFFFFFF0];
	v21 =	vmul.f32 v21, v2  }
0x479: {  	v14 =	vadd.f32 v17, v1;
	v17 =	vadd.f32 v19, v1;
	v19 =	vld [tilespmem:s9+$0xFFFFFF00];
	v22 =	vmul.u32 v10, v23  }
0x47a: {  	v15 =	vmul.f32 v15, v2;
	v20 =	vshra.s32 v20, $0x18;
	v23 =	vld [tilespmem:s9+$0xFFFFFF80];
	v21 =	vadd.f32 v21, v1  }
0x47b: {  	v25 =	vld [tilespmem:s9+$0x80];
	v18 =	vmul.f32 v18, v2;
	v20 =	vcvt.s32.f32 v20;
	v22 =	vshra.s32 v22, $0x18  }
0x47c: {  	v15 =	vadd.f32 v15, v1;
	[tilespmem:s20+$0xFFFFFF30] =	vst v21;
	v21 =	vcvt.s32.f32 v22;
	v22 =	vmul.u32 v6, v24  }
0x47d: {  	v18 =	vadd.f32 v18, v1;
	[tilespmem:s18+$0xFFFFFF60] =	vst v17;
	v20 =	vmul.f32 v20, v2;
	v12 =	vmul.u32 v12, v61;
	v60 =	vld [tilespmem:s22+$0xFFFFFF40]  }
0x47e: {  	v16 =	vld [tilespmem:s8+$0xFFFFFF70];
	[tilespmem:s20+$0xFFFFFFB0] =	vst v15;
	v15 =	vmul.u32 v7, v19;
	v19 =	vmul.f32 v21, v2;
	v21 =	vshra.s32 v22, $0x18  }
0x47f: {  	v17 =	vld [tilespmem:s22+$0xFFFFFFC0];
	v22 =	vmul.u32 v8, v23;
	v20 =	vadd.f32 v20, v1;
	v21 =	vcvt.s32.f32 v21  }
0x480: {  	v23 =	vmul.u32 v9, v25;
	v15 =	vshra.s32 v15, $0x18;
	v19 =	vadd.f32 v19, v1  }
0x481: {  	s11 =	simm.s32 $0x16C00;
	v22 =	vshra.s32 v22, $0x18;
	[tilespmem:s20+$0xB0] =	vst v20;
	v15 =	vcvt.s32.f32 v15;
	v21 =	vmul.f32 v21, v2  }
0x482: {  	v20 =	vcvt.s32.f32 v22;
	[tilespmem:s11+$0x0] =	vst v19;
	v19 =	vshra.s32 v23, $0x18;
	v22 =	vmul.u32 v3, v60;
	v23 =	vld [tilespmem:s22+$0xC0]  }
0x483: {  	[tilespmem:s18+$0xE0] =	vst v18;
	v15 =	vmul.f32 v15, v2;
	v18 =	vld [tilespmem:s9+$0x10];
	v19 =	vcvt.s32.f32 v19;
	v21 =	vadd.f32 v21, v1  }
0x484: {  	v13 =	vmul.u32 v13, v16;
	v20 =	vmul.f32 v20, v2;
	v17 =	vmul.u32 v4, v17  }
0x485: {  	v22 =	vshra.s32 v22, $0x18;
	[tilespmem:s20+$0x40] =	vst v21;
	v15 =	vadd.f32 v15, v1;
	v19 =	vmul.f32 v19, v2  }
0x486: {  	v21 =	vcvt.s32.f32 v22;
	v20 =	vadd.f32 v20, v1;
	v17 =	vshra.s32 v17, $0x18;
	v16 =	vld [tilespmem:s22+$0x50]  }
0x487: {  	v62 =	vld [tilespmem:s8+$0xF0];
	v17 =	vcvt.s32.f32 v17;
	[tilespmem:s11+$0xFFFFFF00] =	vst v15;
	v15 =	vadd.f32 v19, v1;
	v19 =	vmul.u32 v5, v23  }
0x488: {  	[tilespmem:s11+$0xFFFFFF80] =	vst v20;
	v20 =	vmul.f32 v21, v2;
	v22 =	vld [tilespmem:s9+$0xFFFFFF10];
	v18 =	vmul.u32 v10, v18  }
0x489: {  	v12 =	vshra.s32 v12, $0x18;
	v21 =	vld [tilespmem:s9+$0xFFFFFF90];
	[tilespmem:s11+$0x80] =	vst v15;
	v15 =	vmul.f32 v17, v2;
	v17 =	vshra.s32 v19, $0x18  }
0x48a: {  	v20 =	vadd.f32 v20, v1;
	v18 =	vshra.s32 v18, $0x18;
	v19 =	vld [tilespmem:s9+$0x90];
	v17 =	vcvt.s32.f32 v17  }
0x48b: {  	v18 =	vcvt.s32.f32 v18;
	v15 =	vadd.f32 v15, v1;
	v16 =	vmul.u32 v6, v16  }
0x48c: {  	v11 =	vmul.u32 v11, v62;
	v12 =	vcvt.s32.f32 v12;
	[tilespmem:s20+$0xFFFFFF40] =	vst v20;
	v17 =	vmul.f32 v17, v2  }
0x48d: {  	v20 =	vmul.u32 v7, v22;
	v18 =	vmul.f32 v18, v2;
	v22 =	vld [tilespmem:s22+$0xFFFFFF50];
	[tilespmem:s20+$0xFFFFFFC0] =	vst v15;
	v15 =	vshra.s32 v16, $0x18  }
0x48e: {  	v16 =	vmul.u32 v8, v21;
	v21 =	vld [tilespmem:s22+$0xFFFFFFD0];
	v15 =	vcvt.s32.f32 v15;
	v17 =	vadd.f32 v17, v1  }
0x48f: {  	v20 =	vshra.s32 v20, $0x18;
	v18 =	vadd.f32 v18, v1;
	v19 =	vmul.u32 v9, v19  }
0x490: {  	v16 =	vshra.s32 v16, $0x18;
	v20 =	vcvt.s32.f32 v20;
	v15 =	vmul.f32 v15, v2;
	[tilespmem:s20+$0xC0] =	vst v17  }
0x491: {  	v13 =	vshra.s32 v13, $0x18;
	v16 =	vcvt.s32.f32 v16;
	[tilespmem:s11+$0x10] =	vst v18;
	v17 =	vshra.s32 v19, $0x18;
	v18 =	vld [tilespmem:s22+$0xD0]  }
0x492: {  	v19 =	vmul.f32 v20, v2;
	v20 =	vld [tilespmem:s9+$0x20];
	v17 =	vcvt.s32.f32 v17;
	v15 =	vadd.f32 v15, v1  }
0x493: {  	v16 =	vmul.f32 v16, v2;
	v22 =	vmul.u32 v3, v22;
	v21 =	vmul.u32 v4, v21  }
0x494: {  	v19 =	vadd.f32 v19, v1;
	v17 =	vmul.f32 v17, v2;
	[tilespmem:s20+$0x50] =	vst v15;
	v15 =	vcvt.s32.f32 v13  }
0x495: {  	v13 =	vadd.f32 v16, v1;
	v16 =	vshra.s32 v22, $0x18;
	v21 =	vshra.s32 v21, $0x18;
	v22 =	vld [tilespmem:s22+$0x60]  }
0x496: {  	v16 =	vcvt.s32.f32 v16;
	[tilespmem:s11+$0xFFFFFF10] =	vst v19;
	v17 =	vadd.f32 v17, v1;
	v18 =	vmul.u32 v5, v18  }
0x497: {  	v11 =	vshra.s32 v11, $0x18;
	[tilespmem:s11+$0xFFFFFF90] =	vst v13;
	v21 =	vcvt.s32.f32 v21;
	v19 =	vld [tilespmem:s9+$0xFFFFFF20];
	v20 =	vmul.u32 v10, v20  }
0x498: {  	v13 =	vcvt.s32.f32 v11;
	v23 =	vld [tilespmem:s9+$0xFFFFFFA0];
	v16 =	vmul.f32 v16, v2;
	[tilespmem:s11+$0x90] =	vst v17;
	v17 =	vshra.s32 v18, $0x18  }
0x499: {  	v11 =	vshra.s32 v20, $0x18;
	v18 =	vld [tilespmem:s9+$0xA0];
	v20 =	vmul.f32 v21, v2;
	v17 =	vcvt.s32.f32 v17  }
0x49a: {  	v16 =	vadd.f32 v16, v1;
	v21 =	vcvt.s32.f32 v11;
	v22 =	vmul.u32 v6, v22  }
0x49b: {  	v11 =	vmul.f32 v15, v2;
	v20 =	vadd.f32 v20, v1;
	v17 =	vmul.f32 v17, v2  }
0x49c: {  	[tilespmem:s20+$0xFFFFFF50] =	vst v16;
	v15 =	vmul.u32 v7, v19;
	v19 =	vmul.f32 v21, v2;
	v21 =	vshra.s32 v22, $0x18  }
0x49d: {  	v22 =	vmul.u32 v8, v23;
	v21 =	vcvt.s32.f32 v21;
	v23 =	vadd.f32 v17, v1;
	v17 =	vld [tilespmem:s22+$0xFFFFFF60];
	[tilespmem:s20+$0xFFFFFFD0] =	vst v20  }
0x49e: {  	v15 =	vshra.s32 v15, $0x18;
	v20 =	vadd.f32 v19, v1;
	v18 =	vmul.u32 v9, v18;
	v16 =	vld [tilespmem:s22+$0xFFFFFFE0]  }
0x49f: {  	v63 =	vcvt.s32.f32 v15;
	v15 =	vshra.s32 v22, $0x18;
	v22 =	vmul.f32 v21, v2;
	[tilespmem:s20+$0xD0] =	vst v23  }
0x4a0: {  	s10 =	simm.s32 $0x16C00;
	v12 =	vmul.f32 v12, v2;
	v19 =	vcvt.s32.f32 v15;
	[tilespmem:s11+$0x20] =	vst v20;
	v21 =	vshra.s32 v18, $0x18;
	v15 =	vld [tilespmem:s22+$0xE0]  }
0x4a1: {  	s13 =	simm.s32 $0xEC00;
	s2 =	simm.s32 $0x8;
	[tilespmem:s18+$0x70] =	vst v14;
	s8 =	sor.u32 $0x3, s14;
	v20 =	vmul.f32 v63, v2;
	v18 =	vld [tilespmem:s9+$0x30];
	v21 =	vcvt.s32.f32 v21;
	v14 =	vadd.f32 v22, v1  }
.LBB2_11:
0x4a2: {  	s14 =	sadd.s32 s2, s4;
	s2 =	sadd.s32 $0x4, s2;
	v19 =	vmul.f32 v19, v2;
	v17 =	vmul.u32 v3, v17;
	v13 =	vmul.f32 v13, v2  }
0x4a3: {  	s17 =	sadd.s32 $0x184, s14;
	s21 =	sadd.s32 $0x186, s14;
	p0 =	slt.u32 s2, $0x7C;
	v20 =	vadd.f32 v20, v1;
	v21 =	vmul.f32 v21, v2;
	v16 =	vmul.u32 v4, v16;
	[tilespmem:s20+$0x60] =	vst v14  }
0x4a4: {  	v14 =	vmov s17;
	s17 =	sadd.s32 $0x185, s14;
	v22 =	vmov s21;
	s14 =	sadd.s32 $0x187, s14;
	v19 =	vadd.f32 v19, v1;
	v23 =	vld [tilespmem:s22+$0x70]  }
0x4a5: {  	v14 =	vand.u32 $0xFFFFFFFC, v14;
	v24 =	vmov s17;
	v22 =	vand.u32 $0xFFFFFFFE, v22;
	[tilespmem:s11+$0xFFFFFF20] =	vst v20  }
0x4a6: {  	v20 =	vand.u32 $0xFFFFFFFD, v24;
	v22 =	vbroadcast v22, $0x0;
	v24 =	vld [tilespmem:s9+$0xFFFFFF30];
	[tilespmem:s11+$0xFFFFFFA0] =	vst v19;
	v18 =	vmul.u32 v10, v18  }
0x4a7: {  	v14 =	vbroadcast v14, $0x0;
	v19 =	vbroadcast v20, $0x0;
	v20 =	vmov s14;
	v25 =	vld [tilespmem:s9+$0xFFFFFFB0]  }
0x4a8: {  	v21 =	vadd.f32 v21, v1;
	v15 =	vmul.u32 v5, v15;
	v18 =	vshra.s32 v18, $0x18  }
0x4a9: {  	v17 =	vshra.s32 v17, $0x18;
	v18 =	vcvt.s32.f32 v18;
	v23 =	vmul.u32 v6, v23;
	v6 =	vmovc v10  }
0x4aa: {  	v17 =	vcvt.s32.f32 v17;
	v16 =	vshra.s32 v16, $0x18;
	v15 =	vshra.s32 v15, $0x18;
	[tilespmem:s11+$0xA0] =	vst v21  }
0x4ab: {  	v21 =	vmul.u32 v7, v24;
	v18 =	vmul.f32 v18, v2;
	v24 =	vld [tilespmem:s9+$0xB0];
	v23 =	vshra.s32 v23, $0x18  }
0x4ac: {  	v16 =	vcvt.s32.f32 v16;
	s9 =	sadd.s32 $0x200, s9;
	v10 =	vld.idx.msk [tilespmem:v22+s25+$0x0], $0xffff;
	v22 =	vmul.u32 v8, v25;
	v23 =	vcvt.s32.f32 v23  }
0x4ad: {  	v15 =	vcvt.s32.f32 v15;
	v25 =	vld [tilespmem:s9+$0x0];
	v21 =	vshra.s32 v21, $0x18;
	v18 =	vadd.f32 v18, v1  }
0x4ae: {  	v14 =	vld.idx.msk [tilespmem:v14+s25+$0x0], $0xffff;
	v21 =	vcvt.s32.f32 v21;
	v22 =	vshra.s32 v22, $0x18;
	v23 =	vmul.f32 v23, v2  }
0x4af: {  	v11 =	vadd.f32 v11, v1;
	v17 =	vmul.f32 v17, v2;
	v19 =	vld.idx.msk [tilespmem:v19+s25+$0x0], $0xffff;
	v22 =	vcvt.s32.f32 v22;
	[tilespmem:s11+$0x30] =	vst v18  }
0x4b0: {  	v18 =	vmul.f32 v21, v2;
	v21 =	vld [tilespmem:s13+$0x40];
	v24 =	vmul.u32 v9, v24;
	v23 =	vadd.f32 v23, v1  }
0x4b1: {  	v16 =	vmul.f32 v16, v2;
	v17 =	vadd.f32 v17, v1;
	v20 =	vld.idx.msk [tilespmem:v20+s25+$0x0], $0xffff;
	v22 =	vmul.f32 v22, v2  }
0x4b2: {  	v26 =	vld [tilespmem:s9+$0xFFFFFF00];
	v25 =	vmul.u32 v10, v25;
	v18 =	vadd.f32 v18, v1;
	v24 =	vshra.s32 v24, $0x18;
	[tilespmem:s20+$0x70] =	vst v23  }
0x4b3: {  	v15 =	vmul.f32 v15, v2;
	v23 =	vld [tilespmem:s9+$0xFFFFFF80];
	v22 =	vadd.f32 v22, v1;
	v24 =	vcvt.s32.f32 v24;
	[tilespmem:s20+$0xFFFFFF60] =	vst v17  }
0x4b4: {  	v12 =	vadd.f32 v12, v1;
	v16 =	vadd.f32 v16, v1;
	v17 =	vshra.s32 v25, $0x18;
	v25 =	vld [tilespmem:s9+$0x80];
	[tilespmem:s11+$0xFFFFFF30] =	vst v18  }
0x4b5: {  	v17 =	vcvt.s32.f32 v17;
	v18 =	vld [tilespmem:s13+$0xFFFFFF40];
	[tilespmem:s11+$0xFFFFFFB0] =	vst v22;
	v21 =	vmul.u32 v6, v21;
	v22 =	vmul.f32 v24, v2  }
0x4b6: {  	v13 =	vadd.f32 v13, v1;
	v15 =	vadd.f32 v15, v1;
	v24 =	vld [tilespmem:s13+$0xFFFFFFC0];
	[tilespmem:s20+$0xFFFFFFE0] =	vst v16  }
0x4b7: {  	v16 =	vmul.u32 v14, v26;
	v17 =	vmul.f32 v17, v2;
	v21 =	vshra.s32 v21, $0x18;
	v26 =	vld [tilespmem:s22+$0xFFFFFF70];
	[tilespmem:s18+$0xFFFFFF70] =	vst v11  }
0x4b8: {  	v22 =	vadd.f32 v22, v1;
	v11 =	vmul.u32 v19, v23;
	v21 =	vcvt.s32.f32 v21;
	v23 =	vld [tilespmem:s22+$0xFFFFFFF0];
	[tilespmem:s20+$0xE0] =	vst v15  }
0x4b9: {  	v15 =	vshra.s32 v16, $0x18;
	v16 =	vadd.f32 v17, v1;
	v17 =	vmul.u32 v20, v25;
	v25 =	vld [tilespmem:s22+$0xF0];
	[tilespmem:s18+$0xFFFFFFF0] =	vst v12;
	s22 =	smov.u32 s13;
	s13 =	smov.u32 s9  }
0x4ba: {  	s11 =	sadd.s32 $0x200, s11;
	v12 =	vcvt.s32.f32 v15;
	v11 =	vshra.s32 v11, $0x18;
	v15 =	vmul.f32 v21, v2;
	[tilespmem:s10+$0xB0] =	vst v22  }
0x4bb: {  	v11 =	vcvt.s32.f32 v11;
	[tilespmem:s11+$0x0] =	vst v16;
	v16 =	vshra.s32 v17, $0x18;
	v17 =	vmul.u32 v7, v18;
	v18 =	vld [tilespmem:s22+$0xC0]  }
0x4bc: {  	v12 =	vmul.f32 v12, v2;
	v21 =	vld [tilespmem:s9+$0x10];
	v16 =	vcvt.s32.f32 v16;
	v15 =	vadd.f32 v15, v1;
	[tilespmem:s18+$0xF0] =	vst v13;
	s18 =	smov.u32 s20;
	s20 =	smov.u32 s10;
	s10 =	smov.u32 s11  }
0x4bd: {  	v11 =	vmul.f32 v11, v2;
	v13 =	vshra.s32 v17, $0x18;
	v17 =	vmul.u32 v8, v24  }
0x4be: {  	v12 =	vadd.f32 v12, v1;
	v16 =	vmul.f32 v16, v2;
	v13 =	vcvt.s32.f32 v13;
	[tilespmem:s20+$0x40] =	vst v15  }
0x4bf: {  	v22 =	vmul.u32 v3, v26;
	v3 =	vmovc v7;
	v7 =	vmovc v14;
	v11 =	vadd.f32 v11, v1;
	v15 =	vshra.s32 v17, $0x18;
	v17 =	vld [tilespmem:s22+$0x50]  }
0x4c0: {  	[tilespmem:s11+$0xFFFFFF00] =	vst v12;
	v12 =	vadd.f32 v16, v1;
	v14 =	vcvt.s32.f32 v15;
	v15 =	vmul.u32 v9, v18  }
0x4c1: {  	v13 =	vmul.f32 v13, v2;
	v18 =	vmul.u32 v4, v23;
	v16 =	vld [tilespmem:s9+$0xFFFFFF10];
	[tilespmem:s11+$0xFFFFFF80] =	vst v11;
	v11 =	vmul.u32 v10, v21  }
0x4c2: {  	v4 =	vmovc v8;
	v21 =	vld [tilespmem:s9+$0xFFFFFF90];
	[tilespmem:s11+$0x80] =	vst v12;
	v12 =	vmul.f32 v14, v2;
	v14 =	vshra.s32 v15, $0x18;
	v15 =	vmul.u32 v5, v25  }
0x4c3: {  	v8 =	vmovc v19;
	v13 =	vadd.f32 v13, v1;
	v5 =	vmovc v9;
	v11 =	vshra.s32 v11, $0x18;
	v23 =	vld [tilespmem:s9+$0x90];
	v14 =	vcvt.s32.f32 v14  }
0x4c4: {  	v9 =	vmovc v20;
	v11 =	vcvt.s32.f32 v11;
	v12 =	vadd.f32 v12, v1;
	v17 =	vmul.u32 v6, v17  }
0x4c5: {  	v18 =	vshra.s32 v18, $0x18;
	[tilespmem:s20+$0xFFFFFF40] =	vst v13;
	v13 =	vmul.f32 v14, v2;
	v14 =	vshra.s32 v22, $0x18  }
0x4c6: {  	v16 =	vmul.u32 v7, v16;
	v11 =	vmul.f32 v11, v2;
	v19 =	vld [tilespmem:s22+$0xFFFFFF50];
	[tilespmem:s20+$0xFFFFFFC0] =	vst v12;
	v12 =	vshra.s32 v17, $0x18  }
0x4c7: {  	v17 =	vmul.u32 v8, v21;
	v20 =	vld [tilespmem:s22+$0xFFFFFFD0];
	v12 =	vcvt.s32.f32 v12;
	v13 =	vadd.f32 v13, v1  }
0x4c8: {  	v16 =	vshra.s32 v16, $0x18;
	v11 =	vadd.f32 v11, v1;
	v21 =	vmul.u32 v9, v23  }
0x4c9: {  	v16 =	vcvt.s32.f32 v16;
	v17 =	vshra.s32 v17, $0x18;
	v12 =	vmul.f32 v12, v2;
	[tilespmem:s20+$0xC0] =	vst v13  }
0x4ca: {  	v15 =	vshra.s32 v15, $0x18;
	v13 =	vcvt.s32.f32 v17;
	[tilespmem:s11+$0x10] =	vst v11;
	v11 =	vshra.s32 v21, $0x18;
	v17 =	vld [tilespmem:s22+$0xD0]  }
0x4cb: {  	v16 =	vmul.f32 v16, v2;
	v21 =	vld [tilespmem:s9+$0x20];
	v11 =	vcvt.s32.f32 v11;
	v12 =	vadd.f32 v12, v1  }
0x4cc: {  	v19 =	vmul.u32 v3, v19;
	v13 =	vmul.f32 v13, v2;
	v20 =	vmul.u32 v4, v20  }
0x4cd: {  	v16 =	vadd.f32 v16, v1;
	v11 =	vmul.f32 v11, v2;
	[tilespmem:s20+$0x50] =	vst v12;
	v12 =	vcvt.s32.f32 v14  }
0x4ce: {  	v14 =	vshra.s32 v19, $0x18;
	v13 =	vadd.f32 v13, v1;
	v19 =	vshra.s32 v20, $0x18;
	v20 =	vld [tilespmem:s22+$0x60]  }
0x4cf: {  	v14 =	vcvt.s32.f32 v14;
	[tilespmem:s11+$0xFFFFFF10] =	vst v16;
	v11 =	vadd.f32 v11, v1;
	v16 =	vmul.u32 v5, v17  }
0x4d0: {  	v18 =	vcvt.s32.f32 v18;
	v19 =	vcvt.s32.f32 v19;
	v17 =	vld [tilespmem:s9+$0xFFFFFF20];
	[tilespmem:s11+$0xFFFFFF90] =	vst v13;
	v21 =	vmul.u32 v10, v21  }
0x4d1: {  	v13 =	vcvt.s32.f32 v15;
	v22 =	vld [tilespmem:s9+$0xFFFFFFA0];
	[tilespmem:s11+$0x90] =	vst v11;
	v11 =	vmul.f32 v14, v2;
	v14 =	vshra.s32 v16, $0x18  }
0x4d2: {  	v19 =	vmul.f32 v19, v2;
	v15 =	vshra.s32 v21, $0x18;
	v16 =	vld [tilespmem:s9+$0xA0];
	v14 =	vcvt.s32.f32 v14  }
0x4d3: {  	v15 =	vcvt.s32.f32 v15;
	v21 =	vadd.f32 v11, v1;
	v20 =	vmul.u32 v6, v20  }
0x4d4: {  	v19 =	vadd.f32 v19, v1;
	v11 =	vmul.f32 v12, v2;
	v14 =	vmul.f32 v14, v2  }
0x4d5: {  	v12 =	vmul.u32 v7, v17;
	v15 =	vmul.f32 v15, v2;
	[tilespmem:s20+$0xFFFFFF50] =	vst v21;
	v20 =	vshra.s32 v20, $0x18  }
.Ltmp4:
0x4d6: {  	v21 =	vmul.u32 v8, v22;
	v17 =	vld [tilespmem:s22+$0xFFFFFF60];
	[tilespmem:s20+$0xFFFFFFD0] =	vst v19;
	v19 =	vcvt.s32.f32 v20;
	v14 =	vadd.f32 v14, v1;
	(pc) =	sbr.rel @p0 .LBB2_11-.Ltmp4, $4  }
0x4d7: {  	v12 =	vshra.s32 v12, $0x18;
	v15 =	vadd.f32 v15, v1;
	v20 =	vmul.u32 v9, v16;
	v16 =	vld [tilespmem:s22+$0xFFFFFFE0]  }
0x4d8: {  	v22 =	vcvt.s32.f32 v12;
	v12 =	vshra.s32 v21, $0x18;
	v23 =	vmul.f32 v19, v2;
	[tilespmem:s20+$0xD0] =	vst v14  }
0x4d9: {  	v19 =	vcvt.s32.f32 v12;
	[tilespmem:s11+$0x20] =	vst v15;
	v14 =	vshra.s32 v20, $0x18;
	v15 =	vld [tilespmem:s22+$0xE0];
	v12 =	vmul.f32 v18, v2  }
0x4da: {  	v20 =	vmul.f32 v22, v2;
	v18 =	vld [tilespmem:s9+$0x30];
	v21 =	vcvt.s32.f32 v14;
	v14 =	vadd.f32 v23, v1  }
0x4db: {  	v19 =	vmul.f32 v19, v2  }
0x4dc: {  	v20 =	vadd.f32 v20, v1;
	v21 =	vmul.f32 v21, v2  }
0x4dd: {  	v19 =	vadd.f32 v19, v1  }
0x4de: {  	[tilespmem:s11+$0xFFFFFF20] =	vst v20;
	v28 =	vadd.f32 v21, v1  }
0x4df: {  	v29 =	vld [tilespmem:s9+$0xFFFFFF30];
	[tilespmem:s11+$0xFFFFFFA0] =	vst v19  }
0x4e0: {  	v19 =	vld [tilespmem:s9+$0xFFFFFFB0];
	[tilespmem:s11+$0xA0] =	vst v28  }
0x4e1: {  	v20 =	vld [tilespmem:s9+$0xB0]  }
0x4e2: {  	v18 =	vmul.u32 v10, v18;
	_ =	sdelay $0x1  }
0x4e3: {  	v18 =	vshra.s32 v18, $0x18;
	v21 =	vmul.u32 v7, v29  }
0x4e4: {  	v18 =	vcvt.s32.f32 v18;
	v19 =	vmul.u32 v8, v19  }
0x4e5: {  	v21 =	vshra.s32 v21, $0x18;
	v20 =	vmul.u32 v9, v20  }
0x4e6: {  	v18 =	vmul.f32 v18, v2;
	v21 =	vcvt.s32.f32 v21;
	v19 =	vshra.s32 v19, $0x18  }
0x4e7: {  	v19 =	vcvt.s32.f32 v19;
	v20 =	vshra.s32 v20, $0x18  }
0x4e8: {  	v18 =	vadd.f32 v18, v1;
	v30 =	vmul.f32 v21, v2;
	v20 =	vcvt.s32.f32 v20  }
0x4e9: {  	v19 =	vmul.f32 v19, v2  }
0x4ea: {  	[tilespmem:s11+$0x30] =	vst v18;
	v18 =	vadd.f32 v30, v1;
	v20 =	vmul.f32 v20, v2  }
0x4eb: {  	v31 =	vld [tilespmem:s13+$0x40];
	v19 =	vadd.f32 v19, v1  }
0x4ec: {  	[tilespmem:s11+$0xFFFFFF30] =	vst v18;
	v32 =	vadd.f32 v20, v1  }
0x4ed: {  	v33 =	vld [tilespmem:s13+$0xFFFFFF40];
	[tilespmem:s11+$0xFFFFFFB0] =	vst v19  }
0x4ee: {  	v35 =	vld [tilespmem:s13+$0xFFFFFFC0];
	[tilespmem:s10+$0xB0] =	vst v32  }
0x4ef: {  	v18 =	vld [tilespmem:s13+$0xC0]  }
0x4f0: {  	v34 =	vmul.u32 v10, v31;
	_ =	sdelay $0x1  }
0x4f1: {  	v19 =	vshra.s32 v34, $0x18;
	v20 =	vmul.u32 v7, v33  }
0x4f2: {  	v19 =	vcvt.s32.f32 v19;
	v21 =	vmul.u32 v8, v35  }
0x4f3: {  	v20 =	vshra.s32 v20, $0x18;
	v18 =	vmul.u32 v9, v18  }
0x4f4: {  	v19 =	vmul.f32 v19, v2;
	v20 =	vcvt.s32.f32 v20;
	v21 =	vshra.s32 v21, $0x18  }
0x4f5: {  	v21 =	vcvt.s32.f32 v21;
	v18 =	vshra.s32 v18, $0x18  }
0x4f6: {  	v19 =	vadd.f32 v19, v1;
	v36 =	vmul.f32 v20, v2;
	v18 =	vcvt.s32.f32 v18  }
0x4f7: {  	v21 =	vmul.f32 v21, v2  }
0x4f8: {  	[tilespmem:s10+$0x40] =	vst v19;
	v19 =	vadd.f32 v36, v1;
	v18 =	vmul.f32 v18, v2  }
0x4f9: {  	v37 =	vld [tilespmem:s13+$0x50];
	v21 =	vadd.f32 v21, v1  }
0x4fa: {  	[tilespmem:s10+$0xFFFFFF40] =	vst v19;
	v18 =	vadd.f32 v18, v1  }
0x4fb: {  	v19 =	vld [tilespmem:s13+$0xFFFFFF50];
	[tilespmem:s10+$0xFFFFFFC0] =	vst v21  }
0x4fc: {  	v21 =	vld [tilespmem:s13+$0xFFFFFFD0];
	[tilespmem:s10+$0xC0] =	vst v18  }
0x4fd: {  	v18 =	vld [tilespmem:s13+$0xD0]  }
0x4fe: {  	v20 =	vmul.u32 v10, v37;
	_ =	sdelay $0x1  }
0x4ff: {  	v20 =	vshra.s32 v20, $0x18;
	v19 =	vmul.u32 v7, v19  }
0x500: {  	v20 =	vcvt.s32.f32 v20;
	v21 =	vmul.u32 v8, v21  }
0x501: {  	v19 =	vshra.s32 v19, $0x18;
	v18 =	vmul.u32 v9, v18  }
0x502: {  	v20 =	vmul.f32 v20, v2;
	v21 =	vshra.s32 v21, $0x18;
	v19 =	vcvt.s32.f32 v19  }
0x503: {  	v21 =	vcvt.s32.f32 v21;
	v18 =	vshra.s32 v18, $0x18  }
0x504: {  	v20 =	vadd.f32 v20, v1;
	v19 =	vmul.f32 v19, v2;
	v18 =	vcvt.s32.f32 v18  }
0x505: {  	v21 =	vmul.f32 v21, v2  }
0x506: {  	v17 =	vmul.u32 v3, v17;
	[tilespmem:s10+$0x50] =	vst v20;
	v19 =	vadd.f32 v19, v1;
	v18 =	vmul.f32 v18, v2  }
0x507: {  	v20 =	vld [tilespmem:s13+$0x60];
	v38 =	vadd.f32 v21, v1  }
0x508: {  	v16 =	vmul.u32 v4, v16;
	v17 =	vshra.s32 v17, $0x18;
	[tilespmem:s10+$0xFFFFFF50] =	vst v19;
	v18 =	vadd.f32 v18, v1  }
0x509: {  	v15 =	vmul.u32 v5, v15;
	v40 =	vcvt.s32.f32 v17;
	v19 =	vld [tilespmem:s13+$0xFFFFFF60];
	[tilespmem:s10+$0xFFFFFFD0] =	vst v38  }
0x50a: {  	v16 =	vshra.s32 v16, $0x18;
	v42 =	vld [tilespmem:s13+$0xFFFFFFE0];
	[tilespmem:s10+$0xD0] =	vst v18  }
0x50b: {  	[tilespmem:s20+$0x60] =	vst v14;
	v16 =	vcvt.s32.f32 v16;
	v15 =	vshra.s32 v15, $0x18;
	v14 =	vmul.f32 v40, v2;
	v18 =	vld [tilespmem:s13+$0xE0]  }
0x50c: {  	v15 =	vcvt.s32.f32 v15;
	v41 =	vmul.u32 v10, v20  }
0x50d: {  	v16 =	vmul.f32 v16, v2;
	v14 =	vadd.f32 v14, v1  }
0x50e: {  	v15 =	vmul.f32 v15, v2;
	v17 =	vshra.s32 v41, $0x18;
	v19 =	vmul.u32 v7, v19  }
0x50f: {  	v16 =	vadd.f32 v16, v1;
	v17 =	vcvt.s32.f32 v17;
	v20 =	vmul.u32 v8, v42  }
0x510: {  	v39 =	vld [tilespmem:s22+$0x70];
	[tilespmem:s20+$0xFFFFFF60] =	vst v14;
	v15 =	vadd.f32 v15, v1;
	v18 =	vmul.u32 v9, v18;
	v19 =	vshra.s32 v19, $0x18  }
0x511: {  	v46 =	vld [tilespmem:s22+$0xFFFFFF70];
	v17 =	vmul.f32 v17, v2;
	v44 =	vcvt.s32.f32 v19;
	v45 =	vshra.s32 v20, $0x18  }
0x512: {  	[tilespmem:s20+$0xFFFFFFE0] =	vst v16;
	v18 =	vshra.s32 v18, $0x18;
	v19 =	vcvt.s32.f32 v45  }
0x513: {  	v47 =	vld [tilespmem:s22+$0xFFFFFFF0];
	[tilespmem:s20+$0xE0] =	vst v15;
	v43 =	vadd.f32 v17, v1;
	v48 =	vcvt.s32.f32 v18;
	v17 =	vmul.f32 v44, v2  }
0x514: {  	v51 =	vld [tilespmem:s22+$0xF0];
	v50 =	vmul.f32 v19, v2  }
0x515: {  	v6 =	vmul.u32 v6, v39;
	v17 =	vadd.f32 v17, v1;
	v14 =	vmul.f32 v48, v2  }
0x516: {  	v13 =	vmul.f32 v13, v2;
	v3 =	vmul.u32 v3, v46;
	[tilespmem:s10+$0x60] =	vst v43;
	v18 =	vadd.f32 v50, v1  }
0x517: {  	v11 =	vadd.f32 v11, v1;
	v6 =	vshra.s32 v6, $0x18;
	v49 =	vld [tilespmem:s13+$0x70];
	[tilespmem:s10+$0xFFFFFF60] =	vst v17;
	v14 =	vadd.f32 v14, v1  }
0x518: {  	v6 =	vcvt.s32.f32 v6;
	v53 =	vmul.u32 v4, v47;
	v3 =	vshra.s32 v3, $0x18;
	[tilespmem:s10+$0xFFFFFFE0] =	vst v18;
	v52 =	vld [tilespmem:s13+$0xFFFFFF70]  }
0x519: {  	v12 =	vadd.f32 v12, v1;
	v56 =	vmul.u32 v5, v51;
	v3 =	vcvt.s32.f32 v3;
	v55 =	vld [tilespmem:s13+$0xFFFFFFF0];
	[tilespmem:s10+$0xE0] =	vst v14  }
0x51a: {  	v13 =	vadd.f32 v13, v1;
	v6 =	vmul.f32 v6, v2;
	v4 =	vshra.s32 v53, $0x18;
	v14 =	vld [tilespmem:s13+$0xF0]  }
0x51b: {  	v4 =	vcvt.s32.f32 v4;
	v5 =	vshra.s32 v56, $0x18;
	v3 =	vmul.f32 v3, v2  }
0x51c: {  	v6 =	vadd.f32 v6, v1;
	v5 =	vcvt.s32.f32 v5;
	v54 =	vmul.u32 v10, v49  }
0x51d: {  	v4 =	vmul.f32 v4, v2;
	v3 =	vadd.f32 v3, v1;
	v57 =	vmul.u32 v7, v52  }
0x51e: {  	[tilespmem:s18+$0xFFFFFF70] =	vst v11;
	v5 =	vmul.f32 v5, v2;
	v10 =	vshra.s32 v54, $0x18;
	v59 =	vmul.u32 v8, v55  }
0x51f: {  	[tilespmem:s18+$0xFFFFFFF0] =	vst v12;
	v10 =	vcvt.s32.f32 v10;
	v60 =	vmul.u32 v9, v14;
	v7 =	vshra.s32 v57, $0x18  }
0x520: {  	[tilespmem:s18+$0xF0] =	vst v13;
	v4 =	vadd.f32 v4, v1;
	v8 =	vshra.s32 v59, $0x18;
	v7 =	vcvt.s32.f32 v7  }
0x521: {  	[tilespmem:s20+$0x70] =	vst v6;
	v58 =	vmul.f32 v10, v2;
	v9 =	vshra.s32 v60, $0x18;
	v8 =	vcvt.s32.f32 v8  }
0x522: {  	[tilespmem:s20+$0xFFFFFF70] =	vst v3;
	v5 =	vadd.f32 v5, v1;
	v61 =	vcvt.s32.f32 v9;
	v7 =	vmul.f32 v7, v2  }
0x523: {  	[tilespmem:s20+$0xFFFFFFF0] =	vst v4;
	v6 =	vadd.f32 v58, v1;
	v3 =	vmul.f32 v8, v2  }
0x524: {  	p0 =	seq.s32 s12, $0x5;
	[tilespmem:s20+$0xF0] =	vst v5;
	v62 =	vmul.f32 v61, v2;
	v63 =	vadd.f32 v7, v1  }
.Ltmp5:
0x525: {  	s2 =	sadd.s32 s7, s8;
	[tilespmem:s10+$0x70] =	vst v6;
	v3 =	vadd.f32 v3, v1;
	(pc) =	sbr.rel @p0 .LBB2_14-.Ltmp5, $4  }
0x526: {  	s2 =	sshll.u32 s2, $0xB;
	v4 =	vadd.f32 v62, v1;
	[tilespmem:s10+$0xFFFFFF70] =	vst v63  }
0x527: {  	s2 =	sand.u32 $0x1FFFF800, s2;
	[tilespmem:s10+$0xFFFFFFF0] =	vst v3  }
0x528: {  	s2 =	sadd.s32 s5, s2;
	[tilespmem:s10+$0xF0] =	vst v4  }
0x529: {  	[hbm4b:s2+s6] =	stream.linear.scatter [tilespmem:s29], [sflag:$0x6], $0x4000, $0x38;
	[tilespmem:$0x1A720] =	vst v63  }
.Ltmp6:
0x52a: {  	(pc) =	sbr.rel .LBB2_4-.Ltmp6, $4  }
0x52b: {  	s2 =	sadd.s32 $0x1000, s16;
	s8 =	simm.s32 $0xA700;
	s22 =	sadd.s32 $0x1080, s16  }
0x52c: {  	[tilespmem:s8], [sflag:$0x3] =	stream.indirect.gather [hbm4b:s1+s15], $0x80, s2, s15, $0xb8;
	[tilespmem:$0x1A720] =	vst v63  }
0x52d: {  	s23 =	simm.s32 $0xE700;
	s12 =	sadd.s32 $0x1, s12;
	s4 =	sadd.s32 $0x200, s4  }
0x52e: {  	[tilespmem:s23], [sflag:$0x4] =	stream.indirect.gather [hbm4b:s1+s15], $0x80, s22, s15, $0xb8;
	[tilespmem:$0x1A720] =	vst v63  }
.LBB2_14:
0x52f: {  	s2 =	simm.s32 $0xC02  }
0x530: {  	v3 =	vmov s2  }
0x531: {  	_ =	swait.ge [sflag:s24], $0x4000;
	v3 =	vand.u32 $0xFFFFFFFE, v3  }
0x532: {  	s11 =	simm.s32 $0xC00;
	[sflag:s24] =	ssyncset.done $0x0;
	v3 =	vbroadcast v3, $0x0  }
0x533: {  	s12 =	simm.s32 $0xC01;
	v4 =	vmov s11;
	[sflag:s24] =	ssyncadd.s32 $0xFFFFC000  }
0x534: {  	s4 =	simm.s32 $0xC03;
	v5 =	vmov s12;
	v4 =	vand.u32 $0xFFFFFFFC, v4;
	_ =	swait.ge [sflag:s31], $0x4000  }
0x535: {  	v6 =	vmov s4;
	v5 =	vand.u32 $0xFFFFFFFD, v5;
	v4 =	vbroadcast v4, $0x0;
	[sflag:s31] =	ssyncset.done $0x0  }
0x536: {  	s12 =	simm.s32 $0x2800;
	v5 =	vbroadcast v5, $0x0;
	[sflag:s31] =	ssyncadd.s32 $0xFFFFC000  }
0x537: {  	v7 =	vld [tilespmem:s12+$0x0]  }
0x538: {  	v10 =	vld.idx.msk [tilespmem:v3+s25+$0x0], $0xffff;
	_ =	sdelay $0x1  }
0x539: {  	v3 =	vld.idx.msk [tilespmem:v6+s25+$0x0], $0xffff  }
0x53a: {  	v8 =	vld.idx.msk [tilespmem:v4+s25+$0x0], $0xffff  }
0x53b: {  	v9 =	vld.idx.msk [tilespmem:v5+s25+$0x0], $0xffff  }
0x53c: {  	v4 =	vld [tilespmem:s12+$0xFFFFFF00];
	v5 =	vmul.u32 v10, v7  }
0x53d: {  	v6 =	vld [tilespmem:s12+$0xFFFFFF80]  }
0x53e: {  	v7 =	vld [tilespmem:s12+$0x80];
	v5 =	vshra.s32 v5, $0x18  }
0x53f: {  	v5 =	vcvt.s32.f32 v5;
	_ =	sdelay $0x1  }
0x540: {  	v4 =	vmul.u32 v8, v4;
	v5 =	vmul.f32 v5, v2  }
0x541: {  	v6 =	vmul.u32 v9, v6  }
0x542: {  	v4 =	vshra.s32 v4, $0x18;
	v7 =	vmul.u32 v3, v7;
	v5 =	vadd.f32 v5, v1  }
0x543: {  	s4 =	simm.s32 $0x12800;
	v6 =	vshra.s32 v6, $0x18;
	v4 =	vcvt.s32.f32 v4  }
0x544: {  	v6 =	vcvt.s32.f32 v6;
	v7 =	vshra.s32 v7, $0x18;
	[tilespmem:s4+$0x0] =	vst v5  }
0x545: {  	v4 =	vmul.f32 v4, v2;
	v5 =	vcvt.s32.f32 v7;
	v7 =	vld [tilespmem:s12+$0x10]  }
0x546: {  	v6 =	vmul.f32 v6, v2  }
0x547: {  	v4 =	vadd.f32 v4, v1;
	v5 =	vmul.f32 v5, v2  }
0x548: {  	v6 =	vadd.f32 v6, v1  }
0x549: {  	[tilespmem:s4+$0xFFFFFF00] =	vst v4;
	v4 =	vadd.f32 v5, v1  }
0x54a: {  	[tilespmem:s4+$0xFFFFFF80] =	vst v6;
	v5 =	vld [tilespmem:s12+$0xFFFFFF10];
	v6 =	vmul.u32 v10, v7  }
0x54b: {  	v7 =	vld [tilespmem:s12+$0xFFFFFF90];
	[tilespmem:s4+$0x80] =	vst v4  }
0x54c: {  	v4 =	vld [tilespmem:s12+$0x90];
	v6 =	vshra.s32 v6, $0x18  }
0x54d: {  	v6 =	vcvt.s32.f32 v6;
	_ =	sdelay $0x1  }
0x54e: {  	v5 =	vmul.u32 v8, v5;
	v6 =	vmul.f32 v6, v2  }
0x54f: {  	v7 =	vmul.u32 v9, v7  }
0x550: {  	v5 =	vshra.s32 v5, $0x18;
	v4 =	vmul.u32 v3, v4;
	v6 =	vadd.f32 v6, v1  }
0x551: {  	v5 =	vcvt.s32.f32 v5;
	v7 =	vshra.s32 v7, $0x18  }
0x552: {  	v7 =	vcvt.s32.f32 v7;
	v4 =	vshra.s32 v4, $0x18;
	[tilespmem:s4+$0x10] =	vst v6  }
0x553: {  	v5 =	vmul.f32 v5, v2;
	v4 =	vcvt.s32.f32 v4;
	v6 =	vld [tilespmem:s12+$0x20]  }
0x554: {  	v7 =	vmul.f32 v7, v2  }
0x555: {  	v5 =	vadd.f32 v5, v1;
	v4 =	vmul.f32 v4, v2  }
0x556: {  	v7 =	vadd.f32 v7, v1  }
0x557: {  	[tilespmem:s4+$0xFFFFFF10] =	vst v5;
	v4 =	vadd.f32 v4, v1  }
0x558: {  	v5 =	vld [tilespmem:s12+$0xFFFFFF20];
	[tilespmem:s4+$0xFFFFFF90] =	vst v7;
	v6 =	vmul.u32 v10, v6  }
0x559: {  	v7 =	vld [tilespmem:s12+$0xFFFFFFA0];
	[tilespmem:s4+$0x90] =	vst v4  }
0x55a: {  	v4 =	vld [tilespmem:s12+$0xA0];
	v6 =	vshra.s32 v6, $0x18  }
0x55b: {  	v6 =	vcvt.s32.f32 v6;
	_ =	sdelay $0x1  }
0x55c: {  	v5 =	vmul.u32 v8, v5;
	v6 =	vmul.f32 v6, v2  }
0x55d: {  	v7 =	vmul.u32 v9, v7  }
0x55e: {  	v5 =	vshra.s32 v5, $0x18;
	v4 =	vmul.u32 v3, v4;
	v6 =	vadd.f32 v6, v1  }
0x55f: {  	v5 =	vcvt.s32.f32 v5;
	v7 =	vshra.s32 v7, $0x18  }
0x560: {  	v7 =	vcvt.s32.f32 v7;
	v4 =	vshra.s32 v4, $0x18;
	[tilespmem:s4+$0x20] =	vst v6  }
0x561: {  	s13 =	simm.s32 $0xC07;
	v5 =	vmul.f32 v5, v2;
	v4 =	vcvt.s32.f32 v4;
	v12 =	vld [tilespmem:s12+$0x30]  }
0x562: {  	s16 =	simm.s32 $0xC05;
	v11 =	vmov s13;
	v7 =	vmul.f32 v7, v2  }
0x563: {  	s17 =	simm.s32 $0xC06;
	v13 =	vmov s16;
	v5 =	vadd.f32 v5, v1;
	v4 =	vmul.f32 v4, v2  }
0x564: {  	v14 =	vmov s17;
	v13 =	vand.u32 $0xFFFFFFFD, v13;
	v7 =	vadd.f32 v7, v1  }
0x565: {  	s14 =	simm.s32 $0xC04;
	[tilespmem:s4+$0xFFFFFF20] =	vst v5;
	v5 =	vbroadcast v13, $0x0;
	v13 =	vand.u32 $0xFFFFFFFE, v14;
	v4 =	vadd.f32 v4, v1  }
0x566: {  	v6 =	vmov s14;
	v14 =	vld [tilespmem:s12+$0xFFFFFF30];
	[tilespmem:s4+$0xFFFFFFA0] =	vst v7;
	v7 =	vbroadcast v13, $0x0;
	v12 =	vmul.u32 v10, v12  }
0x567: {  	v6 =	vand.u32 $0xFFFFFFFC, v6;
	v13 =	vld [tilespmem:s12+$0xFFFFFFB0];
	[tilespmem:s4+$0xA0] =	vst v4  }
0x568: {  	v6 =	vbroadcast v6, $0x0;
	v15 =	vld [tilespmem:s12+$0xB0];
	v12 =	vshra.s32 v12, $0x18  }
0x569: {  	s14 =	simm.s32 $0x2A00;
	v4 =	vld.idx.msk [tilespmem:v11+s25+$0x0], $0xffff;
	v11 =	vcvt.s32.f32 v12  }
0x56a: {  	v16 =	vld [tilespmem:s14+$0xFFFFFF00]  }
0x56b: {  	v17 =	vld [tilespmem:s14+$0xFFFFFF80];
	v12 =	vmul.u32 v8, v14;
	v11 =	vmul.f32 v11, v2  }
0x56c: {  	v13 =	vmul.u32 v9, v13;
	v7 =	vld.idx.msk [tilespmem:v7+s25+$0x0], $0xffff  }
0x56d: {  	v12 =	vshra.s32 v12, $0x18;
	v14 =	vmul.u32 v3, v15;
	v15 =	vld [tilespmem:s14+$0x0];
	v11 =	vadd.f32 v11, v1  }
0x56e: {  	v6 =	vld.idx.msk [tilespmem:v6+s25+$0x0], $0xffff;
	v12 =	vcvt.s32.f32 v12;
	v13 =	vshra.s32 v13, $0x18  }
0x56f: {  	v5 =	vld.idx.msk [tilespmem:v5+s25+$0x0], $0xffff;
	v13 =	vcvt.s32.f32 v13;
	v14 =	vshra.s32 v14, $0x18;
	[tilespmem:s4+$0x30] =	vst v11  }
0x570: {  	v11 =	vmul.f32 v12, v2;
	v12 =	vcvt.s32.f32 v14;
	v14 =	vld [tilespmem:s12+$0x40]  }
0x571: {  	v18 =	vld [tilespmem:s14+$0x80];
	v13 =	vmul.f32 v13, v2  }
0x572: {  	v11 =	vadd.f32 v11, v1;
	v12 =	vmul.f32 v12, v2;
	v15 =	vmul.u32 v7, v15  }
0x573: {  	v16 =	vmul.u32 v6, v16;
	v13 =	vadd.f32 v13, v1  }
0x574: {  	[tilespmem:s4+$0xFFFFFF30] =	vst v11;
	v11 =	vadd.f32 v12, v1;
	v12 =	vmul.u32 v5, v17;
	v15 =	vshra.s32 v15, $0x18  }
0x575: {  	v16 =	vshra.s32 v16, $0x18;
	[tilespmem:s4+$0xFFFFFFB0] =	vst v13;
	v13 =	vld [tilespmem:s12+$0xFFFFFF40];
	v15 =	vcvt.s32.f32 v15;
	v14 =	vmul.u32 v10, v14  }
0x576: {  	v17 =	vld [tilespmem:s12+$0xFFFFFFC0];
	[tilespmem:s4+$0xB0] =	vst v11;
	v11 =	vcvt.s32.f32 v16;
	v12 =	vshra.s32 v12, $0x18;
	v16 =	vmul.u32 v4, v18  }
0x577: {  	v18 =	vld [tilespmem:s12+$0xC0];
	v12 =	vcvt.s32.f32 v12;
	v15 =	vmul.f32 v15, v2;
	v14 =	vshra.s32 v14, $0x18  }
0x578: {  	v11 =	vmul.f32 v11, v2;
	v16 =	vshra.s32 v16, $0x18;
	v14 =	vcvt.s32.f32 v14  }
0x579: {  	v12 =	vmul.f32 v12, v2;
	v15 =	vadd.f32 v15, v1;
	v16 =	vcvt.s32.f32 v16  }
0x57a: {  	s20 =	simm.s32 $0x12A00;
	v11 =	vadd.f32 v11, v1;
	v13 =	vmul.u32 v8, v13;
	v14 =	vmul.f32 v14, v2  }
0x57b: {  	v12 =	vadd.f32 v12, v1;
	[tilespmem:s20+$0x0] =	vst v15;
	v15 =	vmul.f32 v16, v2;
	v16 =	vmul.u32 v9, v17  }
0x57c: {  	[tilespmem:s20+$0xFFFFFF00] =	vst v11;
	v11 =	vld [tilespmem:s14+$0x10];
	v13 =	vshra.s32 v13, $0x18;
	v17 =	vmul.u32 v3, v18;
	v14 =	vadd.f32 v14, v1  }
0x57d: {  	v18 =	vld [tilespmem:s14+$0xFFFFFF10];
	[tilespmem:s20+$0xFFFFFF80] =	vst v12;
	v12 =	vadd.f32 v15, v1;
	v13 =	vcvt.s32.f32 v13;
	v15 =	vshra.s32 v16, $0x18  }
0x57e: {  	v16 =	vld [tilespmem:s14+$0xFFFFFF90];
	v15 =	vcvt.s32.f32 v15;
	[tilespmem:s4+$0x40] =	vst v14;
	v14 =	vshra.s32 v17, $0x18  }
0x57f: {  	[tilespmem:s20+$0x80] =	vst v12;
	v12 =	vmul.f32 v13, v2;
	v13 =	vld [tilespmem:s12+$0x50];
	v14 =	vcvt.s32.f32 v14  }
0x580: {  	v17 =	vld [tilespmem:s14+$0x90];
	v15 =	vmul.f32 v15, v2  }
0x581: {  	s18 =	simm.s32 $0xC0B;
	v11 =	vmul.u32 v7, v11;
	v12 =	vadd.f32 v12, v1;
	v14 =	vmul.f32 v14, v2  }
0x582: {  	v19 =	vmov s18;
	v18 =	vmul.u32 v6, v18;
	v15 =	vadd.f32 v15, v1  }
0x583: {  	v16 =	vmul.u32 v5, v16;
	v11 =	vshra.s32 v11, $0x18;
	[tilespmem:s4+$0xFFFFFF40] =	vst v12;
	v12 =	vadd.f32 v14, v1  }
0x584: {  	v14 =	vshra.s32 v18, $0x18;
	v11 =	vcvt.s32.f32 v11;
	v18 =	vld [tilespmem:s12+$0xFFFFFF50];
	[tilespmem:s4+$0xFFFFFFC0] =	vst v15;
	v13 =	vmul.u32 v10, v13  }
0x585: {  	v14 =	vcvt.s32.f32 v14;
	v15 =	vshra.s32 v16, $0x18;
	v16 =	vmul.u32 v4, v17;
	v17 =	vld [tilespmem:s12+$0xFFFFFFD0];
	[tilespmem:s4+$0xC0] =	vst v12  }
0x586: {  	v12 =	vcvt.s32.f32 v15;
	v11 =	vmul.f32 v11, v2;
	v13 =	vshra.s32 v13, $0x18;
	v15 =	vld [tilespmem:s12+$0xD0]  }
0x587: {  	v14 =	vmul.f32 v14, v2;
	v16 =	vshra.s32 v16, $0x18;
	v13 =	vcvt.s32.f32 v13  }
0x588: {  	v12 =	vmul.f32 v12, v2;
	v11 =	vadd.f32 v11, v1;
	v16 =	vcvt.s32.f32 v16  }
0x589: {  	v14 =	vadd.f32 v14, v1;
	v18 =	vmul.u32 v8, v18;
	v13 =	vmul.f32 v13, v2  }
0x58a: {  	v12 =	vadd.f32 v12, v1;
	[tilespmem:s20+$0x10] =	vst v11;
	v11 =	vmul.f32 v16, v2;
	v16 =	vmul.u32 v9, v17  }
0x58b: {  	[tilespmem:s20+$0xFFFFFF10] =	vst v14;
	v14 =	vld [tilespmem:s14+$0x20];
	v17 =	vshra.s32 v18, $0x18;
	v13 =	vadd.f32 v13, v1;
	v15 =	vmul.u32 v3, v15  }
0x58c: {  	s21 =	simm.s32 $0xC08;
	v18 =	vld [tilespmem:s14+$0xFFFFFF20];
	[tilespmem:s20+$0xFFFFFF90] =	vst v12;
	v11 =	vadd.f32 v11, v1;
	v12 =	vcvt.s32.f32 v17;
	v16 =	vshra.s32 v16, $0x18  }
0x58d: {  	v17 =	vmov s21;
	v20 =	vld [tilespmem:s14+$0xFFFFFFA0];
	v16 =	vcvt.s32.f32 v16;
	[tilespmem:s4+$0x50] =	vst v13;
	v13 =	vshra.s32 v15, $0x18  }
0x58e: {  	s22 =	simm.s32 $0xC09;
	v17 =	vand.u32 $0xFFFFFFFC, v17;
	[tilespmem:s20+$0x90] =	vst v11;
	v11 =	vmul.f32 v12, v2;
	v12 =	vld [tilespmem:s12+$0x60];
	v13 =	vcvt.s32.f32 v13  }
0x58f: {  	v15 =	vmov s22;
	v17 =	vbroadcast v17, $0x0;
	v21 =	vld [tilespmem:s14+$0xA0];
	v16 =	vmul.f32 v16, v2  }
0x590: {  	v14 =	vmul.u32 v7, v14;
	v11 =	vadd.f32 v11, v1;
	v13 =	vmul.f32 v13, v2  }
0x591: {  	v15 =	vand.u32 $0xFFFFFFFD, v15;
	v18 =	vmul.u32 v6, v18;
	v16 =	vadd.f32 v16, v1  }
0x592: {  	v20 =	vmul.u32 v5, v20;
	v14 =	vshra.s32 v14, $0x18;
	[tilespmem:s4+$0xFFFFFF50] =	vst v11;
	v11 =	vadd.f32 v13, v1  }
0x593: {  	v13 =	vshra.s32 v18, $0x18;
	v14 =	vcvt.s32.f32 v14;
	v18 =	vld [tilespmem:s12+$0xFFFFFF60];
	[tilespmem:s4+$0xFFFFFFD0] =	vst v16;
	v12 =	vmul.u32 v10, v12  }
0x594: {  	v13 =	vcvt.s32.f32 v13;
	v16 =	vshra.s32 v20, $0x18;
	v20 =	vmul.u32 v4, v21;
	v21 =	vld [tilespmem:s12+$0xFFFFFFE0];
	[tilespmem:s4+$0xD0] =	vst v11  }
0x595: {  	v11 =	vcvt.s32.f32 v16;
	v14 =	vmul.f32 v14, v2;
	v12 =	vshra.s32 v12, $0x18;
	v16 =	vld [tilespmem:s12+$0xE0]  }
0x596: {  	v13 =	vmul.f32 v13, v2;
	v20 =	vshra.s32 v20, $0x18;
	v12 =	vcvt.s32.f32 v12  }
0x597: {  	v11 =	vmul.f32 v11, v2;
	v14 =	vadd.f32 v14, v1;
	v20 =	vcvt.s32.f32 v20  }
0x598: {  	v13 =	vadd.f32 v13, v1;
	v18 =	vmul.u32 v8, v18;
	v12 =	vmul.f32 v12, v2  }
0x599: {  	v11 =	vadd.f32 v11, v1;
	[tilespmem:s20+$0x20] =	vst v14;
	v14 =	vmul.f32 v20, v2;
	v20 =	vmul.u32 v9, v21  }
0x59a: {  	[tilespmem:s20+$0xFFFFFF20] =	vst v13;
	v13 =	vld [tilespmem:s14+$0x30];
	v18 =	vshra.s32 v18, $0x18;
	v12 =	vadd.f32 v12, v1;
	v16 =	vmul.u32 v3, v16  }
0x59b: {  	v21 =	vld [tilespmem:s14+$0xFFFFFF30];
	[tilespmem:s20+$0xFFFFFFA0] =	vst v11;
	v11 =	vadd.f32 v14, v1;
	v14 =	vcvt.s32.f32 v18;
	v18 =	vshra.s32 v20, $0x18  }
0x59c: {  	s23 =	simm.s32 $0xC0A;
	v15 =	vbroadcast v15, $0x0;
	v20 =	vld [tilespmem:s14+$0xFFFFFFB0];
	v18 =	vcvt.s32.f32 v18;
	[tilespmem:s4+$0x60] =	vst v12;
	v12 =	vshra.s32 v16, $0x18  }
0x59d: {  	v16 =	vmov s23;
	[tilespmem:s20+$0xA0] =	vst v11;
	v22 =	vld [tilespmem:s12+$0x70];
	v11 =	vcvt.s32.f32 v12  }
0x59e: {  	v12 =	vmul.f32 v14, v2;
	v14 =	vand.u32 $0xFFFFFFFE, v16;
	v16 =	vld [tilespmem:s14+$0xB0];
	v18 =	vmul.f32 v18, v2  }
0x59f: {  	v23 =	vbroadcast v14, $0x0;
	v14 =	vmul.u32 v7, v13;
	v24 =	vmul.f32 v11, v2  }
0x5a0: {  	v11 =	vld.idx.msk [tilespmem:v19+s25+$0x0], $0xffff;
	v19 =	vmul.u32 v6, v21;
	v21 =	vadd.f32 v12, v1;
	v18 =	vadd.f32 v18, v1  }
0x5a1: {  	v13 =	vld.idx.msk [tilespmem:v17+s25+$0x0], $0xffff;
	v17 =	vmul.u32 v5, v20;
	v14 =	vshra.s32 v14, $0x18;
	v20 =	vadd.f32 v24, v1  }
0x5a2: {  	v12 =	vld.idx.msk [tilespmem:v15+s25+$0x0], $0xffff;
	v15 =	vshra.s32 v19, $0x18;
	v19 =	vcvt.s32.f32 v14;
	[tilespmem:s4+$0xFFFFFF60] =	vst v21;
	v10 =	vmul.u32 v10, v22  }
0x5a3: {  	[tilespmem:s4+$0xFFFFFFE0] =	vst v18;
	v21 =	vcvt.s32.f32 v15;
	v14 =	vshra.s32 v17, $0x18;
	v17 =	vmul.u32 v4, v16;
	v15 =	vld [tilespmem:s12+$0xFFFFFF70]  }
0x5a4: {  	v16 =	vld [tilespmem:s12+$0xFFFFFFF0];
	v14 =	vcvt.s32.f32 v14;
	v19 =	vmul.f32 v19, v2;
	v22 =	vshra.s32 v10, $0x18  }
0x5a5: {  	s2 =	simm.s32 $0x8;
	s18 =	simm.s32 $0x2C00;
	s16 =	simm.s32 $0x12A00;
	[tilespmem:s4+$0xE0] =	vst v20;
	v10 =	vld.idx.msk [tilespmem:v23+s25+$0x0], $0xffff;
	v18 =	vmul.f32 v21, v2;
	v20 =	vshra.s32 v17, $0x18;
	v17 =	vcvt.s32.f32 v22  }
.LBB2_15:
0x5a6: {  	s8 =	sadd.s32 $0xC07, s2;
	v21 =	vld [tilespmem:s18+$0x0];
	v22 =	vmul.f32 v14, v2;
	v19 =	vadd.f32 v19, v1;
	v20 =	vcvt.s32.f32 v20  }
0x5a7: {  	v14 =	vmov s8;
	v23 =	vld [tilespmem:s18+$0xFFFFFF00];
	v18 =	vadd.f32 v18, v1;
	v17 =	vmul.f32 v17, v2  }
0x5a8: {  	s8 =	sadd.s32 $0xC04, s2;
	v24 =	vld [tilespmem:s18+$0xFFFFFF80];
	v22 =	vadd.f32 v22, v1;
	[tilespmem:s20+$0x30] =	vst v19;
	v19 =	vmul.f32 v20, v2;
	v15 =	vmul.u32 v8, v15  }
0x5a9: {  	v20 =	vmov s8;
	s8 =	sadd.s32 $0xC05, s2;
	v8 =	vmovc v6;
	v6 =	vmovc v13;
	[tilespmem:s20+$0xFFFFFF30] =	vst v18;
	v18 =	vld [tilespmem:s14+$0x40];
	v16 =	vmul.u32 v9, v16;
	v17 =	vadd.f32 v17, v1  }
0x5aa: {  	v13 =	vmov s8;
	v9 =	vmovc v5;
	v5 =	vmovc v12;
	v25 =	vld [tilespmem:s18+$0x80];
	[tilespmem:s20+$0xFFFFFFB0] =	vst v22;
	v19 =	vadd.f32 v19, v1;
	v15 =	vshra.s32 v15, $0x18  }
0x5ab: {  	v21 =	vmul.u32 v10, v21;
	v22 =	vld [tilespmem:s14+$0xFFFFFF40];
	v15 =	vcvt.s32.f32 v15;
	v16 =	vshra.s32 v16, $0x18;
	[tilespmem:s4+$0x70] =	vst v17  }
0x5ac: {  	v12 =	vand.u32 $0xFFFFFFFC, v20;
	v17 =	vmul.u32 v6, v23;
	v20 =	vld [tilespmem:s14+$0xFFFFFFC0];
	[tilespmem:s20+$0xB0] =	vst v19;
	v16 =	vcvt.s32.f32 v16  }
0x5ad: {  	v19 =	vmul.u32 v5, v24;
	v21 =	vshra.s32 v21, $0x18;
	v23 =	vld [tilespmem:s14+$0xC0];
	v15 =	vmul.f32 v15, v2  }
0x5ae: {  	v17 =	vshra.s32 v17, $0x18;
	v21 =	vcvt.s32.f32 v21;
	v18 =	vmul.u32 v7, v18;
	v24 =	vld [tilespmem:s12+$0xF0];
	s12 =	smov.u32 s14;
	s14 =	smov.u32 s18  }
0x5af: {  	v17 =	vcvt.s32.f32 v17;
	v19 =	vshra.s32 v19, $0x18;
	v25 =	vmul.u32 v11, v25  }
0x5b0: {  	v19 =	vcvt.s32.f32 v19;
	v21 =	vmul.f32 v21, v2;
	v18 =	vshra.s32 v18, $0x18  }
0x5b1: {  	v17 =	vmul.f32 v17, v2;
	v25 =	vshra.s32 v25, $0x18;
	v18 =	vcvt.s32.f32 v18  }
0x5b2: {  	v19 =	vmul.f32 v19, v2;
	v21 =	vadd.f32 v21, v1;
	v25 =	vcvt.s32.f32 v25  }
0x5b3: {  	s20 =	sadd.s32 $0x200, s20;
	v22 =	vmul.u32 v8, v22;
	v17 =	vadd.f32 v17, v1;
	v18 =	vmul.f32 v18, v2  }
0x5b4: {  	v20 =	vmul.u32 v9, v20;
	v19 =	vadd.f32 v19, v1;
	[tilespmem:s20+$0x0] =	vst v21;
	v21 =	vmul.f32 v25, v2  }
0x5b5: {  	v22 =	vshra.s32 v22, $0x18;
	v23 =	vmul.u32 v4, v23;
	[tilespmem:s20+$0xFFFFFF00] =	vst v17;
	v17 =	vld [tilespmem:s18+$0x10];
	v18 =	vadd.f32 v18, v1  }
0x5b6: {  	v20 =	vshra.s32 v20, $0x18;
	v25 =	vld [tilespmem:s18+$0xFFFFFF10];
	[tilespmem:s20+$0xFFFFFF80] =	vst v19;
	v19 =	vadd.f32 v21, v1;
	v21 =	vcvt.s32.f32 v22  }
0x5b7: {  	v20 =	vcvt.s32.f32 v20;
	v22 =	vld [tilespmem:s18+$0xFFFFFF90];
	[tilespmem:s16+$0x40] =	vst v18;
	v18 =	vshra.s32 v23, $0x18;
	v23 =	vmul.u32 v3, v24;
	v3 =	vmovc v4;
	v4 =	vmovc v11  }
0x5b8: {  	v15 =	vadd.f32 v15, v1;
	[tilespmem:s20+$0x80] =	vst v19;
	v11 =	vmul.f32 v21, v2;
	v19 =	vld [tilespmem:s12+$0x50];
	v18 =	vcvt.s32.f32 v18  }
0x5b9: {  	v16 =	vmul.f32 v16, v2;
	v20 =	vmul.f32 v20, v2;
	v21 =	vld [tilespmem:s18+$0x90];
	v23 =	vshra.s32 v23, $0x18  }
0x5ba: {  	v17 =	vmul.u32 v10, v17;
	v11 =	vadd.f32 v11, v1;
	v18 =	vmul.f32 v18, v2;
	[tilespmem:s4+$0xFFFFFF70] =	vst v15  }
0x5bb: {  	v20 =	vadd.f32 v20, v1;
	v23 =	vcvt.s32.f32 v23;
	v15 =	vmul.u32 v6, v25  }
0x5bc: {  	v22 =	vmul.u32 v5, v22;
	v17 =	vshra.s32 v17, $0x18;
	[tilespmem:s16+$0xFFFFFF40] =	vst v11;
	v11 =	vadd.f32 v18, v1  }
0x5bd: {  	v15 =	vshra.s32 v15, $0x18;
	v17 =	vcvt.s32.f32 v17;
	v18 =	vld [tilespmem:s12+$0xFFFFFF50];
	[tilespmem:s16+$0xFFFFFFC0] =	vst v20;
	v19 =	vmul.u32 v7, v19  }
0x5be: {  	v15 =	vcvt.s32.f32 v15;
	v20 =	vshra.s32 v22, $0x18;
	v21 =	vmul.u32 v4, v21;
	v22 =	vld [tilespmem:s12+$0xFFFFFFD0];
	[tilespmem:s16+$0xC0] =	vst v11  }
0x5bf: {  	v11 =	vcvt.s32.f32 v20;
	v17 =	vmul.f32 v17, v2;
	v19 =	vshra.s32 v19, $0x18;
	v20 =	vld [tilespmem:s12+$0xD0]  }
0x5c0: {  	v15 =	vmul.f32 v15, v2;
	v21 =	vshra.s32 v21, $0x18;
	v19 =	vcvt.s32.f32 v19  }
0x5c1: {  	v11 =	vmul.f32 v11, v2;
	v17 =	vadd.f32 v17, v1;
	v21 =	vcvt.s32.f32 v21  }
0x5c2: {  	v15 =	vadd.f32 v15, v1;
	v18 =	vmul.u32 v8, v18;
	v19 =	vmul.f32 v19, v2  }
0x5c3: {  	v11 =	vadd.f32 v11, v1;
	[tilespmem:s20+$0x10] =	vst v17;
	v17 =	vmul.f32 v21, v2;
	v21 =	vmul.u32 v9, v22  }
0x5c4: {  	[tilespmem:s20+$0xFFFFFF10] =	vst v15;
	v15 =	vld [tilespmem:s18+$0x20];
	v18 =	vshra.s32 v18, $0x18;
	v19 =	vadd.f32 v19, v1;
	v20 =	vmul.u32 v3, v20  }
0x5c5: {  	v22 =	vld [tilespmem:s18+$0xFFFFFF20];
	[tilespmem:s20+$0xFFFFFF90] =	vst v11;
	v11 =	vadd.f32 v17, v1;
	v17 =	vcvt.s32.f32 v18;
	v18 =	vshra.s32 v21, $0x18  }
0x5c6: {  	v21 =	vld [tilespmem:s18+$0xFFFFFFA0];
	v18 =	vcvt.s32.f32 v18;
	[tilespmem:s16+$0x50] =	vst v19;
	v19 =	vshra.s32 v20, $0x18;
	v20 =	vmul.f32 v23, v2  }
0x5c7: {  	v16 =	vadd.f32 v16, v1;
	[tilespmem:s20+$0x90] =	vst v11;
	v11 =	vmul.f32 v17, v2;
	v17 =	vld [tilespmem:s12+$0x60];
	v19 =	vcvt.s32.f32 v19  }
0x5c8: {  	v13 =	vand.u32 $0xFFFFFFFD, v13;
	v23 =	vld [tilespmem:s18+$0xA0];
	v18 =	vmul.f32 v18, v2;
	v20 =	vadd.f32 v20, v1  }
0x5c9: {  	v15 =	vmul.u32 v10, v15;
	v11 =	vadd.f32 v11, v1;
	v19 =	vmul.f32 v19, v2;
	[tilespmem:s4+$0xFFFFFFF0] =	vst v16  }
0x5ca: {  	v12 =	vbroadcast v12, $0x0;
	v16 =	vmul.u32 v6, v22;
	v18 =	vadd.f32 v18, v1;
	[tilespmem:s4+$0xF0] =	vst v20;
	s4 =	smov.u32 s16;
	s16 =	smov.u32 s20  }
0x5cb: {  	v20 =	vmul.u32 v5, v21;
	v15 =	vshra.s32 v15, $0x18;
	[tilespmem:s4+$0xFFFFFF50] =	vst v11;
	v11 =	vadd.f32 v19, v1  }
0x5cc: {  	v16 =	vshra.s32 v16, $0x18;
	v15 =	vcvt.s32.f32 v15;
	v19 =	vld [tilespmem:s12+$0xFFFFFF60];
	[tilespmem:s4+$0xFFFFFFD0] =	vst v18;
	v17 =	vmul.u32 v7, v17  }
0x5cd: {  	v16 =	vcvt.s32.f32 v16;
	v18 =	vshra.s32 v20, $0x18;
	v20 =	vmul.u32 v4, v23;
	v21 =	vld [tilespmem:s12+$0xFFFFFFE0];
	[tilespmem:s4+$0xD0] =	vst v11  }
0x5ce: {  	v11 =	vcvt.s32.f32 v18;
	v15 =	vmul.f32 v15, v2;
	v17 =	vshra.s32 v17, $0x18;
	v18 =	vld [tilespmem:s12+$0xE0]  }
0x5cf: {  	v16 =	vmul.f32 v16, v2;
	v20 =	vshra.s32 v20, $0x18;
	v17 =	vcvt.s32.f32 v17  }
0x5d0: {  	v11 =	vmul.f32 v11, v2;
	v15 =	vadd.f32 v15, v1;
	v20 =	vcvt.s32.f32 v20  }
0x5d1: {  	v16 =	vadd.f32 v16, v1;
	v19 =	vmul.u32 v8, v19;
	v17 =	vmul.f32 v17, v2  }
0x5d2: {  	v11 =	vadd.f32 v11, v1;
	[tilespmem:s20+$0x20] =	vst v15;
	v15 =	vmul.f32 v20, v2;
	v20 =	vmul.u32 v9, v21  }
0x5d3: {  	[tilespmem:s20+$0xFFFFFF20] =	vst v16;
	v16 =	vld [tilespmem:s18+$0x30];
	v19 =	vshra.s32 v19, $0x18;
	v17 =	vadd.f32 v17, v1;
	v18 =	vmul.u32 v3, v18  }
0x5d4: {  	v21 =	vld [tilespmem:s18+$0xFFFFFF30];
	[tilespmem:s20+$0xFFFFFFA0] =	vst v11;
	v11 =	vadd.f32 v15, v1;
	v15 =	vcvt.s32.f32 v19;
	v19 =	vshra.s32 v20, $0x18  }
0x5d5: {  	s8 =	sadd.s32 $0xC06, s2;
	s2 =	sadd.s32 $0x4, s2;
	v20 =	vbroadcast v13, $0x0;
	v22 =	vld [tilespmem:s18+$0xFFFFFFB0];
	v13 =	vcvt.s32.f32 v19;
	[tilespmem:s4+$0x60] =	vst v17;
	v17 =	vshra.s32 v18, $0x18  }
0x5d6: {  	p0 =	slt.u32 s2, $0x7C;
	v18 =	vmov s8;
	[tilespmem:s20+$0xA0] =	vst v11;
	v15 =	vmul.f32 v15, v2;
	v19 =	vld [tilespmem:s12+$0x70];
	v11 =	vcvt.s32.f32 v17  }
0x5d7: {  	v17 =	vand.u32 $0xFFFFFFFE, v18;
	v18 =	vld [tilespmem:s18+$0xB0];
	v13 =	vmul.f32 v13, v2  }
0x5d8: {  	v17 =	vbroadcast v17, $0x0;
	v16 =	vmul.u32 v10, v16;
	v23 =	vmul.f32 v11, v2  }
0x5d9: {  	v15 =	vadd.f32 v15, v1;
	v11 =	vld.idx.msk [tilespmem:v14+s25+$0x0], $0xffff;
	v14 =	vmul.u32 v6, v21;
	v21 =	vadd.f32 v13, v1  }
.Ltmp7:
0x5da: {  	v13 =	vld.idx.msk [tilespmem:v12+s25+$0x0], $0xffff;
	v22 =	vmul.u32 v5, v22;
	v16 =	vshra.s32 v16, $0x18;
	v23 =	vadd.f32 v23, v1;
	(pc) =	sbr.rel @p0 .LBB2_15-.Ltmp7, $4  }
0x5db: {  	v12 =	vld.idx.msk [tilespmem:v20+s25+$0x0], $0xffff;
	v14 =	vshra.s32 v14, $0x18;
	v16 =	vcvt.s32.f32 v16;
	[tilespmem:s4+$0xFFFFFF60] =	vst v15;
	v20 =	vmul.u32 v7, v19;
	v7 =	vmovc v10  }
0x5dc: {  	v24 =	vcvt.s32.f32 v14;
	v10 =	vshra.s32 v22, $0x18;
	v22 =	vmul.u32 v4, v18;
	v15 =	vld [tilespmem:s12+$0xFFFFFF70];
	[tilespmem:s4+$0xFFFFFFE0] =	vst v21  }
0x5dd: {  	v14 =	vcvt.s32.f32 v10;
	v19 =	vmul.f32 v16, v2;
	v16 =	vld [tilespmem:s12+$0xFFFFFFF0];
	v21 =	vshra.s32 v20, $0x18;
	[tilespmem:s4+$0xE0] =	vst v23  }
0x5de: {  	s18 =	sadd.s32 $0x200, s18;
	v10 =	vld.idx.msk [tilespmem:v17+s25+$0x0], $0xffff;
	v18 =	vmul.f32 v24, v2;
	v20 =	vshra.s32 v22, $0x18;
	v17 =	vcvt.s32.f32 v21  }
0x5df: {  	v21 =	vld [tilespmem:s18+$0x0]  }
0x5e0: {  	v22 =	vld [tilespmem:s18+$0xFFFFFF00]  }
0x5e1: {  	v23 =	vld [tilespmem:s18+$0xFFFFFF80]  }
0x5e2: {  	v24 =	vld [tilespmem:s18+$0x80];
	_ =	sdelay $0x1  }
0x5e3: {  	v21 =	vmul.u32 v10, v21  }
0x5e4: {  	v22 =	vmul.u32 v13, v22  }
0x5e5: {  	v23 =	vmul.u32 v12, v23;
	v21 =	vshra.s32 v21, $0x18  }
0x5e6: {  	v24 =	vmul.u32 v11, v24;
	v22 =	vshra.s32 v22, $0x18;
	v21 =	vcvt.s32.f32 v21  }
0x5e7: {  	v23 =	vshra.s32 v23, $0x18;
	v22 =	vcvt.s32.f32 v22  }
0x5e8: {  	v24 =	vshra.s32 v24, $0x18;
	v23 =	vcvt.s32.f32 v23;
	v21 =	vmul.f32 v21, v2  }
0x5e9: {  	v24 =	vcvt.s32.f32 v24;
	v22 =	vmul.f32 v22, v2  }
0x5ea: {  	v23 =	vmul.f32 v23, v2;
	v21 =	vadd.f32 v21, v1  }
0x5eb: {  	s8 =	sadd.s32 $0x200, s20;
	v24 =	vmul.f32 v24, v2;
	v22 =	vadd.f32 v22, v1  }
0x5ec: {  	v23 =	vadd.f32 v23, v1;
	[tilespmem:s8+$0x0] =	vst v21  }
0x5ed: {  	[tilespmem:s8+$0xFFFFFF00] =	vst v22;
	v22 =	vadd.f32 v24, v1;
	v21 =	vld [tilespmem:s18+$0x10]  }
0x5ee: {  	[tilespmem:s8+$0xFFFFFF80] =	vst v23;
	v59 =	vld [tilespmem:s18+$0xFFFFFF10]  }
0x5ef: {  	v23 =	vld [tilespmem:s18+$0xFFFFFF90];
	[tilespmem:s8+$0x80] =	vst v22  }
0x5f0: {  	v22 =	vld [tilespmem:s18+$0x90];
	_ =	sdelay $0x1  }
0x5f1: {  	v21 =	vmul.u32 v10, v21  }
0x5f2: {  	v24 =	vmul.u32 v13, v59  }
0x5f3: {  	v23 =	vmul.u32 v12, v23;
	v21 =	vshra.s32 v21, $0x18  }
0x5f4: {  	v24 =	vshra.s32 v24, $0x18;
	v22 =	vmul.u32 v11, v22;
	v21 =	vcvt.s32.f32 v21  }
0x5f5: {  	v23 =	vshra.s32 v23, $0x18;
	v24 =	vcvt.s32.f32 v24  }
0x5f6: {  	v23 =	vcvt.s32.f32 v23;
	v22 =	vshra.s32 v22, $0x18;
	v21 =	vmul.f32 v21, v2  }
0x5f7: {  	v24 =	vmul.f32 v24, v2;
	v22 =	vcvt.s32.f32 v22  }
0x5f8: {  	v23 =	vmul.f32 v23, v2;
	v21 =	vadd.f32 v21, v1  }
0x5f9: {  	v24 =	vadd.f32 v24, v1;
	v22 =	vmul.f32 v22, v2  }
0x5fa: {  	v23 =	vadd.f32 v23, v1;
	[tilespmem:s8+$0x10] =	vst v21  }
0x5fb: {  	[tilespmem:s8+$0xFFFFFF10] =	vst v24;
	v22 =	vadd.f32 v22, v1;
	v21 =	vld [tilespmem:s18+$0x20]  }
0x5fc: {  	[tilespmem:s8+$0xFFFFFF90] =	vst v23;
	v24 =	vld [tilespmem:s18+$0xFFFFFF20]  }
0x5fd: {  	v23 =	vld [tilespmem:s18+$0xFFFFFFA0];
	[tilespmem:s8+$0x90] =	vst v22  }
0x5fe: {  	v22 =	vld [tilespmem:s18+$0xA0];
	_ =	sdelay $0x1  }
0x5ff: {  	v21 =	vmul.u32 v10, v21  }
0x600: {  	v24 =	vmul.u32 v13, v24  }
0x601: {  	v14 =	vmul.f32 v14, v2;
	v23 =	vmul.u32 v12, v23;
	v21 =	vshra.s32 v21, $0x18  }
0x602: {  	v24 =	vshra.s32 v24, $0x18;
	v22 =	vmul.u32 v11, v22;
	v21 =	vcvt.s32.f32 v21  }
0x603: {  	v18 =	vadd.f32 v18, v1;
	v23 =	vshra.s32 v23, $0x18;
	v24 =	vcvt.s32.f32 v24  }
0x604: {  	v23 =	vcvt.s32.f32 v23;
	v22 =	vshra.s32 v22, $0x18;
	v21 =	vmul.f32 v21, v2  }
0x605: {  	v14 =	vadd.f32 v14, v1;
	v24 =	vmul.f32 v24, v2;
	v22 =	vcvt.s32.f32 v22  }
0x606: {  	[tilespmem:s20+$0xFFFFFF30] =	vst v18;
	v23 =	vmul.f32 v23, v2;
	v21 =	vadd.f32 v21, v1  }
0x607: {  	[tilespmem:s20+$0xFFFFFFB0] =	vst v14;
	v24 =	vadd.f32 v24, v1;
	v22 =	vmul.f32 v22, v2  }
0x608: {  	v14 =	vld [tilespmem:s14+$0xFFFFFF40];
	v23 =	vadd.f32 v23, v1;
	[tilespmem:s8+$0x20] =	vst v21  }
0x609: {  	[tilespmem:s8+$0xFFFFFF20] =	vst v24;
	v22 =	vadd.f32 v22, v1;
	v21 =	vld [tilespmem:s18+$0x30]  }
0x60a: {  	v19 =	vadd.f32 v19, v1;
	[tilespmem:s8+$0xFFFFFFA0] =	vst v23;
	v24 =	vld [tilespmem:s18+$0xFFFFFF30]  }
0x60b: {  	v20 =	vcvt.s32.f32 v20;
	v23 =	vld [tilespmem:s18+$0xFFFFFFB0];
	[tilespmem:s8+$0xA0] =	vst v22  }
0x60c: {  	[tilespmem:s20+$0x30] =	vst v19;
	v19 =	vld [tilespmem:s18+$0xB0]  }
0x60d: {  	v20 =	vmul.f32 v20, v2;
	v22 =	vld [tilespmem:s14+$0x40]  }
0x60e: {  	v21 =	vmul.u32 v10, v21  }
0x60f: {  	v18 =	vadd.f32 v20, v1;
	v24 =	vmul.u32 v13, v24  }
0x610: {  	v14 =	vmul.u32 v6, v14;
	v20 =	vmul.u32 v12, v23;
	v21 =	vshra.s32 v21, $0x18  }
0x611: {  	v23 =	vshra.s32 v24, $0x18;
	v19 =	vmul.u32 v11, v19;
	v21 =	vcvt.s32.f32 v21  }
0x612: {  	v60 =	vld [tilespmem:s14+$0xFFFFFFC0];
	[tilespmem:s20+$0xB0] =	vst v18;
	v18 =	vmul.u32 v7, v22;
	v20 =	vshra.s32 v20, $0x18;
	v22 =	vcvt.s32.f32 v23  }
0x613: {  	v23 =	vld [tilespmem:s14+$0xC0];
	v20 =	vcvt.s32.f32 v20;
	v19 =	vshra.s32 v19, $0x18;
	v21 =	vmul.f32 v21, v2  }
0x614: {  	v22 =	vmul.f32 v22, v2;
	v19 =	vcvt.s32.f32 v19  }
0x615: {  	v14 =	vshra.s32 v14, $0x18;
	v20 =	vmul.f32 v20, v2;
	v21 =	vadd.f32 v21, v1  }
0x616: {  	v14 =	vcvt.s32.f32 v14;
	v22 =	vadd.f32 v22, v1;
	v19 =	vmul.f32 v19, v2  }
0x617: {  	v24 =	vmul.u32 v5, v60;
	v18 =	vshra.s32 v18, $0x18;
	v20 =	vadd.f32 v20, v1;
	[tilespmem:s8+$0x30] =	vst v21  }
0x618: {  	v18 =	vcvt.s32.f32 v18;
	v21 =	vmul.u32 v4, v23;
	[tilespmem:s8+$0xFFFFFF30] =	vst v22;
	v19 =	vadd.f32 v19, v1;
	v22 =	vld [tilespmem:s18+$0x40]  }
0x619: {  	v14 =	vmul.f32 v14, v2;
	v23 =	vshra.s32 v24, $0x18;
	[tilespmem:s8+$0xFFFFFFB0] =	vst v20;
	v20 =	vld [tilespmem:s18+$0xFFFFFF40]  }
0x61a: {  	v18 =	vmul.f32 v18, v2;
	v23 =	vcvt.s32.f32 v23;
	v61 =	vld [tilespmem:s18+$0xFFFFFFC0];
	v21 =	vshra.s32 v21, $0x18;
	[tilespmem:s8+$0xB0] =	vst v19  }
0x61b: {  	v14 =	vadd.f32 v14, v1;
	v19 =	vcvt.s32.f32 v21;
	v21 =	vld [tilespmem:s18+$0xC0]  }
0x61c: {  	v18 =	vadd.f32 v18, v1;
	v23 =	vmul.f32 v23, v2  }
0x61d: {  	[tilespmem:s16+$0xFFFFFF40] =	vst v14;
	v19 =	vmul.f32 v19, v2;
	v22 =	vmul.u32 v10, v22  }
0x61e: {  	[tilespmem:s16+$0x40] =	vst v18;
	v18 =	vadd.f32 v23, v1;
	v20 =	vmul.u32 v13, v20  }
0x61f: {  	v62 =	vld [tilespmem:s14+$0xFFFFFF50];
	v14 =	vadd.f32 v19, v1;
	v19 =	vshra.s32 v22, $0x18;
	v22 =	vmul.u32 v12, v61  }
0x620: {  	v23 =	vld [tilespmem:s14+$0x50];
	[tilespmem:s16+$0xFFFFFFC0] =	vst v18;
	v18 =	vcvt.s32.f32 v19;
	v19 =	vshra.s32 v20, $0x18;
	v20 =	vmul.u32 v11, v21  }
0x621: {  	v17 =	vmul.f32 v17, v2;
	v21 =	vld [tilespmem:s14+$0xFFFFFFD0];
	[tilespmem:s16+$0xC0] =	vst v14;
	v14 =	vcvt.s32.f32 v19;
	v19 =	vshra.s32 v22, $0x18  }
0x622: {  	v22 =	vld [tilespmem:s14+$0xD0];
	v18 =	vmul.f32 v18, v2;
	v19 =	vcvt.s32.f32 v19;
	v20 =	vshra.s32 v20, $0x18  }
0x623: {  	v15 =	vmul.u32 v8, v15;
	v8 =	vmul.f32 v14, v2;
	v14 =	vcvt.s32.f32 v20  }
0x624: {  	v9 =	vmul.u32 v9, v16;
	v16 =	vadd.f32 v18, v1;
	v18 =	vmul.f32 v19, v2  }
0x625: {  	v19 =	vmul.u32 v7, v23;
	v8 =	vadd.f32 v8, v1;
	v14 =	vmul.f32 v14, v2  }
0x626: {  	v20 =	vmul.u32 v6, v62;
	v21 =	vmul.u32 v5, v21;
	[tilespmem:s8+$0x40] =	vst v16;
	v16 =	vadd.f32 v18, v1  }
0x627: {  	v18 =	vshra.s32 v19, $0x18;
	v19 =	vmul.u32 v4, v22;
	v22 =	vld [tilespmem:s18+$0x50];
	[tilespmem:s8+$0xFFFFFF40] =	vst v8;
	v8 =	vadd.f32 v14, v1  }
0x628: {  	v14 =	vcvt.s32.f32 v18;
	v18 =	vshra.s32 v20, $0x18;
	v20 =	vshra.s32 v21, $0x18;
	v21 =	vld [tilespmem:s18+$0xFFFFFF50];
	[tilespmem:s8+$0xFFFFFFC0] =	vst v16  }
0x629: {  	v16 =	vcvt.s32.f32 v18;
	v18 =	vcvt.s32.f32 v20;
	v19 =	vshra.s32 v19, $0x18;
	v20 =	vld [tilespmem:s18+$0xFFFFFFD0];
	[tilespmem:s8+$0xC0] =	vst v8  }
0x62a: {  	v8 =	vadd.f32 v17, v1;
	v14 =	vmul.f32 v14, v2;
	v17 =	vcvt.s32.f32 v19;
	v19 =	vld [tilespmem:s18+$0xD0]  }
0x62b: {  	v15 =	vshra.s32 v15, $0x18;
	v16 =	vmul.f32 v16, v2;
	v18 =	vmul.f32 v18, v2  }
0x62c: {  	v14 =	vadd.f32 v14, v1;
	v17 =	vmul.f32 v17, v2;
	v22 =	vmul.u32 v10, v22  }
0x62d: {  	v16 =	vadd.f32 v16, v1;
	v18 =	vadd.f32 v18, v1;
	v21 =	vmul.u32 v13, v21  }
0x62e: {  	[tilespmem:s16+$0x50] =	vst v14;
	v14 =	vadd.f32 v17, v1;
	v17 =	vshra.s32 v22, $0x18;
	v20 =	vmul.u32 v12, v20  }
0x62f: {  	v22 =	vld [tilespmem:s14+$0x60];
	[tilespmem:s16+$0xFFFFFF50] =	vst v16;
	v16 =	vcvt.s32.f32 v17;
	v17 =	vshra.s32 v21, $0x18;
	v19 =	vmul.u32 v11, v19  }
0x630: {  	v15 =	vcvt.s32.f32 v15;
	[tilespmem:s16+$0xFFFFFFD0] =	vst v18;
	v21 =	vld [tilespmem:s14+$0xFFFFFF60];
	v17 =	vcvt.s32.f32 v17;
	v18 =	vshra.s32 v20, $0x18  }
0x631: {  	[tilespmem:s16+$0xD0] =	vst v14;
	v20 =	vld [tilespmem:s14+$0xFFFFFFE0];
	v14 =	vmul.f32 v16, v2;
	v16 =	vcvt.s32.f32 v18;
	v18 =	vshra.s32 v19, $0x18  }
0x632: {  	v9 =	vshra.s32 v9, $0x18;
	v19 =	vld [tilespmem:s14+$0xE0];
	v17 =	vmul.f32 v17, v2;
	v18 =	vcvt.s32.f32 v18  }
0x633: {  	v9 =	vcvt.s32.f32 v9;
	v14 =	vadd.f32 v14, v1;
	v16 =	vmul.f32 v16, v2  }
0x634: {  	v22 =	vmul.u32 v7, v22;
	v17 =	vadd.f32 v17, v1;
	v18 =	vmul.f32 v18, v2  }
0x635: {  	v15 =	vmul.f32 v15, v2;
	v23 =	vld [tilespmem:s12+$0xF0];
	v21 =	vmul.u32 v6, v21;
	[tilespmem:s8+$0x50] =	vst v14;
	v14 =	vadd.f32 v16, v1  }
0x636: {  	v16 =	vshra.s32 v22, $0x18;
	v20 =	vmul.u32 v5, v20;
	v22 =	vld [tilespmem:s18+$0x60];
	[tilespmem:s8+$0xFFFFFF50] =	vst v17;
	v17 =	vadd.f32 v18, v1  }
0x637: {  	v16 =	vcvt.s32.f32 v16;
	v18 =	vshra.s32 v21, $0x18;
	v19 =	vmul.u32 v4, v19;
	v21 =	vld [tilespmem:s18+$0xFFFFFF60];
	[tilespmem:s8+$0xFFFFFFD0] =	vst v14  }
0x638: {  	v9 =	vmul.f32 v9, v2;
	v14 =	vcvt.s32.f32 v18;
	v18 =	vshra.s32 v20, $0x18;
	v20 =	vld [tilespmem:s18+$0xFFFFFFE0];
	[tilespmem:s8+$0xD0] =	vst v17  }
0x639: {  	v16 =	vmul.f32 v16, v2;
	v17 =	vcvt.s32.f32 v18;
	v18 =	vshra.s32 v19, $0x18;
	v19 =	vld [tilespmem:s18+$0xE0]  }
0x63a: {  	v3 =	vmul.u32 v3, v23;
	v14 =	vmul.f32 v14, v2;
	v18 =	vcvt.s32.f32 v18  }
0x63b: {  	v16 =	vadd.f32 v16, v1;
	v17 =	vmul.f32 v17, v2;
	v22 =	vmul.u32 v10, v22  }
0x63c: {  	v18 =	vmul.f32 v18, v2;
	v14 =	vadd.f32 v14, v1;
	v21 =	vmul.u32 v13, v21  }
0x63d: {  	[tilespmem:s16+$0x60] =	vst v16;
	v16 =	vadd.f32 v17, v1;
	v17 =	vshra.s32 v22, $0x18;
	v20 =	vmul.u32 v12, v20  }
0x63e: {  	v22 =	vld [tilespmem:s14+$0x70];
	[tilespmem:s16+$0xFFFFFF60] =	vst v14;
	v14 =	vcvt.s32.f32 v17;
	v17 =	vshra.s32 v21, $0x18;
	v19 =	vmul.u32 v11, v19  }
0x63f: {  	v18 =	vadd.f32 v18, v1;
	v21 =	vld [tilespmem:s14+$0xFFFFFF70];
	v17 =	vcvt.s32.f32 v17;
	v20 =	vshra.s32 v20, $0x18  }
0x640: {  	[tilespmem:s16+$0xFFFFFFE0] =	vst v16;
	v14 =	vmul.f32 v14, v2;
	v16 =	vcvt.s32.f32 v20;
	v19 =	vshra.s32 v19, $0x18  }
0x641: {  	v3 =	vshra.s32 v3, $0x18;
	[tilespmem:s16+$0xE0] =	vst v18;
	v20 =	vld [tilespmem:s14+$0xFFFFFFF0];
	v17 =	vmul.f32 v17, v2;
	v18 =	vcvt.s32.f32 v19  }
0x642: {  	v3 =	vcvt.s32.f32 v3;
	v19 =	vld [tilespmem:s14+$0xF0];
	v14 =	vadd.f32 v14, v1;
	v16 =	vmul.f32 v16, v2  }
0x643: {  	v7 =	vmul.u32 v7, v22;
	v18 =	vmul.f32 v18, v2;
	v17 =	vadd.f32 v17, v1  }
0x644: {  	v15 =	vadd.f32 v15, v1;
	v6 =	vmul.u32 v6, v21;
	[tilespmem:s8+$0x60] =	vst v14;
	v14 =	vadd.f32 v16, v1  }
0x645: {  	v3 =	vmul.f32 v3, v2;
	v7 =	vshra.s32 v7, $0x18;
	v16 =	vld [tilespmem:s18+$0x70];
	v18 =	vadd.f32 v18, v1;
	[tilespmem:s8+$0xFFFFFF60] =	vst v17  }
0x646: {  	v7 =	vcvt.s32.f32 v7;
	v5 =	vmul.u32 v5, v20;
	v6 =	vshra.s32 v6, $0x18;
	v17 =	vld [tilespmem:s18+$0xFFFFFF70];
	[tilespmem:s8+$0xFFFFFFE0] =	vst v14  }
0x647: {  	v9 =	vadd.f32 v9, v1;
	v6 =	vcvt.s32.f32 v6;
	v4 =	vmul.u32 v4, v19;
	v14 =	vld [tilespmem:s18+$0xFFFFFFF0];
	[tilespmem:s8+$0xE0] =	vst v18  }
0x648: {  	v3 =	vadd.f32 v3, v1;
	v7 =	vmul.f32 v7, v2;
	v5 =	vshra.s32 v5, $0x18;
	v18 =	vld [tilespmem:s18+$0xF0]  }
0x649: {  	v5 =	vcvt.s32.f32 v5;
	v6 =	vmul.f32 v6, v2;
	v4 =	vshra.s32 v4, $0x18  }
0x64a: {  	v7 =	vadd.f32 v7, v1;
	v4 =	vcvt.s32.f32 v4;
	v10 =	vmul.u32 v10, v16  }
0x64b: {  	[tilespmem:s4+$0x70] =	vst v8;
	v6 =	vadd.f32 v6, v1;
	v5 =	vmul.f32 v5, v2;
	v8 =	vmul.u32 v13, v17  }
0x64c: {  	[tilespmem:s4+$0xFFFFFF70] =	vst v15;
	v4 =	vmul.f32 v4, v2;
	v10 =	vshra.s32 v10, $0x18;
	v12 =	vmul.u32 v12, v14  }
0x64d: {  	[tilespmem:s4+$0xFFFFFFF0] =	vst v9;
	v9 =	vcvt.s32.f32 v10;
	v8 =	vshra.s32 v8, $0x18;
	v10 =	vmul.u32 v11, v18  }
0x64e: {  	[tilespmem:s4+$0xF0] =	vst v3;
	v3 =	vadd.f32 v5, v1;
	v5 =	vcvt.s32.f32 v8;
	v8 =	vshra.s32 v12, $0x18  }
0x64f: {  	[tilespmem:s16+$0x70] =	vst v7;
	v7 =	vmul.f32 v9, v2;
	v8 =	vcvt.s32.f32 v8;
	v9 =	vshra.s32 v10, $0x18  }
0x650: {  	[tilespmem:s16+$0xFFFFFF70] =	vst v6;
	v4 =	vadd.f32 v4, v1;
	v5 =	vmul.f32 v5, v2;
	v6 =	vcvt.s32.f32 v9  }
0x651: {  	[tilespmem:s16+$0xFFFFFFF0] =	vst v3;
	v3 =	vadd.f32 v7, v1;
	v7 =	vmul.f32 v8, v2  }
0x652: {  	[tilespmem:s16+$0xF0] =	vst v4;
	v4 =	vadd.f32 v5, v1;
	v5 =	vmul.f32 v6, v2  }
0x653: {  	[tilespmem:s8+$0x70] =	vst v3;
	v3 =	vadd.f32 v7, v1  }
0x654: {  	[tilespmem:s8+$0xFFFFFF70] =	vst v4;
	v4 =	vadd.f32 v5, v1  }
0x655: {  	[tilespmem:s8+$0xFFFFFFF0] =	vst v3  }
0x656: {  	s2 =	simm.s32 $0xC82;
	[tilespmem:s8+$0xF0] =	vst v4  }
0x657: {  	v3 =	vmov s2;
	s9 =	rddreg [dreg:$0x7]  }
0x658: {  	v3 =	vand.u32 $0xFFFFFFFE, v3;
	[hbm4b:s9+s6] =	stream.linear.scatter [tilespmem:s26], [sflag:$0x5], $0x4000, $0x38;
	[tilespmem:$0x1A720] =	vst v63  }
0x659: {  	v3 =	vbroadcast v3, $0x0;
	_ =	swait.ge [sflag:s28], $0x4000  }
0x65a: {  	s10 =	simm.s32 $0xC80;
	[sflag:s28] =	ssyncset.done $0x0  }
0x65b: {  	s11 =	simm.s32 $0xC81;
	v4 =	vmov s10;
	[sflag:s28] =	ssyncadd.s32 $0xFFFFC000  }
0x65c: {  	s12 =	simm.s32 $0xC83;
	v5 =	vmov s11;
	v4 =	vand.u32 $0xFFFFFFFC, v4;
	_ =	swait.ge [sflag:s0], $0x4000  }
0x65d: {  	v6 =	vmov s12;
	v5 =	vand.u32 $0xFFFFFFFD, v5;
	v4 =	vbroadcast v4, $0x0;
	[sflag:s0] =	ssyncset.done $0x0  }
0x65e: {  	v5 =	vbroadcast v5, $0x0;
	[sflag:s0] =	ssyncadd.s32 $0xFFFFC000  }
0x65f: {  	s12 =	simm.s32 $0x6800;
	v10 =	vld.idx.msk [tilespmem:v3+s25+$0x0], $0xffff  }
0x660: {  	v7 =	vld [tilespmem:s12+$0x0];
	_ =	sdelay $0x1  }
0x661: {  	v3 =	vld.idx.msk [tilespmem:v6+s25+$0x0], $0xffff  }
0x662: {  	v8 =	vld.idx.msk [tilespmem:v4+s25+$0x0], $0xffff  }
0x663: {  	v9 =	vld.idx.msk [tilespmem:v5+s25+$0x0], $0xffff  }
0x664: {  	v4 =	vld [tilespmem:s12+$0xFFFFFF00];
	v5 =	vmul.u32 v10, v7  }
0x665: {  	v6 =	vld [tilespmem:s12+$0xFFFFFF80]  }
0x666: {  	v7 =	vld [tilespmem:s12+$0x80];
	v5 =	vshra.s32 v5, $0x18  }
0x667: {  	v5 =	vcvt.s32.f32 v5;
	_ =	sdelay $0x1  }
0x668: {  	v4 =	vmul.u32 v8, v4;
	v5 =	vmul.f32 v5, v2  }
0x669: {  	v6 =	vmul.u32 v9, v6  }
0x66a: {  	v4 =	vshra.s32 v4, $0x18;
	v7 =	vmul.u32 v3, v7;
	v5 =	vadd.f32 v5, v1  }
0x66b: {  	s4 =	simm.s32 $0x16800;
	v6 =	vshra.s32 v6, $0x18;
	v4 =	vcvt.s32.f32 v4  }
0x66c: {  	v6 =	vcvt.s32.f32 v6;
	v7 =	vshra.s32 v7, $0x18;
	[tilespmem:s4+$0x0] =	vst v5  }
0x66d: {  	v4 =	vmul.f32 v4, v2;
	v5 =	vcvt.s32.f32 v7;
	v7 =	vld [tilespmem:s12+$0x10]  }
0x66e: {  	v6 =	vmul.f32 v6, v2  }
0x66f: {  	v4 =	vadd.f32 v4, v1;
	v5 =	vmul.f32 v5, v2  }
0x670: {  	v6 =	vadd.f32 v6, v1  }
0x671: {  	[tilespmem:s4+$0xFFFFFF00] =	vst v4;
	v4 =	vadd.f32 v5, v1  }
0x672: {  	[tilespmem:s4+$0xFFFFFF80] =	vst v6;
	v5 =	vld [tilespmem:s12+$0xFFFFFF10];
	v6 =	vmul.u32 v10, v7  }
0x673: {  	v7 =	vld [tilespmem:s12+$0xFFFFFF90];
	[tilespmem:s4+$0x80] =	vst v4  }
0x674: {  	v4 =	vld [tilespmem:s12+$0x90];
	v6 =	vshra.s32 v6, $0x18  }
0x675: {  	v6 =	vcvt.s32.f32 v6;
	_ =	sdelay $0x1  }
0x676: {  	v5 =	vmul.u32 v8, v5;
	v6 =	vmul.f32 v6, v2  }
0x677: {  	v7 =	vmul.u32 v9, v7  }
0x678: {  	v5 =	vshra.s32 v5, $0x18;
	v4 =	vmul.u32 v3, v4;
	v6 =	vadd.f32 v6, v1  }
0x679: {  	v5 =	vcvt.s32.f32 v5;
	v7 =	vshra.s32 v7, $0x18  }
0x67a: {  	v7 =	vcvt.s32.f32 v7;
	v4 =	vshra.s32 v4, $0x18;
	[tilespmem:s4+$0x10] =	vst v6  }
0x67b: {  	v5 =	vmul.f32 v5, v2;
	v4 =	vcvt.s32.f32 v4;
	v6 =	vld [tilespmem:s12+$0x20]  }
0x67c: {  	v7 =	vmul.f32 v7, v2  }
0x67d: {  	v5 =	vadd.f32 v5, v1;
	v4 =	vmul.f32 v4, v2  }
0x67e: {  	v7 =	vadd.f32 v7, v1  }
0x67f: {  	[tilespmem:s4+$0xFFFFFF10] =	vst v5;
	v4 =	vadd.f32 v4, v1  }
0x680: {  	v5 =	vld [tilespmem:s12+$0xFFFFFF20];
	[tilespmem:s4+$0xFFFFFF90] =	vst v7;
	v6 =	vmul.u32 v10, v6  }
0x681: {  	v7 =	vld [tilespmem:s12+$0xFFFFFFA0];
	[tilespmem:s4+$0x90] =	vst v4  }
0x682: {  	v4 =	vld [tilespmem:s12+$0xA0];
	v6 =	vshra.s32 v6, $0x18  }
0x683: {  	v6 =	vcvt.s32.f32 v6;
	_ =	sdelay $0x1  }
0x684: {  	v5 =	vmul.u32 v8, v5;
	v6 =	vmul.f32 v6, v2  }
0x685: {  	v7 =	vmul.u32 v9, v7  }
0x686: {  	v5 =	vshra.s32 v5, $0x18;
	v4 =	vmul.u32 v3, v4;
	v6 =	vadd.f32 v6, v1  }
0x687: {  	v5 =	vcvt.s32.f32 v5;
	v7 =	vshra.s32 v7, $0x18  }
0x688: {  	v7 =	vcvt.s32.f32 v7;
	v4 =	vshra.s32 v4, $0x18;
	[tilespmem:s4+$0x20] =	vst v6  }
0x689: {  	s17 =	simm.s32 $0xC86;
	v5 =	vmul.f32 v5, v2;
	v4 =	vcvt.s32.f32 v4;
	v12 =	vld [tilespmem:s12+$0x30]  }
0x68a: {  	v14 =	vmov s17;
	s16 =	simm.s32 $0xC85;
	v7 =	vmul.f32 v7, v2  }
0x68b: {  	s13 =	simm.s32 $0xC87;
	v13 =	vmov s16;
	v5 =	vadd.f32 v5, v1;
	v4 =	vmul.f32 v4, v2  }
0x68c: {  	v11 =	vmov s13;
	v13 =	vand.u32 $0xFFFFFFFD, v13;
	v7 =	vadd.f32 v7, v1  }
0x68d: {  	s14 =	simm.s32 $0xC84;
	[tilespmem:s4+$0xFFFFFF20] =	vst v5;
	v5 =	vbroadcast v13, $0x0;
	v13 =	vand.u32 $0xFFFFFFFE, v14;
	v4 =	vadd.f32 v4, v1  }
0x68e: {  	v6 =	vmov s14;
	v14 =	vld [tilespmem:s12+$0xFFFFFF30];
	[tilespmem:s4+$0xFFFFFFA0] =	vst v7;
	v7 =	vbroadcast v13, $0x0;
	v12 =	vmul.u32 v10, v12  }
0x68f: {  	v6 =	vand.u32 $0xFFFFFFFC, v6;
	v13 =	vld [tilespmem:s12+$0xFFFFFFB0];
	[tilespmem:s4+$0xA0] =	vst v4  }
0x690: {  	v6 =	vbroadcast v6, $0x0;
	v15 =	vld [tilespmem:s12+$0xB0];
	v12 =	vshra.s32 v12, $0x18  }
0x691: {  	s14 =	simm.s32 $0x6A00;
	v4 =	vld.idx.msk [tilespmem:v11+s25+$0x0], $0xffff;
	v11 =	vcvt.s32.f32 v12  }
0x692: {  	v16 =	vld [tilespmem:s14+$0xFFFFFF00]  }
0x693: {  	v17 =	vld [tilespmem:s14+$0xFFFFFF80];
	v12 =	vmul.u32 v8, v14;
	v11 =	vmul.f32 v11, v2  }
0x694: {  	v13 =	vmul.u32 v9, v13;
	v7 =	vld.idx.msk [tilespmem:v7+s25+$0x0], $0xffff  }
0x695: {  	v12 =	vshra.s32 v12, $0x18;
	v14 =	vmul.u32 v3, v15;
	v15 =	vld [tilespmem:s14+$0x0];
	v11 =	vadd.f32 v11, v1  }
0x696: {  	v6 =	vld.idx.msk [tilespmem:v6+s25+$0x0], $0xffff;
	v12 =	vcvt.s32.f32 v12;
	v13 =	vshra.s32 v13, $0x18  }
0x697: {  	v5 =	vld.idx.msk [tilespmem:v5+s25+$0x0], $0xffff;
	v13 =	vcvt.s32.f32 v13;
	v14 =	vshra.s32 v14, $0x18;
	[tilespmem:s4+$0x30] =	vst v11  }
0x698: {  	v11 =	vmul.f32 v12, v2;
	v12 =	vcvt.s32.f32 v14;
	v14 =	vld [tilespmem:s12+$0x40]  }
0x699: {  	v18 =	vld [tilespmem:s14+$0x80];
	v13 =	vmul.f32 v13, v2  }
0x69a: {  	v11 =	vadd.f32 v11, v1;
	v12 =	vmul.f32 v12, v2;
	v15 =	vmul.u32 v7, v15  }
0x69b: {  	v16 =	vmul.u32 v6, v16;
	v13 =	vadd.f32 v13, v1  }
0x69c: {  	[tilespmem:s4+$0xFFFFFF30] =	vst v11;
	v11 =	vadd.f32 v12, v1;
	v12 =	vmul.u32 v5, v17;
	v15 =	vshra.s32 v15, $0x18  }
0x69d: {  	v16 =	vshra.s32 v16, $0x18;
	[tilespmem:s4+$0xFFFFFFB0] =	vst v13;
	v13 =	vld [tilespmem:s12+$0xFFFFFF40];
	v15 =	vcvt.s32.f32 v15;
	v14 =	vmul.u32 v10, v14  }
0x69e: {  	v17 =	vld [tilespmem:s12+$0xFFFFFFC0];
	[tilespmem:s4+$0xB0] =	vst v11;
	v11 =	vcvt.s32.f32 v16;
	v12 =	vshra.s32 v12, $0x18;
	v16 =	vmul.u32 v4, v18  }
0x69f: {  	v18 =	vld [tilespmem:s12+$0xC0];
	v12 =	vcvt.s32.f32 v12;
	v15 =	vmul.f32 v15, v2;
	v14 =	vshra.s32 v14, $0x18  }
0x6a0: {  	v11 =	vmul.f32 v11, v2;
	v16 =	vshra.s32 v16, $0x18;
	v14 =	vcvt.s32.f32 v14  }
0x6a1: {  	v12 =	vmul.f32 v12, v2;
	v15 =	vadd.f32 v15, v1;
	v16 =	vcvt.s32.f32 v16  }
0x6a2: {  	s20 =	simm.s32 $0x16A00;
	v11 =	vadd.f32 v11, v1;
	v13 =	vmul.u32 v8, v13;
	v14 =	vmul.f32 v14, v2  }
0x6a3: {  	v12 =	vadd.f32 v12, v1;
	[tilespmem:s20+$0x0] =	vst v15;
	v15 =	vmul.f32 v16, v2;
	v16 =	vmul.u32 v9, v17  }
0x6a4: {  	[tilespmem:s20+$0xFFFFFF00] =	vst v11;
	v11 =	vld [tilespmem:s14+$0x10];
	v13 =	vshra.s32 v13, $0x18;
	v17 =	vmul.u32 v3, v18;
	v14 =	vadd.f32 v14, v1  }
0x6a5: {  	v18 =	vld [tilespmem:s14+$0xFFFFFF10];
	[tilespmem:s20+$0xFFFFFF80] =	vst v12;
	v12 =	vadd.f32 v15, v1;
	v13 =	vcvt.s32.f32 v13;
	v15 =	vshra.s32 v16, $0x18  }
0x6a6: {  	v16 =	vld [tilespmem:s14+$0xFFFFFF90];
	v15 =	vcvt.s32.f32 v15;
	[tilespmem:s4+$0x40] =	vst v14;
	v14 =	vshra.s32 v17, $0x18  }
0x6a7: {  	[tilespmem:s20+$0x80] =	vst v12;
	v12 =	vmul.f32 v13, v2;
	v13 =	vld [tilespmem:s12+$0x50];
	v14 =	vcvt.s32.f32 v14  }
0x6a8: {  	v17 =	vld [tilespmem:s14+$0x90];
	v15 =	vmul.f32 v15, v2  }
0x6a9: {  	s18 =	simm.s32 $0xC8B;
	v11 =	vmul.u32 v7, v11;
	v12 =	vadd.f32 v12, v1;
	v14 =	vmul.f32 v14, v2  }
0x6aa: {  	v19 =	vmov s18;
	v18 =	vmul.u32 v6, v18;
	v15 =	vadd.f32 v15, v1  }
0x6ab: {  	v16 =	vmul.u32 v5, v16;
	v11 =	vshra.s32 v11, $0x18;
	[tilespmem:s4+$0xFFFFFF40] =	vst v12;
	v12 =	vadd.f32 v14, v1  }
0x6ac: {  	v14 =	vshra.s32 v18, $0x18;
	v11 =	vcvt.s32.f32 v11;
	v18 =	vld [tilespmem:s12+$0xFFFFFF50];
	[tilespmem:s4+$0xFFFFFFC0] =	vst v15;
	v13 =	vmul.u32 v10, v13  }
0x6ad: {  	v14 =	vcvt.s32.f32 v14;
	v15 =	vshra.s32 v16, $0x18;
	v16 =	vmul.u32 v4, v17;
	v17 =	vld [tilespmem:s12+$0xFFFFFFD0];
	[tilespmem:s4+$0xC0] =	vst v12  }
0x6ae: {  	v12 =	vcvt.s32.f32 v15;
	v11 =	vmul.f32 v11, v2;
	v13 =	vshra.s32 v13, $0x18;
	v15 =	vld [tilespmem:s12+$0xD0]  }
0x6af: {  	v14 =	vmul.f32 v14, v2;
	v16 =	vshra.s32 v16, $0x18;
	v13 =	vcvt.s32.f32 v13  }
0x6b0: {  	v12 =	vmul.f32 v12, v2;
	v11 =	vadd.f32 v11, v1;
	v16 =	vcvt.s32.f32 v16  }
0x6b1: {  	v14 =	vadd.f32 v14, v1;
	v18 =	vmul.u32 v8, v18;
	v13 =	vmul.f32 v13, v2  }
0x6b2: {  	v12 =	vadd.f32 v12, v1;
	[tilespmem:s20+$0x10] =	vst v11;
	v11 =	vmul.f32 v16, v2;
	v16 =	vmul.u32 v9, v17  }
0x6b3: {  	[tilespmem:s20+$0xFFFFFF10] =	vst v14;
	v14 =	vld [tilespmem:s14+$0x20];
	v17 =	vshra.s32 v18, $0x18;
	v13 =	vadd.f32 v13, v1;
	v15 =	vmul.u32 v3, v15  }
0x6b4: {  	s21 =	simm.s32 $0xC88;
	v18 =	vld [tilespmem:s14+$0xFFFFFF20];
	[tilespmem:s20+$0xFFFFFF90] =	vst v12;
	v11 =	vadd.f32 v11, v1;
	v12 =	vcvt.s32.f32 v17;
	v16 =	vshra.s32 v16, $0x18  }
0x6b5: {  	v17 =	vmov s21;
	v20 =	vld [tilespmem:s14+$0xFFFFFFA0];
	v16 =	vcvt.s32.f32 v16;
	[tilespmem:s4+$0x50] =	vst v13;
	v13 =	vshra.s32 v15, $0x18  }
0x6b6: {  	s22 =	simm.s32 $0xC89;
	v17 =	vand.u32 $0xFFFFFFFC, v17;
	[tilespmem:s20+$0x90] =	vst v11;
	v11 =	vmul.f32 v12, v2;
	v12 =	vld [tilespmem:s12+$0x60];
	v13 =	vcvt.s32.f32 v13  }
0x6b7: {  	v15 =	vmov s22;
	v17 =	vbroadcast v17, $0x0;
	v21 =	vld [tilespmem:s14+$0xA0];
	v16 =	vmul.f32 v16, v2  }
0x6b8: {  	v14 =	vmul.u32 v7, v14;
	v11 =	vadd.f32 v11, v1;
	v13 =	vmul.f32 v13, v2  }
0x6b9: {  	v15 =	vand.u32 $0xFFFFFFFD, v15;
	v18 =	vmul.u32 v6, v18;
	v16 =	vadd.f32 v16, v1  }
0x6ba: {  	v20 =	vmul.u32 v5, v20;
	v14 =	vshra.s32 v14, $0x18;
	[tilespmem:s4+$0xFFFFFF50] =	vst v11;
	v11 =	vadd.f32 v13, v1  }
0x6bb: {  	v13 =	vshra.s32 v18, $0x18;
	v14 =	vcvt.s32.f32 v14;
	v18 =	vld [tilespmem:s12+$0xFFFFFF60];
	[tilespmem:s4+$0xFFFFFFD0] =	vst v16;
	v12 =	vmul.u32 v10, v12  }
0x6bc: {  	v13 =	vcvt.s32.f32 v13;
	v16 =	vshra.s32 v20, $0x18;
	v20 =	vmul.u32 v4, v21;
	v21 =	vld [tilespmem:s12+$0xFFFFFFE0];
	[tilespmem:s4+$0xD0] =	vst v11  }
0x6bd: {  	v11 =	vcvt.s32.f32 v16;
	v14 =	vmul.f32 v14, v2;
	v12 =	vshra.s32 v12, $0x18;
	v16 =	vld [tilespmem:s12+$0xE0]  }
0x6be: {  	v13 =	vmul.f32 v13, v2;
	v20 =	vshra.s32 v20, $0x18;
	v12 =	vcvt.s32.f32 v12  }
0x6bf: {  	v11 =	vmul.f32 v11, v2;
	v14 =	vadd.f32 v14, v1;
	v20 =	vcvt.s32.f32 v20  }
0x6c0: {  	v13 =	vadd.f32 v13, v1;
	v18 =	vmul.u32 v8, v18;
	v12 =	vmul.f32 v12, v2  }
0x6c1: {  	v11 =	vadd.f32 v11, v1;
	[tilespmem:s20+$0x20] =	vst v14;
	v14 =	vmul.f32 v20, v2;
	v20 =	vmul.u32 v9, v21  }
0x6c2: {  	[tilespmem:s20+$0xFFFFFF20] =	vst v13;
	v13 =	vld [tilespmem:s14+$0x30];
	v18 =	vshra.s32 v18, $0x18;
	v12 =	vadd.f32 v12, v1;
	v16 =	vmul.u32 v3, v16  }
0x6c3: {  	v21 =	vld [tilespmem:s14+$0xFFFFFF30];
	[tilespmem:s20+$0xFFFFFFA0] =	vst v11;
	v11 =	vadd.f32 v14, v1;
	v14 =	vcvt.s32.f32 v18;
	v18 =	vshra.s32 v20, $0x18  }
0x6c4: {  	s23 =	simm.s32 $0xC8A;
	v15 =	vbroadcast v15, $0x0;
	v20 =	vld [tilespmem:s14+$0xFFFFFFB0];
	v18 =	vcvt.s32.f32 v18;
	[tilespmem:s4+$0x60] =	vst v12;
	v12 =	vshra.s32 v16, $0x18  }
0x6c5: {  	v16 =	vmov s23;
	[tilespmem:s20+$0xA0] =	vst v11;
	v22 =	vld [tilespmem:s12+$0x70];
	v11 =	vcvt.s32.f32 v12  }
0x6c6: {  	v12 =	vmul.f32 v14, v2;
	v14 =	vand.u32 $0xFFFFFFFE, v16;
	v16 =	vld [tilespmem:s14+$0xB0];
	v18 =	vmul.f32 v18, v2  }
0x6c7: {  	v23 =	vbroadcast v14, $0x0;
	v14 =	vmul.u32 v7, v13;
	v63 =	vmul.f32 v11, v2  }
0x6c8: {  	v11 =	vld.idx.msk [tilespmem:v19+s25+$0x0], $0xffff;
	v19 =	vmul.u32 v6, v21;
	v21 =	vadd.f32 v12, v1;
	v18 =	vadd.f32 v18, v1  }
0x6c9: {  	v13 =	vld.idx.msk [tilespmem:v17+s25+$0x0], $0xffff;
	v17 =	vmul.u32 v5, v20;
	v14 =	vshra.s32 v14, $0x18;
	v20 =	vadd.f32 v63, v1  }
0x6ca: {  	v12 =	vld.idx.msk [tilespmem:v15+s25+$0x0], $0xffff;
	v15 =	vshra.s32 v19, $0x18;
	v19 =	vcvt.s32.f32 v14;
	[tilespmem:s4+$0xFFFFFF60] =	vst v21;
	v10 =	vmul.u32 v10, v22  }
0x6cb: {  	[tilespmem:s4+$0xFFFFFFE0] =	vst v18;
	v21 =	vcvt.s32.f32 v15;
	v14 =	vshra.s32 v17, $0x18;
	v17 =	vmul.u32 v4, v16;
	v15 =	vld [tilespmem:s12+$0xFFFFFF70]  }
0x6cc: {  	v16 =	vld [tilespmem:s12+$0xFFFFFFF0];
	v14 =	vcvt.s32.f32 v14;
	v19 =	vmul.f32 v19, v2;
	v22 =	vshra.s32 v10, $0x18  }
0x6cd: {  	s18 =	simm.s32 $0x6C00;
	s16 =	simm.s32 $0x16A00;
	s2 =	simm.s32 $0x8;
	[tilespmem:s4+$0xE0] =	vst v20;
	v10 =	vld.idx.msk [tilespmem:v23+s25+$0x0], $0xffff;
	v18 =	vmul.f32 v21, v2;
	v20 =	vshra.s32 v17, $0x18;
	v17 =	vcvt.s32.f32 v22  }
.LBB2_17:
0x6ce: {  	s8 =	sadd.s32 $0xC87, s2;
	v21 =	vld [tilespmem:s18+$0x0];
	v22 =	vmul.f32 v14, v2;
	v19 =	vadd.f32 v19, v1;
	v20 =	vcvt.s32.f32 v20  }
0x6cf: {  	v14 =	vmov s8;
	v23 =	vld [tilespmem:s18+$0xFFFFFF00];
	v18 =	vadd.f32 v18, v1;
	v17 =	vmul.f32 v17, v2  }
0x6d0: {  	s8 =	sadd.s32 $0xC84, s2;
	v24 =	vld [tilespmem:s18+$0xFFFFFF80];
	v22 =	vadd.f32 v22, v1;
	[tilespmem:s20+$0x30] =	vst v19;
	v19 =	vmul.f32 v20, v2;
	v15 =	vmul.u32 v8, v15  }
0x6d1: {  	v20 =	vmov s8;
	s8 =	sadd.s32 $0xC85, s2;
	v8 =	vmovc v6;
	v6 =	vmovc v13;
	[tilespmem:s20+$0xFFFFFF30] =	vst v18;
	v18 =	vld [tilespmem:s14+$0x40];
	v16 =	vmul.u32 v9, v16;
	v17 =	vadd.f32 v17, v1  }
0x6d2: {  	v13 =	vmov s8;
	v9 =	vmovc v5;
	v5 =	vmovc v12;
	v25 =	vld [tilespmem:s18+$0x80];
	[tilespmem:s20+$0xFFFFFFB0] =	vst v22;
	v19 =	vadd.f32 v19, v1;
	v15 =	vshra.s32 v15, $0x18  }
0x6d3: {  	v21 =	vmul.u32 v10, v21;
	v22 =	vld [tilespmem:s14+$0xFFFFFF40];
	v15 =	vcvt.s32.f32 v15;
	v16 =	vshra.s32 v16, $0x18;
	[tilespmem:s4+$0x70] =	vst v17  }
0x6d4: {  	v12 =	vand.u32 $0xFFFFFFFC, v20;
	v17 =	vmul.u32 v6, v23;
	v20 =	vld [tilespmem:s14+$0xFFFFFFC0];
	[tilespmem:s20+$0xB0] =	vst v19;
	v16 =	vcvt.s32.f32 v16  }
0x6d5: {  	v19 =	vmul.u32 v5, v24;
	v21 =	vshra.s32 v21, $0x18;
	v23 =	vld [tilespmem:s14+$0xC0];
	v15 =	vmul.f32 v15, v2  }
0x6d6: {  	v17 =	vshra.s32 v17, $0x18;
	v21 =	vcvt.s32.f32 v21;
	v18 =	vmul.u32 v7, v18;
	v24 =	vld [tilespmem:s12+$0xF0];
	s12 =	smov.u32 s14;
	s14 =	smov.u32 s18  }
0x6d7: {  	v17 =	vcvt.s32.f32 v17;
	v19 =	vshra.s32 v19, $0x18;
	v25 =	vmul.u32 v11, v25  }
0x6d8: {  	v19 =	vcvt.s32.f32 v19;
	v21 =	vmul.f32 v21, v2;
	v18 =	vshra.s32 v18, $0x18  }
0x6d9: {  	v17 =	vmul.f32 v17, v2;
	v25 =	vshra.s32 v25, $0x18;
	v18 =	vcvt.s32.f32 v18  }
0x6da: {  	v19 =	vmul.f32 v19, v2;
	v21 =	vadd.f32 v21, v1;
	v25 =	vcvt.s32.f32 v25  }
0x6db: {  	s20 =	sadd.s32 $0x200, s20;
	v22 =	vmul.u32 v8, v22;
	v17 =	vadd.f32 v17, v1;
	v18 =	vmul.f32 v18, v2  }
0x6dc: {  	v20 =	vmul.u32 v9, v20;
	v19 =	vadd.f32 v19, v1;
	[tilespmem:s20+$0x0] =	vst v21;
	v21 =	vmul.f32 v25, v2  }
0x6dd: {  	v22 =	vshra.s32 v22, $0x18;
	v23 =	vmul.u32 v4, v23;
	[tilespmem:s20+$0xFFFFFF00] =	vst v17;
	v17 =	vld [tilespmem:s18+$0x10];
	v18 =	vadd.f32 v18, v1  }
0x6de: {  	v20 =	vshra.s32 v20, $0x18;
	v25 =	vld [tilespmem:s18+$0xFFFFFF10];
	[tilespmem:s20+$0xFFFFFF80] =	vst v19;
	v19 =	vadd.f32 v21, v1;
	v21 =	vcvt.s32.f32 v22  }
0x6df: {  	v20 =	vcvt.s32.f32 v20;
	v22 =	vld [tilespmem:s18+$0xFFFFFF90];
	[tilespmem:s16+$0x40] =	vst v18;
	v18 =	vshra.s32 v23, $0x18;
	v23 =	vmul.u32 v3, v24;
	v3 =	vmovc v4;
	v4 =	vmovc v11  }
0x6e0: {  	v15 =	vadd.f32 v15, v1;
	[tilespmem:s20+$0x80] =	vst v19;
	v11 =	vmul.f32 v21, v2;
	v19 =	vld [tilespmem:s12+$0x50];
	v18 =	vcvt.s32.f32 v18  }
0x6e1: {  	v16 =	vmul.f32 v16, v2;
	v20 =	vmul.f32 v20, v2;
	v21 =	vld [tilespmem:s18+$0x90];
	v23 =	vshra.s32 v23, $0x18  }
0x6e2: {  	v17 =	vmul.u32 v10, v17;
	v11 =	vadd.f32 v11, v1;
	v18 =	vmul.f32 v18, v2;
	[tilespmem:s4+$0xFFFFFF70] =	vst v15  }
0x6e3: {  	v20 =	vadd.f32 v20, v1;
	v23 =	vcvt.s32.f32 v23;
	v15 =	vmul.u32 v6, v25  }
0x6e4: {  	v22 =	vmul.u32 v5, v22;
	v17 =	vshra.s32 v17, $0x18;
	[tilespmem:s16+$0xFFFFFF40] =	vst v11;
	v11 =	vadd.f32 v18, v1  }
0x6e5: {  	v15 =	vshra.s32 v15, $0x18;
	v17 =	vcvt.s32.f32 v17;
	v18 =	vld [tilespmem:s12+$0xFFFFFF50];
	[tilespmem:s16+$0xFFFFFFC0] =	vst v20;
	v19 =	vmul.u32 v7, v19  }
0x6e6: {  	v15 =	vcvt.s32.f32 v15;
	v20 =	vshra.s32 v22, $0x18;
	v21 =	vmul.u32 v4, v21;
	v22 =	vld [tilespmem:s12+$0xFFFFFFD0];
	[tilespmem:s16+$0xC0] =	vst v11  }
0x6e7: {  	v11 =	vcvt.s32.f32 v20;
	v17 =	vmul.f32 v17, v2;
	v19 =	vshra.s32 v19, $0x18;
	v20 =	vld [tilespmem:s12+$0xD0]  }
0x6e8: {  	v15 =	vmul.f32 v15, v2;
	v21 =	vshra.s32 v21, $0x18;
	v19 =	vcvt.s32.f32 v19  }
0x6e9: {  	v11 =	vmul.f32 v11, v2;
	v17 =	vadd.f32 v17, v1;
	v21 =	vcvt.s32.f32 v21  }
0x6ea: {  	v15 =	vadd.f32 v15, v1;
	v18 =	vmul.u32 v8, v18;
	v19 =	vmul.f32 v19, v2  }
0x6eb: {  	v11 =	vadd.f32 v11, v1;
	[tilespmem:s20+$0x10] =	vst v17;
	v17 =	vmul.f32 v21, v2;
	v21 =	vmul.u32 v9, v22  }
0x6ec: {  	[tilespmem:s20+$0xFFFFFF10] =	vst v15;
	v15 =	vld [tilespmem:s18+$0x20];
	v18 =	vshra.s32 v18, $0x18;
	v19 =	vadd.f32 v19, v1;
	v20 =	vmul.u32 v3, v20  }
0x6ed: {  	v22 =	vld [tilespmem:s18+$0xFFFFFF20];
	[tilespmem:s20+$0xFFFFFF90] =	vst v11;
	v11 =	vadd.f32 v17, v1;
	v17 =	vcvt.s32.f32 v18;
	v18 =	vshra.s32 v21, $0x18  }
0x6ee: {  	v21 =	vld [tilespmem:s18+$0xFFFFFFA0];
	v18 =	vcvt.s32.f32 v18;
	[tilespmem:s16+$0x50] =	vst v19;
	v19 =	vshra.s32 v20, $0x18;
	v20 =	vmul.f32 v23, v2  }
0x6ef: {  	v16 =	vadd.f32 v16, v1;
	[tilespmem:s20+$0x90] =	vst v11;
	v11 =	vmul.f32 v17, v2;
	v17 =	vld [tilespmem:s12+$0x60];
	v19 =	vcvt.s32.f32 v19  }
0x6f0: {  	v13 =	vand.u32 $0xFFFFFFFD, v13;
	v23 =	vld [tilespmem:s18+$0xA0];
	v18 =	vmul.f32 v18, v2;
	v20 =	vadd.f32 v20, v1  }
0x6f1: {  	v15 =	vmul.u32 v10, v15;
	v11 =	vadd.f32 v11, v1;
	v19 =	vmul.f32 v19, v2;
	[tilespmem:s4+$0xFFFFFFF0] =	vst v16  }
0x6f2: {  	v12 =	vbroadcast v12, $0x0;
	v16 =	vmul.u32 v6, v22;
	v18 =	vadd.f32 v18, v1;
	[tilespmem:s4+$0xF0] =	vst v20;
	s4 =	smov.u32 s16;
	s16 =	smov.u32 s20  }
0x6f3: {  	v20 =	vmul.u32 v5, v21;
	v15 =	vshra.s32 v15, $0x18;
	[tilespmem:s4+$0xFFFFFF50] =	vst v11;
	v11 =	vadd.f32 v19, v1  }
0x6f4: {  	v16 =	vshra.s32 v16, $0x18;
	v15 =	vcvt.s32.f32 v15;
	v19 =	vld [tilespmem:s12+$0xFFFFFF60];
	[tilespmem:s4+$0xFFFFFFD0] =	vst v18;
	v17 =	vmul.u32 v7, v17  }
0x6f5: {  	v16 =	vcvt.s32.f32 v16;
	v18 =	vshra.s32 v20, $0x18;
	v20 =	vmul.u32 v4, v23;
	v21 =	vld [tilespmem:s12+$0xFFFFFFE0];
	[tilespmem:s4+$0xD0] =	vst v11  }
0x6f6: {  	v11 =	vcvt.s32.f32 v18;
	v15 =	vmul.f32 v15, v2;
	v17 =	vshra.s32 v17, $0x18;
	v18 =	vld [tilespmem:s12+$0xE0]  }
0x6f7: {  	v16 =	vmul.f32 v16, v2;
	v20 =	vshra.s32 v20, $0x18;
	v17 =	vcvt.s32.f32 v17  }
0x6f8: {  	v11 =	vmul.f32 v11, v2;
	v15 =	vadd.f32 v15, v1;
	v20 =	vcvt.s32.f32 v20  }
0x6f9: {  	v16 =	vadd.f32 v16, v1;
	v19 =	vmul.u32 v8, v19;
	v17 =	vmul.f32 v17, v2  }
0x6fa: {  	v11 =	vadd.f32 v11, v1;
	[tilespmem:s20+$0x20] =	vst v15;
	v15 =	vmul.f32 v20, v2;
	v20 =	vmul.u32 v9, v21  }
0x6fb: {  	[tilespmem:s20+$0xFFFFFF20] =	vst v16;
	v16 =	vld [tilespmem:s18+$0x30];
	v19 =	vshra.s32 v19, $0x18;
	v17 =	vadd.f32 v17, v1;
	v18 =	vmul.u32 v3, v18  }
0x6fc: {  	v21 =	vld [tilespmem:s18+$0xFFFFFF30];
	[tilespmem:s20+$0xFFFFFFA0] =	vst v11;
	v11 =	vadd.f32 v15, v1;
	v15 =	vcvt.s32.f32 v19;
	v19 =	vshra.s32 v20, $0x18  }
0x6fd: {  	s8 =	sadd.s32 $0xC86, s2;
	s2 =	sadd.s32 $0x4, s2;
	v20 =	vbroadcast v13, $0x0;
	v22 =	vld [tilespmem:s18+$0xFFFFFFB0];
	v13 =	vcvt.s32.f32 v19;
	[tilespmem:s4+$0x60] =	vst v17;
	v17 =	vshra.s32 v18, $0x18  }
0x6fe: {  	p0 =	slt.u32 s2, $0x7C;
	v18 =	vmov s8;
	[tilespmem:s20+$0xA0] =	vst v11;
	v15 =	vmul.f32 v15, v2;
	v19 =	vld [tilespmem:s12+$0x70];
	v11 =	vcvt.s32.f32 v17  }
0x6ff: {  	v17 =	vand.u32 $0xFFFFFFFE, v18;
	v18 =	vld [tilespmem:s18+$0xB0];
	v13 =	vmul.f32 v13, v2  }
0x700: {  	v17 =	vbroadcast v17, $0x0;
	v16 =	vmul.u32 v10, v16;
	v23 =	vmul.f32 v11, v2  }
0x701: {  	v15 =	vadd.f32 v15, v1;
	v11 =	vld.idx.msk [tilespmem:v14+s25+$0x0], $0xffff;
	v14 =	vmul.u32 v6, v21;
	v21 =	vadd.f32 v13, v1  }
.Ltmp8:
0x702: {  	v13 =	vld.idx.msk [tilespmem:v12+s25+$0x0], $0xffff;
	v22 =	vmul.u32 v5, v22;
	v16 =	vshra.s32 v16, $0x18;
	v23 =	vadd.f32 v23, v1;
	(pc) =	sbr.rel @p0 .LBB2_17-.Ltmp8, $4  }
0x703: {  	v12 =	vld.idx.msk [tilespmem:v20+s25+$0x0], $0xffff;
	v14 =	vshra.s32 v14, $0x18;
	v16 =	vcvt.s32.f32 v16;
	[tilespmem:s4+$0xFFFFFF60] =	vst v15;
	v20 =	vmul.u32 v7, v19;
	v7 =	vmovc v10  }
0x704: {  	v24 =	vcvt.s32.f32 v14;
	v10 =	vshra.s32 v22, $0x18;
	v22 =	vmul.u32 v4, v18;
	v15 =	vld [tilespmem:s12+$0xFFFFFF70];
	[tilespmem:s4+$0xFFFFFFE0] =	vst v21  }
0x705: {  	v14 =	vcvt.s32.f32 v10;
	v19 =	vmul.f32 v16, v2;
	v16 =	vld [tilespmem:s12+$0xFFFFFFF0];
	v21 =	vshra.s32 v20, $0x18;
	[tilespmem:s4+$0xE0] =	vst v23  }
0x706: {  	s18 =	sadd.s32 $0x200, s18;
	v10 =	vld.idx.msk [tilespmem:v17+s25+$0x0], $0xffff;
	v18 =	vmul.f32 v24, v2;
	v20 =	vshra.s32 v22, $0x18;
	v17 =	vcvt.s32.f32 v21  }
0x707: {  	v21 =	vld [tilespmem:s18+$0x0]  }
0x708: {  	v22 =	vld [tilespmem:s18+$0xFFFFFF00]  }
0x709: {  	v23 =	vld [tilespmem:s18+$0xFFFFFF80]  }
0x70a: {  	v24 =	vld [tilespmem:s18+$0x80];
	_ =	sdelay $0x1  }
0x70b: {  	v21 =	vmul.u32 v10, v21  }
0x70c: {  	v22 =	vmul.u32 v13, v22  }
0x70d: {  	v23 =	vmul.u32 v12, v23;
	v21 =	vshra.s32 v21, $0x18  }
0x70e: {  	v24 =	vmul.u32 v11, v24;
	v22 =	vshra.s32 v22, $0x18;
	v21 =	vcvt.s32.f32 v21  }
0x70f: {  	v23 =	vshra.s32 v23, $0x18;
	v22 =	vcvt.s32.f32 v22  }
0x710: {  	v24 =	vshra.s32 v24, $0x18;
	v23 =	vcvt.s32.f32 v23;
	v21 =	vmul.f32 v21, v2  }
0x711: {  	v24 =	vcvt.s32.f32 v24;
	v22 =	vmul.f32 v22, v2  }
0x712: {  	v23 =	vmul.f32 v23, v2;
	v21 =	vadd.f32 v21, v1  }
0x713: {  	s8 =	sadd.s32 $0x200, s20;
	v24 =	vmul.f32 v24, v2;
	v22 =	vadd.f32 v22, v1  }
0x714: {  	v23 =	vadd.f32 v23, v1;
	[tilespmem:s8+$0x0] =	vst v21  }
0x715: {  	v43 =	vadd.f32 v24, v1;
	[tilespmem:s8+$0xFFFFFF00] =	vst v22;
	v21 =	vld [tilespmem:s18+$0x10]  }
0x716: {  	[tilespmem:s8+$0xFFFFFF80] =	vst v23;
	v44 =	vld [tilespmem:s18+$0xFFFFFF10]  }
0x717: {  	[tilespmem:s8+$0x80] =	vst v43;
	v23 =	vld [tilespmem:s18+$0xFFFFFF90]  }
0x718: {  	v22 =	vld [tilespmem:s18+$0x90];
	_ =	sdelay $0x1  }
0x719: {  	v21 =	vmul.u32 v10, v21  }
0x71a: {  	v24 =	vmul.u32 v13, v44  }
0x71b: {  	v23 =	vmul.u32 v12, v23;
	v21 =	vshra.s32 v21, $0x18  }
0x71c: {  	v22 =	vmul.u32 v11, v22;
	v24 =	vshra.s32 v24, $0x18;
	v21 =	vcvt.s32.f32 v21  }
0x71d: {  	v23 =	vshra.s32 v23, $0x18;
	v24 =	vcvt.s32.f32 v24  }
0x71e: {  	v22 =	vshra.s32 v22, $0x18;
	v23 =	vcvt.s32.f32 v23;
	v21 =	vmul.f32 v21, v2  }
0x71f: {  	v22 =	vcvt.s32.f32 v22;
	v24 =	vmul.f32 v24, v2  }
0x720: {  	v23 =	vmul.f32 v23, v2;
	v21 =	vadd.f32 v21, v1  }
0x721: {  	v22 =	vmul.f32 v22, v2;
	v24 =	vadd.f32 v24, v1  }
0x722: {  	v23 =	vadd.f32 v23, v1;
	[tilespmem:s8+$0x10] =	vst v21  }
0x723: {  	v22 =	vadd.f32 v22, v1;
	[tilespmem:s8+$0xFFFFFF10] =	vst v24;
	v21 =	vld [tilespmem:s18+$0x20]  }
0x724: {  	[tilespmem:s8+$0xFFFFFF90] =	vst v23;
	v24 =	vld [tilespmem:s18+$0xFFFFFF20]  }
0x725: {  	[tilespmem:s8+$0x90] =	vst v22;
	v23 =	vld [tilespmem:s18+$0xFFFFFFA0]  }
0x726: {  	v22 =	vld [tilespmem:s18+$0xA0];
	_ =	sdelay $0x1  }
0x727: {  	v21 =	vmul.u32 v10, v21  }
0x728: {  	v24 =	vmul.u32 v13, v24  }
0x729: {  	v23 =	vmul.u32 v12, v23;
	v21 =	vshra.s32 v21, $0x18  }
0x72a: {  	v22 =	vmul.u32 v11, v22;
	v24 =	vshra.s32 v24, $0x18;
	v21 =	vcvt.s32.f32 v21  }
0x72b: {  	v23 =	vshra.s32 v23, $0x18;
	v24 =	vcvt.s32.f32 v24  }
0x72c: {  	v22 =	vshra.s32 v22, $0x18;
	v23 =	vcvt.s32.f32 v23;
	v21 =	vmul.f32 v21, v2  }
0x72d: {  	v22 =	vcvt.s32.f32 v22;
	v24 =	vmul.f32 v24, v2  }
0x72e: {  	v23 =	vmul.f32 v23, v2;
	v21 =	vadd.f32 v21, v1  }
0x72f: {  	v22 =	vmul.f32 v22, v2;
	v24 =	vadd.f32 v24, v1  }
0x730: {  	v23 =	vadd.f32 v23, v1;
	[tilespmem:s8+$0x20] =	vst v21  }
0x731: {  	v22 =	vadd.f32 v22, v1;
	[tilespmem:s8+$0xFFFFFF20] =	vst v24;
	v21 =	vld [tilespmem:s18+$0x30]  }
0x732: {  	[tilespmem:s8+$0xFFFFFFA0] =	vst v23;
	v24 =	vld [tilespmem:s18+$0xFFFFFF30]  }
0x733: {  	[tilespmem:s8+$0xA0] =	vst v22;
	v23 =	vld [tilespmem:s18+$0xFFFFFFB0]  }
0x734: {  	v45 =	vld [tilespmem:s18+$0xB0]  }
0x735: {  	v19 =	vadd.f32 v19, v1;
	v14 =	vmul.f32 v14, v2  }
0x736: {  	v20 =	vcvt.s32.f32 v20;
	v18 =	vadd.f32 v18, v1;
	v21 =	vmul.u32 v10, v21  }
0x737: {  	[tilespmem:s20+$0x30] =	vst v19;
	v14 =	vadd.f32 v14, v1;
	v24 =	vmul.u32 v13, v24  }
0x738: {  	v20 =	vmul.f32 v20, v2;
	v46 =	vld [tilespmem:s14+$0x40];
	[tilespmem:s20+$0xFFFFFF30] =	vst v18;
	v48 =	vmul.u32 v12, v23;
	v21 =	vshra.s32 v21, $0x18  }
0x739: {  	[tilespmem:s20+$0xFFFFFFB0] =	vst v14;
	v49 =	vld [tilespmem:s14+$0xFFFFFF40];
	v19 =	vmul.u32 v11, v45;
	v50 =	vshra.s32 v24, $0x18;
	v21 =	vcvt.s32.f32 v21  }
0x73a: {  	v47 =	vadd.f32 v20, v1;
	v51 =	vld [tilespmem:s14+$0xFFFFFFC0];
	v20 =	vshra.s32 v48, $0x18;
	v23 =	vcvt.s32.f32 v50  }
0x73b: {  	v19 =	vshra.s32 v19, $0x18;
	v20 =	vcvt.s32.f32 v20;
	v21 =	vmul.f32 v21, v2  }
0x73c: {  	[tilespmem:s20+$0xB0] =	vst v47;
	v19 =	vcvt.s32.f32 v19;
	v23 =	vmul.f32 v23, v2  }
0x73d: {  	v52 =	vld [tilespmem:s14+$0xC0];
	v22 =	vmul.u32 v7, v46;
	v20 =	vmul.f32 v20, v2;
	v21 =	vadd.f32 v21, v1  }
0x73e: {  	v14 =	vmul.u32 v6, v49;
	v19 =	vmul.f32 v19, v2;
	v23 =	vadd.f32 v23, v1  }
0x73f: {  	v18 =	vmul.u32 v5, v51;
	v22 =	vshra.s32 v22, $0x18;
	v20 =	vadd.f32 v20, v1;
	[tilespmem:s8+$0x30] =	vst v21  }
0x740: {  	v14 =	vshra.s32 v14, $0x18;
	v22 =	vcvt.s32.f32 v22;
	v19 =	vadd.f32 v19, v1;
	[tilespmem:s8+$0xFFFFFF30] =	vst v23;
	v54 =	vld [tilespmem:s18+$0x40]  }
0x741: {  	v15 =	vmul.u32 v8, v15;
	v14 =	vcvt.s32.f32 v14;
	v18 =	vshra.s32 v18, $0x18;
	[tilespmem:s8+$0xFFFFFFB0] =	vst v20;
	v55 =	vld [tilespmem:s18+$0xFFFFFF40]  }
0x742: {  	v53 =	vmul.u32 v4, v52;
	v18 =	vcvt.s32.f32 v18;
	v22 =	vmul.f32 v22, v2;
	[tilespmem:s8+$0xB0] =	vst v19;
	v56 =	vld [tilespmem:s18+$0xFFFFFFC0]  }
0x743: {  	v17 =	vmul.f32 v17, v2;
	v15 =	vshra.s32 v15, $0x18;
	v14 =	vmul.f32 v14, v2;
	v58 =	vld [tilespmem:s18+$0xC0]  }
0x744: {  	v18 =	vmul.f32 v18, v2;
	v22 =	vadd.f32 v22, v1;
	v21 =	vshra.s32 v53, $0x18  }
0x745: {  	v14 =	vadd.f32 v14, v1;
	v57 =	vcvt.s32.f32 v21;
	v23 =	vmul.u32 v10, v54  }
0x746: {  	v15 =	vcvt.s32.f32 v15;
	v18 =	vadd.f32 v18, v1;
	[tilespmem:s16+$0x40] =	vst v22;
	v20 =	vmul.u32 v13, v55  }
0x747: {  	[tilespmem:s16+$0xFFFFFF40] =	vst v14;
	v22 =	vld [tilespmem:s14+$0x50];
	v19 =	vmul.f32 v57, v2;
	v61 =	vmul.u32 v12, v56;
	v60 =	vshra.s32 v23, $0x18  }
0x748: {  	v62 =	vld [tilespmem:s14+$0xFFFFFF50];
	[tilespmem:s16+$0xFFFFFFC0] =	vst v18;
	v26 =	vmul.u32 v11, v58;
	v25 =	vshra.s32 v20, $0x18;
	v63 =	vcvt.s32.f32 v60  }
0x749: {  	v27 =	vld [tilespmem:s14+$0xFFFFFFD0];
	v59 =	vadd.f32 v19, v1;
	v29 =	vshra.s32 v61, $0x18;
	v28 =	vcvt.s32.f32 v25  }
0x74a: {  	v20 =	vshra.s32 v26, $0x18;
	v19 =	vcvt.s32.f32 v29;
	v18 =	vmul.f32 v63, v2  }
0x74b: {  	v9 =	vmul.u32 v9, v16;
	[tilespmem:s16+$0xC0] =	vst v59;
	v32 =	vcvt.s32.f32 v20;
	v31 =	vmul.f32 v28, v2  }
0x74c: {  	v35 =	vmul.u32 v7, v22;
	v30 =	vld [tilespmem:s14+$0xD0];
	v34 =	vmul.f32 v19, v2;
	v33 =	vadd.f32 v18, v1  }
0x74d: {  	v36 =	vmul.u32 v6, v62;
	v14 =	vmul.f32 v32, v2;
	v8 =	vadd.f32 v31, v1  }
0x74e: {  	v21 =	vmul.u32 v5, v27;
	v38 =	vshra.s32 v35, $0x18;
	v37 =	vadd.f32 v34, v1;
	[tilespmem:s8+$0x40] =	vst v33  }
0x74f: {  	v43 =	vshra.s32 v36, $0x18;
	v42 =	vcvt.s32.f32 v38;
	v41 =	vadd.f32 v14, v1;
	[tilespmem:s8+$0xFFFFFF40] =	vst v8;
	v40 =	vld [tilespmem:s18+$0x50]  }
0x750: {  	v9 =	vshra.s32 v9, $0x18;
	v46 =	vcvt.s32.f32 v43;
	v44 =	vshra.s32 v21, $0x18;
	[tilespmem:s8+$0xFFFFFFC0] =	vst v37;
	v45 =	vld [tilespmem:s18+$0xFFFFFF50]  }
0x751: {  	v47 =	vcvt.s32.f32 v44;
	v39 =	vmul.u32 v4, v30;
	v14 =	vmul.f32 v42, v2;
	[tilespmem:s8+$0xC0] =	vst v41;
	v48 =	vld [tilespmem:s18+$0xFFFFFFD0]  }
0x752: {  	v9 =	vcvt.s32.f32 v9;
	v16 =	vmul.f32 v46, v2;
	v50 =	vld [tilespmem:s18+$0xD0]  }
0x753: {  	v18 =	vmul.f32 v47, v2;
	v19 =	vshra.s32 v39, $0x18;
	v14 =	vadd.f32 v14, v1  }
0x754: {  	v16 =	vadd.f32 v16, v1;
	v49 =	vcvt.s32.f32 v19;
	v22 =	vmul.u32 v10, v40  }
0x755: {  	v8 =	vadd.f32 v17, v1;
	v18 =	vadd.f32 v18, v1;
	[tilespmem:s16+$0x50] =	vst v14;
	v21 =	vmul.u32 v13, v45  }
0x756: {  	[tilespmem:s16+$0xFFFFFF50] =	vst v16;
	v17 =	vmul.f32 v49, v2;
	v53 =	vld [tilespmem:s14+$0x60];
	v20 =	vmul.u32 v12, v48;
	v52 =	vshra.s32 v22, $0x18  }
0x757: {  	v56 =	vld [tilespmem:s14+$0xFFFFFF60];
	[tilespmem:s16+$0xFFFFFFD0] =	vst v18;
	v19 =	vmul.u32 v11, v50;
	v55 =	vshra.s32 v21, $0x18;
	v54 =	vcvt.s32.f32 v52  }
0x758: {  	v58 =	vld [tilespmem:s14+$0xFFFFFFE0];
	v51 =	vadd.f32 v17, v1;
	v57 =	vshra.s32 v20, $0x18;
	v17 =	vcvt.s32.f32 v55  }
0x759: {  	v61 =	vshra.s32 v19, $0x18;
	v60 =	vcvt.s32.f32 v57;
	v59 =	vmul.f32 v54, v2  }
0x75a: {  	[tilespmem:s16+$0xD0] =	vst v51;
	v18 =	vcvt.s32.f32 v61;
	v17 =	vmul.f32 v17, v2  }
0x75b: {  	v62 =	vld [tilespmem:s14+$0xE0];
	v22 =	vmul.u32 v7, v53;
	v16 =	vmul.f32 v60, v2;
	v14 =	vadd.f32 v59, v1  }
0x75c: {  	v21 =	vmul.u32 v6, v56;
	v18 =	vmul.f32 v18, v2;
	v17 =	vadd.f32 v17, v1  }
0x75d: {  	v63 =	vld [tilespmem:s12+$0xF0];
	v20 =	vmul.u32 v5, v58;
	v25 =	vshra.s32 v22, $0x18;
	v24 =	vadd.f32 v16, v1;
	[tilespmem:s8+$0x50] =	vst v14  }
0x75e: {  	v28 =	vshra.s32 v21, $0x18;
	v27 =	vadd.f32 v18, v1;
	v16 =	vcvt.s32.f32 v25;
	[tilespmem:s8+$0xFFFFFF50] =	vst v17;
	v26 =	vld [tilespmem:s18+$0x60]  }
0x75f: {  	v15 =	vmul.f32 v15, v2;
	v31 =	vshra.s32 v20, $0x18;
	v30 =	vcvt.s32.f32 v28;
	[tilespmem:s8+$0xFFFFFFD0] =	vst v24;
	v29 =	vld [tilespmem:s18+$0xFFFFFF60]  }
0x760: {  	v33 =	vcvt.s32.f32 v31;
	v19 =	vmul.u32 v4, v62;
	[tilespmem:s8+$0xD0] =	vst v27;
	v16 =	vmul.f32 v16, v2;
	v32 =	vld [tilespmem:s18+$0xFFFFFFE0]  }
0x761: {  	v9 =	vmul.f32 v9, v2;
	v14 =	vmul.f32 v30, v2;
	v35 =	vld [tilespmem:s18+$0xE0]  }
0x762: {  	v34 =	vshra.s32 v19, $0x18;
	v17 =	vmul.f32 v33, v2;
	v16 =	vadd.f32 v16, v1  }
0x763: {  	v18 =	vcvt.s32.f32 v34;
	v14 =	vadd.f32 v14, v1;
	v22 =	vmul.u32 v10, v26  }
0x764: {  	v3 =	vmul.u32 v3, v63;
	v36 =	vadd.f32 v17, v1;
	[tilespmem:s16+$0x60] =	vst v16;
	v21 =	vmul.u32 v13, v29  }
0x765: {  	v18 =	vmul.f32 v18, v2;
	[tilespmem:s16+$0xFFFFFF60] =	vst v14;
	v38 =	vld [tilespmem:s14+$0x70];
	v20 =	vmul.u32 v12, v32;
	v37 =	vshra.s32 v22, $0x18  }
0x766: {  	[tilespmem:s16+$0xFFFFFFE0] =	vst v36;
	v41 =	vld [tilespmem:s14+$0xFFFFFF70];
	v19 =	vmul.u32 v11, v35;
	v40 =	vshra.s32 v21, $0x18;
	v39 =	vcvt.s32.f32 v37  }
0x767: {  	v18 =	vadd.f32 v18, v1;
	v43 =	vld [tilespmem:s14+$0xFFFFFFF0];
	v20 =	vshra.s32 v20, $0x18;
	v17 =	vcvt.s32.f32 v40  }
0x768: {  	v19 =	vshra.s32 v19, $0x18;
	v42 =	vcvt.s32.f32 v20;
	v14 =	vmul.f32 v39, v2  }
0x769: {  	v3 =	vshra.s32 v3, $0x18;
	[tilespmem:s16+$0xE0] =	vst v18;
	v44 =	vcvt.s32.f32 v19;
	v17 =	vmul.f32 v17, v2  }
0x76a: {  	v3 =	vcvt.s32.f32 v3;
	v45 =	vld [tilespmem:s14+$0xF0];
	v16 =	vmul.f32 v42, v2;
	v14 =	vadd.f32 v14, v1  }
0x76b: {  	v46 =	vmul.u32 v7, v38;
	v18 =	vmul.f32 v44, v2;
	v17 =	vadd.f32 v17, v1  }
0x76c: {  	v47 =	vmul.u32 v6, v41;
	v50 =	vmul.u32 v5, v43;
	v48 =	vadd.f32 v16, v1;
	[tilespmem:s8+$0x60] =	vst v14  }
0x76d: {  	v15 =	vadd.f32 v15, v1;
	v3 =	vmul.f32 v3, v2;
	v18 =	vadd.f32 v18, v1;
	[tilespmem:s8+$0xFFFFFF60] =	vst v17;
	v49 =	vld [tilespmem:s18+$0x70]  }
0x76e: {  	v7 =	vshra.s32 v46, $0x18;
	v6 =	vshra.s32 v47, $0x18;
	v5 =	vshra.s32 v50, $0x18;
	[tilespmem:s8+$0xFFFFFFE0] =	vst v48;
	v17 =	vld [tilespmem:s18+$0xFFFFFF70]  }
0x76f: {  	v7 =	vcvt.s32.f32 v7;
	v6 =	vcvt.s32.f32 v6;
	v51 =	vmul.u32 v4, v45;
	[tilespmem:s8+$0xE0] =	vst v18;
	v14 =	vld [tilespmem:s18+$0xFFFFFFF0]  }
0x770: {  	v9 =	vadd.f32 v9, v1;
	v3 =	vadd.f32 v3, v1;
	v5 =	vcvt.s32.f32 v5;
	v18 =	vld [tilespmem:s18+$0xF0]  }
0x771: {  	v7 =	vmul.f32 v7, v2;
	v6 =	vmul.f32 v6, v2;
	v4 =	vshra.s32 v51, $0x18  }
0x772: {  	v5 =	vmul.f32 v5, v2;
	v4 =	vcvt.s32.f32 v4;
	v52 =	vmul.u32 v10, v49  }
0x773: {  	[tilespmem:s4+$0xFFFFFF70] =	vst v15;
	v7 =	vadd.f32 v7, v1;
	v6 =	vadd.f32 v6, v1;
	v53 =	vmul.u32 v13, v17  }
0x774: {  	[tilespmem:s4+$0xF0] =	vst v3;
	v3 =	vadd.f32 v5, v1;
	v54 =	vmul.u32 v12, v14;
	v10 =	vshra.s32 v52, $0x18  }
0x775: {  	[tilespmem:s4+$0x70] =	vst v8;
	v56 =	vmul.u32 v11, v18;
	v8 =	vshra.s32 v53, $0x18;
	v55 =	vcvt.s32.f32 v10  }
0x776: {  	[tilespmem:s4+$0xFFFFFFF0] =	vst v9;
	v4 =	vmul.f32 v4, v2;
	v58 =	vshra.s32 v54, $0x18;
	v57 =	vcvt.s32.f32 v8  }
0x777: {  	[tilespmem:s16+$0x70] =	vst v7;
	v60 =	vshra.s32 v56, $0x18;
	v8 =	vcvt.s32.f32 v58;
	v59 =	vmul.f32 v55, v2  }
0x778: {  	[tilespmem:s16+$0xFFFFFF70] =	vst v6;
	v4 =	vadd.f32 v4, v1;
	v61 =	vcvt.s32.f32 v60;
	v5 =	vmul.f32 v57, v2  }
0x779: {  	[tilespmem:s16+$0xFFFFFFF0] =	vst v3;
	v62 =	vmul.f32 v8, v2;
	v3 =	vadd.f32 v59, v1  }
0x77a: {  	[tilespmem:s16+$0xF0] =	vst v4;
	v2 =	vmul.f32 v61, v2;
	v63 =	vadd.f32 v5, v1  }
0x77b: {  	[tilespmem:s8+$0x70] =	vst v3;
	v3 =	vadd.f32 v62, v1  }
0x77c: {  	[tilespmem:s8+$0xFFFFFF70] =	vst v63;
	v1 =	vadd.f32 v2, v1  }
0x77d: {  	[tilespmem:s8+$0xFFFFFFF0] =	vst v3  }
0x77e: {  	[tilespmem:s8+$0xF0] =	vst v1  }
0x77f: {  	s2 =	rddreg [dreg:$0x8]  }
0x780: {  	[hbm4b:s2+s6] =	stream.linear.scatter [tilespmem:s29], [sflag:$0x6], $0x4000, $0x38;
	[tilespmem:$0x1A720] =	vst v63  }
0x781: {  	_ =	swait.ge [sflag:s31], $0x4000  }
0x782: {  	[sflag:s31] =	ssyncset.done $0x0  }
0x783: {  	[sflag:s31] =	ssyncadd.s32 $0xFFFFC000  }
0x784: {  	_ =	swait.ge [sflag:s0], $0x4000  }
0x785: {  	s22 =	rddreg [dreg:$0xa]  }
0x786: {  	s23 =	rddreg [dreg:$0x9];
	s4 =	sadd.s32 $0x1, s22  }
0x787: {  	p0 =	sne.s32 s4, s23  }
.Ltmp9:
0x788: {  	_ = 	snop;
	(pc) =	sbr.rel @p0 .LBB2_1-.Ltmp9, $3  }
0x789: {  	_ =	sdelay $0x1  }
0x78a: {  	[sflag:s0] =	ssyncset.done $0x0  }
0x78b: {  	[sflag:s0] =	ssyncadd.s32 $0xFFFFC000  }
0x78c: {  	_ =	sfence.sel $0x180000  }
0x78d: {  	[bflag:$0x0] =	sbarrier.arrive $0xFFFF  }
0x78e: {  	_ =	strace $0x90000047  }
0x78f: {  	s0 =	stileid.u32;
	[bflag:$0x2] =	sbarrier.arrive $0xFFFF  }
0x790: {  	p0 =	sne.s32 s0, $0x0;
	s0 =	rddreg [dreg:$0x5]  }
0x791: {  	s0 =	sadd.s32 @!p0 $0x100000, s0  }
0x792: {  	[sflag:s0] =	ssyncadd.tile.s32 @!p0 $0x1;
	_ =	shalt  }
.Lfunc_end2:
_tile_overlayer_lowered:
.L_overlay_start_2:
0x793: {  	(tag) =	ssettag $0x2  }
0x794: {  	s0 =	rddreg [dreg:$0x0];
	s2 =	stileid.u32  }
0x795: {  	s1 =	rddreg [dreg:$0x1];
	p0 =	sne.s32 s2, $0x0  }
0x796: {  	s3 =	rddreg [dreg:$0x2];
	[bflag:$0x3] =	sbarrier.arrive $0xFFFF;
	s2 =	simm.s32 @!p0 $0x1C07  }
0x797: {  	[timem:s3], [sflag:s2] =	dma.local @!p0 [hbm:s0], s1  }
0x798: {  	s0 =	simm.s32 @!p0 $0x7  }
0x799: {  	_ =	swait.ge @!p0 [sflag:s0], s1  }
0x79a: {  	s1 =	ssub.s32 @!p0 $0x0, s1;
	[sflag:s0] =	ssyncset.done @!p0 $0x0  }
0x79b: {  	[sflag:s0] =	ssyncadd.s32 @!p0 s1  }
0x79c: {  	[bflag:$0x3] =	sbarrier.arrive $0xFFFF  }
0x79d: {  	_ =	shalt  }

</sc_bundles>
